<compile_context>
chip_gen: v7x
topology: tpu7x:2x2x1
jax: 0.10.2.dev20260603
libtpu: 0.0.44.dev20260713+nightly
codegen_flags: <defaults>
</compile_context>

<pallas_src>
import functools

import jax
import jax.numpy as jnp
from jax import lax
from jax.experimental import pallas as pl
from jax.experimental.pallas import tpu as pltpu
from jax.experimental.pallas import tpu_sc as plsc


def _iota16():
    return lax.iota(jnp.int32, 16)


def _dispatch(s, fn):
    pl.when(s == 0)(lambda: fn(0))
    pl.when(s == 1)(lambda: fn(1))


@functools.lru_cache(maxsize=None)
def _make_relayout(V, E, L, B):
    info = plsc.get_sparse_core_info()
    NC, NS = info.num_cores, info.num_subcores
    NW = NC * NS
    assert E == 64 and L % 8 == 0 and B % 128 == 0
    CW = 256
    NT = V // CW
    TAIL = V - NT * CW
    PER_W = NT // NW
    EXTRA = NT - PER_W * NW
    LT = L // 8
    EP = E + 1
    mesh = plsc.VectorSubcoreMesh(core_axis_name="c", subcore_axis_name="s")

    @functools.partial(
        pl.kernel,
        mesh=mesh,
        out_type=(
            jax.ShapeDtypeStruct((V * E,), jnp.float32),
            jax.ShapeDtypeStruct((L * B,), jnp.int32),
        ),
        scratch_types=[
            pltpu.VMEM((2 * E, CW), jnp.float32),
            pltpu.VMEM((2 * CW * E,), jnp.float32),
            pltpu.VMEM((8, B), jnp.int32),
            pltpu.VMEM((TAIL * E,), jnp.float32),
            pltpu.SemaphoreType.DMA,
            pltpu.SemaphoreType.DMA,
            pltpu.SemaphoreType.DMA,
            pltpu.SemaphoreType.DMA,
        ],
        compiler_params=pltpu.CompilerParams(use_tc_tiling_on_sc=True,
                                             needs_layout_passes=False),
    )
    def body(wt_hbm, idxt_hbm, wtail_hbm, wflat_hbm, idxflat_hbm,
             inbuf, outbuf, idxbuf, tailbuf, si0, si1, so0, so1):
        wid = lax.axis_index("s") * NC + lax.axis_index("c")
        t0 = wid * PER_W + jnp.minimum(wid, EXTRA)
        n_t = PER_W + (wid < EXTRA).astype(jnp.int32)
        sis = (si0, si1)
        sos = (so0, so1)
        iota = _iota16()
        vbase = [iota + 16 * j for j in range(8)]

        @pl.when(wid < LT)
        def _():
            pltpu.sync_copy(idxt_hbm.at[pl.ds(8 * wid, 8), :], idxbuf)
            for j in range(8):
                pltpu.sync_copy(idxbuf.at[j],
                                idxflat_hbm.at[pl.ds((8 * wid + j) * B, B)])

        def start_in(i, s):
            pltpu.async_copy(wt_hbm.at[:, pl.ds((t0 + i) * CW, CW)],
                             inbuf.at[pl.ds(s * E, E)], sis[s])

        def wait_in(s):
            pltpu.make_async_copy(wt_hbm.at[:, pl.ds(0, CW)],
                                  inbuf.at[pl.ds(s * E, E)], sis[s]).wait()

        def start_out(i, s):
            pltpu.async_copy(outbuf.at[pl.ds(s * CW * E, CW * E)],
                             wflat_hbm.at[pl.ds((t0 + i) * CW * E, CW * E)],
                             sos[s])

        def wait_out(s):
            pltpu.make_async_copy(outbuf.at[pl.ds(s * CW * E, CW * E)],
                                  wflat_hbm.at[pl.ds(0, CW * E)], sos[s]).wait()

        ROT = [(iota + d) % 16 for d in range(16)]
        IE = iota * E

        def transpose_block(s):
            srow = s * E
            soff = s * (CW * E)

            @plsc.parallel_loop(0, CW, step=16)
            def _(v0):
                col = v0 + iota
                basev = IE + (v0 * E + soff)
                for q in range(4):
                    baseq = basev + 16 * q
                    for h in range(2):
                        ds_ = range(8 * h, 8 * h + 8)
                        xs = [plsc.load_gather(
                            inbuf, [srow + 16 * q + ROT[d], col]) for d in ds_]
                        for x, d in zip(xs, ds_):
                            plsc.store_scatter(outbuf, [baseq + ROT[d]], x)

        start_in(0, 0)
        start_in(1, 1)

        def block_loop(i, carry):
            s = lax.rem(i, 2)
            _dispatch(s, wait_in)
            pl.when(i >= 2)(lambda: _dispatch(s, wait_out))
            transpose_block(s)
            _dispatch(s, lambda sp: start_out(i, sp))
            pl.when(i + 2 < n_t)(
                lambda: _dispatch(s, lambda sp: start_in(i + 2, sp)))
            return carry

        lax.fori_loop(0, n_t, block_loop, 0)
        wait_out(0)
        wait_out(1)

        if TAIL:
            @pl.when(wid == EXTRA)
            def _():
                pltpu.sync_copy(wtail_hbm, tailbuf)
                pltpu.sync_copy(tailbuf,
                                wflat_hbm.at[pl.ds((V - TAIL) * E, TAIL * E)])

    return body


@functools.lru_cache(maxsize=None)
def _make_gather(V, E, L, B):
    info = plsc.get_sparse_core_info()
    NC, NS = info.num_cores, info.num_subcores
    NW = NC * NS
    CB = B // 128
    NBLK = L * CB
    PER_W = NBLK // NW
    EP = E + 1
    assert PER_W * NW == NBLK and PER_W % 2 == 0
    mesh = plsc.VectorSubcoreMesh(core_axis_name="c", subcore_axis_name="s")

    @functools.partial(
        pl.kernel,
        mesh=mesh,
        out_type=jax.ShapeDtypeStruct((L, E // 8, B // 128, 8, 128),
                                      jnp.float32),
        scratch_types=[
            pltpu.VMEM((2, 128), jnp.int32),
            pltpu.VMEM((2 * 128, E), jnp.float32),
            pltpu.VMEM((128, EP), jnp.float32),
            pltpu.VMEM((2, 8, 8, 128), jnp.float32),
            pltpu.SemaphoreType.DMA,
            pltpu.SemaphoreType.DMA,
            pltpu.SemaphoreType.DMA,
            pltpu.SemaphoreType.DMA,
            pltpu.SemaphoreType.DMA,
            pltpu.SemaphoreType.DMA,
        ],
        compiler_params=pltpu.CompilerParams(use_tc_tiling_on_sc=False,
                                             needs_layout_passes=False),
    )
    def body(w_hbm, idx_hbm, out_hbm, idxv, rowsv, skew, outb,
             mi0, mi1, mg0, mg1, mo0, mo1):
        wid = lax.axis_index("s") * NC + lax.axis_index("c")
        q0 = wid * PER_W
        mis = (mi0, mi1)
        mgs = (mg0, mg1)
        mos = (mo0, mo1)
        iota = _iota16()
        vb = [16 * j + iota for j in range(8)]

        def start_idx(i, s):
            q = q0 + i
            off = lax.div(q, CB) * B + lax.rem(q, CB) * 128
            pltpu.async_copy(idx_hbm.at[pl.ds(off, 128)], idxv.at[s], mis[s])

        def wait_idx(s):
            pltpu.make_async_copy(idx_hbm.at[pl.ds(0, 128)], idxv.at[s],
                                  mis[s]).wait()

        def start_gather(s):
            pltpu.async_copy(w_hbm.at[idxv.at[s]],
                             rowsv.at[pl.ds(s * 128, 128)], mgs[s])

        def wait_gather(s):
            pltpu.make_async_copy(w_hbm.at[idxv.at[s]],
                                  rowsv.at[pl.ds(s * 128, 128)], mgs[s]).wait()

        def start_out(i, s):
            q = q0 + i
            l = lax.div(q, CB)
            c = lax.rem(q, CB)
            pltpu.async_copy(outb.at[s], out_hbm.at[l, :, c], mos[s])

        def wait_out(s):
            pltpu.make_async_copy(outb.at[s], out_hbm.at[0, :, 0],
                                  mos[s]).wait()

        def transpose_block(s):
            rbase = s * 128

            @plsc.parallel_loop(0, 128, step=2, unroll=2)
            def _(k0):
                for dk in range(2):
                    k = k0 + dk
                    for q in range(4):
                        x = rowsv[rbase + k, pl.ds(16 * q, 16)]
                        skew[k, pl.ds(16 * q, 16)] = x

            @plsc.parallel_loop(0, E, unroll=4)
            def _(e):
                esplat = jnp.full((16,), e, jnp.int32)
                r = lax.div(e, 8)
                e8 = lax.rem(e, 8)
                for j in range(8):
                    x = plsc.load_gather(skew, [vb[j], esplat])
                    outb[s, r, e8, pl.ds(j * 16, 16)] = x

        start_idx(0, 0)
        start_idx(1, 1)
        wait_idx(0)
        start_gather(0)
        wait_idx(1)
        start_gather(1)

        def block_loop(i, carry):
            s = lax.rem(i, 2)
            _dispatch(s, wait_gather)
            pl.when(i + 2 < PER_W)(
                lambda: _dispatch(s, lambda sp: start_idx(i + 2, sp)))
            pl.when(i >= 2)(lambda: _dispatch(s, wait_out))
            transpose_block(s)
            _dispatch(s, lambda sp: start_out(i, sp))
            def _refill(sp):
                wait_idx(sp)
                start_gather(sp)

            pl.when(i + 2 < PER_W)(lambda: _dispatch(s, _refill))
            return carry

        lax.fori_loop(0, PER_W, block_loop, 0)
        wait_out(0)
        wait_out(1)

    return body


def kernel(batch_word_indexes, word_embedding):
    B, L = batch_word_indexes.shape
    V, E = word_embedding.shape
    idx_t = jnp.transpose(batch_word_indexes)
    w_t = jnp.transpose(word_embedding)
    n_tail = V % 128
    w_tail = word_embedding[V - n_tail:, :].reshape(-1)
    w_flat, idx_flat = _make_relayout(V, E, L, B)(w_t, idx_t, w_tail)
    w2 = w_flat.reshape(V, E)
    out5 = _make_gather(V, E, L, B)(w2, idx_flat)
    return jnp.transpose(out5, (2, 4, 0, 1, 3)).reshape(B, L, E)

# --- scband reference (transcript-rebuilt; emitter-appended) ---
"""Pipeline reference for scband-word-level-embedding-45801531244769 (READ-ONLY COPY).

The authoritative reference and input builder live on the scoring server;
editing this copy changes nothing except your own understanding.
"""

import jax, jax.numpy as jnp
import numpy as np

VOCAB = 1000000
EMBED = 64
B = 4096
L = 200

def setup_inputs(seed: int = 0) -> dict:
    key = jax.random.key(seed)
    k_idx, k_w = jax.random.split(key)
    batch_word_indexes = jax.random.randint(k_idx, (B, L), 0, VOCAB, dtype=jnp.int64 if jax.config.jax_enable_x64 else jnp.int32)
    word_embedding = jax.random.normal(k_w, (VOCAB, EMBED), dtype=jnp.float32) * 0.02
    return {"batch_word_indexes": batch_word_indexes, "word_embedding": word_embedding}

def reference(batch_word_indexes, word_embedding):
    # Faithful translation of nn.Embedding lookup: out[b, l, :] = W[idx[b, l], :]
    batch_word_indexes_embedded = jnp.take(word_embedding, batch_word_indexes, axis=0)
    return batch_word_indexes_embedded

if __name__ == "__main__":
    import jax
    _d = setup_inputs()
    print(jax.jit(kernel)(*tuple(_d.values())))

</pallas_src>

<mosaic_0001>
#map = affine_map<(d0, d1) -> (0, 0)>
#map1 = affine_map<(d0, d1) -> (0)>
module attributes {stable_mosaic.version = 14 : i64} {
  func.func @body(%arg0: i32, %arg1: i32, %arg2: memref<64x1000000xf32, #tpu.memory_space<hbm>>, %arg3: memref<200x4096xi32, #tpu.memory_space<hbm>>, %arg4: memref<4096xf32, #tpu.memory_space<hbm>>, %arg5: memref<64000000xf32, #tpu.memory_space<hbm>>, %arg6: memref<819200xi32, #tpu.memory_space<hbm>>, %arg7: memref<128x256xf32, #tpu.memory_space<vmem>>, %arg8: memref<32768xf32, #tpu.memory_space<vmem>>, %arg9: memref<8x4096xi32, #tpu.memory_space<vmem>>, %arg10: memref<4096xf32, #tpu.memory_space<vmem>>, %arg11: memref<!tpu.dma_semaphore, #tpu.memory_space<semaphore_mem>>, %arg12: memref<!tpu.dma_semaphore, #tpu.memory_space<semaphore_mem>>, %arg13: memref<!tpu.dma_semaphore, #tpu.memory_space<semaphore_mem>>, %arg14: memref<!tpu.dma_semaphore, #tpu.memory_space<semaphore_mem>>) attributes {dimension_semantics = [#tpu.dimension_semantics<core_parallel>, #tpu.dimension_semantics<subcore_parallel>], iteration_bounds = array<i64: 2, 16>, scalar_prefetch = 0 : i64, scratch_operands = 8 : i64, tpu.core_type = #tpu.core_type<sc_vector_subcore>, window_params = [{transform_indices = #map}, {transform_indices = #map}, {transform_indices = #map1}, {transform_indices = #map1}, {transform_indices = #map1}]} {
    %mul3A = arith.constant 2 : i32
    %mul3A_0 = arith.muli %arg1, %mul3A : i32
    %add3A = arith.addi %mul3A_0, %arg0 : i32
    %mul3A_1 = arith.constant 122 : i32
    %mul3A_2 = arith.muli %add3A, %mul3A_1 : i32
    %min3A = arith.constant 2 : i32
    %min3A_3 = arith.minsi %add3A, %min3A : i32
    %add3A_4 = arith.addi %mul3A_2, %min3A_3 : i32
    %lt3A = arith.constant 2 : i32
    %lt3A_5 = arith.cmpi slt, %add3A, %lt3A : i32
    %convert_element_type3A = arith.extui %lt3A_5 : i1 to i32
    %add3A_6 = arith.constant 122 : i32
    %add3A_7 = arith.addi %add3A_6, %convert_element_type3A : i32
    %iota3A = tpu.iota {dimensions = array<i32: 0>} : vector<16xi32>
    %add3A_8 = arith.constant 0 : i32
    %add3A_9 = vector.broadcast %add3A_8 : i32 to vector<16xi32>
    %add3A_10 = arith.addi %iota3A, %add3A_9 : vector<16xi32>
    %add3A_11 = arith.constant 16 : i32
    %add3A_12 = vector.broadcast %add3A_11 : i32 to vector<16xi32>
    %add3A_13 = arith.addi %iota3A, %add3A_12 : vector<16xi32>
    %add3A_14 = arith.constant 32 : i32
    %add3A_15 = vector.broadcast %add3A_14 : i32 to vector<16xi32>
    %add3A_16 = arith.addi %iota3A, %add3A_15 : vector<16xi32>
    %add3A_17 = arith.constant 48 : i32
    %add3A_18 = vector.broadcast %add3A_17 : i32 to vector<16xi32>
    %add3A_19 = arith.addi %iota3A, %add3A_18 : vector<16xi32>
    %add3A_20 = arith.constant 64 : i32
    %add3A_21 = vector.broadcast %add3A_20 : i32 to vector<16xi32>
    %add3A_22 = arith.addi %iota3A, %add3A_21 : vector<16xi32>
    %add3A_23 = arith.constant 80 : i32
    %add3A_24 = vector.broadcast %add3A_23 : i32 to vector<16xi32>
    %add3A_25 = arith.addi %iota3A, %add3A_24 : vector<16xi32>
    %add3A_26 = arith.constant 96 : i32
    %add3A_27 = vector.broadcast %add3A_26 : i32 to vector<16xi32>
    %add3A_28 = arith.addi %iota3A, %add3A_27 : vector<16xi32>
    %add3A_29 = arith.constant 112 : i32
    %add3A_30 = vector.broadcast %add3A_29 : i32 to vector<16xi32>
    %add3A_31 = arith.addi %iota3A, %add3A_30 : vector<16xi32>
    %lt3A_32 = arith.constant 25 : i32
    %lt3A_33 = arith.cmpi slt, %add3A, %lt3A_32 : i32
    %convert_element_type3A_34 = arith.extui %lt3A_33 : i1 to i32
    %cond3A = arith.constant 0 : i32
    %cond3A_35 = arith.cmpi ne, %convert_element_type3A_34, %cond3A : i32
    scf.if %cond3A_35 {
      %mul3A_489 = arith.constant 8 : i32
      %mul3A_490 = arith.muli %mul3A_489, %add3A : i32
      "tpu.region"() ({
        %run_scoped3A_546 = tpu.sem_alloc : memref<!tpu.dma_semaphore, #tpu.memory_space<semaphore_mem>>
        %dma_start3A_547 = arith.constant 0 : i32
        %dma_start3A_548 = tpu.memref_slice %arg3[%mul3A_490, %dma_start3A_547] : memref<200x4096xi32, #tpu.memory_space<hbm>> -> memref<8x4096xi32, #tpu.memory_space<hbm>>
        %dma_start3A_549 = arith.constant 0 : i32
        %dma_start3A_550 = tpu.memref_slice %arg3[%mul3A_490, %dma_start3A_549] : memref<200x4096xi32, #tpu.memory_space<hbm>> -> memref<8x4096xi32, #tpu.memory_space<hbm>>
        tpu.enqueue_dma source(%dma_start3A_550 : memref<8x4096xi32, #tpu.memory_space<hbm>>) target(%arg9 : memref<8x4096xi32, #tpu.memory_space<vmem>>) target_semaphore(%run_scoped3A_546 : memref<!tpu.dma_semaphore, #tpu.memory_space<semaphore_mem>>)
        %dma_wait3A_551 = arith.constant 0 : i32
        %dma_wait3A_552 = tpu.memref_slice %arg3[%mul3A_490, %dma_wait3A_551] : memref<200x4096xi32, #tpu.memory_space<hbm>> -> memref<8x4096xi32, #tpu.memory_space<hbm>>
        %dma_wait3A_553 = arith.constant 0 : i32
        %dma_wait3A_554 = tpu.memref_slice %arg3[%mul3A_490, %dma_wait3A_553] : memref<200x4096xi32, #tpu.memory_space<hbm>> -> memref<8x4096xi32, #tpu.memory_space<hbm>>
        tpu.wait_dma2 semaphore(%run_scoped3A_546 : memref<!tpu.dma_semaphore, #tpu.memory_space<semaphore_mem>>) src(%dma_wait3A_554 : memref<8x4096xi32, #tpu.memory_space<hbm>>) dst(%arg9 : memref<8x4096xi32, #tpu.memory_space<vmem>>)
        tpu.yield
      }) : () -> ()
      %mul3A_491 = arith.constant 8 : i32
      %mul3A_492 = arith.muli %mul3A_491, %add3A : i32
      %add3A_493 = arith.constant 0 : i32
      %add3A_494 = arith.addi %mul3A_492, %add3A_493 : i32
      %mul3A_495 = arith.constant 4096 : i32
      %mul3A_496 = arith.muli %add3A_494, %mul3A_495 : i32
      %run_scoped3A = arith.constant 0 : i32
      "tpu.region"() ({
        %run_scoped3A_546 = tpu.sem_alloc : memref<!tpu.dma_semaphore, #tpu.memory_space<semaphore_mem>>
        %dma_start3A_547 = arith.constant 0 : i32
        %dma_start3A_548 = tpu.memref_slice %arg9[%run_scoped3A, %dma_start3A_547] : memref<8x4096xi32, #tpu.memory_space<vmem>> -> memref<1x4096xi32, #tpu.memory_space<vmem>>
        %dma_start3A_549 = tpu.memref_squeeze %dma_start3A_548 : memref<1x4096xi32, #tpu.memory_space<vmem>> -> memref<4096xi32, #tpu.memory_space<vmem>>
        %dma_start3A_550 = tpu.memref_slice %arg6[%mul3A_496] : memref<819200xi32, #tpu.memory_space<hbm>> -> memref<4096xi32, #tpu.memory_space<hbm>>
        %dma_start3A_551 = tpu.memref_slice %arg6[%mul3A_496] : memref<819200xi32, #tpu.memory_space<hbm>> -> memref<4096xi32, #tpu.memory_space<hbm>>
        %dma_start3A_552 = arith.constant 0 : i32
        %dma_start3A_553 = tpu.memref_slice %arg9[%run_scoped3A, %dma_start3A_552] : memref<8x4096xi32, #tpu.memory_space<vmem>> -> memref<1x4096xi32, #tpu.memory_space<vmem>>
        %dma_start3A_554 = tpu.memref_squeeze %dma_start3A_553 : memref<1x4096xi32, #tpu.memory_space<vmem>> -> memref<4096xi32, #tpu.memory_space<vmem>>
        tpu.enqueue_dma source(%dma_start3A_554 : memref<4096xi32, #tpu.memory_space<vmem>>) target(%dma_start3A_551 : memref<4096xi32, #tpu.memory_space<hbm>>) target_semaphore(%run_scoped3A_546 : memref<!tpu.dma_semaphore, #tpu.memory_space<semaphore_mem>>)
        %dma_wait3A_555 = arith.constant 0 : i32
        %dma_wait3A_556 = tpu.memref_slice %arg9[%run_scoped3A, %dma_wait3A_555] : memref<8x4096xi32, #tpu.memory_space<vmem>> -> memref<1x4096xi32, #tpu.memory_space<vmem>>
        %dma_wait3A_557 = tpu.memref_squeeze %dma_wait3A_556 : memref<1x4096xi32, #tpu.memory_space<vmem>> -> memref<4096xi32, #tpu.memory_space<vmem>>
        %dma_wait3A_558 = tpu.memref_slice %arg6[%mul3A_496] : memref<819200xi32, #tpu.memory_space<hbm>> -> memref<4096xi32, #tpu.memory_space<hbm>>
        %dma_wait3A_559 = tpu.memref_slice %arg6[%mul3A_496] : memref<819200xi32, #tpu.memory_space<hbm>> -> memref<4096xi32, #tpu.memory_space<hbm>>
        %dma_wait3A_560 = arith.constant 0 : i32
        %dma_wait3A_561 = tpu.memref_slice %arg9[%run_scoped3A, %dma_wait3A_560] : memref<8x4096xi32, #tpu.memory_space<vmem>> -> memref<1x4096xi32, #tpu.memory_space<vmem>>
        %dma_wait3A_562 = tpu.memref_squeeze %dma_wait3A_561 : memref<1x4096xi32, #tpu.memory_space<vmem>> -> memref<4096xi32, #tpu.memory_space<vmem>>
        tpu.wait_dma2 semaphore(%run_scoped3A_546 : memref<!tpu.dma_semaphore, #tpu.memory_space<semaphore_mem>>) src(%dma_wait3A_562 : memref<4096xi32, #tpu.memory_space<vmem>>) dst(%dma_wait3A_559 : memref<4096xi32, #tpu.memory_space<hbm>>)
        tpu.yield
      }) : () -> ()
      %mul3A_497 = arith.constant 8 : i32
      %mul3A_498 = arith.muli %mul3A_497, %add3A : i32
      %add3A_499 = arith.constant 1 : i32
      %add3A_500 = arith.addi %mul3A_498, %add3A_499 : i32
      %mul3A_501 = arith.constant 4096 : i32
      %mul3A_502 = arith.muli %add3A_500, %mul3A_501 : i32
      %run_scoped3A_503 = arith.constant 1 : i32
      "tpu.region"() ({
        %run_scoped3A_546 = tpu.sem_alloc : memref<!tpu.dma_semaphore, #tpu.memory_space<semaphore_mem>>
        %dma_start3A_547 = arith.constant 0 : i32
        %dma_start3A_548 = tpu.memref_slice %arg9[%run_scoped3A_503, %dma_start3A_547] : memref<8x4096xi32, #tpu.memory_space<vmem>> -> memref<1x4096xi32, #tpu.memory_space<vmem>>
        %dma_start3A_549 = tpu.memref_squeeze %dma_start3A_548 : memref<1x4096xi32, #tpu.memory_space<vmem>> -> memref<4096xi32, #tpu.memory_space<vmem>>
        %dma_start3A_550 = tpu.memref_slice %arg6[%mul3A_502] : memref<819200xi32, #tpu.memory_space<hbm>> -> memref<4096xi32, #tpu.memory_space<hbm>>
        %dma_start3A_551 = tpu.memref_slice %arg6[%mul3A_502] : memref<819200xi32, #tpu.memory_space<hbm>> -> memref<4096xi32, #tpu.memory_space<hbm>>
        %dma_start3A_552 = arith.constant 0 : i32
        %dma_start3A_553 = tpu.memref_slice %arg9[%run_scoped3A_503, %dma_start3A_552] : memref<8x4096xi32, #tpu.memory_space<vmem>> -> memref<1x4096xi32, #tpu.memory_space<vmem>>
        %dma_start3A_554 = tpu.memref_squeeze %dma_start3A_553 : memref<1x4096xi32, #tpu.memory_space<vmem>> -> memref<4096xi32, #tpu.memory_space<vmem>>
        tpu.enqueue_dma source(%dma_start3A_554 : memref<4096xi32, #tpu.memory_space<vmem>>) target(%dma_start3A_551 : memref<4096xi32, #tpu.memory_space<hbm>>) target_semaphore(%run_scoped3A_546 : memref<!tpu.dma_semaphore, #tpu.memory_space<semaphore_mem>>)
        %dma_wait3A_555 = arith.constant 0 : i32
        %dma_wait3A_556 = tpu.memref_slice %arg9[%run_scoped3A_503, %dma_wait3A_555] : memref<8x4096xi32, #tpu.memory_space<vmem>> -> memref<1x4096xi32, #tpu.memory_space<vmem>>
        %dma_wait3A_557 = tpu.memref_squeeze %dma_wait3A_556 : memref<1x4096xi32, #tpu.memory_space<vmem>> -> memref<4096xi32, #tpu.memory_space<vmem>>
        %dma_wait3A_558 = tpu.memref_slice %arg6[%mul3A_502] : memref<819200xi32, #tpu.memory_space<hbm>> -> memref<4096xi32, #tpu.memory_space<hbm>>
        %dma_wait3A_559 = tpu.memref_slice %arg6[%mul3A_502] : memref<819200xi32, #tpu.memory_space<hbm>> -> memref<4096xi32, #tpu.memory_space<hbm>>
        %dma_wait3A_560 = arith.constant 0 : i32
        %dma_wait3A_561 = tpu.memref_slice %arg9[%run_scoped3A_503, %dma_wait3A_560] : memref<8x4096xi32, #tpu.memory_space<vmem>> -> memref<1x4096xi32, #tpu.memory_space<vmem>>
        %dma_wait3A_562 = tpu.memref_squeeze %dma_wait3A_561 : memref<1x4096xi32, #tpu.memory_space<vmem>> -> memref<4096xi32, #tpu.memory_space<vmem>>
        tpu.wait_dma2 semaphore(%run_scoped3A_546 : memref<!tpu.dma_semaphore, #tpu.memory_space<semaphore_mem>>) src(%dma_wait3A_562 : memref<4096xi32, #tpu.memory_space<vmem>>) dst(%dma_wait3A_559 : memref<4096xi32, #tpu.memory_space<hbm>>)
        tpu.yield
      }) : () -> ()
      %mul3A_504 = arith.constant 8 : i32
      %mul3A_505 = arith.muli %mul3A_504, %add3A : i32
      %add3A_506 = arith.constant 2 : i32
      %add3A_507 = arith.addi %mul3A_505, %add3A_506 : i32
      %mul3A_508 = arith.constant 4096 : i32
      %mul3A_509 = arith.muli %add3A_507, %mul3A_508 : i32
      %run_scoped3A_510 = arith.constant 2 : i32
      "tpu.region"() ({
        %run_scoped3A_546 = tpu.sem_alloc : memref<!tpu.dma_semaphore, #tpu.memory_space<semaphore_mem>>
        %dma_start3A_547 = arith.constant 0 : i32
        %dma_start3A_548 = tpu.memref_slice %arg9[%run_scoped3A_510, %dma_start3A_547] : memref<8x4096xi32, #tpu.memory_space<vmem>> -> memref<1x4096xi32, #tpu.memory_space<vmem>>
        %dma_start3A_549 = tpu.memref_squeeze %dma_start3A_548 : memref<1x4096xi32, #tpu.memory_space<vmem>> -> memref<4096xi32, #tpu.memory_space<vmem>>
        %dma_start3A_550 = tpu.memref_slice %arg6[%mul3A_509] : memref<819200xi32, #tpu.memory_space<hbm>> -> memref<4096xi32, #tpu.memory_space<hbm>>
        %dma_start3A_551 = tpu.memref_slice %arg6[%mul3A_509] : memref<819200xi32, #tpu.memory_space<hbm>> -> memref<4096xi32, #tpu.memory_space<hbm>>
        %dma_start3A_552 = arith.constant 0 : i32
        %dma_start3A_553 = tpu.memref_slice %arg9[%run_scoped3A_510, %dma_start3A_552] : memref<8x4096xi32, #tpu.memory_space<vmem>> -> memref<1x4096xi32, #tpu.memory_space<vmem>>
        %dma_start3A_554 = tpu.memref_squeeze %dma_start3A_553 : memref<1x4096xi32, #tpu.memory_space<vmem>> -> memref<4096xi32, #tpu.memory_space<vmem>>
        tpu.enqueue_dma source(%dma_start3A_554 : memref<4096xi32, #tpu.memory_space<vmem>>) target(%dma_start3A_551 : memref<4096xi32, #tpu.memory_space<hbm>>) target_semaphore(%run_scoped3A_546 : memref<!tpu.dma_semaphore, #tpu.memory_space<semaphore_mem>>)
        %dma_wait3A_555 = arith.constant 0 : i32
        %dma_wait3A_556 = tpu.memref_slice %arg9[%run_scoped3A_510, %dma_wait3A_555] : memref<8x4096xi32, #tpu.memory_space<vmem>> -> memref<1x4096xi32, #tpu.memory_space<vmem>>
        %dma_wait3A_557 = tpu.memref_squeeze %dma_wait3A_556 : memref<1x4096xi32, #tpu.memory_space<vmem>> -> memref<4096xi32, #tpu.memory_space<vmem>>
        %dma_wait3A_558 = tpu.memref_slice %arg6[%mul3A_509] : memref<819200xi32, #tpu.memory_space<hbm>> -> memref<4096xi32, #tpu.memory_space<hbm>>
        %dma_wait3A_559 = tpu.memref_slice %arg6[%mul3A_509] : memref<819200xi32, #tpu.memory_space<hbm>> -> memref<4096xi32, #tpu.memory_space<hbm>>
        %dma_wait3A_560 = arith.constant 0 : i32
        %dma_wait3A_561 = tpu.memref_slice %arg9[%run_scoped3A_510, %dma_wait3A_560] : memref<8x4096xi32, #tpu.memory_space<vmem>> -> memref<1x4096xi32, #tpu.memory_space<vmem>>
        %dma_wait3A_562 = tpu.memref_squeeze %dma_wait3A_561 : memref<1x4096xi32, #tpu.memory_space<vmem>> -> memref<4096xi32, #tpu.memory_space<vmem>>
        tpu.wait_dma2 semaphore(%run_scoped3A_546 : memref<!tpu.dma_semaphore, #tpu.memory_space<semaphore_mem>>) src(%dma_wait3A_562 : memref<4096xi32, #tpu.memory_space<vmem>>) dst(%dma_wait3A_559 : memref<4096xi32, #tpu.memory_space<hbm>>)
        tpu.yield
      }) : () -> ()
      %mul3A_511 = arith.constant 8 : i32
      %mul3A_512 = arith.muli %mul3A_511, %add3A : i32
      %add3A_513 = arith.constant 3 : i32
      %add3A_514 = arith.addi %mul3A_512, %add3A_513 : i32
      %mul3A_515 = arith.constant 4096 : i32
      %mul3A_516 = arith.muli %add3A_514, %mul3A_515 : i32
      %run_scoped3A_517 = arith.constant 3 : i32
      "tpu.region"() ({
        %run_scoped3A_546 = tpu.sem_alloc : memref<!tpu.dma_semaphore, #tpu.memory_space<semaphore_mem>>
        %dma_start3A_547 = arith.constant 0 : i32
        %dma_start3A_548 = tpu.memref_slice %arg9[%run_scoped3A_517, %dma_start3A_547] : memref<8x4096xi32, #tpu.memory_space<vmem>> -> memref<1x4096xi32, #tpu.memory_space<vmem>>
        %dma_start3A_549 = tpu.memref_squeeze %dma_start3A_548 : memref<1x4096xi32, #tpu.memory_space<vmem>> -> memref<4096xi32, #tpu.memory_space<vmem>>
        %dma_start3A_550 = tpu.memref_slice %arg6[%mul3A_516] : memref<819200xi32, #tpu.memory_space<hbm>> -> memref<4096xi32, #tpu.memory_space<hbm>>
        %dma_start3A_551 = tpu.memref_slice %arg6[%mul3A_516] : memref<819200xi32, #tpu.memory_space<hbm>> -> memref<4096xi32, #tpu.memory_space<hbm>>
        %dma_start3A_552 = arith.constant 0 : i32
        %dma_start3A_553 = tpu.memref_slice %arg9[%run_scoped3A_517, %dma_start3A_552] : memref<8x4096xi32, #tpu.memory_space<vmem>> -> memref<1x4096xi32, #tpu.memory_space<vmem>>
        %dma_start3A_554 = tpu.memref_squeeze %dma_start3A_553 : memref<1x4096xi32, #tpu.memory_space<vmem>> -> memref<4096xi32, #tpu.memory_space<vmem>>
        tpu.enqueue_dma source(%dma_start3A_554 : memref<4096xi32, #tpu.memory_space<vmem>>) target(%dma_start3A_551 : memref<4096xi32, #tpu.memory_space<hbm>>) target_semaphore(%run_scoped3A_546 : memref<!tpu.dma_semaphore, #tpu.memory_space<semaphore_mem>>)
        %dma_wait3A_555 = arith.constant 0 : i32
        %dma_wait3A_556 = tpu.memref_slice %arg9[%run_scoped3A_517, %dma_wait3A_555] : memref<8x4096xi32, #tpu.memory_space<vmem>> -> memref<1x4096xi32, #tpu.memory_space<vmem>>
        %dma_wait3A_557 = tpu.memref_squeeze %dma_wait3A_556 : memref<1x4096xi32, #tpu.memory_space<vmem>> -> memref<4096xi32, #tpu.memory_space<vmem>>
        %dma_wait3A_558 = tpu.memref_slice %arg6[%mul3A_516] : memref<819200xi32, #tpu.memory_space<hbm>> -> memref<4096xi32, #tpu.memory_space<hbm>>
        %dma_wait3A_559 = tpu.memref_slice %arg6[%mul3A_516] : memref<819200xi32, #tpu.memory_space<hbm>> -> memref<4096xi32, #tpu.memory_space<hbm>>
        %dma_wait3A_560 = arith.constant 0 : i32
        %dma_wait3A_561 = tpu.memref_slice %arg9[%run_scoped3A_517, %dma_wait3A_560] : memref<8x4096xi32, #tpu.memory_space<vmem>> -> memref<1x4096xi32, #tpu.memory_space<vmem>>
        %dma_wait3A_562 = tpu.memref_squeeze %dma_wait3A_561 : memref<1x4096xi32, #tpu.memory_space<vmem>> -> memref<4096xi32, #tpu.memory_space<vmem>>
        tpu.wait_dma2 semaphore(%run_scoped3A_546 : memref<!tpu.dma_semaphore, #tpu.memory_space<semaphore_mem>>) src(%dma_wait3A_562 : memref<4096xi32, #tpu.memory_space<vmem>>) dst(%dma_wait3A_559 : memref<4096xi32, #tpu.memory_space<hbm>>)
        tpu.yield
      }) : () -> ()
      %mul3A_518 = arith.constant 8 : i32
      %mul3A_519 = arith.muli %mul3A_518, %add3A : i32
      %add3A_520 = arith.constant 4 : i32
      %add3A_521 = arith.addi %mul3A_519, %add3A_520 : i32
      %mul3A_522 = arith.constant 4096 : i32
      %mul3A_523 = arith.muli %add3A_521, %mul3A_522 : i32
      %run_scoped3A_524 = arith.constant 4 : i32
      "tpu.region"() ({
        %run_scoped3A_546 = tpu.sem_alloc : memref<!tpu.dma_semaphore, #tpu.memory_space<semaphore_mem>>
        %dma_start3A_547 = arith.constant 0 : i32
        %dma_start3A_548 = tpu.memref_slice %arg9[%run_scoped3A_524, %dma_start3A_547] : memref<8x4096xi32, #tpu.memory_space<vmem>> -> memref<1x4096xi32, #tpu.memory_space<vmem>>
        %dma_start3A_549 = tpu.memref_squeeze %dma_start3A_548 : memref<1x4096xi32, #tpu.memory_space<vmem>> -> memref<4096xi32, #tpu.memory_space<vmem>>
        %dma_start3A_550 = tpu.memref_slice %arg6[%mul3A_523] : memref<819200xi32, #tpu.memory_space<hbm>> -> memref<4096xi32, #tpu.memory_space<hbm>>
        %dma_start3A_551 = tpu.memref_slice %arg6[%mul3A_523] : memref<819200xi32, #tpu.memory_space<hbm>> -> memref<4096xi32, #tpu.memory_space<hbm>>
        %dma_start3A_552 = arith.constant 0 : i32
        %dma_start3A_553 = tpu.memref_slice %arg9[%run_scoped3A_524, %dma_start3A_552] : memref<8x4096xi32, #tpu.memory_space<vmem>> -> memref<1x4096xi32, #tpu.memory_space<vmem>>
        %dma_start3A_554 = tpu.memref_squeeze %dma_start3A_553 : memref<1x4096xi32, #tpu.memory_space<vmem>> -> memref<4096xi32, #tpu.memory_space<vmem>>
        tpu.enqueue_dma source(%dma_start3A_554 : memref<4096xi32, #tpu.memory_space<vmem>>) target(%dma_start3A_551 : memref<4096xi32, #tpu.memory_space<hbm>>) target_semaphore(%run_scoped3A_546 : memref<!tpu.dma_semaphore, #tpu.memory_space<semaphore_mem>>)
        %dma_wait3A_555 = arith.constant 0 : i32
        %dma_wait3A_556 = tpu.memref_slice %arg9[%run_scoped3A_524, %dma_wait3A_555] : memref<8x4096xi32, #tpu.memory_space<vmem>> -> memref<1x4096xi32, #tpu.memory_space<vmem>>
        %dma_wait3A_557 = tpu.memref_squeeze %dma_wait3A_556 : memref<1x4096xi32, #tpu.memory_space<vmem>> -> memref<4096xi32, #tpu.memory_space<vmem>>
        %dma_wait3A_558 = tpu.memref_slice %arg6[%mul3A_523] : memref<819200xi32, #tpu.memory_space<hbm>> -> memref<4096xi32, #tpu.memory_space<hbm>>
        %dma_wait3A_559 = tpu.memref_slice %arg6[%mul3A_523] : memref<819200xi32, #tpu.memory_space<hbm>> -> memref<4096xi32, #tpu.memory_space<hbm>>
        %dma_wait3A_560 = arith.constant 0 : i32
        %dma_wait3A_561 = tpu.memref_slice %arg9[%run_scoped3A_524, %dma_wait3A_560] : memref<8x4096xi32, #tpu.memory_space<vmem>> -> memref<1x4096xi32, #tpu.memory_space<vmem>>
        %dma_wait3A_562 = tpu.memref_squeeze %dma_wait3A_561 : memref<1x4096xi32, #tpu.memory_space<vmem>> -> memref<4096xi32, #tpu.memory_space<vmem>>
        tpu.wait_dma2 semaphore(%run_scoped3A_546 : memref<!tpu.dma_semaphore, #tpu.memory_space<semaphore_mem>>) src(%dma_wait3A_562 : memref<4096xi32, #tpu.memory_space<vmem>>) dst(%dma_wait3A_559 : memref<4096xi32, #tpu.memory_space<hbm>>)
        tpu.yield
      }) : () -> ()
      %mul3A_525 = arith.constant 8 : i32
      %mul3A_526 = arith.muli %mul3A_525, %add3A : i32
      %add3A_527 = arith.constant 5 : i32
      %add3A_528 = arith.addi %mul3A_526, %add3A_527 : i32
      %mul3A_529 = arith.constant 4096 : i32
      %mul3A_530 = arith.muli %add3A_528, %mul3A_529 : i32
      %run_scoped3A_531 = arith.constant 5 : i32
      "tpu.region"() ({
        %run_scoped3A_546 = tpu.sem_alloc : memref<!tpu.dma_semaphore, #tpu.memory_space<semaphore_mem>>
        %dma_start3A_547 = arith.constant 0 : i32
        %dma_start3A_548 = tpu.memref_slice %arg9[%run_scoped3A_531, %dma_start3A_547] : memref<8x4096xi32, #tpu.memory_space<vmem>> -> memref<1x4096xi32, #tpu.memory_space<vmem>>
        %dma_start3A_549 = tpu.memref_squeeze %dma_start3A_548 : memref<1x4096xi32, #tpu.memory_space<vmem>> -> memref<4096xi32, #tpu.memory_space<vmem>>
        %dma_start3A_550 = tpu.memref_slice %arg6[%mul3A_530] : memref<819200xi32, #tpu.memory_space<hbm>> -> memref<4096xi32, #tpu.memory_space<hbm>>
        %dma_start3A_551 = tpu.memref_slice %arg6[%mul3A_530] : memref<819200xi32, #tpu.memory_space<hbm>> -> memref<4096xi32, #tpu.memory_space<hbm>>
        %dma_start3A_552 = arith.constant 0 : i32
        %dma_start3A_553 = tpu.memref_slice %arg9[%run_scoped3A_531, %dma_start3A_552] : memref<8x4096xi32, #tpu.memory_space<vmem>> -> memref<1x4096xi32, #tpu.memory_space<vmem>>
        %dma_start3A_554 = tpu.memref_squeeze %dma_start3A_553 : memref<1x4096xi32, #tpu.memory_space<vmem>> -> memref<4096xi32, #tpu.memory_space<vmem>>
        tpu.enqueue_dma source(%dma_start3A_554 : memref<4096xi32, #tpu.memory_space<vmem>>) target(%dma_start3A_551 : memref<4096xi32, #tpu.memory_space<hbm>>) target_semaphore(%run_scoped3A_546 : memref<!tpu.dma_semaphore, #tpu.memory_space<semaphore_mem>>)
        %dma_wait3A_555 = arith.constant 0 : i32
        %dma_wait3A_556 = tpu.memref_slice %arg9[%run_scoped3A_531, %dma_wait3A_555] : memref<8x4096xi32, #tpu.memory_space<vmem>> -> memref<1x4096xi32, #tpu.memory_space<vmem>>
        %dma_wait3A_557 = tpu.memref_squeeze %dma_wait3A_556 : memref<1x4096xi32, #tpu.memory_space<vmem>> -> memref<4096xi32, #tpu.memory_space<vmem>>
        %dma_wait3A_558 = tpu.memref_slice %arg6[%mul3A_530] : memref<819200xi32, #tpu.memory_space<hbm>> -> memref<4096xi32, #tpu.memory_space<hbm>>
        %dma_wait3A_559 = tpu.memref_slice %arg6[%mul3A_530] : memref<819200xi32, #tpu.memory_space<hbm>> -> memref<4096xi32, #tpu.memory_space<hbm>>
        %dma_wait3A_560 = arith.constant 0 : i32
        %dma_wait3A_561 = tpu.memref_slice %arg9[%run_scoped3A_531, %dma_wait3A_560] : memref<8x4096xi32, #tpu.memory_space<vmem>> -> memref<1x4096xi32, #tpu.memory_space<vmem>>
        %dma_wait3A_562 = tpu.memref_squeeze %dma_wait3A_561 : memref<1x4096xi32, #tpu.memory_space<vmem>> -> memref<4096xi32, #tpu.memory_space<vmem>>
        tpu.wait_dma2 semaphore(%run_scoped3A_546 : memref<!tpu.dma_semaphore, #tpu.memory_space<semaphore_mem>>) src(%dma_wait3A_562 : memref<4096xi32, #tpu.memory_space<vmem>>) dst(%dma_wait3A_559 : memref<4096xi32, #tpu.memory_space<hbm>>)
        tpu.yield
      }) : () -> ()
      %mul3A_532 = arith.constant 8 : i32
      %mul3A_533 = arith.muli %mul3A_532, %add3A : i32
      %add3A_534 = arith.constant 6 : i32
      %add3A_535 = arith.addi %mul3A_533, %add3A_534 : i32
      %mul3A_536 = arith.constant 4096 : i32
      %mul3A_537 = arith.muli %add3A_535, %mul3A_536 : i32
      %run_scoped3A_538 = arith.constant 6 : i32
      "tpu.region"() ({
        %run_scoped3A_546 = tpu.sem_alloc : memref<!tpu.dma_semaphore, #tpu.memory_space<semaphore_mem>>
        %dma_start3A_547 = arith.constant 0 : i32
        %dma_start3A_548 = tpu.memref_slice %arg9[%run_scoped3A_538, %dma_start3A_547] : memref<8x4096xi32, #tpu.memory_space<vmem>> -> memref<1x4096xi32, #tpu.memory_space<vmem>>
        %dma_start3A_549 = tpu.memref_squeeze %dma_start3A_548 : memref<1x4096xi32, #tpu.memory_space<vmem>> -> memref<4096xi32, #tpu.memory_space<vmem>>
        %dma_start3A_550 = tpu.memref_slice %arg6[%mul3A_537] : memref<819200xi32, #tpu.memory_space<hbm>> -> memref<4096xi32, #tpu.memory_space<hbm>>
        %dma_start3A_551 = tpu.memref_slice %arg6[%mul3A_537] : memref<819200xi32, #tpu.memory_space<hbm>> -> memref<4096xi32, #tpu.memory_space<hbm>>
        %dma_start3A_552 = arith.constant 0 : i32
        %dma_start3A_553 = tpu.memref_slice %arg9[%run_scoped3A_538, %dma_start3A_552] : memref<8x4096xi32, #tpu.memory_space<vmem>> -> memref<1x4096xi32, #tpu.memory_space<vmem>>
        %dma_start3A_554 = tpu.memref_squeeze %dma_start3A_553 : memref<1x4096xi32, #tpu.memory_space<vmem>> -> memref<4096xi32, #tpu.memory_space<vmem>>
        tpu.enqueue_dma source(%dma_start3A_554 : memref<4096xi32, #tpu.memory_space<vmem>>) target(%dma_start3A_551 : memref<4096xi32, #tpu.memory_space<hbm>>) target_semaphore(%run_scoped3A_546 : memref<!tpu.dma_semaphore, #tpu.memory_space<semaphore_mem>>)
        %dma_wait3A_555 = arith.constant 0 : i32
        %dma_wait3A_556 = tpu.memref_slice %arg9[%run_scoped3A_538, %dma_wait3A_555] : memref<8x4096xi32, #tpu.memory_space<vmem>> -> memref<1x4096xi32, #tpu.memory_space<vmem>>
        %dma_wait3A_557 = tpu.memref_squeeze %dma_wait3A_556 : memref<1x4096xi32, #tpu.memory_space<vmem>> -> memref<4096xi32, #tpu.memory_space<vmem>>
        %dma_wait3A_558 = tpu.memref_slice %arg6[%mul3A_537] : memref<819200xi32, #tpu.memory_space<hbm>> -> memref<4096xi32, #tpu.memory_space<hbm>>
        %dma_wait3A_559 = tpu.memref_slice %arg6[%mul3A_537] : memref<819200xi32, #tpu.memory_space<hbm>> -> memref<4096xi32, #tpu.memory_space<hbm>>
        %dma_wait3A_560 = arith.constant 0 : i32
        %dma_wait3A_561 = tpu.memref_slice %arg9[%run_scoped3A_538, %dma_wait3A_560] : memref<8x4096xi32, #tpu.memory_space<vmem>> -> memref<1x4096xi32, #tpu.memory_space<vmem>>
        %dma_wait3A_562 = tpu.memref_squeeze %dma_wait3A_561 : memref<1x4096xi32, #tpu.memory_space<vmem>> -> memref<4096xi32, #tpu.memory_space<vmem>>
        tpu.wait_dma2 semaphore(%run_scoped3A_546 : memref<!tpu.dma_semaphore, #tpu.memory_space<semaphore_mem>>) src(%dma_wait3A_562 : memref<4096xi32, #tpu.memory_space<vmem>>) dst(%dma_wait3A_559 : memref<4096xi32, #tpu.memory_space<hbm>>)
        tpu.yield
      }) : () -> ()
      %mul3A_539 = arith.constant 8 : i32
      %mul3A_540 = arith.muli %mul3A_539, %add3A : i32
      %add3A_541 = arith.constant 7 : i32
      %add3A_542 = arith.addi %mul3A_540, %add3A_541 : i32
      %mul3A_543 = arith.constant 4096 : i32
      %mul3A_544 = arith.muli %add3A_542, %mul3A_543 : i32
      %run_scoped3A_545 = arith.constant 7 : i32
      "tpu.region"() ({
        %run_scoped3A_546 = tpu.sem_alloc : memref<!tpu.dma_semaphore, #tpu.memory_space<semaphore_mem>>
        %dma_start3A_547 = arith.constant 0 : i32
        %dma_start3A_548 = tpu.memref_slice %arg9[%run_scoped3A_545, %dma_start3A_547] : memref<8x4096xi32, #tpu.memory_space<vmem>> -> memref<1x4096xi32, #tpu.memory_space<vmem>>
        %dma_start3A_549 = tpu.memref_squeeze %dma_start3A_548 : memref<1x4096xi32, #tpu.memory_space<vmem>> -> memref<4096xi32, #tpu.memory_space<vmem>>
        %dma_start3A_550 = tpu.memref_slice %arg6[%mul3A_544] : memref<819200xi32, #tpu.memory_space<hbm>> -> memref<4096xi32, #tpu.memory_space<hbm>>
        %dma_start3A_551 = tpu.memref_slice %arg6[%mul3A_544] : memref<819200xi32, #tpu.memory_space<hbm>> -> memref<4096xi32, #tpu.memory_space<hbm>>
        %dma_start3A_552 = arith.constant 0 : i32
        %dma_start3A_553 = tpu.memref_slice %arg9[%run_scoped3A_545, %dma_start3A_552] : memref<8x4096xi32, #tpu.memory_space<vmem>> -> memref<1x4096xi32, #tpu.memory_space<vmem>>
        %dma_start3A_554 = tpu.memref_squeeze %dma_start3A_553 : memref<1x4096xi32, #tpu.memory_space<vmem>> -> memref<4096xi32, #tpu.memory_space<vmem>>
        tpu.enqueue_dma source(%dma_start3A_554 : memref<4096xi32, #tpu.memory_space<vmem>>) target(%dma_start3A_551 : memref<4096xi32, #tpu.memory_space<hbm>>) target_semaphore(%run_scoped3A_546 : memref<!tpu.dma_semaphore, #tpu.memory_space<semaphore_mem>>)
        %dma_wait3A_555 = arith.constant 0 : i32
        %dma_wait3A_556 = tpu.memref_slice %arg9[%run_scoped3A_545, %dma_wait3A_555] : memref<8x4096xi32, #tpu.memory_space<vmem>> -> memref<1x4096xi32, #tpu.memory_space<vmem>>
        %dma_wait3A_557 = tpu.memref_squeeze %dma_wait3A_556 : memref<1x4096xi32, #tpu.memory_space<vmem>> -> memref<4096xi32, #tpu.memory_space<vmem>>
        %dma_wait3A_558 = tpu.memref_slice %arg6[%mul3A_544] : memref<819200xi32, #tpu.memory_space<hbm>> -> memref<4096xi32, #tpu.memory_space<hbm>>
        %dma_wait3A_559 = tpu.memref_slice %arg6[%mul3A_544] : memref<819200xi32, #tpu.memory_space<hbm>> -> memref<4096xi32, #tpu.memory_space<hbm>>
        %dma_wait3A_560 = arith.constant 0 : i32
        %dma_wait3A_561 = tpu.memref_slice %arg9[%run_scoped3A_545, %dma_wait3A_560] : memref<8x4096xi32, #tpu.memory_space<vmem>> -> memref<1x4096xi32, #tpu.memory_space<vmem>>
        %dma_wait3A_562 = tpu.memref_squeeze %dma_wait3A_561 : memref<1x4096xi32, #tpu.memory_space<vmem>> -> memref<4096xi32, #tpu.memory_space<vmem>>
        tpu.wait_dma2 semaphore(%run_scoped3A_546 : memref<!tpu.dma_semaphore, #tpu.memory_space<semaphore_mem>>) src(%dma_wait3A_562 : memref<4096xi32, #tpu.memory_space<vmem>>) dst(%dma_wait3A_559 : memref<4096xi32, #tpu.memory_space<hbm>>)
        tpu.yield
      }) : () -> ()
    } else {
    }
    %add3A_36 = arith.constant 0 : i32
    %add3A_37 = vector.broadcast %add3A_36 : i32 to vector<16xi32>
    %add3A_38 = arith.addi %iota3A, %add3A_37 : vector<16xi32>
    %jit3A = arith.constant 16 : i32
    %eq3A = arith.constant 0 : i32
    %eq3A_39 = arith.cmpi eq, %jit3A, %eq3A : i32
    %jit3A_40 = arith.constant 1 : i32
    %select_n3A = arith.select %eq3A_39, %jit3A_40, %jit3A : i32
    %rem3A = vector.broadcast %select_n3A : i32 to vector<16xi32>
    %rem3A_41 = arith.remsi %add3A_38, %rem3A : vector<16xi32>
    %ne3A = arith.constant 0 : i32
    %ne3A_42 = vector.broadcast %ne3A : i32 to vector<16xi32>
    %ne3A_43 = arith.cmpi ne, %rem3A_41, %ne3A_42 : vector<16xi32>
    %lt3A_44 = arith.constant 0 : i32
    %lt3A_45 = vector.broadcast %lt3A_44 : i32 to vector<16xi32>
    %lt3A_46 = arith.cmpi slt, %rem3A_41, %lt3A_45 : vector<16xi32>
    %lt3A_47 = arith.constant 0 : i32
    %lt3A_48 = arith.cmpi slt, %select_n3A, %lt3A_47 : i32
    %ne3A_49 = vector.broadcast %lt3A_48 : i1 to vector<16xi1>
    %ne3A_50 = vector.broadcast %ne3A_49 : vector<16xi1> to vector<16xi1>
    %ne3A_51 = arith.xori %lt3A_46, %ne3A_50 : vector<16xi1>
    %and3A = arith.andi %ne3A_51, %ne3A_43 : vector<16xi1>
    %add3A_52 = vector.broadcast %select_n3A : i32 to vector<16xi32>
    %add3A_53 = arith.addi %rem3A_41, %add3A_52 : vector<16xi32>
    %select_n3A_54 = arith.select %and3A, %add3A_53, %rem3A_41 : vector<16xi1>, vector<16xi32>
    %add3A_55 = arith.constant 1 : i32
    %add3A_56 = vector.broadcast %add3A_55 : i32 to vector<16xi32>
    %add3A_57 = arith.addi %iota3A, %add3A_56 : vector<16xi32>
    %jit3A_58 = arith.constant 16 : i32
    %eq3A_59 = arith.constant 0 : i32
    %eq3A_60 = arith.cmpi eq, %jit3A_58, %eq3A_59 : i32
    %jit3A_61 = arith.constant 1 : i32
    %select_n3A_62 = arith.select %eq3A_60, %jit3A_61, %jit3A_58 : i32
    %rem3A_63 = vector.broadcast %select_n3A_62 : i32 to vector<16xi32>
    %rem3A_64 = arith.remsi %add3A_57, %rem3A_63 : vector<16xi32>
    %ne3A_65 = arith.constant 0 : i32
    %ne3A_66 = vector.broadcast %ne3A_65 : i32 to vector<16xi32>
    %ne3A_67 = arith.cmpi ne, %rem3A_64, %ne3A_66 : vector<16xi32>
    %lt3A_68 = arith.constant 0 : i32
    %lt3A_69 = vector.broadcast %lt3A_68 : i32 to vector<16xi32>
    %lt3A_70 = arith.cmpi slt, %rem3A_64, %lt3A_69 : vector<16xi32>
    %lt3A_71 = arith.constant 0 : i32
    %lt3A_72 = arith.cmpi slt, %select_n3A_62, %lt3A_71 : i32
    %ne3A_73 = vector.broadcast %lt3A_72 : i1 to vector<16xi1>
    %ne3A_74 = vector.broadcast %ne3A_73 : vector<16xi1> to vector<16xi1>
    %ne3A_75 = arith.xori %lt3A_70, %ne3A_74 : vector<16xi1>
    %and3A_76 = arith.andi %ne3A_75, %ne3A_67 : vector<16xi1>
    %add3A_77 = vector.broadcast %select_n3A_62 : i32 to vector<16xi32>
    %add3A_78 = arith.addi %rem3A_64, %add3A_77 : vector<16xi32>
    %select_n3A_79 = arith.select %and3A_76, %add3A_78, %rem3A_64 : vector<16xi1>, vector<16xi32>
    %add3A_80 = arith.constant 2 : i32
    %add3A_81 = vector.broadcast %add3A_80 : i32 to vector<16xi32>
    %add3A_82 = arith.addi %iota3A, %add3A_81 : vector<16xi32>
    %jit3A_83 = arith.constant 16 : i32
    %eq3A_84 = arith.constant 0 : i32
    %eq3A_85 = arith.cmpi eq, %jit3A_83, %eq3A_84 : i32
    %jit3A_86 = arith.constant 1 : i32
    %select_n3A_87 = arith.select %eq3A_85, %jit3A_86, %jit3A_83 : i32
    %rem3A_88 = vector.broadcast %select_n3A_87 : i32 to vector<16xi32>
    %rem3A_89 = arith.remsi %add3A_82, %rem3A_88 : vector<16xi32>
    %ne3A_90 = arith.constant 0 : i32
    %ne3A_91 = vector.broadcast %ne3A_90 : i32 to vector<16xi32>
    %ne3A_92 = arith.cmpi ne, %rem3A_89, %ne3A_91 : vector<16xi32>
    %lt3A_93 = arith.constant 0 : i32
    %lt3A_94 = vector.broadcast %lt3A_93 : i32 to vector<16xi32>
    %lt3A_95 = arith.cmpi slt, %rem3A_89, %lt3A_94 : vector<16xi32>
    %lt3A_96 = arith.constant 0 : i32
    %lt3A_97 = arith.cmpi slt, %select_n3A_87, %lt3A_96 : i32
    %ne3A_98 = vector.broadcast %lt3A_97 : i1 to vector<16xi1>
    %ne3A_99 = vector.broadcast %ne3A_98 : vector<16xi1> to vector<16xi1>
    %ne3A_100 = arith.xori %lt3A_95, %ne3A_99 : vector<16xi1>
    %and3A_101 = arith.andi %ne3A_100, %ne3A_92 : vector<16xi1>
    %add3A_102 = vector.broadcast %select_n3A_87 : i32 to vector<16xi32>
    %add3A_103 = arith.addi %rem3A_89, %add3A_102 : vector<16xi32>
    %select_n3A_104 = arith.select %and3A_101, %add3A_103, %rem3A_89 : vector<16xi1>, vector<16xi32>
    %add3A_105 = arith.constant 3 : i32
    %add3A_106 = vector.broadcast %add3A_105 : i32 to vector<16xi32>
    %add3A_107 = arith.addi %iota3A, %add3A_106 : vector<16xi32>
    %jit3A_108 = arith.constant 16 : i32
    %eq3A_109 = arith.constant 0 : i32
    %eq3A_110 = arith.cmpi eq, %jit3A_108, %eq3A_109 : i32
    %jit3A_111 = arith.constant 1 : i32
    %select_n3A_112 = arith.select %eq3A_110, %jit3A_111, %jit3A_108 : i32
    %rem3A_113 = vector.broadcast %select_n3A_112 : i32 to vector<16xi32>
    %rem3A_114 = arith.remsi %add3A_107, %rem3A_113 : vector<16xi32>
    %ne3A_115 = arith.constant 0 : i32
    %ne3A_116 = vector.broadcast %ne3A_115 : i32 to vector<16xi32>
    %ne3A_117 = arith.cmpi ne, %rem3A_114, %ne3A_116 : vector<16xi32>
    %lt3A_118 = arith.constant 0 : i32
    %lt3A_119 = vector.broadcast %lt3A_118 : i32 to vector<16xi32>
    %lt3A_120 = arith.cmpi slt, %rem3A_114, %lt3A_119 : vector<16xi32>
    %lt3A_121 = arith.constant 0 : i32
    %lt3A_122 = arith.cmpi slt, %select_n3A_112, %lt3A_121 : i32
    %ne3A_123 = vector.broadcast %lt3A_122 : i1 to vector<16xi1>
    %ne3A_124 = vector.broadcast %ne3A_123 : vector<16xi1> to vector<16xi1>
    %ne3A_125 = arith.xori %lt3A_120, %ne3A_124 : vector<16xi1>
    %and3A_126 = arith.andi %ne3A_125, %ne3A_117 : vector<16xi1>
    %add3A_127 = vector.broadcast %select_n3A_112 : i32 to vector<16xi32>
    %add3A_128 = arith.addi %rem3A_114, %add3A_127 : vector<16xi32>
    %select_n3A_129 = arith.select %and3A_126, %add3A_128, %rem3A_114 : vector<16xi1>, vector<16xi32>
    %add3A_130 = arith.constant 4 : i32
    %add3A_131 = vector.broadcast %add3A_130 : i32 to vector<16xi32>
    %add3A_132 = arith.addi %iota3A, %add3A_131 : vector<16xi32>
    %jit3A_133 = arith.constant 16 : i32
    %eq3A_134 = arith.constant 0 : i32
    %eq3A_135 = arith.cmpi eq, %jit3A_133, %eq3A_134 : i32
    %jit3A_136 = arith.constant 1 : i32
    %select_n3A_137 = arith.select %eq3A_135, %jit3A_136, %jit3A_133 : i32
    %rem3A_138 = vector.broadcast %select_n3A_137 : i32 to vector<16xi32>
    %rem3A_139 = arith.remsi %add3A_132, %rem3A_138 : vector<16xi32>
    %ne3A_140 = arith.constant 0 : i32
    %ne3A_141 = vector.broadcast %ne3A_140 : i32 to vector<16xi32>
    %ne3A_142 = arith.cmpi ne, %rem3A_139, %ne3A_141 : vector<16xi32>
    %lt3A_143 = arith.constant 0 : i32
    %lt3A_144 = vector.broadcast %lt3A_143 : i32 to vector<16xi32>
    %lt3A_145 = arith.cmpi slt, %rem3A_139, %lt3A_144 : vector<16xi32>
    %lt3A_146 = arith.constant 0 : i32
    %lt3A_147 = arith.cmpi slt, %select_n3A_137, %lt3A_146 : i32
    %ne3A_148 = vector.broadcast %lt3A_147 : i1 to vector<16xi1>
    %ne3A_149 = vector.broadcast %ne3A_148 : vector<16xi1> to vector<16xi1>
    %ne3A_150 = arith.xori %lt3A_145, %ne3A_149 : vector<16xi1>
    %and3A_151 = arith.andi %ne3A_150, %ne3A_142 : vector<16xi1>
    %add3A_152 = vector.broadcast %select_n3A_137 : i32 to vector<16xi32>
    %add3A_153 = arith.addi %rem3A_139, %add3A_152 : vector<16xi32>
    %select_n3A_154 = arith.select %and3A_151, %add3A_153, %rem3A_139 : vector<16xi1>, vector<16xi32>
    %add3A_155 = arith.constant 5 : i32
    %add3A_156 = vector.broadcast %add3A_155 : i32 to vector<16xi32>
    %add3A_157 = arith.addi %iota3A, %add3A_156 : vector<16xi32>
    %jit3A_158 = arith.constant 16 : i32
    %eq3A_159 = arith.constant 0 : i32
    %eq3A_160 = arith.cmpi eq, %jit3A_158, %eq3A_159 : i32
    %jit3A_161 = arith.constant 1 : i32
    %select_n3A_162 = arith.select %eq3A_160, %jit3A_161, %jit3A_158 : i32
    %rem3A_163 = vector.broadcast %select_n3A_162 : i32 to vector<16xi32>
    %rem3A_164 = arith.remsi %add3A_157, %rem3A_163 : vector<16xi32>
    %ne3A_165 = arith.constant 0 : i32
    %ne3A_166 = vector.broadcast %ne3A_165 : i32 to vector<16xi32>
    %ne3A_167 = arith.cmpi ne, %rem3A_164, %ne3A_166 : vector<16xi32>
    %lt3A_168 = arith.constant 0 : i32
    %lt3A_169 = vector.broadcast %lt3A_168 : i32 to vector<16xi32>
    %lt3A_170 = arith.cmpi slt, %rem3A_164, %lt3A_169 : vector<16xi32>
    %lt3A_171 = arith.constant 0 : i32
    %lt3A_172 = arith.cmpi slt, %select_n3A_162, %lt3A_171 : i32
    %ne3A_173 = vector.broadcast %lt3A_172 : i1 to vector<16xi1>
    %ne3A_174 = vector.broadcast %ne3A_173 : vector<16xi1> to vector<16xi1>
    %ne3A_175 = arith.xori %lt3A_170, %ne3A_174 : vector<16xi1>
    %and3A_176 = arith.andi %ne3A_175, %ne3A_167 : vector<16xi1>
    %add3A_177 = vector.broadcast %select_n3A_162 : i32 to vector<16xi32>
    %add3A_178 = arith.addi %rem3A_164, %add3A_177 : vector<16xi32>
    %select_n3A_179 = arith.select %and3A_176, %add3A_178, %rem3A_164 : vector<16xi1>, vector<16xi32>
    %add3A_180 = arith.constant 6 : i32
    %add3A_181 = vector.broadcast %add3A_180 : i32 to vector<16xi32>
    %add3A_182 = arith.addi %iota3A, %add3A_181 : vector<16xi32>
    %jit3A_183 = arith.constant 16 : i32
    %eq3A_184 = arith.constant 0 : i32
    %eq3A_185 = arith.cmpi eq, %jit3A_183, %eq3A_184 : i32
    %jit3A_186 = arith.constant 1 : i32
    %select_n3A_187 = arith.select %eq3A_185, %jit3A_186, %jit3A_183 : i32
    %rem3A_188 = vector.broadcast %select_n3A_187 : i32 to vector<16xi32>
    %rem3A_189 = arith.remsi %add3A_182, %rem3A_188 : vector<16xi32>
    %ne3A_190 = arith.constant 0 : i32
    %ne3A_191 = vector.broadcast %ne3A_190 : i32 to vector<16xi32>
    %ne3A_192 = arith.cmpi ne, %rem3A_189, %ne3A_191 : vector<16xi32>
    %lt3A_193 = arith.constant 0 : i32
    %lt3A_194 = vector.broadcast %lt3A_193 : i32 to vector<16xi32>
    %lt3A_195 = arith.cmpi slt, %rem3A_189, %lt3A_194 : vector<16xi32>
    %lt3A_196 = arith.constant 0 : i32
    %lt3A_197 = arith.cmpi slt, %select_n3A_187, %lt3A_196 : i32
    %ne3A_198 = vector.broadcast %lt3A_197 : i1 to vector<16xi1>
    %ne3A_199 = vector.broadcast %ne3A_198 : vector<16xi1> to vector<16xi1>
    %ne3A_200 = arith.xori %lt3A_195, %ne3A_199 : vector<16xi1>
    %and3A_201 = arith.andi %ne3A_200, %ne3A_192 : vector<16xi1>
    %add3A_202 = vector.broadcast %select_n3A_187 : i32 to vector<16xi32>
    %add3A_203 = arith.addi %rem3A_189, %add3A_202 : vector<16xi32>
    %select_n3A_204 = arith.select %and3A_201, %add3A_203, %rem3A_189 : vector<16xi1>, vector<16xi32>
    %add3A_205 = arith.constant 7 : i32
    %add3A_206 = vector.broadcast %add3A_205 : i32 to vector<16xi32>
    %add3A_207 = arith.addi %iota3A, %add3A_206 : vector<16xi32>
    %jit3A_208 = arith.constant 16 : i32
    %eq3A_209 = arith.constant 0 : i32
    %eq3A_210 = arith.cmpi eq, %jit3A_208, %eq3A_209 : i32
    %jit3A_211 = arith.constant 1 : i32
    %select_n3A_212 = arith.select %eq3A_210, %jit3A_211, %jit3A_208 : i32
    %rem3A_213 = vector.broadcast %select_n3A_212 : i32 to vector<16xi32>
    %rem3A_214 = arith.remsi %add3A_207, %rem3A_213 : vector<16xi32>
    %ne3A_215 = arith.constant 0 : i32
    %ne3A_216 = vector.broadcast %ne3A_215 : i32 to vector<16xi32>
    %ne3A_217 = arith.cmpi ne, %rem3A_214, %ne3A_216 : vector<16xi32>
    %lt3A_218 = arith.constant 0 : i32
    %lt3A_219 = vector.broadcast %lt3A_218 : i32 to vector<16xi32>
    %lt3A_220 = arith.cmpi slt, %rem3A_214, %lt3A_219 : vector<16xi32>
    %lt3A_221 = arith.constant 0 : i32
    %lt3A_222 = arith.cmpi slt, %select_n3A_212, %lt3A_221 : i32
    %ne3A_223 = vector.broadcast %lt3A_222 : i1 to vector<16xi1>
    %ne3A_224 = vector.broadcast %ne3A_223 : vector<16xi1> to vector<16xi1>
    %ne3A_225 = arith.xori %lt3A_220, %ne3A_224 : vector<16xi1>
    %and3A_226 = arith.andi %ne3A_225, %ne3A_217 : vector<16xi1>
    %add3A_227 = vector.broadcast %select_n3A_212 : i32 to vector<16xi32>
    %add3A_228 = arith.addi %rem3A_214, %add3A_227 : vector<16xi32>
    %select_n3A_229 = arith.select %and3A_226, %add3A_228, %rem3A_214 : vector<16xi1>, vector<16xi32>
    %add3A_230 = arith.constant 8 : i32
    %add3A_231 = vector.broadcast %add3A_230 : i32 to vector<16xi32>
    %add3A_232 = arith.addi %iota3A, %add3A_231 : vector<16xi32>
    %jit3A_233 = arith.constant 16 : i32
    %eq3A_234 = arith.constant 0 : i32
    %eq3A_235 = arith.cmpi eq, %jit3A_233, %eq3A_234 : i32
    %jit3A_236 = arith.constant 1 : i32
    %select_n3A_237 = arith.select %eq3A_235, %jit3A_236, %jit3A_233 : i32
    %rem3A_238 = vector.broadcast %select_n3A_237 : i32 to vector<16xi32>
    %rem3A_239 = arith.remsi %add3A_232, %rem3A_238 : vector<16xi32>
    %ne3A_240 = arith.constant 0 : i32
    %ne3A_241 = vector.broadcast %ne3A_240 : i32 to vector<16xi32>
    %ne3A_242 = arith.cmpi ne, %rem3A_239, %ne3A_241 : vector<16xi32>
    %lt3A_243 = arith.constant 0 : i32
    %lt3A_244 = vector.broadcast %lt3A_243 : i32 to vector<16xi32>
    %lt3A_245 = arith.cmpi slt, %rem3A_239, %lt3A_244 : vector<16xi32>
    %lt3A_246 = arith.constant 0 : i32
    %lt3A_247 = arith.cmpi slt, %select_n3A_237, %lt3A_246 : i32
    %ne3A_248 = vector.broadcast %lt3A_247 : i1 to vector<16xi1>
    %ne3A_249 = vector.broadcast %ne3A_248 : vector<16xi1> to vector<16xi1>
    %ne3A_250 = arith.xori %lt3A_245, %ne3A_249 : vector<16xi1>
    %and3A_251 = arith.andi %ne3A_250, %ne3A_242 : vector<16xi1>
    %add3A_252 = vector.broadcast %select_n3A_237 : i32 to vector<16xi32>
    %add3A_253 = arith.addi %rem3A_239, %add3A_252 : vector<16xi32>
    %select_n3A_254 = arith.select %and3A_251, %add3A_253, %rem3A_239 : vector<16xi1>, vector<16xi32>
    %add3A_255 = arith.constant 9 : i32
    %add3A_256 = vector.broadcast %add3A_255 : i32 to vector<16xi32>
    %add3A_257 = arith.addi %iota3A, %add3A_256 : vector<16xi32>
    %jit3A_258 = arith.constant 16 : i32
    %eq3A_259 = arith.constant 0 : i32
    %eq3A_260 = arith.cmpi eq, %jit3A_258, %eq3A_259 : i32
    %jit3A_261 = arith.constant 1 : i32
    %select_n3A_262 = arith.select %eq3A_260, %jit3A_261, %jit3A_258 : i32
    %rem3A_263 = vector.broadcast %select_n3A_262 : i32 to vector<16xi32>
    %rem3A_264 = arith.remsi %add3A_257, %rem3A_263 : vector<16xi32>
    %ne3A_265 = arith.constant 0 : i32
    %ne3A_266 = vector.broadcast %ne3A_265 : i32 to vector<16xi32>
    %ne3A_267 = arith.cmpi ne, %rem3A_264, %ne3A_266 : vector<16xi32>
    %lt3A_268 = arith.constant 0 : i32
    %lt3A_269 = vector.broadcast %lt3A_268 : i32 to vector<16xi32>
    %lt3A_270 = arith.cmpi slt, %rem3A_264, %lt3A_269 : vector<16xi32>
    %lt3A_271 = arith.constant 0 : i32
    %lt3A_272 = arith.cmpi slt, %select_n3A_262, %lt3A_271 : i32
    %ne3A_273 = vector.broadcast %lt3A_272 : i1 to vector<16xi1>
    %ne3A_274 = vector.broadcast %ne3A_273 : vector<16xi1> to vector<16xi1>
    %ne3A_275 = arith.xori %lt3A_270, %ne3A_274 : vector<16xi1>
    %and3A_276 = arith.andi %ne3A_275, %ne3A_267 : vector<16xi1>
    %add3A_277 = vector.broadcast %select_n3A_262 : i32 to vector<16xi32>
    %add3A_278 = arith.addi %rem3A_264, %add3A_277 : vector<16xi32>
    %select_n3A_279 = arith.select %and3A_276, %add3A_278, %rem3A_264 : vector<16xi1>, vector<16xi32>
    %add3A_280 = arith.constant 10 : i32
    %add3A_281 = vector.broadcast %add3A_280 : i32 to vector<16xi32>
    %add3A_282 = arith.addi %iota3A, %add3A_281 : vector<16xi32>
    %jit3A_283 = arith.constant 16 : i32
    %eq3A_284 = arith.constant 0 : i32
    %eq3A_285 = arith.cmpi eq, %jit3A_283, %eq3A_284 : i32
    %jit3A_286 = arith.constant 1 : i32
    %select_n3A_287 = arith.select %eq3A_285, %jit3A_286, %jit3A_283 : i32
    %rem3A_288 = vector.broadcast %select_n3A_287 : i32 to vector<16xi32>
    %rem3A_289 = arith.remsi %add3A_282, %rem3A_288 : vector<16xi32>
    %ne3A_290 = arith.constant 0 : i32
    %ne3A_291 = vector.broadcast %ne3A_290 : i32 to vector<16xi32>
    %ne3A_292 = arith.cmpi ne, %rem3A_289, %ne3A_291 : vector<16xi32>
    %lt3A_293 = arith.constant 0 : i32
    %lt3A_294 = vector.broadcast %lt3A_293 : i32 to vector<16xi32>
    %lt3A_295 = arith.cmpi slt, %rem3A_289, %lt3A_294 : vector<16xi32>
    %lt3A_296 = arith.constant 0 : i32
    %lt3A_297 = arith.cmpi slt, %select_n3A_287, %lt3A_296 : i32
    %ne3A_298 = vector.broadcast %lt3A_297 : i1 to vector<16xi1>
    %ne3A_299 = vector.broadcast %ne3A_298 : vector<16xi1> to vector<16xi1>
    %ne3A_300 = arith.xori %lt3A_295, %ne3A_299 : vector<16xi1>
    %and3A_301 = arith.andi %ne3A_300, %ne3A_292 : vector<16xi1>
    %add3A_302 = vector.broadcast %select_n3A_287 : i32 to vector<16xi32>
    %add3A_303 = arith.addi %rem3A_289, %add3A_302 : vector<16xi32>
    %select_n3A_304 = arith.select %and3A_301, %add3A_303, %rem3A_289 : vector<16xi1>, vector<16xi32>
    %add3A_305 = arith.constant 11 : i32
    %add3A_306 = vector.broadcast %add3A_305 : i32 to vector<16xi32>
    %add3A_307 = arith.addi %iota3A, %add3A_306 : vector<16xi32>
    %jit3A_308 = arith.constant 16 : i32
    %eq3A_309 = arith.constant 0 : i32
    %eq3A_310 = arith.cmpi eq, %jit3A_308, %eq3A_309 : i32
    %jit3A_311 = arith.constant 1 : i32
    %select_n3A_312 = arith.select %eq3A_310, %jit3A_311, %jit3A_308 : i32
    %rem3A_313 = vector.broadcast %select_n3A_312 : i32 to vector<16xi32>
    %rem3A_314 = arith.remsi %add3A_307, %rem3A_313 : vector<16xi32>
    %ne3A_315 = arith.constant 0 : i32
    %ne3A_316 = vector.broadcast %ne3A_315 : i32 to vector<16xi32>
    %ne3A_317 = arith.cmpi ne, %rem3A_314, %ne3A_316 : vector<16xi32>
    %lt3A_318 = arith.constant 0 : i32
    %lt3A_319 = vector.broadcast %lt3A_318 : i32 to vector<16xi32>
    %lt3A_320 = arith.cmpi slt, %rem3A_314, %lt3A_319 : vector<16xi32>
    %lt3A_321 = arith.constant 0 : i32
    %lt3A_322 = arith.cmpi slt, %select_n3A_312, %lt3A_321 : i32
    %ne3A_323 = vector.broadcast %lt3A_322 : i1 to vector<16xi1>
    %ne3A_324 = vector.broadcast %ne3A_323 : vector<16xi1> to vector<16xi1>
    %ne3A_325 = arith.xori %lt3A_320, %ne3A_324 : vector<16xi1>
    %and3A_326 = arith.andi %ne3A_325, %ne3A_317 : vector<16xi1>
    %add3A_327 = vector.broadcast %select_n3A_312 : i32 to vector<16xi32>
    %add3A_328 = arith.addi %rem3A_314, %add3A_327 : vector<16xi32>
    %select_n3A_329 = arith.select %and3A_326, %add3A_328, %rem3A_314 : vector<16xi1>, vector<16xi32>
    %add3A_330 = arith.constant 12 : i32
    %add3A_331 = vector.broadcast %add3A_330 : i32 to vector<16xi32>
    %add3A_332 = arith.addi %iota3A, %add3A_331 : vector<16xi32>
    %jit3A_333 = arith.constant 16 : i32
    %eq3A_334 = arith.constant 0 : i32
    %eq3A_335 = arith.cmpi eq, %jit3A_333, %eq3A_334 : i32
    %jit3A_336 = arith.constant 1 : i32
    %select_n3A_337 = arith.select %eq3A_335, %jit3A_336, %jit3A_333 : i32
    %rem3A_338 = vector.broadcast %select_n3A_337 : i32 to vector<16xi32>
    %rem3A_339 = arith.remsi %add3A_332, %rem3A_338 : vector<16xi32>
    %ne3A_340 = arith.constant 0 : i32
    %ne3A_341 = vector.broadcast %ne3A_340 : i32 to vector<16xi32>
    %ne3A_342 = arith.cmpi ne, %rem3A_339, %ne3A_341 : vector<16xi32>
    %lt3A_343 = arith.constant 0 : i32
    %lt3A_344 = vector.broadcast %lt3A_343 : i32 to vector<16xi32>
    %lt3A_345 = arith.cmpi slt, %rem3A_339, %lt3A_344 : vector<16xi32>
    %lt3A_346 = arith.constant 0 : i32
    %lt3A_347 = arith.cmpi slt, %select_n3A_337, %lt3A_346 : i32
    %ne3A_348 = vector.broadcast %lt3A_347 : i1 to vector<16xi1>
    %ne3A_349 = vector.broadcast %ne3A_348 : vector<16xi1> to vector<16xi1>
    %ne3A_350 = arith.xori %lt3A_345, %ne3A_349 : vector<16xi1>
    %and3A_351 = arith.andi %ne3A_350, %ne3A_342 : vector<16xi1>
    %add3A_352 = vector.broadcast %select_n3A_337 : i32 to vector<16xi32>
    %add3A_353 = arith.addi %rem3A_339, %add3A_352 : vector<16xi32>
    %select_n3A_354 = arith.select %and3A_351, %add3A_353, %rem3A_339 : vector<16xi1>, vector<16xi32>
    %add3A_355 = arith.constant 13 : i32
    %add3A_356 = vector.broadcast %add3A_355 : i32 to vector<16xi32>
    %add3A_357 = arith.addi %iota3A, %add3A_356 : vector<16xi32>
    %jit3A_358 = arith.constant 16 : i32
    %eq3A_359 = arith.constant 0 : i32
    %eq3A_360 = arith.cmpi eq, %jit3A_358, %eq3A_359 : i32
    %jit3A_361 = arith.constant 1 : i32
    %select_n3A_362 = arith.select %eq3A_360, %jit3A_361, %jit3A_358 : i32
    %rem3A_363 = vector.broadcast %select_n3A_362 : i32 to vector<16xi32>
    %rem3A_364 = arith.remsi %add3A_357, %rem3A_363 : vector<16xi32>
    %ne3A_365 = arith.constant 0 : i32
    %ne3A_366 = vector.broadcast %ne3A_365 : i32 to vector<16xi32>
    %ne3A_367 = arith.cmpi ne, %rem3A_364, %ne3A_366 : vector<16xi32>
    %lt3A_368 = arith.constant 0 : i32
    %lt3A_369 = vector.broadcast %lt3A_368 : i32 to vector<16xi32>
    %lt3A_370 = arith.cmpi slt, %rem3A_364, %lt3A_369 : vector<16xi32>
    %lt3A_371 = arith.constant 0 : i32
    %lt3A_372 = arith.cmpi slt, %select_n3A_362, %lt3A_371 : i32
    %ne3A_373 = vector.broadcast %lt3A_372 : i1 to vector<16xi1>
    %ne3A_374 = vector.broadcast %ne3A_373 : vector<16xi1> to vector<16xi1>
    %ne3A_375 = arith.xori %lt3A_370, %ne3A_374 : vector<16xi1>
    %and3A_376 = arith.andi %ne3A_375, %ne3A_367 : vector<16xi1>
    %add3A_377 = vector.broadcast %select_n3A_362 : i32 to vector<16xi32>
    %add3A_378 = arith.addi %rem3A_364, %add3A_377 : vector<16xi32>
    %select_n3A_379 = arith.select %and3A_376, %add3A_378, %rem3A_364 : vector<16xi1>, vector<16xi32>
    %add3A_380 = arith.constant 14 : i32
    %add3A_381 = vector.broadcast %add3A_380 : i32 to vector<16xi32>
    %add3A_382 = arith.addi %iota3A, %add3A_381 : vector<16xi32>
    %jit3A_383 = arith.constant 16 : i32
    %eq3A_384 = arith.constant 0 : i32
    %eq3A_385 = arith.cmpi eq, %jit3A_383, %eq3A_384 : i32
    %jit3A_386 = arith.constant 1 : i32
    %select_n3A_387 = arith.select %eq3A_385, %jit3A_386, %jit3A_383 : i32
    %rem3A_388 = vector.broadcast %select_n3A_387 : i32 to vector<16xi32>
    %rem3A_389 = arith.remsi %add3A_382, %rem3A_388 : vector<16xi32>
    %ne3A_390 = arith.constant 0 : i32
    %ne3A_391 = vector.broadcast %ne3A_390 : i32 to vector<16xi32>
    %ne3A_392 = arith.cmpi ne, %rem3A_389, %ne3A_391 : vector<16xi32>
    %lt3A_393 = arith.constant 0 : i32
    %lt3A_394 = vector.broadcast %lt3A_393 : i32 to vector<16xi32>
    %lt3A_395 = arith.cmpi slt, %rem3A_389, %lt3A_394 : vector<16xi32>
    %lt3A_396 = arith.constant 0 : i32
    %lt3A_397 = arith.cmpi slt, %select_n3A_387, %lt3A_396 : i32
    %ne3A_398 = vector.broadcast %lt3A_397 : i1 to vector<16xi1>
    %ne3A_399 = vector.broadcast %ne3A_398 : vector<16xi1> to vector<16xi1>
    %ne3A_400 = arith.xori %lt3A_395, %ne3A_399 : vector<16xi1>
    %and3A_401 = arith.andi %ne3A_400, %ne3A_392 : vector<16xi1>
    %add3A_402 = vector.broadcast %select_n3A_387 : i32 to vector<16xi32>
    %add3A_403 = arith.addi %rem3A_389, %add3A_402 : vector<16xi32>
    %select_n3A_404 = arith.select %and3A_401, %add3A_403, %rem3A_389 : vector<16xi1>, vector<16xi32>
    %add3A_405 = arith.constant 15 : i32
    %add3A_406 = vector.broadcast %add3A_405 : i32 to vector<16xi32>
    %add3A_407 = arith.addi %iota3A, %add3A_406 : vector<16xi32>
    %jit3A_408 = arith.constant 16 : i32
    %eq3A_409 = arith.constant 0 : i32
    %eq3A_410 = arith.cmpi eq, %jit3A_408, %eq3A_409 : i32
    %jit3A_411 = arith.constant 1 : i32
    %select_n3A_412 = arith.select %eq3A_410, %jit3A_411, %jit3A_408 : i32
    %rem3A_413 = vector.broadcast %select_n3A_412 : i32 to vector<16xi32>
    %rem3A_414 = arith.remsi %add3A_407, %rem3A_413 : vector<16xi32>
    %ne3A_415 = arith.constant 0 : i32
    %ne3A_416 = vector.broadcast %ne3A_415 : i32 to vector<16xi32>
    %ne3A_417 = arith.cmpi ne, %rem3A_414, %ne3A_416 : vector<16xi32>
    %lt3A_418 = arith.constant 0 : i32
    %lt3A_419 = vector.broadcast %lt3A_418 : i32 to vector<16xi32>
    %lt3A_420 = arith.cmpi slt, %rem3A_414, %lt3A_419 : vector<16xi32>
    %lt3A_421 = arith.constant 0 : i32
    %lt3A_422 = arith.cmpi slt, %select_n3A_412, %lt3A_421 : i32
    %ne3A_423 = vector.broadcast %lt3A_422 : i1 to vector<16xi1>
    %ne3A_424 = vector.broadcast %ne3A_423 : vector<16xi1> to vector<16xi1>
    %ne3A_425 = arith.xori %lt3A_420, %ne3A_424 : vector<16xi1>
    %and3A_426 = arith.andi %ne3A_425, %ne3A_417 : vector<16xi1>
    %add3A_427 = vector.broadcast %select_n3A_412 : i32 to vector<16xi32>
    %add3A_428 = arith.addi %rem3A_414, %add3A_427 : vector<16xi32>
    %select_n3A_429 = arith.select %and3A_426, %add3A_428, %rem3A_414 : vector<16xi1>, vector<16xi32>
    %mul3A_430 = arith.constant 64 : i32
    %mul3A_431 = vector.broadcast %mul3A_430 : i32 to vector<16xi32>
    %mul3A_432 = arith.muli %iota3A, %mul3A_431 : vector<16xi32>
    %add3A_433 = arith.constant 0 : i32
    %add3A_434 = arith.addi %add3A_4, %add3A_433 : i32
    %mul3A_435 = arith.constant 256 : i32
    %mul3A_436 = arith.muli %add3A_434, %mul3A_435 : i32
    %dma_start3A = arith.constant 0 : i32
    %dma_start3A_437 = arith.constant 0 : i32
    %dma_start3A_438 = tpu.memref_slice %arg7[%dma_start3A, %dma_start3A_437] : memref<128x256xf32, #tpu.memory_space<vmem>> -> memref<64x256xf32, #tpu.memory_space<vmem>>
    %dma_start3A_439 = arith.constant 0 : i32
    %dma_start3A_440 = tpu.memref_slice %arg2[%dma_start3A_439, %mul3A_436] : memref<64x1000000xf32, #tpu.memory_space<hbm>> -> memref<64x256xf32, #tpu.memory_space<hbm>>
    %dma_start3A_441 = arith.constant 0 : i32
    %dma_start3A_442 = arith.constant 0 : i32
    %dma_start3A_443 = tpu.memref_slice %arg7[%dma_start3A_441, %dma_start3A_442] : memref<128x256xf32, #tpu.memory_space<vmem>> -> memref<64x256xf32, #tpu.memory_space<vmem>>
    %dma_start3A_444 = arith.constant 0 : i32
    %dma_start3A_445 = tpu.memref_slice %arg2[%dma_start3A_444, %mul3A_436] : memref<64x1000000xf32, #tpu.memory_space<hbm>> -> memref<64x256xf32, #tpu.memory_space<hbm>>
    tpu.enqueue_dma source(%dma_start3A_445 : memref<64x256xf32, #tpu.memory_space<hbm>>) target(%dma_start3A_443 : memref<64x256xf32, #tpu.memory_space<vmem>>) target_semaphore(%arg11 : memref<!tpu.dma_semaphore, #tpu.memory_space<semaphore_mem>>)
    %add3A_446 = arith.constant 1 : i32
    %add3A_447 = arith.addi %add3A_4, %add3A_446 : i32
    %mul3A_448 = arith.constant 256 : i32
    %mul3A_449 = arith.muli %add3A_447, %mul3A_448 : i32
    %dma_start3A_450 = arith.constant 64 : i32
    %dma_start3A_451 = arith.constant 0 : i32
    %dma_start3A_452 = tpu.memref_slice %arg7[%dma_start3A_450, %dma_start3A_451] : memref<128x256xf32, #tpu.memory_space<vmem>> -> memref<64x256xf32, #tpu.memory_space<vmem>>
    %dma_start3A_453 = arith.constant 0 : i32
    %dma_start3A_454 = tpu.memref_slice %arg2[%dma_start3A_453, %mul3A_449] : memref<64x1000000xf32, #tpu.memory_space<hbm>> -> memref<64x256xf32, #tpu.memory_space<hbm>>
    %dma_start3A_455 = arith.constant 64 : i32
    %dma_start3A_456 = arith.constant 0 : i32
    %dma_start3A_457 = tpu.memref_slice %arg7[%dma_start3A_455, %dma_start3A_456] : memref<128x256xf32, #tpu.memory_space<vmem>> -> memref<64x256xf32, #tpu.memory_space<vmem>>
    %dma_start3A_458 = arith.constant 0 : i32
    %dma_start3A_459 = tpu.memref_slice %arg2[%dma_start3A_458, %mul3A_449] : memref<64x1000000xf32, #tpu.memory_space<hbm>> -> memref<64x256xf32, #tpu.memory_space<hbm>>
    tpu.enqueue_dma source(%dma_start3A_459 : memref<64x256xf32, #tpu.memory_space<hbm>>) target(%dma_start3A_457 : memref<64x256xf32, #tpu.memory_space<vmem>>) target_semaphore(%arg12 : memref<!tpu.dma_semaphore, #tpu.memory_space<semaphore_mem>>)
    %while3A = arith.constant 0 : i32
    %while3A_460 = arith.constant 0 : i32
    %while3A_461 = arith.subi %add3A_7, %while3A_460 : i32
    %while3A_462 = arith.addi %while3A_460, %while3A_461 : i32
    %while3A_463 = arith.constant 1 : i32
    %while3A_464 = arith.divsi %while3A_461, %while3A_463 : i32
    %while3A_465 = arith.muli %while3A_464, %while3A_463 : i32
    %while3A_466 = arith.addi %while3A_460, %while3A_465 : i32
    %while3A_467 = arith.constant 1 : i32
    scf.for %while3A_489 = %while3A_460 to %while3A_466 step %while3A_467  : i32 {
      %rem3A_490 = arith.constant 2 : i32
      %rem3A_491 = arith.remsi %while3A_489, %rem3A_490 : i32
      %eq3A_492 = arith.constant 0 : i32
      %eq3A_493 = arith.cmpi eq, %rem3A_491, %eq3A_492 : i32
      %convert_element_type3A_494 = arith.extui %eq3A_493 : i1 to i32
      %cond3A_495 = arith.constant 0 : i32
      %cond3A_496 = arith.cmpi ne, %convert_element_type3A_494, %cond3A_495 : i32
      scf.if %cond3A_496 {
        %dma_wait3A_528 = arith.constant 0 : i32
        %dma_wait3A_529 = arith.constant 0 : i32
        %dma_wait3A_530 = tpu.memref_slice %arg7[%dma_wait3A_528, %dma_wait3A_529] : memref<128x256xf32, #tpu.memory_space<vmem>> -> memref<64x256xf32, #tpu.memory_space<vmem>>
        %dma_wait3A_531 = arith.constant 0 : i32
        %dma_wait3A_532 = arith.constant 0 : i32
        %dma_wait3A_533 = tpu.memref_slice %arg2[%dma_wait3A_531, %dma_wait3A_532] : memref<64x1000000xf32, #tpu.memory_space<hbm>> -> memref<64x256xf32, #tpu.memory_space<hbm>>
        %dma_wait3A_534 = arith.constant 0 : i32
        %dma_wait3A_535 = arith.constant 0 : i32
        %dma_wait3A_536 = tpu.memref_slice %arg7[%dma_wait3A_534, %dma_wait3A_535] : memref<128x256xf32, #tpu.memory_space<vmem>> -> memref<64x256xf32, #tpu.memory_space<vmem>>
        %dma_wait3A_537 = arith.constant 0 : i32
        %dma_wait3A_538 = arith.constant 0 : i32
        %dma_wait3A_539 = tpu.memref_slice %arg2[%dma_wait3A_537, %dma_wait3A_538] : memref<64x1000000xf32, #tpu.memory_space<hbm>> -> memref<64x256xf32, #tpu.memory_space<hbm>>
        tpu.wait_dma2 semaphore(%arg11 : memref<!tpu.dma_semaphore, #tpu.memory_space<semaphore_mem>>) src(%dma_wait3A_539 : memref<64x256xf32, #tpu.memory_space<hbm>>) dst(%dma_wait3A_536 : memref<64x256xf32, #tpu.memory_space<vmem>>)
      } else {
      }
      %eq3A_497 = arith.constant 1 : i32
      %eq3A_498 = arith.cmpi eq, %rem3A_491, %eq3A_497 : i32
      %convert_element_type3A_499 = arith.extui %eq3A_498 : i1 to i32
      %cond3A_500 = arith.constant 0 : i32
      %cond3A_501 = arith.cmpi ne, %convert_element_type3A_499, %cond3A_500 : i32
      scf.if %cond3A_501 {
        %dma_wait3A_528 = arith.constant 64 : i32
        %dma_wait3A_529 = arith.constant 0 : i32
        %dma_wait3A_530 = tpu.memref_slice %arg7[%dma_wait3A_528, %dma_wait3A_529] : memref<128x256xf32, #tpu.memory_space<vmem>> -> memref<64x256xf32, #tpu.memory_space<vmem>>
        %dma_wait3A_531 = arith.constant 0 : i32
        %dma_wait3A_532 = arith.constant 0 : i32
        %dma_wait3A_533 = tpu.memref_slice %arg2[%dma_wait3A_531, %dma_wait3A_532] : memref<64x1000000xf32, #tpu.memory_space<hbm>> -> memref<64x256xf32, #tpu.memory_space<hbm>>
        %dma_wait3A_534 = arith.constant 64 : i32
        %dma_wait3A_535 = arith.constant 0 : i32
        %dma_wait3A_536 = tpu.memref_slice %arg7[%dma_wait3A_534, %dma_wait3A_535] : memref<128x256xf32, #tpu.memory_space<vmem>> -> memref<64x256xf32, #tpu.memory_space<vmem>>
        %dma_wait3A_537 = arith.constant 0 : i32
        %dma_wait3A_538 = arith.constant 0 : i32
        %dma_wait3A_539 = tpu.memref_slice %arg2[%dma_wait3A_537, %dma_wait3A_538] : memref<64x1000000xf32, #tpu.memory_space<hbm>> -> memref<64x256xf32, #tpu.memory_space<hbm>>
        tpu.wait_dma2 semaphore(%arg12 : memref<!tpu.dma_semaphore, #tpu.memory_space<semaphore_mem>>) src(%dma_wait3A_539 : memref<64x256xf32, #tpu.memory_space<hbm>>) dst(%dma_wait3A_536 : memref<64x256xf32, #tpu.memory_space<vmem>>)
      } else {
      }
      %ge3A = arith.constant 2 : i32
      %ge3A_502 = arith.cmpi sge, %while3A_489, %ge3A : i32
      %convert_element_type3A_503 = arith.extui %ge3A_502 : i1 to i32
      %cond3A_504 = arith.constant 0 : i32
      %cond3A_505 = arith.cmpi ne, %convert_element_type3A_503, %cond3A_504 : i32
      scf.if %cond3A_505 {
        %eq3A_528 = arith.constant 0 : i32
        %eq3A_529 = arith.cmpi eq, %rem3A_491, %eq3A_528 : i32
        %convert_element_type3A_530 = arith.extui %eq3A_529 : i1 to i32
        %cond3A_531 = arith.constant 0 : i32
        %cond3A_532 = arith.cmpi ne, %convert_element_type3A_530, %cond3A_531 : i32
        scf.if %cond3A_532 {
          %dma_wait3A_538 = arith.constant 0 : i32
          %dma_wait3A_539 = tpu.memref_slice %arg8[%dma_wait3A_538] : memref<32768xf32, #tpu.memory_space<vmem>> -> memref<16384xf32, #tpu.memory_space<vmem>>
          %dma_wait3A_540 = arith.constant 0 : i32
          %dma_wait3A_541 = tpu.memref_slice %arg5[%dma_wait3A_540] : memref<64000000xf32, #tpu.memory_space<hbm>> -> memref<16384xf32, #tpu.memory_space<hbm>>
          %dma_wait3A_542 = arith.constant 0 : i32
          %dma_wait3A_543 = tpu.memref_slice %arg5[%dma_wait3A_542] : memref<64000000xf32, #tpu.memory_space<hbm>> -> memref<16384xf32, #tpu.memory_space<hbm>>
          %dma_wait3A_544 = arith.constant 0 : i32
          %dma_wait3A_545 = tpu.memref_slice %arg8[%dma_wait3A_544] : memref<32768xf32, #tpu.memory_space<vmem>> -> memref<16384xf32, #tpu.memory_space<vmem>>
          tpu.wait_dma2 semaphore(%arg13 : memref<!tpu.dma_semaphore, #tpu.memory_space<semaphore_mem>>) src(%dma_wait3A_545 : memref<16384xf32, #tpu.memory_space<vmem>>) dst(%dma_wait3A_543 : memref<16384xf32, #tpu.memory_space<hbm>>)
        } else {
        }
        %eq3A_533 = arith.constant 1 : i32
        %eq3A_534 = arith.cmpi eq, %rem3A_491, %eq3A_533 : i32
        %convert_element_type3A_535 = arith.extui %eq3A_534 : i1 to i32
        %cond3A_536 = arith.constant 0 : i32
        %cond3A_537 = arith.cmpi ne, %convert_element_type3A_535, %cond3A_536 : i32
        scf.if %cond3A_537 {
          %dma_wait3A_538 = arith.constant 16384 : i32
          %dma_wait3A_539 = tpu.memref_slice %arg8[%dma_wait3A_538] : memref<32768xf32, #tpu.memory_space<vmem>> -> memref<16384xf32, #tpu.memory_space<vmem>>
          %dma_wait3A_540 = arith.constant 0 : i32
          %dma_wait3A_541 = tpu.memref_slice %arg5[%dma_wait3A_540] : memref<64000000xf32, #tpu.memory_space<hbm>> -> memref<16384xf32, #tpu.memory_space<hbm>>
          %dma_wait3A_542 = arith.constant 0 : i32
          %dma_wait3A_543 = tpu.memref_slice %arg5[%dma_wait3A_542] : memref<64000000xf32, #tpu.memory_space<hbm>> -> memref<16384xf32, #tpu.memory_space<hbm>>
          %dma_wait3A_544 = arith.constant 16384 : i32
          %dma_wait3A_545 = tpu.memref_slice %arg8[%dma_wait3A_544] : memref<32768xf32, #tpu.memory_space<vmem>> -> memref<16384xf32, #tpu.memory_space<vmem>>
          tpu.wait_dma2 semaphore(%arg14 : memref<!tpu.dma_semaphore, #tpu.memory_space<semaphore_mem>>) src(%dma_wait3A_545 : memref<16384xf32, #tpu.memory_space<vmem>>) dst(%dma_wait3A_543 : memref<16384xf32, #tpu.memory_space<hbm>>)
        } else {
        }
      } else {
      }
      %mul3A_506 = arith.constant 64 : i32
      %mul3A_507 = arith.muli %rem3A_491, %mul3A_506 : i32
      %mul3A_508 = arith.constant 16384 : i32
      %mul3A_509 = arith.muli %rem3A_491, %mul3A_508 : i32
      %parallel_loop3A = arith.constant 0 : i32
      %parallel_loop3A_510 = arith.constant 256 : i32
      %parallel_loop3A_511 = arith.constant 16 : i32
      scf.for %parallel_loop3A_528 = %parallel_loop3A to %parallel_loop3A_510 step %parallel_loop3A_511  : i32 {
        %parallel_loop3A_529 = vector.broadcast %parallel_loop3A_528 : i32 to vector<16xi32>
        %parallel_loop3A_530 = arith.addi %parallel_loop3A_529, %iota3A : vector<16xi32>
        %parallel_loop3A_531 = arith.constant 64 : i32
        %parallel_loop3A_532 = arith.muli %parallel_loop3A_528, %parallel_loop3A_531 : i32
        %parallel_loop3A_533 = arith.addi %parallel_loop3A_532, %mul3A_509 : i32
        %parallel_loop3A_534 = vector.broadcast %parallel_loop3A_533 : i32 to vector<16xi32>
        %parallel_loop3A_535 = arith.addi %mul3A_432, %parallel_loop3A_534 : vector<16xi32>
        %parallel_loop3A_536 = arith.constant 0 : i32
        %parallel_loop3A_537 = vector.broadcast %parallel_loop3A_536 : i32 to vector<16xi32>
        %parallel_loop3A_538 = arith.addi %parallel_loop3A_535, %parallel_loop3A_537 : vector<16xi32>
        %parallel_loop3A_539 = arith.constant 0 : i32
        %parallel_loop3A_540 = arith.addi %mul3A_507, %parallel_loop3A_539 : i32
        %parallel_loop3A_541 = vector.broadcast %parallel_loop3A_540 : i32 to vector<16xi32>
        %parallel_loop3A_542 = arith.addi %parallel_loop3A_541, %select_n3A_54 : vector<16xi32>
        %parallel_loop3A_543 = tpu.vector_load_idx %arg7[%parallel_loop3A_542, %parallel_loop3A_530] : memref<128x256xf32, #tpu.memory_space<vmem>>[vector<16xi32>, vector<16xi32>], vector<16xf32>,
        %parallel_loop3A_544 = arith.constant 0 : i32
        %parallel_loop3A_545 = arith.addi %mul3A_507, %parallel_loop3A_544 : i32
        %parallel_loop3A_546 = vector.broadcast %parallel_loop3A_545 : i32 to vector<16xi32>
        %parallel_loop3A_547 = arith.addi %parallel_loop3A_546, %select_n3A_79 : vector<16xi32>
        %parallel_loop3A_548 = tpu.vector_load_idx %arg7[%parallel_loop3A_547, %parallel_loop3A_530] : memref<128x256xf32, #tpu.memory_space<vmem>>[vector<16xi32>, vector<16xi32>], vector<16xf32>,
        %parallel_loop3A_549 = arith.constant 0 : i32
        %parallel_loop3A_550 = arith.addi %mul3A_507, %parallel_loop3A_549 : i32
        %parallel_loop3A_551 = vector.broadcast %parallel_loop3A_550 : i32 to vector<16xi32>
        %parallel_loop3A_552 = arith.addi %parallel_loop3A_551, %select_n3A_104 : vector<16xi32>
        %parallel_loop3A_553 = tpu.vector_load_idx %arg7[%parallel_loop3A_552, %parallel_loop3A_530] : memref<128x256xf32, #tpu.memory_space<vmem>>[vector<16xi32>, vector<16xi32>], vector<16xf32>,
        %parallel_loop3A_554 = arith.constant 0 : i32
        %parallel_loop3A_555 = arith.addi %mul3A_507, %parallel_loop3A_554 : i32
        %parallel_loop3A_556 = vector.broadcast %parallel_loop3A_555 : i32 to vector<16xi32>
        %parallel_loop3A_557 = arith.addi %parallel_loop3A_556, %select_n3A_129 : vector<16xi32>
        %parallel_loop3A_558 = tpu.vector_load_idx %arg7[%parallel_loop3A_557, %parallel_loop3A_530] : memref<128x256xf32, #tpu.memory_space<vmem>>[vector<16xi32>, vector<16xi32>], vector<16xf32>,
        %parallel_loop3A_559 = arith.constant 0 : i32
        %parallel_loop3A_560 = arith.addi %mul3A_507, %parallel_loop3A_559 : i32
        %parallel_loop3A_561 = vector.broadcast %parallel_loop3A_560 : i32 to vector<16xi32>
        %parallel_loop3A_562 = arith.addi %parallel_loop3A_561, %select_n3A_154 : vector<16xi32>
        %parallel_loop3A_563 = tpu.vector_load_idx %arg7[%parallel_loop3A_562, %parallel_loop3A_530] : memref<128x256xf32, #tpu.memory_space<vmem>>[vector<16xi32>, vector<16xi32>], vector<16xf32>,
        %parallel_loop3A_564 = arith.constant 0 : i32
        %parallel_loop3A_565 = arith.addi %mul3A_507, %parallel_loop3A_564 : i32
        %parallel_loop3A_566 = vector.broadcast %parallel_loop3A_565 : i32 to vector<16xi32>
        %parallel_loop3A_567 = arith.addi %parallel_loop3A_566, %select_n3A_179 : vector<16xi32>
        %parallel_loop3A_568 = tpu.vector_load_idx %arg7[%parallel_loop3A_567, %parallel_loop3A_530] : memref<128x256xf32, #tpu.memory_space<vmem>>[vector<16xi32>, vector<16xi32>], vector<16xf32>,
        %parallel_loop3A_569 = arith.constant 0 : i32
        %parallel_loop3A_570 = arith.addi %mul3A_507, %parallel_loop3A_569 : i32
        %parallel_loop3A_571 = vector.broadcast %parallel_loop3A_570 : i32 to vector<16xi32>
        %parallel_loop3A_572 = arith.addi %parallel_loop3A_571, %select_n3A_204 : vector<16xi32>
        %parallel_loop3A_573 = tpu.vector_load_idx %arg7[%parallel_loop3A_572, %parallel_loop3A_530] : memref<128x256xf32, #tpu.memory_space<vmem>>[vector<16xi32>, vector<16xi32>], vector<16xf32>,
        %parallel_loop3A_574 = arith.constant 0 : i32
        %parallel_loop3A_575 = arith.addi %mul3A_507, %parallel_loop3A_574 : i32
        %parallel_loop3A_576 = vector.broadcast %parallel_loop3A_575 : i32 to vector<16xi32>
        %parallel_loop3A_577 = arith.addi %parallel_loop3A_576, %select_n3A_229 : vector<16xi32>
        %parallel_loop3A_578 = tpu.vector_load_idx %arg7[%parallel_loop3A_577, %parallel_loop3A_530] : memref<128x256xf32, #tpu.memory_space<vmem>>[vector<16xi32>, vector<16xi32>], vector<16xf32>,
        %parallel_loop3A_579 = arith.addi %parallel_loop3A_538, %select_n3A_54 : vector<16xi32>
        tpu.vector_store_idx %arg8[%parallel_loop3A_579], %parallel_loop3A_543 : memref<32768xf32, #tpu.memory_space<vmem>>[vector<16xi32>], vector<16xf32>,
        %parallel_loop3A_580 = arith.addi %parallel_loop3A_538, %select_n3A_79 : vector<16xi32>
        tpu.vector_store_idx %arg8[%parallel_loop3A_580], %parallel_loop3A_548 : memref<32768xf32, #tpu.memory_space<vmem>>[vector<16xi32>], vector<16xf32>,
        %parallel_loop3A_581 = arith.addi %parallel_loop3A_538, %select_n3A_104 : vector<16xi32>
        tpu.vector_store_idx %arg8[%parallel_loop3A_581], %parallel_loop3A_553 : memref<32768xf32, #tpu.memory_space<vmem>>[vector<16xi32>], vector<16xf32>,
        %parallel_loop3A_582 = arith.addi %parallel_loop3A_538, %select_n3A_129 : vector<16xi32>
        tpu.vector_store_idx %arg8[%parallel_loop3A_582], %parallel_loop3A_558 : memref<32768xf32, #tpu.memory_space<vmem>>[vector<16xi32>], vector<16xf32>,
        %parallel_loop3A_583 = arith.addi %parallel_loop3A_538, %select_n3A_154 : vector<16xi32>
        tpu.vector_store_idx %arg8[%parallel_loop3A_583], %parallel_loop3A_563 : memref<32768xf32, #tpu.memory_space<vmem>>[vector<16xi32>], vector<16xf32>,
        %parallel_loop3A_584 = arith.addi %parallel_loop3A_538, %select_n3A_179 : vector<16xi32>
        tpu.vector_store_idx %arg8[%parallel_loop3A_584], %parallel_loop3A_568 : memref<32768xf32, #tpu.memory_space<vmem>>[vector<16xi32>], vector<16xf32>,
        %parallel_loop3A_585 = arith.addi %parallel_loop3A_538, %select_n3A_204 : vector<16xi32>
        tpu.vector_store_idx %arg8[%parallel_loop3A_585], %parallel_loop3A_573 : memref<32768xf32, #tpu.memory_space<vmem>>[vector<16xi32>], vector<16xf32>,
        %parallel_loop3A_586 = arith.addi %parallel_loop3A_538, %select_n3A_229 : vector<16xi32>
        tpu.vector_store_idx %arg8[%parallel_loop3A_586], %parallel_loop3A_578 : memref<32768xf32, #tpu.memory_space<vmem>>[vector<16xi32>], vector<16xf32>,
        %parallel_loop3A_587 = arith.constant 0 : i32
        %parallel_loop3A_588 = arith.addi %mul3A_507, %parallel_loop3A_587 : i32
        %parallel_loop3A_589 = vector.broadcast %parallel_loop3A_588 : i32 to vector<16xi32>
        %parallel_loop3A_590 = arith.addi %parallel_loop3A_589, %select_n3A_254 : vector<16xi32>
        %parallel_loop3A_591 = tpu.vector_load_idx %arg7[%parallel_loop3A_590, %parallel_loop3A_530] : memref<128x256xf32, #tpu.memory_space<vmem>>[vector<16xi32>, vector<16xi32>], vector<16xf32>,
        %parallel_loop3A_592 = arith.constant 0 : i32
        %parallel_loop3A_593 = arith.addi %mul3A_507, %parallel_loop3A_592 : i32
        %parallel_loop3A_594 = vector.broadcast %parallel_loop3A_593 : i32 to vector<16xi32>
        %parallel_loop3A_595 = arith.addi %parallel_loop3A_594, %select_n3A_279 : vector<16xi32>
        %parallel_loop3A_596 = tpu.vector_load_idx %arg7[%parallel_loop3A_595, %parallel_loop3A_530] : memref<128x256xf32, #tpu.memory_space<vmem>>[vector<16xi32>, vector<16xi32>], vector<16xf32>,
        %parallel_loop3A_597 = arith.constant 0 : i32
        %parallel_loop3A_598 = arith.addi %mul3A_507, %parallel_loop3A_597 : i32
        %parallel_loop3A_599 = vector.broadcast %parallel_loop3A_598 : i32 to vector<16xi32>
        %parallel_loop3A_600 = arith.addi %parallel_loop3A_599, %select_n3A_304 : vector<16xi32>
        %parallel_loop3A_601 = tpu.vector_load_idx %arg7[%parallel_loop3A_600, %parallel_loop3A_530] : memref<128x256xf32, #tpu.memory_space<vmem>>[vector<16xi32>, vector<16xi32>], vector<16xf32>,
        %parallel_loop3A_602 = arith.constant 0 : i32
        %parallel_loop3A_603 = arith.addi %mul3A_507, %parallel_loop3A_602 : i32
        %parallel_loop3A_604 = vector.broadcast %parallel_loop3A_603 : i32 to vector<16xi32>
        %parallel_loop3A_605 = arith.addi %parallel_loop3A_604, %select_n3A_329 : vector<16xi32>
        %parallel_loop3A_606 = tpu.vector_load_idx %arg7[%parallel_loop3A_605, %parallel_loop3A_530] : memref<128x256xf32, #tpu.memory_space<vmem>>[vector<16xi32>, vector<16xi32>], vector<16xf32>,
        %parallel_loop3A_607 = arith.constant 0 : i32
        %parallel_loop3A_608 = arith.addi %mul3A_507, %parallel_loop3A_607 : i32
        %parallel_loop3A_609 = vector.broadcast %parallel_loop3A_608 : i32 to vector<16xi32>
        %parallel_loop3A_610 = arith.addi %parallel_loop3A_609, %select_n3A_354 : vector<16xi32>
        %parallel_loop3A_611 = tpu.vector_load_idx %arg7[%parallel_loop3A_610, %parallel_loop3A_530] : memref<128x256xf32, #tpu.memory_space<vmem>>[vector<16xi32>, vector<16xi32>], vector<16xf32>,
        %parallel_loop3A_612 = arith.constant 0 : i32
        %parallel_loop3A_613 = arith.addi %mul3A_507, %parallel_loop3A_612 : i32
        %parallel_loop3A_614 = vector.broadcast %parallel_loop3A_613 : i32 to vector<16xi32>
        %parallel_loop3A_615 = arith.addi %parallel_loop3A_614, %select_n3A_379 : vector<16xi32>
        %parallel_loop3A_616 = tpu.vector_load_idx %arg7[%parallel_loop3A_615, %parallel_loop3A_530] : memref<128x256xf32, #tpu.memory_space<vmem>>[vector<16xi32>, vector<16xi32>], vector<16xf32>,
        %parallel_loop3A_617 = arith.constant 0 : i32
        %parallel_loop3A_618 = arith.addi %mul3A_507, %parallel_loop3A_617 : i32
        %parallel_loop3A_619 = vector.broadcast %parallel_loop3A_618 : i32 to vector<16xi32>
        %parallel_loop3A_620 = arith.addi %parallel_loop3A_619, %select_n3A_404 : vector<16xi32>
        %parallel_loop3A_621 = tpu.vector_load_idx %arg7[%parallel_loop3A_620, %parallel_loop3A_530] : memref<128x256xf32, #tpu.memory_space<vmem>>[vector<16xi32>, vector<16xi32>], vector<16xf32>,
        %parallel_loop3A_622 = arith.constant 0 : i32
        %parallel_loop3A_623 = arith.addi %mul3A_507, %parallel_loop3A_622 : i32
        %parallel_loop3A_624 = vector.broadcast %parallel_loop3A_623 : i32 to vector<16xi32>
        %parallel_loop3A_625 = arith.addi %parallel_loop3A_624, %select_n3A_429 : vector<16xi32>
        %parallel_loop3A_626 = tpu.vector_load_idx %arg7[%parallel_loop3A_625, %parallel_loop3A_530] : memref<128x256xf32, #tpu.memory_space<vmem>>[vector<16xi32>, vector<16xi32>], vector<16xf32>,
        %parallel_loop3A_627 = arith.addi %parallel_loop3A_538, %select_n3A_254 : vector<16xi32>
        tpu.vector_store_idx %arg8[%parallel_loop3A_627], %parallel_loop3A_591 : memref<32768xf32, #tpu.memory_space<vmem>>[vector<16xi32>], vector<16xf32>,
        %parallel_loop3A_628 = arith.addi %parallel_loop3A_538, %select_n3A_279 : vector<16xi32>
        tpu.vector_store_idx %arg8[%parallel_loop3A_628], %parallel_loop3A_596 : memref<32768xf32, #tpu.memory_space<vmem>>[vector<16xi32>], vector<16xf32>,
        %parallel_loop3A_629 = arith.addi %parallel_loop3A_538, %select_n3A_304 : vector<16xi32>
        tpu.vector_store_idx %arg8[%parallel_loop3A_629], %parallel_loop3A_601 : memref<32768xf32, #tpu.memory_space<vmem>>[vector<16xi32>], vector<16xf32>,
        %parallel_loop3A_630 = arith.addi %parallel_loop3A_538, %select_n3A_329 : vector<16xi32>
        tpu.vector_store_idx %arg8[%parallel_loop3A_630], %parallel_loop3A_606 : memref<32768xf32, #tpu.memory_space<vmem>>[vector<16xi32>], vector<16xf32>,
        %parallel_loop3A_631 = arith.addi %parallel_loop3A_538, %select_n3A_354 : vector<16xi32>
        tpu.vector_store_idx %arg8[%parallel_loop3A_631], %parallel_loop3A_611 : memref<32768xf32, #tpu.memory_space<vmem>>[vector<16xi32>], vector<16xf32>,
        %parallel_loop3A_632 = arith.addi %parallel_loop3A_538, %select_n3A_379 : vector<16xi32>
        tpu.vector_store_idx %arg8[%parallel_loop3A_632], %parallel_loop3A_616 : memref<32768xf32, #tpu.memory_space<vmem>>[vector<16xi32>], vector<16xf32>,
        %parallel_loop3A_633 = arith.addi %parallel_loop3A_538, %select_n3A_404 : vector<16xi32>
        tpu.vector_store_idx %arg8[%parallel_loop3A_633], %parallel_loop3A_621 : memref<32768xf32, #tpu.memory_space<vmem>>[vector<16xi32>], vector<16xf32>,
        %parallel_loop3A_634 = arith.addi %parallel_loop3A_538, %select_n3A_429 : vector<16xi32>
        tpu.vector_store_idx %arg8[%parallel_loop3A_634], %parallel_loop3A_626 : memref<32768xf32, #tpu.memory_space<vmem>>[vector<16xi32>], vector<16xf32>,
        %parallel_loop3A_635 = arith.constant 16 : i32
        %parallel_loop3A_636 = vector.broadcast %parallel_loop3A_635 : i32 to vector<16xi32>
        %parallel_loop3A_637 = arith.addi %parallel_loop3A_535, %parallel_loop3A_636 : vector<16xi32>
        %parallel_loop3A_638 = arith.constant 16 : i32
        %parallel_loop3A_639 = arith.addi %mul3A_507, %parallel_loop3A_638 : i32
        %parallel_loop3A_640 = vector.broadcast %parallel_loop3A_639 : i32 to vector<16xi32>
        %parallel_loop3A_641 = arith.addi %parallel_loop3A_640, %select_n3A_54 : vector<16xi32>
        %parallel_loop3A_642 = tpu.vector_load_idx %arg7[%parallel_loop3A_641, %parallel_loop3A_530] : memref<128x256xf32, #tpu.memory_space<vmem>>[vector<16xi32>, vector<16xi32>], vector<16xf32>,
        %parallel_loop3A_643 = arith.constant 16 : i32
        %parallel_loop3A_644 = arith.addi %mul3A_507, %parallel_loop3A_643 : i32
        %parallel_loop3A_645 = vector.broadcast %parallel_loop3A_644 : i32 to vector<16xi32>
        %parallel_loop3A_646 = arith.addi %parallel_loop3A_645, %select_n3A_79 : vector<16xi32>
        %parallel_loop3A_647 = tpu.vector_load_idx %arg7[%parallel_loop3A_646, %parallel_loop3A_530] : memref<128x256xf32, #tpu.memory_space<vmem>>[vector<16xi32>, vector<16xi32>], vector<16xf32>,
        %parallel_loop3A_648 = arith.constant 16 : i32
        %parallel_loop3A_649 = arith.addi %mul3A_507, %parallel_loop3A_648 : i32
        %parallel_loop3A_650 = vector.broadcast %parallel_loop3A_649 : i32 to vector<16xi32>
        %parallel_loop3A_651 = arith.addi %parallel_loop3A_650, %select_n3A_104 : vector<16xi32>
        %parallel_loop3A_652 = tpu.vector_load_idx %arg7[%parallel_loop3A_651, %parallel_loop3A_530] : memref<128x256xf32, #tpu.memory_space<vmem>>[vector<16xi32>, vector<16xi32>], vector<16xf32>,
        %parallel_loop3A_653 = arith.constant 16 : i32
        %parallel_loop3A_654 = arith.addi %mul3A_507, %parallel_loop3A_653 : i32
        %parallel_loop3A_655 = vector.broadcast %parallel_loop3A_654 : i32 to vector<16xi32>
        %parallel_loop3A_656 = arith.addi %parallel_loop3A_655, %select_n3A_129 : vector<16xi32>
        %parallel_loop3A_657 = tpu.vector_load_idx %arg7[%parallel_loop3A_656, %parallel_loop3A_530] : memref<128x256xf32, #tpu.memory_space<vmem>>[vector<16xi32>, vector<16xi32>], vector<16xf32>,
        %parallel_loop3A_658 = arith.constant 16 : i32
        %parallel_loop3A_659 = arith.addi %mul3A_507, %parallel_loop3A_658 : i32
        %parallel_loop3A_660 = vector.broadcast %parallel_loop3A_659 : i32 to vector<16xi32>
        %parallel_loop3A_661 = arith.addi %parallel_loop3A_660, %select_n3A_154 : vector<16xi32>
        %parallel_loop3A_662 = tpu.vector_load_idx %arg7[%parallel_loop3A_661, %parallel_loop3A_530] : memref<128x256xf32, #tpu.memory_space<vmem>>[vector<16xi32>, vector<16xi32>], vector<16xf32>,
        %parallel_loop3A_663 = arith.constant 16 : i32
        %parallel_loop3A_664 = arith.addi %mul3A_507, %parallel_loop3A_663 : i32
        %parallel_loop3A_665 = vector.broadcast %parallel_loop3A_664 : i32 to vector<16xi32>
        %parallel_loop3A_666 = arith.addi %parallel_loop3A_665, %select_n3A_179 : vector<16xi32>
        %parallel_loop3A_667 = tpu.vector_load_idx %arg7[%parallel_loop3A_666, %parallel_loop3A_530] : memref<128x256xf32, #tpu.memory_space<vmem>>[vector<16xi32>, vector<16xi32>], vector<16xf32>,
        %parallel_loop3A_668 = arith.constant 16 : i32
        %parallel_loop3A_669 = arith.addi %mul3A_507, %parallel_loop3A_668 : i32
        %parallel_loop3A_670 = vector.broadcast %parallel_loop3A_669 : i32 to vector<16xi32>
        %parallel_loop3A_671 = arith.addi %parallel_loop3A_670, %select_n3A_204 : vector<16xi32>
        %parallel_loop3A_672 = tpu.vector_load_idx %arg7[%parallel_loop3A_671, %parallel_loop3A_530] : memref<128x256xf32, #tpu.memory_space<vmem>>[vector<16xi32>, vector<16xi32>], vector<16xf32>,
        %parallel_loop3A_673 = arith.constant 16 : i32
        %parallel_loop3A_674 = arith.addi %mul3A_507, %parallel_loop3A_673 : i32
        %parallel_loop3A_675 = vector.broadcast %parallel_loop3A_674 : i32 to vector<16xi32>
        %parallel_loop3A_676 = arith.addi %parallel_loop3A_675, %select_n3A_229 : vector<16xi32>
        %parallel_loop3A_677 = tpu.vector_load_idx %arg7[%parallel_loop3A_676, %parallel_loop3A_530] : memref<128x256xf32, #tpu.memory_space<vmem>>[vector<16xi32>, vector<16xi32>], vector<16xf32>,
        %parallel_loop3A_678 = arith.addi %parallel_loop3A_637, %select_n3A_54 : vector<16xi32>
        tpu.vector_store_idx %arg8[%parallel_loop3A_678], %parallel_loop3A_642 : memref<32768xf32, #tpu.memory_space<vmem>>[vector<16xi32>], vector<16xf32>,
        %parallel_loop3A_679 = arith.addi %parallel_loop3A_637, %select_n3A_79 : vector<16xi32>
        tpu.vector_store_idx %arg8[%parallel_loop3A_679], %parallel_loop3A_647 : memref<32768xf32, #tpu.memory_space<vmem>>[vector<16xi32>], vector<16xf32>,
        %parallel_loop3A_680 = arith.addi %parallel_loop3A_637, %select_n3A_104 : vector<16xi32>
        tpu.vector_store_idx %arg8[%parallel_loop3A_680], %parallel_loop3A_652 : memref<32768xf32, #tpu.memory_space<vmem>>[vector<16xi32>], vector<16xf32>,
        %parallel_loop3A_681 = arith.addi %parallel_loop3A_637, %select_n3A_129 : vector<16xi32>
        tpu.vector_store_idx %arg8[%parallel_loop3A_681], %parallel_loop3A_657 : memref<32768xf32, #tpu.memory_space<vmem>>[vector<16xi32>], vector<16xf32>,
        %parallel_loop3A_682 = arith.addi %parallel_loop3A_637, %select_n3A_154 : vector<16xi32>
        tpu.vector_store_idx %arg8[%parallel_loop3A_682], %parallel_loop3A_662 : memref<32768xf32, #tpu.memory_space<vmem>>[vector<16xi32>], vector<16xf32>,
        %parallel_loop3A_683 = arith.addi %parallel_loop3A_637, %select_n3A_179 : vector<16xi32>
        tpu.vector_store_idx %arg8[%parallel_loop3A_683], %parallel_loop3A_667 : memref<32768xf32, #tpu.memory_space<vmem>>[vector<16xi32>], vector<16xf32>,
        %parallel_loop3A_684 = arith.addi %parallel_loop3A_637, %select_n3A_204 : vector<16xi32>
        tpu.vector_store_idx %arg8[%parallel_loop3A_684], %parallel_loop3A_672 : memref<32768xf32, #tpu.memory_space<vmem>>[vector<16xi32>], vector<16xf32>,
        %parallel_loop3A_685 = arith.addi %parallel_loop3A_637, %select_n3A_229 : vector<16xi32>
        tpu.vector_store_idx %arg8[%parallel_loop3A_685], %parallel_loop3A_677 : memref<32768xf32, #tpu.memory_space<vmem>>[vector<16xi32>], vector<16xf32>,
        %parallel_loop3A_686 = arith.constant 16 : i32
        %parallel_loop3A_687 = arith.addi %mul3A_507, %parallel_loop3A_686 : i32
        %parallel_loop3A_688 = vector.broadcast %parallel_loop3A_687 : i32 to vector<16xi32>
        %parallel_loop3A_689 = arith.addi %parallel_loop3A_688, %select_n3A_254 : vector<16xi32>
        %parallel_loop3A_690 = tpu.vector_load_idx %arg7[%parallel_loop3A_689, %parallel_loop3A_530] : memref<128x256xf32, #tpu.memory_space<vmem>>[vector<16xi32>, vector<16xi32>], vector<16xf32>,
        %parallel_loop3A_691 = arith.constant 16 : i32
        %parallel_loop3A_692 = arith.addi %mul3A_507, %parallel_loop3A_691 : i32
        %parallel_loop3A_693 = vector.broadcast %parallel_loop3A_692 : i32 to vector<16xi32>
        %parallel_loop3A_694 = arith.addi %parallel_loop3A_693, %select_n3A_279 : vector<16xi32>
        %parallel_loop3A_695 = tpu.vector_load_idx %arg7[%parallel_loop3A_694, %parallel_loop3A_530] : memref<128x256xf32, #tpu.memory_space<vmem>>[vector<16xi32>, vector<16xi32>], vector<16xf32>,
        %parallel_loop3A_696 = arith.constant 16 : i32
        %parallel_loop3A_697 = arith.addi %mul3A_507, %parallel_loop3A_696 : i32
        %parallel_loop3A_698 = vector.broadcast %parallel_loop3A_697 : i32 to vector<16xi32>
        %parallel_loop3A_699 = arith.addi %parallel_loop3A_698, %select_n3A_304 : vector<16xi32>
        %parallel_loop3A_700 = tpu.vector_load_idx %arg7[%parallel_loop3A_699, %parallel_loop3A_530] : memref<128x256xf32, #tpu.memory_space<vmem>>[vector<16xi32>, vector<16xi32>], vector<16xf32>,
        %parallel_loop3A_701 = arith.constant 16 : i32
        %parallel_loop3A_702 = arith.addi %mul3A_507, %parallel_loop3A_701 : i32
        %parallel_loop3A_703 = vector.broadcast %parallel_loop3A_702 : i32 to vector<16xi32>
        %parallel_loop3A_704 = arith.addi %parallel_loop3A_703, %select_n3A_329 : vector<16xi32>
        %parallel_loop3A_705 = tpu.vector_load_idx %arg7[%parallel_loop3A_704, %parallel_loop3A_530] : memref<128x256xf32, #tpu.memory_space<vmem>>[vector<16xi32>, vector<16xi32>], vector<16xf32>,
        %parallel_loop3A_706 = arith.constant 16 : i32
        %parallel_loop3A_707 = arith.addi %mul3A_507, %parallel_loop3A_706 : i32
        %parallel_loop3A_708 = vector.broadcast %parallel_loop3A_707 : i32 to vector<16xi32>
        %parallel_loop3A_709 = arith.addi %parallel_loop3A_708, %select_n3A_354 : vector<16xi32>
        %parallel_loop3A_710 = tpu.vector_load_idx %arg7[%parallel_loop3A_709, %parallel_loop3A_530] : memref<128x256xf32, #tpu.memory_space<vmem>>[vector<16xi32>, vector<16xi32>], vector<16xf32>,
        %parallel_loop3A_711 = arith.constant 16 : i32
        %parallel_loop3A_712 = arith.addi %mul3A_507, %parallel_loop3A_711 : i32
        %parallel_loop3A_713 = vector.broadcast %parallel_loop3A_712 : i32 to vector<16xi32>
        %parallel_loop3A_714 = arith.addi %parallel_loop3A_713, %select_n3A_379 : vector<16xi32>
        %parallel_loop3A_715 = tpu.vector_load_idx %arg7[%parallel_loop3A_714, %parallel_loop3A_530] : memref<128x256xf32, #tpu.memory_space<vmem>>[vector<16xi32>, vector<16xi32>], vector<16xf32>,
        %parallel_loop3A_716 = arith.constant 16 : i32
        %parallel_loop3A_717 = arith.addi %mul3A_507, %parallel_loop3A_716 : i32
        %parallel_loop3A_718 = vector.broadcast %parallel_loop3A_717 : i32 to vector<16xi32>
        %parallel_loop3A_719 = arith.addi %parallel_loop3A_718, %select_n3A_404 : vector<16xi32>
        %parallel_loop3A_720 = tpu.vector_load_idx %arg7[%parallel_loop3A_719, %parallel_loop3A_530] : memref<128x256xf32, #tpu.memory_space<vmem>>[vector<16xi32>, vector<16xi32>], vector<16xf32>,
        %parallel_loop3A_721 = arith.constant 16 : i32
        %parallel_loop3A_722 = arith.addi %mul3A_507, %parallel_loop3A_721 : i32
        %parallel_loop3A_723 = vector.broadcast %parallel_loop3A_722 : i32 to vector<16xi32>
        %parallel_loop3A_724 = arith.addi %parallel_loop3A_723, %select_n3A_429 : vector<16xi32>
        %parallel_loop3A_725 = tpu.vector_load_idx %arg7[%parallel_loop3A_724, %parallel_loop3A_530] : memref<128x256xf32, #tpu.memory_space<vmem>>[vector<16xi32>, vector<16xi32>], vector<16xf32>,
        %parallel_loop3A_726 = arith.addi %parallel_loop3A_637, %select_n3A_254 : vector<16xi32>
        tpu.vector_store_idx %arg8[%parallel_loop3A_726], %parallel_loop3A_690 : memref<32768xf32, #tpu.memory_space<vmem>>[vector<16xi32>], vector<16xf32>,
        %parallel_loop3A_727 = arith.addi %parallel_loop3A_637, %select_n3A_279 : vector<16xi32>
        tpu.vector_store_idx %arg8[%parallel_loop3A_727], %parallel_loop3A_695 : memref<32768xf32, #tpu.memory_space<vmem>>[vector<16xi32>], vector<16xf32>,
        %parallel_loop3A_728 = arith.addi %parallel_loop3A_637, %select_n3A_304 : vector<16xi32>
        tpu.vector_store_idx %arg8[%parallel_loop3A_728], %parallel_loop3A_700 : memref<32768xf32, #tpu.memory_space<vmem>>[vector<16xi32>], vector<16xf32>,
        %parallel_loop3A_729 = arith.addi %parallel_loop3A_637, %select_n3A_329 : vector<16xi32>
        tpu.vector_store_idx %arg8[%parallel_loop3A_729], %parallel_loop3A_705 : memref<32768xf32, #tpu.memory_space<vmem>>[vector<16xi32>], vector<16xf32>,
        %parallel_loop3A_730 = arith.addi %parallel_loop3A_637, %select_n3A_354 : vector<16xi32>
        tpu.vector_store_idx %arg8[%parallel_loop3A_730], %parallel_loop3A_710 : memref<32768xf32, #tpu.memory_space<vmem>>[vector<16xi32>], vector<16xf32>,
        %parallel_loop3A_731 = arith.addi %parallel_loop3A_637, %select_n3A_379 : vector<16xi32>
        tpu.vector_store_idx %arg8[%parallel_loop3A_731], %parallel_loop3A_715 : memref<32768xf32, #tpu.memory_space<vmem>>[vector<16xi32>], vector<16xf32>,
        %parallel_loop3A_732 = arith.addi %parallel_loop3A_637, %select_n3A_404 : vector<16xi32>
        tpu.vector_store_idx %arg8[%parallel_loop3A_732], %parallel_loop3A_720 : memref<32768xf32, #tpu.memory_space<vmem>>[vector<16xi32>], vector<16xf32>,
        %parallel_loop3A_733 = arith.addi %parallel_loop3A_637, %select_n3A_429 : vector<16xi32>
        tpu.vector_store_idx %arg8[%parallel_loop3A_733], %parallel_loop3A_725 : memref<32768xf32, #tpu.memory_space<vmem>>[vector<16xi32>], vector<16xf32>,
        %parallel_loop3A_734 = arith.constant 32 : i32
        %parallel_loop3A_735 = vector.broadcast %parallel_loop3A_734 : i32 to vector<16xi32>
        %parallel_loop3A_736 = arith.addi %parallel_loop3A_535, %parallel_loop3A_735 : vector<16xi32>
        %parallel_loop3A_737 = arith.constant 32 : i32
        %parallel_loop3A_738 = arith.addi %mul3A_507, %parallel_loop3A_737 : i32
        %parallel_loop3A_739 = vector.broadcast %parallel_loop3A_738 : i32 to vector<16xi32>
        %parallel_loop3A_740 = arith.addi %parallel_loop3A_739, %select_n3A_54 : vector<16xi32>
        %parallel_loop3A_741 = tpu.vector_load_idx %arg7[%parallel_loop3A_740, %parallel_loop3A_530] : memref<128x256xf32, #tpu.memory_space<vmem>>[vector<16xi32>, vector<16xi32>], vector<16xf32>,
        %parallel_loop3A_742 = arith.constant 32 : i32
        %parallel_loop3A_743 = arith.addi %mul3A_507, %parallel_loop3A_742 : i32
        %parallel_loop3A_744 = vector.broadcast %parallel_loop3A_743 : i32 to vector<16xi32>
        %parallel_loop3A_745 = arith.addi %parallel_loop3A_744, %select_n3A_79 : vector<16xi32>
        %parallel_loop3A_746 = tpu.vector_load_idx %arg7[%parallel_loop3A_745, %parallel_loop3A_530] : memref<128x256xf32, #tpu.memory_space<vmem>>[vector<16xi32>, vector<16xi32>], vector<16xf32>,
        %parallel_loop3A_747 = arith.constant 32 : i32
        %parallel_loop3A_748 = arith.addi %mul3A_507, %parallel_loop3A_747 : i32
        %parallel_loop3A_749 = vector.broadcast %parallel_loop3A_748 : i32 to vector<16xi32>
        %parallel_loop3A_750 = arith.addi %parallel_loop3A_749, %select_n3A_104 : vector<16xi32>
        %parallel_loop3A_751 = tpu.vector_load_idx %arg7[%parallel_loop3A_750, %parallel_loop3A_530] : memref<128x256xf32, #tpu.memory_space<vmem>>[vector<16xi32>, vector<16xi32>], vector<16xf32>,
        %parallel_loop3A_752 = arith.constant 32 : i32
        %parallel_loop3A_753 = arith.addi %mul3A_507, %parallel_loop3A_752 : i32
        %parallel_loop3A_754 = vector.broadcast %parallel_loop3A_753 : i32 to vector<16xi32>
        %parallel_loop3A_755 = arith.addi %parallel_loop3A_754, %select_n3A_129 : vector<16xi32>
        %parallel_loop3A_756 = tpu.vector_load_idx %arg7[%parallel_loop3A_755, %parallel_loop3A_530] : memref<128x256xf32, #tpu.memory_space<vmem>>[vector<16xi32>, vector<16xi32>], vector<16xf32>,
        %parallel_loop3A_757 = arith.constant 32 : i32
        %parallel_loop3A_758 = arith.addi %mul3A_507, %parallel_loop3A_757 : i32
        %parallel_loop3A_759 = vector.broadcast %parallel_loop3A_758 : i32 to vector<16xi32>
        %parallel_loop3A_760 = arith.addi %parallel_loop3A_759, %select_n3A_154 : vector<16xi32>
        %parallel_loop3A_761 = tpu.vector_load_idx %arg7[%parallel_loop3A_760, %parallel_loop3A_530] : memref<128x256xf32, #tpu.memory_space<vmem>>[vector<16xi32>, vector<16xi32>], vector<16xf32>,
        %parallel_loop3A_762 = arith.constant 32 : i32
        %parallel_loop3A_763 = arith.addi %mul3A_507, %parallel_loop3A_762 : i32
        %parallel_loop3A_764 = vector.broadcast %parallel_loop3A_763 : i32 to vector<16xi32>
        %parallel_loop3A_765 = arith.addi %parallel_loop3A_764, %select_n3A_179 : vector<16xi32>
        %parallel_loop3A_766 = tpu.vector_load_idx %arg7[%parallel_loop3A_765, %parallel_loop3A_530] : memref<128x256xf32, #tpu.memory_space<vmem>>[vector<16xi32>, vector<16xi32>], vector<16xf32>,
        %parallel_loop3A_767 = arith.constant 32 : i32
        %parallel_loop3A_768 = arith.addi %mul3A_507, %parallel_loop3A_767 : i32
        %parallel_loop3A_769 = vector.broadcast %parallel_loop3A_768 : i32 to vector<16xi32>
        %parallel_loop3A_770 = arith.addi %parallel_loop3A_769, %select_n3A_204 : vector<16xi32>
        %parallel_loop3A_771 = tpu.vector_load_idx %arg7[%parallel_loop3A_770, %parallel_loop3A_530] : memref<128x256xf32, #tpu.memory_space<vmem>>[vector<16xi32>, vector<16xi32>], vector<16xf32>,
        %parallel_loop3A_772 = arith.constant 32 : i32
        %parallel_loop3A_773 = arith.addi %mul3A_507, %parallel_loop3A_772 : i32
        %parallel_loop3A_774 = vector.broadcast %parallel_loop3A_773 : i32 to vector<16xi32>
        %parallel_loop3A_775 = arith.addi %parallel_loop3A_774, %select_n3A_229 : vector<16xi32>
        %parallel_loop3A_776 = tpu.vector_load_idx %arg7[%parallel_loop3A_775, %parallel_loop3A_530] : memref<128x256xf32, #tpu.memory_space<vmem>>[vector<16xi32>, vector<16xi32>], vector<16xf32>,
        %parallel_loop3A_777 = arith.addi %parallel_loop3A_736, %select_n3A_54 : vector<16xi32>
        tpu.vector_store_idx %arg8[%parallel_loop3A_777], %parallel_loop3A_741 : memref<32768xf32, #tpu.memory_space<vmem>>[vector<16xi32>], vector<16xf32>,
        %parallel_loop3A_778 = arith.addi %parallel_loop3A_736, %select_n3A_79 : vector<16xi32>
        tpu.vector_store_idx %arg8[%parallel_loop3A_778], %parallel_loop3A_746 : memref<32768xf32, #tpu.memory_space<vmem>>[vector<16xi32>], vector<16xf32>,
        %parallel_loop3A_779 = arith.addi %parallel_loop3A_736, %select_n3A_104 : vector<16xi32>
        tpu.vector_store_idx %arg8[%parallel_loop3A_779], %parallel_loop3A_751 : memref<32768xf32, #tpu.memory_space<vmem>>[vector<16xi32>], vector<16xf32>,
        %parallel_loop3A_780 = arith.addi %parallel_loop3A_736, %select_n3A_129 : vector<16xi32>
        tpu.vector_store_idx %arg8[%parallel_loop3A_780], %parallel_loop3A_756 : memref<32768xf32, #tpu.memory_space<vmem>>[vector<16xi32>], vector<16xf32>,
        %parallel_loop3A_781 = arith.addi %parallel_loop3A_736, %select_n3A_154 : vector<16xi32>
        tpu.vector_store_idx %arg8[%parallel_loop3A_781], %parallel_loop3A_761 : memref<32768xf32, #tpu.memory_space<vmem>>[vector<16xi32>], vector<16xf32>,
        %parallel_loop3A_782 = arith.addi %parallel_loop3A_736, %select_n3A_179 : vector<16xi32>
        tpu.vector_store_idx %arg8[%parallel_loop3A_782], %parallel_loop3A_766 : memref<32768xf32, #tpu.memory_space<vmem>>[vector<16xi32>], vector<16xf32>,
        %parallel_loop3A_783 = arith.addi %parallel_loop3A_736, %select_n3A_204 : vector<16xi32>
        tpu.vector_store_idx %arg8[%parallel_loop3A_783], %parallel_loop3A_771 : memref<32768xf32, #tpu.memory_space<vmem>>[vector<16xi32>], vector<16xf32>,
        %parallel_loop3A_784 = arith.addi %parallel_loop3A_736, %select_n3A_229 : vector<16xi32>
        tpu.vector_store_idx %arg8[%parallel_loop3A_784], %parallel_loop3A_776 : memref<32768xf32, #tpu.memory_space<vmem>>[vector<16xi32>], vector<16xf32>,
        %parallel_loop3A_785 = arith.constant 32 : i32
        %parallel_loop3A_786 = arith.addi %mul3A_507, %parallel_loop3A_785 : i32
        %parallel_loop3A_787 = vector.broadcast %parallel_loop3A_786 : i32 to vector<16xi32>
        %parallel_loop3A_788 = arith.addi %parallel_loop3A_787, %select_n3A_254 : vector<16xi32>
        %parallel_loop3A_789 = tpu.vector_load_idx %arg7[%parallel_loop3A_788, %parallel_loop3A_530] : memref<128x256xf32, #tpu.memory_space<vmem>>[vector<16xi32>, vector<16xi32>], vector<16xf32>,
        %parallel_loop3A_790 = arith.constant 32 : i32
        %parallel_loop3A_791 = arith.addi %mul3A_507, %parallel_loop3A_790 : i32
        %parallel_loop3A_792 = vector.broadcast %parallel_loop3A_791 : i32 to vector<16xi32>
        %parallel_loop3A_793 = arith.addi %parallel_loop3A_792, %select_n3A_279 : vector<16xi32>
        %parallel_loop3A_794 = tpu.vector_load_idx %arg7[%parallel_loop3A_793, %parallel_loop3A_530] : memref<128x256xf32, #tpu.memory_space<vmem>>[vector<16xi32>, vector<16xi32>], vector<16xf32>,
        %parallel_loop3A_795 = arith.constant 32 : i32
        %parallel_loop3A_796 = arith.addi %mul3A_507, %parallel_loop3A_795 : i32
        %parallel_loop3A_797 = vector.broadcast %parallel_loop3A_796 : i32 to vector<16xi32>
        %parallel_loop3A_798 = arith.addi %parallel_loop3A_797, %select_n3A_304 : vector<16xi32>
        %parallel_loop3A_799 = tpu.vector_load_idx %arg7[%parallel_loop3A_798, %parallel_loop3A_530] : memref<128x256xf32, #tpu.memory_space<vmem>>[vector<16xi32>, vector<16xi32>], vector<16xf32>,
        %parallel_loop3A_800 = arith.constant 32 : i32
        %parallel_loop3A_801 = arith.addi %mul3A_507, %parallel_loop3A_800 : i32
        %parallel_loop3A_802 = vector.broadcast %parallel_loop3A_801 : i32 to vector<16xi32>
        %parallel_loop3A_803 = arith.addi %parallel_loop3A_802, %select_n3A_329 : vector<16xi32>
        %parallel_loop3A_804 = tpu.vector_load_idx %arg7[%parallel_loop3A_803, %parallel_loop3A_530] : memref<128x256xf32, #tpu.memory_space<vmem>>[vector<16xi32>, vector<16xi32>], vector<16xf32>,
        %parallel_loop3A_805 = arith.constant 32 : i32
        %parallel_loop3A_806 = arith.addi %mul3A_507, %parallel_loop3A_805 : i32
        %parallel_loop3A_807 = vector.broadcast %parallel_loop3A_806 : i32 to vector<16xi32>
        %parallel_loop3A_808 = arith.addi %parallel_loop3A_807, %select_n3A_354 : vector<16xi32>
        %parallel_loop3A_809 = tpu.vector_load_idx %arg7[%parallel_loop3A_808, %parallel_loop3A_530] : memref<128x256xf32, #tpu.memory_space<vmem>>[vector<16xi32>, vector<16xi32>], vector<16xf32>,
        %parallel_loop3A_810 = arith.constant 32 : i32
        %parallel_loop3A_811 = arith.addi %mul3A_507, %parallel_loop3A_810 : i32
        %parallel_loop3A_812 = vector.broadcast %parallel_loop3A_811 : i32 to vector<16xi32>
        %parallel_loop3A_813 = arith.addi %parallel_loop3A_812, %select_n3A_379 : vector<16xi32>
        %parallel_loop3A_814 = tpu.vector_load_idx %arg7[%parallel_loop3A_813, %parallel_loop3A_530] : memref<128x256xf32, #tpu.memory_space<vmem>>[vector<16xi32>, vector<16xi32>], vector<16xf32>,
        %parallel_loop3A_815 = arith.constant 32 : i32
        %parallel_loop3A_816 = arith.addi %mul3A_507, %parallel_loop3A_815 : i32
        %parallel_loop3A_817 = vector.broadcast %parallel_loop3A_816 : i32 to vector<16xi32>
        %parallel_loop3A_818 = arith.addi %parallel_loop3A_817, %select_n3A_404 : vector<16xi32>
        %parallel_loop3A_819 = tpu.vector_load_idx %arg7[%parallel_loop3A_818, %parallel_loop3A_530] : memref<128x256xf32, #tpu.memory_space<vmem>>[vector<16xi32>, vector<16xi32>], vector<16xf32>,
        %parallel_loop3A_820 = arith.constant 32 : i32
        %parallel_loop3A_821 = arith.addi %mul3A_507, %parallel_loop3A_820 : i32
        %parallel_loop3A_822 = vector.broadcast %parallel_loop3A_821 : i32 to vector<16xi32>
        %parallel_loop3A_823 = arith.addi %parallel_loop3A_822, %select_n3A_429 : vector<16xi32>
        %parallel_loop3A_824 = tpu.vector_load_idx %arg7[%parallel_loop3A_823, %parallel_loop3A_530] : memref<128x256xf32, #tpu.memory_space<vmem>>[vector<16xi32>, vector<16xi32>], vector<16xf32>,
        %parallel_loop3A_825 = arith.addi %parallel_loop3A_736, %select_n3A_254 : vector<16xi32>
        tpu.vector_store_idx %arg8[%parallel_loop3A_825], %parallel_loop3A_789 : memref<32768xf32, #tpu.memory_space<vmem>>[vector<16xi32>], vector<16xf32>,
        %parallel_loop3A_826 = arith.addi %parallel_loop3A_736, %select_n3A_279 : vector<16xi32>
        tpu.vector_store_idx %arg8[%parallel_loop3A_826], %parallel_loop3A_794 : memref<32768xf32, #tpu.memory_space<vmem>>[vector<16xi32>], vector<16xf32>,
        %parallel_loop3A_827 = arith.addi %parallel_loop3A_736, %select_n3A_304 : vector<16xi32>
        tpu.vector_store_idx %arg8[%parallel_loop3A_827], %parallel_loop3A_799 : memref<32768xf32, #tpu.memory_space<vmem>>[vector<16xi32>], vector<16xf32>,
        %parallel_loop3A_828 = arith.addi %parallel_loop3A_736, %select_n3A_329 : vector<16xi32>
        tpu.vector_store_idx %arg8[%parallel_loop3A_828], %parallel_loop3A_804 : memref<32768xf32, #tpu.memory_space<vmem>>[vector<16xi32>], vector<16xf32>,
        %parallel_loop3A_829 = arith.addi %parallel_loop3A_736, %select_n3A_354 : vector<16xi32>
        tpu.vector_store_idx %arg8[%parallel_loop3A_829], %parallel_loop3A_809 : memref<32768xf32, #tpu.memory_space<vmem>>[vector<16xi32>], vector<16xf32>,
        %parallel_loop3A_830 = arith.addi %parallel_loop3A_736, %select_n3A_379 : vector<16xi32>
        tpu.vector_store_idx %arg8[%parallel_loop3A_830], %parallel_loop3A_814 : memref<32768xf32, #tpu.memory_space<vmem>>[vector<16xi32>], vector<16xf32>,
        %parallel_loop3A_831 = arith.addi %parallel_loop3A_736, %select_n3A_404 : vector<16xi32>
        tpu.vector_store_idx %arg8[%parallel_loop3A_831], %parallel_loop3A_819 : memref<32768xf32, #tpu.memory_space<vmem>>[vector<16xi32>], vector<16xf32>,
        %parallel_loop3A_832 = arith.addi %parallel_loop3A_736, %select_n3A_429 : vector<16xi32>
        tpu.vector_store_idx %arg8[%parallel_loop3A_832], %parallel_loop3A_824 : memref<32768xf32, #tpu.memory_space<vmem>>[vector<16xi32>], vector<16xf32>,
        %parallel_loop3A_833 = arith.constant 48 : i32
        %parallel_loop3A_834 = vector.broadcast %parallel_loop3A_833 : i32 to vector<16xi32>
        %parallel_loop3A_835 = arith.addi %parallel_loop3A_535, %parallel_loop3A_834 : vector<16xi32>
        %parallel_loop3A_836 = arith.constant 48 : i32
        %parallel_loop3A_837 = arith.addi %mul3A_507, %parallel_loop3A_836 : i32
        %parallel_loop3A_838 = vector.broadcast %parallel_loop3A_837 : i32 to vector<16xi32>
        %parallel_loop3A_839 = arith.addi %parallel_loop3A_838, %select_n3A_54 : vector<16xi32>
        %parallel_loop3A_840 = tpu.vector_load_idx %arg7[%parallel_loop3A_839, %parallel_loop3A_530] : memref<128x256xf32, #tpu.memory_space<vmem>>[vector<16xi32>, vector<16xi32>], vector<16xf32>,
        %parallel_loop3A_841 = arith.constant 48 : i32
        %parallel_loop3A_842 = arith.addi %mul3A_507, %parallel_loop3A_841 : i32
        %parallel_loop3A_843 = vector.broadcast %parallel_loop3A_842 : i32 to vector<16xi32>
        %parallel_loop3A_844 = arith.addi %parallel_loop3A_843, %select_n3A_79 : vector<16xi32>
        %parallel_loop3A_845 = tpu.vector_load_idx %arg7[%parallel_loop3A_844, %parallel_loop3A_530] : memref<128x256xf32, #tpu.memory_space<vmem>>[vector<16xi32>, vector<16xi32>], vector<16xf32>,
        %parallel_loop3A_846 = arith.constant 48 : i32
        %parallel_loop3A_847 = arith.addi %mul3A_507, %parallel_loop3A_846 : i32
        %parallel_loop3A_848 = vector.broadcast %parallel_loop3A_847 : i32 to vector<16xi32>
        %parallel_loop3A_849 = arith.addi %parallel_loop3A_848, %select_n3A_104 : vector<16xi32>
        %parallel_loop3A_850 = tpu.vector_load_idx %arg7[%parallel_loop3A_849, %parallel_loop3A_530] : memref<128x256xf32, #tpu.memory_space<vmem>>[vector<16xi32>, vector<16xi32>], vector<16xf32>,
        %parallel_loop3A_851 = arith.constant 48 : i32
        %parallel_loop3A_852 = arith.addi %mul3A_507, %parallel_loop3A_851 : i32
        %parallel_loop3A_853 = vector.broadcast %parallel_loop3A_852 : i32 to vector<16xi32>
        %parallel_loop3A_854 = arith.addi %parallel_loop3A_853, %select_n3A_129 : vector<16xi32>
        %parallel_loop3A_855 = tpu.vector_load_idx %arg7[%parallel_loop3A_854, %parallel_loop3A_530] : memref<128x256xf32, #tpu.memory_space<vmem>>[vector<16xi32>, vector<16xi32>], vector<16xf32>,
        %parallel_loop3A_856 = arith.constant 48 : i32
        %parallel_loop3A_857 = arith.addi %mul3A_507, %parallel_loop3A_856 : i32
        %parallel_loop3A_858 = vector.broadcast %parallel_loop3A_857 : i32 to vector<16xi32>
        %parallel_loop3A_859 = arith.addi %parallel_loop3A_858, %select_n3A_154 : vector<16xi32>
        %parallel_loop3A_860 = tpu.vector_load_idx %arg7[%parallel_loop3A_859, %parallel_loop3A_530] : memref<128x256xf32, #tpu.memory_space<vmem>>[vector<16xi32>, vector<16xi32>], vector<16xf32>,
        %parallel_loop3A_861 = arith.constant 48 : i32
        %parallel_loop3A_862 = arith.addi %mul3A_507, %parallel_loop3A_861 : i32
        %parallel_loop3A_863 = vector.broadcast %parallel_loop3A_862 : i32 to vector<16xi32>
        %parallel_loop3A_864 = arith.addi %parallel_loop3A_863, %select_n3A_179 : vector<16xi32>
        %parallel_loop3A_865 = tpu.vector_load_idx %arg7[%parallel_loop3A_864, %parallel_loop3A_530] : memref<128x256xf32, #tpu.memory_space<vmem>>[vector<16xi32>, vector<16xi32>], vector<16xf32>,
        %parallel_loop3A_866 = arith.constant 48 : i32
        %parallel_loop3A_867 = arith.addi %mul3A_507, %parallel_loop3A_866 : i32
        %parallel_loop3A_868 = vector.broadcast %parallel_loop3A_867 : i32 to vector<16xi32>
        %parallel_loop3A_869 = arith.addi %parallel_loop3A_868, %select_n3A_204 : vector<16xi32>
        %parallel_loop3A_870 = tpu.vector_load_idx %arg7[%parallel_loop3A_869, %parallel_loop3A_530] : memref<128x256xf32, #tpu.memory_space<vmem>>[vector<16xi32>, vector<16xi32>], vector<16xf32>,
        %parallel_loop3A_871 = arith.constant 48 : i32
        %parallel_loop3A_872 = arith.addi %mul3A_507, %parallel_loop3A_871 : i32
        %parallel_loop3A_873 = vector.broadcast %parallel_loop3A_872 : i32 to vector<16xi32>
        %parallel_loop3A_874 = arith.addi %parallel_loop3A_873, %select_n3A_229 : vector<16xi32>
        %parallel_loop3A_875 = tpu.vector_load_idx %arg7[%parallel_loop3A_874, %parallel_loop3A_530] : memref<128x256xf32, #tpu.memory_space<vmem>>[vector<16xi32>, vector<16xi32>], vector<16xf32>,
        %parallel_loop3A_876 = arith.addi %parallel_loop3A_835, %select_n3A_54 : vector<16xi32>
        tpu.vector_store_idx %arg8[%parallel_loop3A_876], %parallel_loop3A_840 : memref<32768xf32, #tpu.memory_space<vmem>>[vector<16xi32>], vector<16xf32>,
        %parallel_loop3A_877 = arith.addi %parallel_loop3A_835, %select_n3A_79 : vector<16xi32>
        tpu.vector_store_idx %arg8[%parallel_loop3A_877], %parallel_loop3A_845 : memref<32768xf32, #tpu.memory_space<vmem>>[vector<16xi32>], vector<16xf32>,
        %parallel_loop3A_878 = arith.addi %parallel_loop3A_835, %select_n3A_104 : vector<16xi32>
        tpu.vector_store_idx %arg8[%parallel_loop3A_878], %parallel_loop3A_850 : memref<32768xf32, #tpu.memory_space<vmem>>[vector<16xi32>], vector<16xf32>,
        %parallel_loop3A_879 = arith.addi %parallel_loop3A_835, %select_n3A_129 : vector<16xi32>
        tpu.vector_store_idx %arg8[%parallel_loop3A_879], %parallel_loop3A_855 : memref<32768xf32, #tpu.memory_space<vmem>>[vector<16xi32>], vector<16xf32>,
        %parallel_loop3A_880 = arith.addi %parallel_loop3A_835, %select_n3A_154 : vector<16xi32>
        tpu.vector_store_idx %arg8[%parallel_loop3A_880], %parallel_loop3A_860 : memref<32768xf32, #tpu.memory_space<vmem>>[vector<16xi32>], vector<16xf32>,
        %parallel_loop3A_881 = arith.addi %parallel_loop3A_835, %select_n3A_179 : vector<16xi32>
        tpu.vector_store_idx %arg8[%parallel_loop3A_881], %parallel_loop3A_865 : memref<32768xf32, #tpu.memory_space<vmem>>[vector<16xi32>], vector<16xf32>,
        %parallel_loop3A_882 = arith.addi %parallel_loop3A_835, %select_n3A_204 : vector<16xi32>
        tpu.vector_store_idx %arg8[%parallel_loop3A_882], %parallel_loop3A_870 : memref<32768xf32, #tpu.memory_space<vmem>>[vector<16xi32>], vector<16xf32>,
        %parallel_loop3A_883 = arith.addi %parallel_loop3A_835, %select_n3A_229 : vector<16xi32>
        tpu.vector_store_idx %arg8[%parallel_loop3A_883], %parallel_loop3A_875 : memref<32768xf32, #tpu.memory_space<vmem>>[vector<16xi32>], vector<16xf32>,
        %parallel_loop3A_884 = arith.constant 48 : i32
        %parallel_loop3A_885 = arith.addi %mul3A_507, %parallel_loop3A_884 : i32
        %parallel_loop3A_886 = vector.broadcast %parallel_loop3A_885 : i32 to vector<16xi32>
        %parallel_loop3A_887 = arith.addi %parallel_loop3A_886, %select_n3A_254 : vector<16xi32>
        %parallel_loop3A_888 = tpu.vector_load_idx %arg7[%parallel_loop3A_887, %parallel_loop3A_530] : memref<128x256xf32, #tpu.memory_space<vmem>>[vector<16xi32>, vector<16xi32>], vector<16xf32>,
        %parallel_loop3A_889 = arith.constant 48 : i32
        %parallel_loop3A_890 = arith.addi %mul3A_507, %parallel_loop3A_889 : i32
        %parallel_loop3A_891 = vector.broadcast %parallel_loop3A_890 : i32 to vector<16xi32>
        %parallel_loop3A_892 = arith.addi %parallel_loop3A_891, %select_n3A_279 : vector<16xi32>
        %parallel_loop3A_893 = tpu.vector_load_idx %arg7[%parallel_loop3A_892, %parallel_loop3A_530] : memref<128x256xf32, #tpu.memory_space<vmem>>[vector<16xi32>, vector<16xi32>], vector<16xf32>,
        %parallel_loop3A_894 = arith.constant 48 : i32
        %parallel_loop3A_895 = arith.addi %mul3A_507, %parallel_loop3A_894 : i32
        %parallel_loop3A_896 = vector.broadcast %parallel_loop3A_895 : i32 to vector<16xi32>
        %parallel_loop3A_897 = arith.addi %parallel_loop3A_896, %select_n3A_304 : vector<16xi32>
        %parallel_loop3A_898 = tpu.vector_load_idx %arg7[%parallel_loop3A_897, %parallel_loop3A_530] : memref<128x256xf32, #tpu.memory_space<vmem>>[vector<16xi32>, vector<16xi32>], vector<16xf32>,
        %parallel_loop3A_899 = arith.constant 48 : i32
        %parallel_loop3A_900 = arith.addi %mul3A_507, %parallel_loop3A_899 : i32
        %parallel_loop3A_901 = vector.broadcast %parallel_loop3A_900 : i32 to vector<16xi32>
        %parallel_loop3A_902 = arith.addi %parallel_loop3A_901, %select_n3A_329 : vector<16xi32>
        %parallel_loop3A_903 = tpu.vector_load_idx %arg7[%parallel_loop3A_902, %parallel_loop3A_530] : memref<128x256xf32, #tpu.memory_space<vmem>>[vector<16xi32>, vector<16xi32>], vector<16xf32>,
        %parallel_loop3A_904 = arith.constant 48 : i32
        %parallel_loop3A_905 = arith.addi %mul3A_507, %parallel_loop3A_904 : i32
        %parallel_loop3A_906 = vector.broadcast %parallel_loop3A_905 : i32 to vector<16xi32>
        %parallel_loop3A_907 = arith.addi %parallel_loop3A_906, %select_n3A_354 : vector<16xi32>
        %parallel_loop3A_908 = tpu.vector_load_idx %arg7[%parallel_loop3A_907, %parallel_loop3A_530] : memref<128x256xf32, #tpu.memory_space<vmem>>[vector<16xi32>, vector<16xi32>], vector<16xf32>,
        %parallel_loop3A_909 = arith.constant 48 : i32
        %parallel_loop3A_910 = arith.addi %mul3A_507, %parallel_loop3A_909 : i32
        %parallel_loop3A_911 = vector.broadcast %parallel_loop3A_910 : i32 to vector<16xi32>
        %parallel_loop3A_912 = arith.addi %parallel_loop3A_911, %select_n3A_379 : vector<16xi32>
        %parallel_loop3A_913 = tpu.vector_load_idx %arg7[%parallel_loop3A_912, %parallel_loop3A_530] : memref<128x256xf32, #tpu.memory_space<vmem>>[vector<16xi32>, vector<16xi32>], vector<16xf32>,
        %parallel_loop3A_914 = arith.constant 48 : i32
        %parallel_loop3A_915 = arith.addi %mul3A_507, %parallel_loop3A_914 : i32
        %parallel_loop3A_916 = vector.broadcast %parallel_loop3A_915 : i32 to vector<16xi32>
        %parallel_loop3A_917 = arith.addi %parallel_loop3A_916, %select_n3A_404 : vector<16xi32>
        %parallel_loop3A_918 = tpu.vector_load_idx %arg7[%parallel_loop3A_917, %parallel_loop3A_530] : memref<128x256xf32, #tpu.memory_space<vmem>>[vector<16xi32>, vector<16xi32>], vector<16xf32>,
        %parallel_loop3A_919 = arith.constant 48 : i32
        %parallel_loop3A_920 = arith.addi %mul3A_507, %parallel_loop3A_919 : i32
        %parallel_loop3A_921 = vector.broadcast %parallel_loop3A_920 : i32 to vector<16xi32>
        %parallel_loop3A_922 = arith.addi %parallel_loop3A_921, %select_n3A_429 : vector<16xi32>
        %parallel_loop3A_923 = tpu.vector_load_idx %arg7[%parallel_loop3A_922, %parallel_loop3A_530] : memref<128x256xf32, #tpu.memory_space<vmem>>[vector<16xi32>, vector<16xi32>], vector<16xf32>,
        %parallel_loop3A_924 = arith.addi %parallel_loop3A_835, %select_n3A_254 : vector<16xi32>
        tpu.vector_store_idx %arg8[%parallel_loop3A_924], %parallel_loop3A_888 : memref<32768xf32, #tpu.memory_space<vmem>>[vector<16xi32>], vector<16xf32>,
        %parallel_loop3A_925 = arith.addi %parallel_loop3A_835, %select_n3A_279 : vector<16xi32>
        tpu.vector_store_idx %arg8[%parallel_loop3A_925], %parallel_loop3A_893 : memref<32768xf32, #tpu.memory_space<vmem>>[vector<16xi32>], vector<16xf32>,
        %parallel_loop3A_926 = arith.addi %parallel_loop3A_835, %select_n3A_304 : vector<16xi32>
        tpu.vector_store_idx %arg8[%parallel_loop3A_926], %parallel_loop3A_898 : memref<32768xf32, #tpu.memory_space<vmem>>[vector<16xi32>], vector<16xf32>,
        %parallel_loop3A_927 = arith.addi %parallel_loop3A_835, %select_n3A_329 : vector<16xi32>
        tpu.vector_store_idx %arg8[%parallel_loop3A_927], %parallel_loop3A_903 : memref<32768xf32, #tpu.memory_space<vmem>>[vector<16xi32>], vector<16xf32>,
        %parallel_loop3A_928 = arith.addi %parallel_loop3A_835, %select_n3A_354 : vector<16xi32>
        tpu.vector_store_idx %arg8[%parallel_loop3A_928], %parallel_loop3A_908 : memref<32768xf32, #tpu.memory_space<vmem>>[vector<16xi32>], vector<16xf32>,
        %parallel_loop3A_929 = arith.addi %parallel_loop3A_835, %select_n3A_379 : vector<16xi32>
        tpu.vector_store_idx %arg8[%parallel_loop3A_929], %parallel_loop3A_913 : memref<32768xf32, #tpu.memory_space<vmem>>[vector<16xi32>], vector<16xf32>,
        %parallel_loop3A_930 = arith.addi %parallel_loop3A_835, %select_n3A_404 : vector<16xi32>
        tpu.vector_store_idx %arg8[%parallel_loop3A_930], %parallel_loop3A_918 : memref<32768xf32, #tpu.memory_space<vmem>>[vector<16xi32>], vector<16xf32>,
        %parallel_loop3A_931 = arith.addi %parallel_loop3A_835, %select_n3A_429 : vector<16xi32>
        tpu.vector_store_idx %arg8[%parallel_loop3A_931], %parallel_loop3A_923 : memref<32768xf32, #tpu.memory_space<vmem>>[vector<16xi32>], vector<16xf32>,
      } {sc.loop_unroll_factor = 1 : i64, sc.parallel_access}
      %eq3A_512 = arith.constant 0 : i32
      %eq3A_513 = arith.cmpi eq, %rem3A_491, %eq3A_512 : i32
      %convert_element_type3A_514 = arith.extui %eq3A_513 : i1 to i32
      %cond3A_515 = arith.constant 0 : i32
      %cond3A_516 = arith.cmpi ne, %convert_element_type3A_514, %cond3A_515 : i32
      scf.if %cond3A_516 {
        %add3A_528 = arith.addi %add3A_4, %while3A_489 : i32
        %mul3A_529 = arith.constant 256 : i32
        %mul3A_530 = arith.muli %add3A_528, %mul3A_529 : i32
        %mul3A_531 = arith.constant 64 : i32
        %mul3A_532 = arith.muli %mul3A_530, %mul3A_531 : i32
        %dma_start3A_533 = arith.constant 0 : i32
        %dma_start3A_534 = tpu.memref_slice %arg8[%dma_start3A_533] : memref<32768xf32, #tpu.memory_space<vmem>> -> memref<16384xf32, #tpu.memory_space<vmem>>
        %dma_start3A_535 = tpu.memref_slice %arg5[%mul3A_532] : memref<64000000xf32, #tpu.memory_space<hbm>> -> memref<16384xf32, #tpu.memory_space<hbm>>
        %dma_start3A_536 = tpu.memref_slice %arg5[%mul3A_532] : memref<64000000xf32, #tpu.memory_space<hbm>> -> memref<16384xf32, #tpu.memory_space<hbm>>
        %dma_start3A_537 = arith.constant 0 : i32
        %dma_start3A_538 = tpu.memref_slice %arg8[%dma_start3A_537] : memref<32768xf32, #tpu.memory_space<vmem>> -> memref<16384xf32, #tpu.memory_space<vmem>>
        tpu.enqueue_dma source(%dma_start3A_538 : memref<16384xf32, #tpu.memory_space<vmem>>) target(%dma_start3A_536 : memref<16384xf32, #tpu.memory_space<hbm>>) target_semaphore(%arg13 : memref<!tpu.dma_semaphore, #tpu.memory_space<semaphore_mem>>)
      } else {
      }
      %eq3A_517 = arith.constant 1 : i32
      %eq3A_518 = arith.cmpi eq, %rem3A_491, %eq3A_517 : i32
      %convert_element_type3A_519 = arith.extui %eq3A_518 : i1 to i32
      %cond3A_520 = arith.constant 0 : i32
      %cond3A_521 = arith.cmpi ne, %convert_element_type3A_519, %cond3A_520 : i32
      scf.if %cond3A_521 {
        %add3A_528 = arith.addi %add3A_4, %while3A_489 : i32
        %mul3A_529 = arith.constant 256 : i32
        %mul3A_530 = arith.muli %add3A_528, %mul3A_529 : i32
        %mul3A_531 = arith.constant 64 : i32
        %mul3A_532 = arith.muli %mul3A_530, %mul3A_531 : i32
        %dma_start3A_533 = arith.constant 16384 : i32
        %dma_start3A_534 = tpu.memref_slice %arg8[%dma_start3A_533] : memref<32768xf32, #tpu.memory_space<vmem>> -> memref<16384xf32, #tpu.memory_space<vmem>>
        %dma_start3A_535 = tpu.memref_slice %arg5[%mul3A_532] : memref<64000000xf32, #tpu.memory_space<hbm>> -> memref<16384xf32, #tpu.memory_space<hbm>>
        %dma_start3A_536 = tpu.memref_slice %arg5[%mul3A_532] : memref<64000000xf32, #tpu.memory_space<hbm>> -> memref<16384xf32, #tpu.memory_space<hbm>>
        %dma_start3A_537 = arith.constant 16384 : i32
        %dma_start3A_538 = tpu.memref_slice %arg8[%dma_start3A_537] : memref<32768xf32, #tpu.memory_space<vmem>> -> memref<16384xf32, #tpu.memory_space<vmem>>
        tpu.enqueue_dma source(%dma_start3A_538 : memref<16384xf32, #tpu.memory_space<vmem>>) target(%dma_start3A_536 : memref<16384xf32, #tpu.memory_space<hbm>>) target_semaphore(%arg14 : memref<!tpu.dma_semaphore, #tpu.memory_space<semaphore_mem>>)
      } else {
      }
      %add3A_522 = arith.constant 2 : i32
      %add3A_523 = arith.addi %while3A_489, %add3A_522 : i32
      %lt3A_524 = arith.cmpi slt, %add3A_523, %add3A_7 : i32
      %convert_element_type3A_525 = arith.extui %lt3A_524 : i1 to i32
      %cond3A_526 = arith.constant 0 : i32
      %cond3A_527 = arith.cmpi ne, %convert_element_type3A_525, %cond3A_526 : i32
      scf.if %cond3A_527 {
        %eq3A_528 = arith.constant 0 : i32
        %eq3A_529 = arith.cmpi eq, %rem3A_491, %eq3A_528 : i32
        %convert_element_type3A_530 = arith.extui %eq3A_529 : i1 to i32
        %cond3A_531 = arith.constant 0 : i32
        %cond3A_532 = arith.cmpi ne, %convert_element_type3A_530, %cond3A_531 : i32
        scf.if %cond3A_532 {
          %add3A_538 = arith.constant 2 : i32
          %add3A_539 = arith.addi %while3A_489, %add3A_538 : i32
          %add3A_540 = arith.addi %add3A_4, %add3A_539 : i32
          %mul3A_541 = arith.constant 256 : i32
          %mul3A_542 = arith.muli %add3A_540, %mul3A_541 : i32
          %dma_start3A_543 = arith.constant 0 : i32
          %dma_start3A_544 = arith.constant 0 : i32
          %dma_start3A_545 = tpu.memref_slice %arg7[%dma_start3A_543, %dma_start3A_544] : memref<128x256xf32, #tpu.memory_space<vmem>> -> memref<64x256xf32, #tpu.memory_space<vmem>>
          %dma_start3A_546 = arith.constant 0 : i32
          %dma_start3A_547 = tpu.memref_slice %arg2[%dma_start3A_546, %mul3A_542] : memref<64x1000000xf32, #tpu.memory_space<hbm>> -> memref<64x256xf32, #tpu.memory_space<hbm>>
          %dma_start3A_548 = arith.constant 0 : i32
          %dma_start3A_549 = arith.constant 0 : i32
          %dma_start3A_550 = tpu.memref_slice %arg7[%dma_start3A_548, %dma_start3A_549] : memref<128x256xf32, #tpu.memory_space<vmem>> -> memref<64x256xf32, #tpu.memory_space<vmem>>
          %dma_start3A_551 = arith.constant 0 : i32
          %dma_start3A_552 = tpu.memref_slice %arg2[%dma_start3A_551, %mul3A_542] : memref<64x1000000xf32, #tpu.memory_space<hbm>> -> memref<64x256xf32, #tpu.memory_space<hbm>>
          tpu.enqueue_dma source(%dma_start3A_552 : memref<64x256xf32, #tpu.memory_space<hbm>>) target(%dma_start3A_550 : memref<64x256xf32, #tpu.memory_space<vmem>>) target_semaphore(%arg11 : memref<!tpu.dma_semaphore, #tpu.memory_space<semaphore_mem>>)
        } else {
        }
        %eq3A_533 = arith.constant 1 : i32
        %eq3A_534 = arith.cmpi eq, %rem3A_491, %eq3A_533 : i32
        %convert_element_type3A_535 = arith.extui %eq3A_534 : i1 to i32
        %cond3A_536 = arith.constant 0 : i32
        %cond3A_537 = arith.cmpi ne, %convert_element_type3A_535, %cond3A_536 : i32
        scf.if %cond3A_537 {
          %add3A_538 = arith.constant 2 : i32
          %add3A_539 = arith.addi %while3A_489, %add3A_538 : i32
          %add3A_540 = arith.addi %add3A_4, %add3A_539 : i32
          %mul3A_541 = arith.constant 256 : i32
          %mul3A_542 = arith.muli %add3A_540, %mul3A_541 : i32
          %dma_start3A_543 = arith.constant 64 : i32
          %dma_start3A_544 = arith.constant 0 : i32
          %dma_start3A_545 = tpu.memref_slice %arg7[%dma_start3A_543, %dma_start3A_544] : memref<128x256xf32, #tpu.memory_space<vmem>> -> memref<64x256xf32, #tpu.memory_space<vmem>>
          %dma_start3A_546 = arith.constant 0 : i32
          %dma_start3A_547 = tpu.memref_slice %arg2[%dma_start3A_546, %mul3A_542] : memref<64x1000000xf32, #tpu.memory_space<hbm>> -> memref<64x256xf32, #tpu.memory_space<hbm>>
          %dma_start3A_548 = arith.constant 64 : i32
          %dma_start3A_549 = arith.constant 0 : i32
          %dma_start3A_550 = tpu.memref_slice %arg7[%dma_start3A_548, %dma_start3A_549] : memref<128x256xf32, #tpu.memory_space<vmem>> -> memref<64x256xf32, #tpu.memory_space<vmem>>
          %dma_start3A_551 = arith.constant 0 : i32
          %dma_start3A_552 = tpu.memref_slice %arg2[%dma_start3A_551, %mul3A_542] : memref<64x1000000xf32, #tpu.memory_space<hbm>> -> memref<64x256xf32, #tpu.memory_space<hbm>>
          tpu.enqueue_dma source(%dma_start3A_552 : memref<64x256xf32, #tpu.memory_space<hbm>>) target(%dma_start3A_550 : memref<64x256xf32, #tpu.memory_space<vmem>>) target_semaphore(%arg12 : memref<!tpu.dma_semaphore, #tpu.memory_space<semaphore_mem>>)
        } else {
        }
      } else {
      }
    }
    %while3A_468 = arith.constant 1 : i32
    scf.for %while3A_489 = %while3A_466 to %while3A_462 step %while3A_468  : i32 {
      %rem3A_490 = arith.constant 2 : i32
      %rem3A_491 = arith.remsi %while3A_489, %rem3A_490 : i32
      %eq3A_492 = arith.constant 0 : i32
      %eq3A_493 = arith.cmpi eq, %rem3A_491, %eq3A_492 : i32
      %convert_element_type3A_494 = arith.extui %eq3A_493 : i1 to i32
      %cond3A_495 = arith.constant 0 : i32
      %cond3A_496 = arith.cmpi ne, %convert_element_type3A_494, %cond3A_495 : i32
      scf.if %cond3A_496 {
        %dma_wait3A_528 = arith.constant 0 : i32
        %dma_wait3A_529 = arith.constant 0 : i32
        %dma_wait3A_530 = tpu.memref_slice %arg7[%dma_wait3A_528, %dma_wait3A_529] : memref<128x256xf32, #tpu.memory_space<vmem>> -> memref<64x256xf32, #tpu.memory_space<vmem>>
        %dma_wait3A_531 = arith.constant 0 : i32
        %dma_wait3A_532 = arith.constant 0 : i32
        %dma_wait3A_533 = tpu.memref_slice %arg2[%dma_wait3A_531, %dma_wait3A_532] : memref<64x1000000xf32, #tpu.memory_space<hbm>> -> memref<64x256xf32, #tpu.memory_space<hbm>>
        %dma_wait3A_534 = arith.constant 0 : i32
        %dma_wait3A_535 = arith.constant 0 : i32
        %dma_wait3A_536 = tpu.memref_slice %arg7[%dma_wait3A_534, %dma_wait3A_535] : memref<128x256xf32, #tpu.memory_space<vmem>> -> memref<64x256xf32, #tpu.memory_space<vmem>>
        %dma_wait3A_537 = arith.constant 0 : i32
        %dma_wait3A_538 = arith.constant 0 : i32
        %dma_wait3A_539 = tpu.memref_slice %arg2[%dma_wait3A_537, %dma_wait3A_538] : memref<64x1000000xf32, #tpu.memory_space<hbm>> -> memref<64x256xf32, #tpu.memory_space<hbm>>
        tpu.wait_dma2 semaphore(%arg11 : memref<!tpu.dma_semaphore, #tpu.memory_space<semaphore_mem>>) src(%dma_wait3A_539 : memref<64x256xf32, #tpu.memory_space<hbm>>) dst(%dma_wait3A_536 : memref<64x256xf32, #tpu.memory_space<vmem>>)
      } else {
      }
      %eq3A_497 = arith.constant 1 : i32
      %eq3A_498 = arith.cmpi eq, %rem3A_491, %eq3A_497 : i32
      %convert_element_type3A_499 = arith.extui %eq3A_498 : i1 to i32
      %cond3A_500 = arith.constant 0 : i32
      %cond3A_501 = arith.cmpi ne, %convert_element_type3A_499, %cond3A_500 : i32
      scf.if %cond3A_501 {
        %dma_wait3A_528 = arith.constant 64 : i32
        %dma_wait3A_529 = arith.constant 0 : i32
        %dma_wait3A_530 = tpu.memref_slice %arg7[%dma_wait3A_528, %dma_wait3A_529] : memref<128x256xf32, #tpu.memory_space<vmem>> -> memref<64x256xf32, #tpu.memory_space<vmem>>
        %dma_wait3A_531 = arith.constant 0 : i32
        %dma_wait3A_532 = arith.constant 0 : i32
        %dma_wait3A_533 = tpu.memref_slice %arg2[%dma_wait3A_531, %dma_wait3A_532] : memref<64x1000000xf32, #tpu.memory_space<hbm>> -> memref<64x256xf32, #tpu.memory_space<hbm>>
        %dma_wait3A_534 = arith.constant 64 : i32
        %dma_wait3A_535 = arith.constant 0 : i32
        %dma_wait3A_536 = tpu.memref_slice %arg7[%dma_wait3A_534, %dma_wait3A_535] : memref<128x256xf32, #tpu.memory_space<vmem>> -> memref<64x256xf32, #tpu.memory_space<vmem>>
        %dma_wait3A_537 = arith.constant 0 : i32
        %dma_wait3A_538 = arith.constant 0 : i32
        %dma_wait3A_539 = tpu.memref_slice %arg2[%dma_wait3A_537, %dma_wait3A_538] : memref<64x1000000xf32, #tpu.memory_space<hbm>> -> memref<64x256xf32, #tpu.memory_space<hbm>>
        tpu.wait_dma2 semaphore(%arg12 : memref<!tpu.dma_semaphore, #tpu.memory_space<semaphore_mem>>) src(%dma_wait3A_539 : memref<64x256xf32, #tpu.memory_space<hbm>>) dst(%dma_wait3A_536 : memref<64x256xf32, #tpu.memory_space<vmem>>)
      } else {
      }
      %ge3A = arith.constant 2 : i32
      %ge3A_502 = arith.cmpi sge, %while3A_489, %ge3A : i32
      %convert_element_type3A_503 = arith.extui %ge3A_502 : i1 to i32
      %cond3A_504 = arith.constant 0 : i32
      %cond3A_505 = arith.cmpi ne, %convert_element_type3A_503, %cond3A_504 : i32
      scf.if %cond3A_505 {
        %eq3A_528 = arith.constant 0 : i32
        %eq3A_529 = arith.cmpi eq, %rem3A_491, %eq3A_528 : i32
        %convert_element_type3A_530 = arith.extui %eq3A_529 : i1 to i32
        %cond3A_531 = arith.constant 0 : i32
        %cond3A_532 = arith.cmpi ne, %convert_element_type3A_530, %cond3A_531 : i32
        scf.if %cond3A_532 {
          %dma_wait3A_538 = arith.constant 0 : i32
          %dma_wait3A_539 = tpu.memref_slice %arg8[%dma_wait3A_538] : memref<32768xf32, #tpu.memory_space<vmem>> -> memref<16384xf32, #tpu.memory_space<vmem>>
          %dma_wait3A_540 = arith.constant 0 : i32
          %dma_wait3A_541 = tpu.memref_slice %arg5[%dma_wait3A_540] : memref<64000000xf32, #tpu.memory_space<hbm>> -> memref<16384xf32, #tpu.memory_space<hbm>>
          %dma_wait3A_542 = arith.constant 0 : i32
          %dma_wait3A_543 = tpu.memref_slice %arg5[%dma_wait3A_542] : memref<64000000xf32, #tpu.memory_space<hbm>> -> memref<16384xf32, #tpu.memory_space<hbm>>
          %dma_wait3A_544 = arith.constant 0 : i32
          %dma_wait3A_545 = tpu.memref_slice %arg8[%dma_wait3A_544] : memref<32768xf32, #tpu.memory_space<vmem>> -> memref<16384xf32, #tpu.memory_space<vmem>>
          tpu.wait_dma2 semaphore(%arg13 : memref<!tpu.dma_semaphore, #tpu.memory_space<semaphore_mem>>) src(%dma_wait3A_545 : memref<16384xf32, #tpu.memory_space<vmem>>) dst(%dma_wait3A_543 : memref<16384xf32, #tpu.memory_space<hbm>>)
        } else {
        }
        %eq3A_533 = arith.constant 1 : i32
        %eq3A_534 = arith.cmpi eq, %rem3A_491, %eq3A_533 : i32
        %convert_element_type3A_535 = arith.extui %eq3A_534 : i1 to i32
        %cond3A_536 = arith.constant 0 : i32
        %cond3A_537 = arith.cmpi ne, %convert_element_type3A_535, %cond3A_536 : i32
        scf.if %cond3A_537 {
          %dma_wait3A_538 = arith.constant 16384 : i32
          %dma_wait3A_539 = tpu.memref_slice %arg8[%dma_wait3A_538] : memref<32768xf32, #tpu.memory_space<vmem>> -> memref<16384xf32, #tpu.memory_space<vmem>>
          %dma_wait3A_540 = arith.constant 0 : i32
          %dma_wait3A_541 = tpu.memref_slice %arg5[%dma_wait3A_540] : memref<64000000xf32, #tpu.memory_space<hbm>> -> memref<16384xf32, #tpu.memory_space<hbm>>
          %dma_wait3A_542 = arith.constant 0 : i32
          %dma_wait3A_543 = tpu.memref_slice %arg5[%dma_wait3A_542] : memref<64000000xf32, #tpu.memory_space<hbm>> -> memref<16384xf32, #tpu.memory_space<hbm>>
          %dma_wait3A_544 = arith.constant 16384 : i32
          %dma_wait3A_545 = tpu.memref_slice %arg8[%dma_wait3A_544] : memref<32768xf32, #tpu.memory_space<vmem>> -> memref<16384xf32, #tpu.memory_space<vmem>>
          tpu.wait_dma2 semaphore(%arg14 : memref<!tpu.dma_semaphore, #tpu.memory_space<semaphore_mem>>) src(%dma_wait3A_545 : memref<16384xf32, #tpu.memory_space<vmem>>) dst(%dma_wait3A_543 : memref<16384xf32, #tpu.memory_space<hbm>>)
        } else {
        }
      } else {
      }
      %mul3A_506 = arith.constant 64 : i32
      %mul3A_507 = arith.muli %rem3A_491, %mul3A_506 : i32
      %mul3A_508 = arith.constant 16384 : i32
      %mul3A_509 = arith.muli %rem3A_491, %mul3A_508 : i32
      %parallel_loop3A = arith.constant 0 : i32
      %parallel_loop3A_510 = arith.constant 256 : i32
      %parallel_loop3A_511 = arith.constant 16 : i32
      scf.for %parallel_loop3A_528 = %parallel_loop3A to %parallel_loop3A_510 step %parallel_loop3A_511  : i32 {
        %parallel_loop3A_529 = vector.broadcast %parallel_loop3A_528 : i32 to vector<16xi32>
        %parallel_loop3A_530 = arith.addi %parallel_loop3A_529, %iota3A : vector<16xi32>
        %parallel_loop3A_531 = arith.constant 64 : i32
        %parallel_loop3A_532 = arith.muli %parallel_loop3A_528, %parallel_loop3A_531 : i32
        %parallel_loop3A_533 = arith.addi %parallel_loop3A_532, %mul3A_509 : i32
        %parallel_loop3A_534 = vector.broadcast %parallel_loop3A_533 : i32 to vector<16xi32>
        %parallel_loop3A_535 = arith.addi %mul3A_432, %parallel_loop3A_534 : vector<16xi32>
        %parallel_loop3A_536 = arith.constant 0 : i32
        %parallel_loop3A_537 = vector.broadcast %parallel_loop3A_536 : i32 to vector<16xi32>
        %parallel_loop3A_538 = arith.addi %parallel_loop3A_535, %parallel_loop3A_537 : vector<16xi32>
        %parallel_loop3A_539 = arith.constant 0 : i32
        %parallel_loop3A_540 = arith.addi %mul3A_507, %parallel_loop3A_539 : i32
        %parallel_loop3A_541 = vector.broadcast %parallel_loop3A_540 : i32 to vector<16xi32>
        %parallel_loop3A_542 = arith.addi %parallel_loop3A_541, %select_n3A_54 : vector<16xi32>
        %parallel_loop3A_543 = tpu.vector_load_idx %arg7[%parallel_loop3A_542, %parallel_loop3A_530] : memref<128x256xf32, #tpu.memory_space<vmem>>[vector<16xi32>, vector<16xi32>], vector<16xf32>,
        %parallel_loop3A_544 = arith.constant 0 : i32
        %parallel_loop3A_545 = arith.addi %mul3A_507, %parallel_loop3A_544 : i32
        %parallel_loop3A_546 = vector.broadcast %parallel_loop3A_545 : i32 to vector<16xi32>
        %parallel_loop3A_547 = arith.addi %parallel_loop3A_546, %select_n3A_79 : vector<16xi32>
        %parallel_loop3A_548 = tpu.vector_load_idx %arg7[%parallel_loop3A_547, %parallel_loop3A_530] : memref<128x256xf32, #tpu.memory_space<vmem>>[vector<16xi32>, vector<16xi32>], vector<16xf32>,
        %parallel_loop3A_549 = arith.constant 0 : i32
        %parallel_loop3A_550 = arith.addi %mul3A_507, %parallel_loop3A_549 : i32
        %parallel_loop3A_551 = vector.broadcast %parallel_loop3A_550 : i32 to vector<16xi32>
        %parallel_loop3A_552 = arith.addi %parallel_loop3A_551, %select_n3A_104 : vector<16xi32>
        %parallel_loop3A_553 = tpu.vector_load_idx %arg7[%parallel_loop3A_552, %parallel_loop3A_530] : memref<128x256xf32, #tpu.memory_space<vmem>>[vector<16xi32>, vector<16xi32>], vector<16xf32>,
        %parallel_loop3A_554 = arith.constant 0 : i32
        %parallel_loop3A_555 = arith.addi %mul3A_507, %parallel_loop3A_554 : i32
        %parallel_loop3A_556 = vector.broadcast %parallel_loop3A_555 : i32 to vector<16xi32>
        %parallel_loop3A_557 = arith.addi %parallel_loop3A_556, %select_n3A_129 : vector<16xi32>
        %parallel_loop3A_558 = tpu.vector_load_idx %arg7[%parallel_loop3A_557, %parallel_loop3A_530] : memref<128x256xf32, #tpu.memory_space<vmem>>[vector<16xi32>, vector<16xi32>], vector<16xf32>,
        %parallel_loop3A_559 = arith.constant 0 : i32
        %parallel_loop3A_560 = arith.addi %mul3A_507, %parallel_loop3A_559 : i32
        %parallel_loop3A_561 = vector.broadcast %parallel_loop3A_560 : i32 to vector<16xi32>
        %parallel_loop3A_562 = arith.addi %parallel_loop3A_561, %select_n3A_154 : vector<16xi32>
        %parallel_loop3A_563 = tpu.vector_load_idx %arg7[%parallel_loop3A_562, %parallel_loop3A_530] : memref<128x256xf32, #tpu.memory_space<vmem>>[vector<16xi32>, vector<16xi32>], vector<16xf32>,
        %parallel_loop3A_564 = arith.constant 0 : i32
        %parallel_loop3A_565 = arith.addi %mul3A_507, %parallel_loop3A_564 : i32
        %parallel_loop3A_566 = vector.broadcast %parallel_loop3A_565 : i32 to vector<16xi32>
        %parallel_loop3A_567 = arith.addi %parallel_loop3A_566, %select_n3A_179 : vector<16xi32>
        %parallel_loop3A_568 = tpu.vector_load_idx %arg7[%parallel_loop3A_567, %parallel_loop3A_530] : memref<128x256xf32, #tpu.memory_space<vmem>>[vector<16xi32>, vector<16xi32>], vector<16xf32>,
        %parallel_loop3A_569 = arith.constant 0 : i32
        %parallel_loop3A_570 = arith.addi %mul3A_507, %parallel_loop3A_569 : i32
        %parallel_loop3A_571 = vector.broadcast %parallel_loop3A_570 : i32 to vector<16xi32>
        %parallel_loop3A_572 = arith.addi %parallel_loop3A_571, %select_n3A_204 : vector<16xi32>
        %parallel_loop3A_573 = tpu.vector_load_idx %arg7[%parallel_loop3A_572, %parallel_loop3A_530] : memref<128x256xf32, #tpu.memory_space<vmem>>[vector<16xi32>, vector<16xi32>], vector<16xf32>,
        %parallel_loop3A_574 = arith.constant 0 : i32
        %parallel_loop3A_575 = arith.addi %mul3A_507, %parallel_loop3A_574 : i32
        %parallel_loop3A_576 = vector.broadcast %parallel_loop3A_575 : i32 to vector<16xi32>
        %parallel_loop3A_577 = arith.addi %parallel_loop3A_576, %select_n3A_229 : vector<16xi32>
        %parallel_loop3A_578 = tpu.vector_load_idx %arg7[%parallel_loop3A_577, %parallel_loop3A_530] : memref<128x256xf32, #tpu.memory_space<vmem>>[vector<16xi32>, vector<16xi32>], vector<16xf32>,
        %parallel_loop3A_579 = arith.addi %parallel_loop3A_538, %select_n3A_54 : vector<16xi32>
        tpu.vector_store_idx %arg8[%parallel_loop3A_579], %parallel_loop3A_543 : memref<32768xf32, #tpu.memory_space<vmem>>[vector<16xi32>], vector<16xf32>,
        %parallel_loop3A_580 = arith.addi %parallel_loop3A_538, %select_n3A_79 : vector<16xi32>
        tpu.vector_store_idx %arg8[%parallel_loop3A_580], %parallel_loop3A_548 : memref<32768xf32, #tpu.memory_space<vmem>>[vector<16xi32>], vector<16xf32>,
        %parallel_loop3A_581 = arith.addi %parallel_loop3A_538, %select_n3A_104 : vector<16xi32>
        tpu.vector_store_idx %arg8[%parallel_loop3A_581], %parallel_loop3A_553 : memref<32768xf32, #tpu.memory_space<vmem>>[vector<16xi32>], vector<16xf32>,
        %parallel_loop3A_582 = arith.addi %parallel_loop3A_538, %select_n3A_129 : vector<16xi32>
        tpu.vector_store_idx %arg8[%parallel_loop3A_582], %parallel_loop3A_558 : memref<32768xf32, #tpu.memory_space<vmem>>[vector<16xi32>], vector<16xf32>,
        %parallel_loop3A_583 = arith.addi %parallel_loop3A_538, %select_n3A_154 : vector<16xi32>
        tpu.vector_store_idx %arg8[%parallel_loop3A_583], %parallel_loop3A_563 : memref<32768xf32, #tpu.memory_space<vmem>>[vector<16xi32>], vector<16xf32>,
        %parallel_loop3A_584 = arith.addi %parallel_loop3A_538, %select_n3A_179 : vector<16xi32>
        tpu.vector_store_idx %arg8[%parallel_loop3A_584], %parallel_loop3A_568 : memref<32768xf32, #tpu.memory_space<vmem>>[vector<16xi32>], vector<16xf32>,
        %parallel_loop3A_585 = arith.addi %parallel_loop3A_538, %select_n3A_204 : vector<16xi32>
        tpu.vector_store_idx %arg8[%parallel_loop3A_585], %parallel_loop3A_573 : memref<32768xf32, #tpu.memory_space<vmem>>[vector<16xi32>], vector<16xf32>,
        %parallel_loop3A_586 = arith.addi %parallel_loop3A_538, %select_n3A_229 : vector<16xi32>
        tpu.vector_store_idx %arg8[%parallel_loop3A_586], %parallel_loop3A_578 : memref<32768xf32, #tpu.memory_space<vmem>>[vector<16xi32>], vector<16xf32>,
        %parallel_loop3A_587 = arith.constant 0 : i32
        %parallel_loop3A_588 = arith.addi %mul3A_507, %parallel_loop3A_587 : i32
        %parallel_loop3A_589 = vector.broadcast %parallel_loop3A_588 : i32 to vector<16xi32>
        %parallel_loop3A_590 = arith.addi %parallel_loop3A_589, %select_n3A_254 : vector<16xi32>
        %parallel_loop3A_591 = tpu.vector_load_idx %arg7[%parallel_loop3A_590, %parallel_loop3A_530] : memref<128x256xf32, #tpu.memory_space<vmem>>[vector<16xi32>, vector<16xi32>], vector<16xf32>,
        %parallel_loop3A_592 = arith.constant 0 : i32
        %parallel_loop3A_593 = arith.addi %mul3A_507, %parallel_loop3A_592 : i32
        %parallel_loop3A_594 = vector.broadcast %parallel_loop3A_593 : i32 to vector<16xi32>
        %parallel_loop3A_595 = arith.addi %parallel_loop3A_594, %select_n3A_279 : vector<16xi32>
        %parallel_loop3A_596 = tpu.vector_load_idx %arg7[%parallel_loop3A_595, %parallel_loop3A_530] : memref<128x256xf32, #tpu.memory_space<vmem>>[vector<16xi32>, vector<16xi32>], vector<16xf32>,
        %parallel_loop3A_597 = arith.constant 0 : i32
        %parallel_loop3A_598 = arith.addi %mul3A_507, %parallel_loop3A_597 : i32
        %parallel_loop3A_599 = vector.broadcast %parallel_loop3A_598 : i32 to vector<16xi32>
        %parallel_loop3A_600 = arith.addi %parallel_loop3A_599, %select_n3A_304 : vector<16xi32>
        %parallel_loop3A_601 = tpu.vector_load_idx %arg7[%parallel_loop3A_600, %parallel_loop3A_530] : memref<128x256xf32, #tpu.memory_space<vmem>>[vector<16xi32>, vector<16xi32>], vector<16xf32>,
        %parallel_loop3A_602 = arith.constant 0 : i32
        %parallel_loop3A_603 = arith.addi %mul3A_507, %parallel_loop3A_602 : i32
        %parallel_loop3A_604 = vector.broadcast %parallel_loop3A_603 : i32 to vector<16xi32>
        %parallel_loop3A_605 = arith.addi %parallel_loop3A_604, %select_n3A_329 : vector<16xi32>
        %parallel_loop3A_606 = tpu.vector_load_idx %arg7[%parallel_loop3A_605, %parallel_loop3A_530] : memref<128x256xf32, #tpu.memory_space<vmem>>[vector<16xi32>, vector<16xi32>], vector<16xf32>,
        %parallel_loop3A_607 = arith.constant 0 : i32
        %parallel_loop3A_608 = arith.addi %mul3A_507, %parallel_loop3A_607 : i32
        %parallel_loop3A_609 = vector.broadcast %parallel_loop3A_608 : i32 to vector<16xi32>
        %parallel_loop3A_610 = arith.addi %parallel_loop3A_609, %select_n3A_354 : vector<16xi32>
        %parallel_loop3A_611 = tpu.vector_load_idx %arg7[%parallel_loop3A_610, %parallel_loop3A_530] : memref<128x256xf32, #tpu.memory_space<vmem>>[vector<16xi32>, vector<16xi32>], vector<16xf32>,
        %parallel_loop3A_612 = arith.constant 0 : i32
        %parallel_loop3A_613 = arith.addi %mul3A_507, %parallel_loop3A_612 : i32
        %parallel_loop3A_614 = vector.broadcast %parallel_loop3A_613 : i32 to vector<16xi32>
        %parallel_loop3A_615 = arith.addi %parallel_loop3A_614, %select_n3A_379 : vector<16xi32>
        %parallel_loop3A_616 = tpu.vector_load_idx %arg7[%parallel_loop3A_615, %parallel_loop3A_530] : memref<128x256xf32, #tpu.memory_space<vmem>>[vector<16xi32>, vector<16xi32>], vector<16xf32>,
        %parallel_loop3A_617 = arith.constant 0 : i32
        %parallel_loop3A_618 = arith.addi %mul3A_507, %parallel_loop3A_617 : i32
        %parallel_loop3A_619 = vector.broadcast %parallel_loop3A_618 : i32 to vector<16xi32>
        %parallel_loop3A_620 = arith.addi %parallel_loop3A_619, %select_n3A_404 : vector<16xi32>
        %parallel_loop3A_621 = tpu.vector_load_idx %arg7[%parallel_loop3A_620, %parallel_loop3A_530] : memref<128x256xf32, #tpu.memory_space<vmem>>[vector<16xi32>, vector<16xi32>], vector<16xf32>,
        %parallel_loop3A_622 = arith.constant 0 : i32
        %parallel_loop3A_623 = arith.addi %mul3A_507, %parallel_loop3A_622 : i32
        %parallel_loop3A_624 = vector.broadcast %parallel_loop3A_623 : i32 to vector<16xi32>
        %parallel_loop3A_625 = arith.addi %parallel_loop3A_624, %select_n3A_429 : vector<16xi32>
        %parallel_loop3A_626 = tpu.vector_load_idx %arg7[%parallel_loop3A_625, %parallel_loop3A_530] : memref<128x256xf32, #tpu.memory_space<vmem>>[vector<16xi32>, vector<16xi32>], vector<16xf32>,
        %parallel_loop3A_627 = arith.addi %parallel_loop3A_538, %select_n3A_254 : vector<16xi32>
        tpu.vector_store_idx %arg8[%parallel_loop3A_627], %parallel_loop3A_591 : memref<32768xf32, #tpu.memory_space<vmem>>[vector<16xi32>], vector<16xf32>,
        %parallel_loop3A_628 = arith.addi %parallel_loop3A_538, %select_n3A_279 : vector<16xi32>
        tpu.vector_store_idx %arg8[%parallel_loop3A_628], %parallel_loop3A_596 : memref<32768xf32, #tpu.memory_space<vmem>>[vector<16xi32>], vector<16xf32>,
        %parallel_loop3A_629 = arith.addi %parallel_loop3A_538, %select_n3A_304 : vector<16xi32>
        tpu.vector_store_idx %arg8[%parallel_loop3A_629], %parallel_loop3A_601 : memref<32768xf32, #tpu.memory_space<vmem>>[vector<16xi32>], vector<16xf32>,
        %parallel_loop3A_630 = arith.addi %parallel_loop3A_538, %select_n3A_329 : vector<16xi32>
        tpu.vector_store_idx %arg8[%parallel_loop3A_630], %parallel_loop3A_606 : memref<32768xf32, #tpu.memory_space<vmem>>[vector<16xi32>], vector<16xf32>,
        %parallel_loop3A_631 = arith.addi %parallel_loop3A_538, %select_n3A_354 : vector<16xi32>
        tpu.vector_store_idx %arg8[%parallel_loop3A_631], %parallel_loop3A_611 : memref<32768xf32, #tpu.memory_space<vmem>>[vector<16xi32>], vector<16xf32>,
        %parallel_loop3A_632 = arith.addi %parallel_loop3A_538, %select_n3A_379 : vector<16xi32>
        tpu.vector_store_idx %arg8[%parallel_loop3A_632], %parallel_loop3A_616 : memref<32768xf32, #tpu.memory_space<vmem>>[vector<16xi32>], vector<16xf32>,
        %parallel_loop3A_633 = arith.addi %parallel_loop3A_538, %select_n3A_404 : vector<16xi32>
        tpu.vector_store_idx %arg8[%parallel_loop3A_633], %parallel_loop3A_621 : memref<32768xf32, #tpu.memory_space<vmem>>[vector<16xi32>], vector<16xf32>,
        %parallel_loop3A_634 = arith.addi %parallel_loop3A_538, %select_n3A_429 : vector<16xi32>
        tpu.vector_store_idx %arg8[%parallel_loop3A_634], %parallel_loop3A_626 : memref<32768xf32, #tpu.memory_space<vmem>>[vector<16xi32>], vector<16xf32>,
        %parallel_loop3A_635 = arith.constant 16 : i32
        %parallel_loop3A_636 = vector.broadcast %parallel_loop3A_635 : i32 to vector<16xi32>
        %parallel_loop3A_637 = arith.addi %parallel_loop3A_535, %parallel_loop3A_636 : vector<16xi32>
        %parallel_loop3A_638 = arith.constant 16 : i32
        %parallel_loop3A_639 = arith.addi %mul3A_507, %parallel_loop3A_638 : i32
        %parallel_loop3A_640 = vector.broadcast %parallel_loop3A_639 : i32 to vector<16xi32>
        %parallel_loop3A_641 = arith.addi %parallel_loop3A_640, %select_n3A_54 : vector<16xi32>
        %parallel_loop3A_642 = tpu.vector_load_idx %arg7[%parallel_loop3A_641, %parallel_loop3A_530] : memref<128x256xf32, #tpu.memory_space<vmem>>[vector<16xi32>, vector<16xi32>], vector<16xf32>,
        %parallel_loop3A_643 = arith.constant 16 : i32
        %parallel_loop3A_644 = arith.addi %mul3A_507, %parallel_loop3A_643 : i32
        %parallel_loop3A_645 = vector.broadcast %parallel_loop3A_644 : i32 to vector<16xi32>
        %parallel_loop3A_646 = arith.addi %parallel_loop3A_645, %select_n3A_79 : vector<16xi32>
        %parallel_loop3A_647 = tpu.vector_load_idx %arg7[%parallel_loop3A_646, %parallel_loop3A_530] : memref<128x256xf32, #tpu.memory_space<vmem>>[vector<16xi32>, vector<16xi32>], vector<16xf32>,
        %parallel_loop3A_648 = arith.constant 16 : i32
        %parallel_loop3A_649 = arith.addi %mul3A_507, %parallel_loop3A_648 : i32
        %parallel_loop3A_650 = vector.broadcast %parallel_loop3A_649 : i32 to vector<16xi32>
        %parallel_loop3A_651 = arith.addi %parallel_loop3A_650, %select_n3A_104 : vector<16xi32>
        %parallel_loop3A_652 = tpu.vector_load_idx %arg7[%parallel_loop3A_651, %parallel_loop3A_530] : memref<128x256xf32, #tpu.memory_space<vmem>>[vector<16xi32>, vector<16xi32>], vector<16xf32>,
        %parallel_loop3A_653 = arith.constant 16 : i32
        %parallel_loop3A_654 = arith.addi %mul3A_507, %parallel_loop3A_653 : i32
        %parallel_loop3A_655 = vector.broadcast %parallel_loop3A_654 : i32 to vector<16xi32>
        %parallel_loop3A_656 = arith.addi %parallel_loop3A_655, %select_n3A_129 : vector<16xi32>
        %parallel_loop3A_657 = tpu.vector_load_idx %arg7[%parallel_loop3A_656, %parallel_loop3A_530] : memref<128x256xf32, #tpu.memory_space<vmem>>[vector<16xi32>, vector<16xi32>], vector<16xf32>,
        %parallel_loop3A_658 = arith.constant 16 : i32
        %parallel_loop3A_659 = arith.addi %mul3A_507, %parallel_loop3A_658 : i32
        %parallel_loop3A_660 = vector.broadcast %parallel_loop3A_659 : i32 to vector<16xi32>
        %parallel_loop3A_661 = arith.addi %parallel_loop3A_660, %select_n3A_154 : vector<16xi32>
        %parallel_loop3A_662 = tpu.vector_load_idx %arg7[%parallel_loop3A_661, %parallel_loop3A_530] : memref<128x256xf32, #tpu.memory_space<vmem>>[vector<16xi32>, vector<16xi32>], vector<16xf32>,
        %parallel_loop3A_663 = arith.constant 16 : i32
        %parallel_loop3A_664 = arith.addi %mul3A_507, %parallel_loop3A_663 : i32
        %parallel_loop3A_665 = vector.broadcast %parallel_loop3A_664 : i32 to vector<16xi32>
        %parallel_loop3A_666 = arith.addi %parallel_loop3A_665, %select_n3A_179 : vector<16xi32>
        %parallel_loop3A_667 = tpu.vector_load_idx %arg7[%parallel_loop3A_666, %parallel_loop3A_530] : memref<128x256xf32, #tpu.memory_space<vmem>>[vector<16xi32>, vector<16xi32>], vector<16xf32>,
        %parallel_loop3A_668 = arith.constant 16 : i32
        %parallel_loop3A_669 = arith.addi %mul3A_507, %parallel_loop3A_668 : i32
        %parallel_loop3A_670 = vector.broadcast %parallel_loop3A_669 : i32 to vector<16xi32>
        %parallel_loop3A_671 = arith.addi %parallel_loop3A_670, %select_n3A_204 : vector<16xi32>
        %parallel_loop3A_672 = tpu.vector_load_idx %arg7[%parallel_loop3A_671, %parallel_loop3A_530] : memref<128x256xf32, #tpu.memory_space<vmem>>[vector<16xi32>, vector<16xi32>], vector<16xf32>,
        %parallel_loop3A_673 = arith.constant 16 : i32
        %parallel_loop3A_674 = arith.addi %mul3A_507, %parallel_loop3A_673 : i32
        %parallel_loop3A_675 = vector.broadcast %parallel_loop3A_674 : i32 to vector<16xi32>
        %parallel_loop3A_676 = arith.addi %parallel_loop3A_675, %select_n3A_229 : vector<16xi32>
        %parallel_loop3A_677 = tpu.vector_load_idx %arg7[%parallel_loop3A_676, %parallel_loop3A_530] : memref<128x256xf32, #tpu.memory_space<vmem>>[vector<16xi32>, vector<16xi32>], vector<16xf32>,
        %parallel_loop3A_678 = arith.addi %parallel_loop3A_637, %select_n3A_54 : vector<16xi32>
        tpu.vector_store_idx %arg8[%parallel_loop3A_678], %parallel_loop3A_642 : memref<32768xf32, #tpu.memory_space<vmem>>[vector<16xi32>], vector<16xf32>,
        %parallel_loop3A_679 = arith.addi %parallel_loop3A_637, %select_n3A_79 : vector<16xi32>
        tpu.vector_store_idx %arg8[%parallel_loop3A_679], %parallel_loop3A_647 : memref<32768xf32, #tpu.memory_space<vmem>>[vector<16xi32>], vector<16xf32>,
        %parallel_loop3A_680 = arith.addi %parallel_loop3A_637, %select_n3A_104 : vector<16xi32>
        tpu.vector_store_idx %arg8[%parallel_loop3A_680], %parallel_loop3A_652 : memref<32768xf32, #tpu.memory_space<vmem>>[vector<16xi32>], vector<16xf32>,
        %parallel_loop3A_681 = arith.addi %parallel_loop3A_637, %select_n3A_129 : vector<16xi32>
        tpu.vector_store_idx %arg8[%parallel_loop3A_681], %parallel_loop3A_657 : memref<32768xf32, #tpu.memory_space<vmem>>[vector<16xi32>], vector<16xf32>,
        %parallel_loop3A_682 = arith.addi %parallel_loop3A_637, %select_n3A_154 : vector<16xi32>
        tpu.vector_store_idx %arg8[%parallel_loop3A_682], %parallel_loop3A_662 : memref<32768xf32, #tpu.memory_space<vmem>>[vector<16xi32>], vector<16xf32>,
        %parallel_loop3A_683 = arith.addi %parallel_loop3A_637, %select_n3A_179 : vector<16xi32>
        tpu.vector_store_idx %arg8[%parallel_loop3A_683], %parallel_loop3A_667 : memref<32768xf32, #tpu.memory_space<vmem>>[vector<16xi32>], vector<16xf32>,
        %parallel_loop3A_684 = arith.addi %parallel_loop3A_637, %select_n3A_204 : vector<16xi32>
        tpu.vector_store_idx %arg8[%parallel_loop3A_684], %parallel_loop3A_672 : memref<32768xf32, #tpu.memory_space<vmem>>[vector<16xi32>], vector<16xf32>,
        %parallel_loop3A_685 = arith.addi %parallel_loop3A_637, %select_n3A_229 : vector<16xi32>
        tpu.vector_store_idx %arg8[%parallel_loop3A_685], %parallel_loop3A_677 : memref<32768xf32, #tpu.memory_space<vmem>>[vector<16xi32>], vector<16xf32>,
        %parallel_loop3A_686 = arith.constant 16 : i32
        %parallel_loop3A_687 = arith.addi %mul3A_507, %parallel_loop3A_686 : i32
        %parallel_loop3A_688 = vector.broadcast %parallel_loop3A_687 : i32 to vector<16xi32>
        %parallel_loop3A_689 = arith.addi %parallel_loop3A_688, %select_n3A_254 : vector<16xi32>
        %parallel_loop3A_690 = tpu.vector_load_idx %arg7[%parallel_loop3A_689, %parallel_loop3A_530] : memref<128x256xf32, #tpu.memory_space<vmem>>[vector<16xi32>, vector<16xi32>], vector<16xf32>,
        %parallel_loop3A_691 = arith.constant 16 : i32
        %parallel_loop3A_692 = arith.addi %mul3A_507, %parallel_loop3A_691 : i32
        %parallel_loop3A_693 = vector.broadcast %parallel_loop3A_692 : i32 to vector<16xi32>
        %parallel_loop3A_694 = arith.addi %parallel_loop3A_693, %select_n3A_279 : vector<16xi32>
        %parallel_loop3A_695 = tpu.vector_load_idx %arg7[%parallel_loop3A_694, %parallel_loop3A_530] : memref<128x256xf32, #tpu.memory_space<vmem>>[vector<16xi32>, vector<16xi32>], vector<16xf32>,
        %parallel_loop3A_696 = arith.constant 16 : i32
        %parallel_loop3A_697 = arith.addi %mul3A_507, %parallel_loop3A_696 : i32
        %parallel_loop3A_698 = vector.broadcast %parallel_loop3A_697 : i32 to vector<16xi32>
        %parallel_loop3A_699 = arith.addi %parallel_loop3A_698, %select_n3A_304 : vector<16xi32>
        %parallel_loop3A_700 = tpu.vector_load_idx %arg7[%parallel_loop3A_699, %parallel_loop3A_530] : memref<128x256xf32, #tpu.memory_space<vmem>>[vector<16xi32>, vector<16xi32>], vector<16xf32>,
        %parallel_loop3A_701 = arith.constant 16 : i32
        %parallel_loop3A_702 = arith.addi %mul3A_507, %parallel_loop3A_701 : i32
        %parallel_loop3A_703 = vector.broadcast %parallel_loop3A_702 : i32 to vector<16xi32>
        %parallel_loop3A_704 = arith.addi %parallel_loop3A_703, %select_n3A_329 : vector<16xi32>
        %parallel_loop3A_705 = tpu.vector_load_idx %arg7[%parallel_loop3A_704, %parallel_loop3A_530] : memref<128x256xf32, #tpu.memory_space<vmem>>[vector<16xi32>, vector<16xi32>], vector<16xf32>,
        %parallel_loop3A_706 = arith.constant 16 : i32
        %parallel_loop3A_707 = arith.addi %mul3A_507, %parallel_loop3A_706 : i32
        %parallel_loop3A_708 = vector.broadcast %parallel_loop3A_707 : i32 to vector<16xi32>
        %parallel_loop3A_709 = arith.addi %parallel_loop3A_708, %select_n3A_354 : vector<16xi32>
        %parallel_loop3A_710 = tpu.vector_load_idx %arg7[%parallel_loop3A_709, %parallel_loop3A_530] : memref<128x256xf32, #tpu.memory_space<vmem>>[vector<16xi32>, vector<16xi32>], vector<16xf32>,
        %parallel_loop3A_711 = arith.constant 16 : i32
        %parallel_loop3A_712 = arith.addi %mul3A_507, %parallel_loop3A_711 : i32
        %parallel_loop3A_713 = vector.broadcast %parallel_loop3A_712 : i32 to vector<16xi32>
        %parallel_loop3A_714 = arith.addi %parallel_loop3A_713, %select_n3A_379 : vector<16xi32>
        %parallel_loop3A_715 = tpu.vector_load_idx %arg7[%parallel_loop3A_714, %parallel_loop3A_530] : memref<128x256xf32, #tpu.memory_space<vmem>>[vector<16xi32>, vector<16xi32>], vector<16xf32>,
        %parallel_loop3A_716 = arith.constant 16 : i32
        %parallel_loop3A_717 = arith.addi %mul3A_507, %parallel_loop3A_716 : i32
        %parallel_loop3A_718 = vector.broadcast %parallel_loop3A_717 : i32 to vector<16xi32>
        %parallel_loop3A_719 = arith.addi %parallel_loop3A_718, %select_n3A_404 : vector<16xi32>
        %parallel_loop3A_720 = tpu.vector_load_idx %arg7[%parallel_loop3A_719, %parallel_loop3A_530] : memref<128x256xf32, #tpu.memory_space<vmem>>[vector<16xi32>, vector<16xi32>], vector<16xf32>,
        %parallel_loop3A_721 = arith.constant 16 : i32
        %parallel_loop3A_722 = arith.addi %mul3A_507, %parallel_loop3A_721 : i32
        %parallel_loop3A_723 = vector.broadcast %parallel_loop3A_722 : i32 to vector<16xi32>
        %parallel_loop3A_724 = arith.addi %parallel_loop3A_723, %select_n3A_429 : vector<16xi32>
        %parallel_loop3A_725 = tpu.vector_load_idx %arg7[%parallel_loop3A_724, %parallel_loop3A_530] : memref<128x256xf32, #tpu.memory_space<vmem>>[vector<16xi32>, vector<16xi32>], vector<16xf32>,
        %parallel_loop3A_726 = arith.addi %parallel_loop3A_637, %select_n3A_254 : vector<16xi32>
        tpu.vector_store_idx %arg8[%parallel_loop3A_726], %parallel_loop3A_690 : memref<32768xf32, #tpu.memory_space<vmem>>[vector<16xi32>], vector<16xf32>,
        %parallel_loop3A_727 = arith.addi %parallel_loop3A_637, %select_n3A_279 : vector<16xi32>
        tpu.vector_store_idx %arg8[%parallel_loop3A_727], %parallel_loop3A_695 : memref<32768xf32, #tpu.memory_space<vmem>>[vector<16xi32>], vector<16xf32>,
        %parallel_loop3A_728 = arith.addi %parallel_loop3A_637, %select_n3A_304 : vector<16xi32>
        tpu.vector_store_idx %arg8[%parallel_loop3A_728], %parallel_loop3A_700 : memref<32768xf32, #tpu.memory_space<vmem>>[vector<16xi32>], vector<16xf32>,
        %parallel_loop3A_729 = arith.addi %parallel_loop3A_637, %select_n3A_329 : vector<16xi32>
        tpu.vector_store_idx %arg8[%parallel_loop3A_729], %parallel_loop3A_705 : memref<32768xf32, #tpu.memory_space<vmem>>[vector<16xi32>], vector<16xf32>,
        %parallel_loop3A_730 = arith.addi %parallel_loop3A_637, %select_n3A_354 : vector<16xi32>
        tpu.vector_store_idx %arg8[%parallel_loop3A_730], %parallel_loop3A_710 : memref<32768xf32, #tpu.memory_space<vmem>>[vector<16xi32>], vector<16xf32>,
        %parallel_loop3A_731 = arith.addi %parallel_loop3A_637, %select_n3A_379 : vector<16xi32>
        tpu.vector_store_idx %arg8[%parallel_loop3A_731], %parallel_loop3A_715 : memref<32768xf32, #tpu.memory_space<vmem>>[vector<16xi32>], vector<16xf32>,
        %parallel_loop3A_732 = arith.addi %parallel_loop3A_637, %select_n3A_404 : vector<16xi32>
        tpu.vector_store_idx %arg8[%parallel_loop3A_732], %parallel_loop3A_720 : memref<32768xf32, #tpu.memory_space<vmem>>[vector<16xi32>], vector<16xf32>,
        %parallel_loop3A_733 = arith.addi %parallel_loop3A_637, %select_n3A_429 : vector<16xi32>
        tpu.vector_store_idx %arg8[%parallel_loop3A_733], %parallel_loop3A_725 : memref<32768xf32, #tpu.memory_space<vmem>>[vector<16xi32>], vector<16xf32>,
        %parallel_loop3A_734 = arith.constant 32 : i32
        %parallel_loop3A_735 = vector.broadcast %parallel_loop3A_734 : i32 to vector<16xi32>
        %parallel_loop3A_736 = arith.addi %parallel_loop3A_535, %parallel_loop3A_735 : vector<16xi32>
        %parallel_loop3A_737 = arith.constant 32 : i32
        %parallel_loop3A_738 = arith.addi %mul3A_507, %parallel_loop3A_737 : i32
        %parallel_loop3A_739 = vector.broadcast %parallel_loop3A_738 : i32 to vector<16xi32>
        %parallel_loop3A_740 = arith.addi %parallel_loop3A_739, %select_n3A_54 : vector<16xi32>
        %parallel_loop3A_741 = tpu.vector_load_idx %arg7[%parallel_loop3A_740, %parallel_loop3A_530] : memref<128x256xf32, #tpu.memory_space<vmem>>[vector<16xi32>, vector<16xi32>], vector<16xf32>,
        %parallel_loop3A_742 = arith.constant 32 : i32
        %parallel_loop3A_743 = arith.addi %mul3A_507, %parallel_loop3A_742 : i32
        %parallel_loop3A_744 = vector.broadcast %parallel_loop3A_743 : i32 to vector<16xi32>
        %parallel_loop3A_745 = arith.addi %parallel_loop3A_744, %select_n3A_79 : vector<16xi32>
        %parallel_loop3A_746 = tpu.vector_load_idx %arg7[%parallel_loop3A_745, %parallel_loop3A_530] : memref<128x256xf32, #tpu.memory_space<vmem>>[vector<16xi32>, vector<16xi32>], vector<16xf32>,
        %parallel_loop3A_747 = arith.constant 32 : i32
        %parallel_loop3A_748 = arith.addi %mul3A_507, %parallel_loop3A_747 : i32
        %parallel_loop3A_749 = vector.broadcast %parallel_loop3A_748 : i32 to vector<16xi32>
        %parallel_loop3A_750 = arith.addi %parallel_loop3A_749, %select_n3A_104 : vector<16xi32>
        %parallel_loop3A_751 = tpu.vector_load_idx %arg7[%parallel_loop3A_750, %parallel_loop3A_530] : memref<128x256xf32, #tpu.memory_space<vmem>>[vector<16xi32>, vector<16xi32>], vector<16xf32>,
        %parallel_loop3A_752 = arith.constant 32 : i32
        %parallel_loop3A_753 = arith.addi %mul3A_507, %parallel_loop3A_752 : i32
        %parallel_loop3A_754 = vector.broadcast %parallel_loop3A_753 : i32 to vector<16xi32>
        %parallel_loop3A_755 = arith.addi %parallel_loop3A_754, %select_n3A_129 : vector<16xi32>
        %parallel_loop3A_756 = tpu.vector_load_idx %arg7[%parallel_loop3A_755, %parallel_loop3A_530] : memref<128x256xf32, #tpu.memory_space<vmem>>[vector<16xi32>, vector<16xi32>], vector<16xf32>,
        %parallel_loop3A_757 = arith.constant 32 : i32
        %parallel_loop3A_758 = arith.addi %mul3A_507, %parallel_loop3A_757 : i32
        %parallel_loop3A_759 = vector.broadcast %parallel_loop3A_758 : i32 to vector<16xi32>
        %parallel_loop3A_760 = arith.addi %parallel_loop3A_759, %select_n3A_154 : vector<16xi32>
        %parallel_loop3A_761 = tpu.vector_load_idx %arg7[%parallel_loop3A_760, %parallel_loop3A_530] : memref<128x256xf32, #tpu.memory_space<vmem>>[vector<16xi32>, vector<16xi32>], vector<16xf32>,
        %parallel_loop3A_762 = arith.constant 32 : i32
        %parallel_loop3A_763 = arith.addi %mul3A_507, %parallel_loop3A_762 : i32
        %parallel_loop3A_764 = vector.broadcast %parallel_loop3A_763 : i32 to vector<16xi32>
        %parallel_loop3A_765 = arith.addi %parallel_loop3A_764, %select_n3A_179 : vector<16xi32>
        %parallel_loop3A_766 = tpu.vector_load_idx %arg7[%parallel_loop3A_765, %parallel_loop3A_530] : memref<128x256xf32, #tpu.memory_space<vmem>>[vector<16xi32>, vector<16xi32>], vector<16xf32>,
        %parallel_loop3A_767 = arith.constant 32 : i32
        %parallel_loop3A_768 = arith.addi %mul3A_507, %parallel_loop3A_767 : i32
        %parallel_loop3A_769 = vector.broadcast %parallel_loop3A_768 : i32 to vector<16xi32>
        %parallel_loop3A_770 = arith.addi %parallel_loop3A_769, %select_n3A_204 : vector<16xi32>
        %parallel_loop3A_771 = tpu.vector_load_idx %arg7[%parallel_loop3A_770, %parallel_loop3A_530] : memref<128x256xf32, #tpu.memory_space<vmem>>[vector<16xi32>, vector<16xi32>], vector<16xf32>,
        %parallel_loop3A_772 = arith.constant 32 : i32
        %parallel_loop3A_773 = arith.addi %mul3A_507, %parallel_loop3A_772 : i32
        %parallel_loop3A_774 = vector.broadcast %parallel_loop3A_773 : i32 to vector<16xi32>
        %parallel_loop3A_775 = arith.addi %parallel_loop3A_774, %select_n3A_229 : vector<16xi32>
        %parallel_loop3A_776 = tpu.vector_load_idx %arg7[%parallel_loop3A_775, %parallel_loop3A_530] : memref<128x256xf32, #tpu.memory_space<vmem>>[vector<16xi32>, vector<16xi32>], vector<16xf32>,
        %parallel_loop3A_777 = arith.addi %parallel_loop3A_736, %select_n3A_54 : vector<16xi32>
        tpu.vector_store_idx %arg8[%parallel_loop3A_777], %parallel_loop3A_741 : memref<32768xf32, #tpu.memory_space<vmem>>[vector<16xi32>], vector<16xf32>,
        %parallel_loop3A_778 = arith.addi %parallel_loop3A_736, %select_n3A_79 : vector<16xi32>
        tpu.vector_store_idx %arg8[%parallel_loop3A_778], %parallel_loop3A_746 : memref<32768xf32, #tpu.memory_space<vmem>>[vector<16xi32>], vector<16xf32>,
        %parallel_loop3A_779 = arith.addi %parallel_loop3A_736, %select_n3A_104 : vector<16xi32>
        tpu.vector_store_idx %arg8[%parallel_loop3A_779], %parallel_loop3A_751 : memref<32768xf32, #tpu.memory_space<vmem>>[vector<16xi32>], vector<16xf32>,
        %parallel_loop3A_780 = arith.addi %parallel_loop3A_736, %select_n3A_129 : vector<16xi32>
        tpu.vector_store_idx %arg8[%parallel_loop3A_780], %parallel_loop3A_756 : memref<32768xf32, #tpu.memory_space<vmem>>[vector<16xi32>], vector<16xf32>,
        %parallel_loop3A_781 = arith.addi %parallel_loop3A_736, %select_n3A_154 : vector<16xi32>
        tpu.vector_store_idx %arg8[%parallel_loop3A_781], %parallel_loop3A_761 : memref<32768xf32, #tpu.memory_space<vmem>>[vector<16xi32>], vector<16xf32>,
        %parallel_loop3A_782 = arith.addi %parallel_loop3A_736, %select_n3A_179 : vector<16xi32>
        tpu.vector_store_idx %arg8[%parallel_loop3A_782], %parallel_loop3A_766 : memref<32768xf32, #tpu.memory_space<vmem>>[vector<16xi32>], vector<16xf32>,
        %parallel_loop3A_783 = arith.addi %parallel_loop3A_736, %select_n3A_204 : vector<16xi32>
        tpu.vector_store_idx %arg8[%parallel_loop3A_783], %parallel_loop3A_771 : memref<32768xf32, #tpu.memory_space<vmem>>[vector<16xi32>], vector<16xf32>,
        %parallel_loop3A_784 = arith.addi %parallel_loop3A_736, %select_n3A_229 : vector<16xi32>
        tpu.vector_store_idx %arg8[%parallel_loop3A_784], %parallel_loop3A_776 : memref<32768xf32, #tpu.memory_space<vmem>>[vector<16xi32>], vector<16xf32>,
        %parallel_loop3A_785 = arith.constant 32 : i32
        %parallel_loop3A_786 = arith.addi %mul3A_507, %parallel_loop3A_785 : i32
        %parallel_loop3A_787 = vector.broadcast %parallel_loop3A_786 : i32 to vector<16xi32>
        %parallel_loop3A_788 = arith.addi %parallel_loop3A_787, %select_n3A_254 : vector<16xi32>
        %parallel_loop3A_789 = tpu.vector_load_idx %arg7[%parallel_loop3A_788, %parallel_loop3A_530] : memref<128x256xf32, #tpu.memory_space<vmem>>[vector<16xi32>, vector<16xi32>], vector<16xf32>,
        %parallel_loop3A_790 = arith.constant 32 : i32
        %parallel_loop3A_791 = arith.addi %mul3A_507, %parallel_loop3A_790 : i32
        %parallel_loop3A_792 = vector.broadcast %parallel_loop3A_791 : i32 to vector<16xi32>
        %parallel_loop3A_793 = arith.addi %parallel_loop3A_792, %select_n3A_279 : vector<16xi32>
        %parallel_loop3A_794 = tpu.vector_load_idx %arg7[%parallel_loop3A_793, %parallel_loop3A_530] : memref<128x256xf32, #tpu.memory_space<vmem>>[vector<16xi32>, vector<16xi32>], vector<16xf32>,
        %parallel_loop3A_795 = arith.constant 32 : i32
        %parallel_loop3A_796 = arith.addi %mul3A_507, %parallel_loop3A_795 : i32
        %parallel_loop3A_797 = vector.broadcast %parallel_loop3A_796 : i32 to vector<16xi32>
        %parallel_loop3A_798 = arith.addi %parallel_loop3A_797, %select_n3A_304 : vector<16xi32>
        %parallel_loop3A_799 = tpu.vector_load_idx %arg7[%parallel_loop3A_798, %parallel_loop3A_530] : memref<128x256xf32, #tpu.memory_space<vmem>>[vector<16xi32>, vector<16xi32>], vector<16xf32>,
        %parallel_loop3A_800 = arith.constant 32 : i32
        %parallel_loop3A_801 = arith.addi %mul3A_507, %parallel_loop3A_800 : i32
        %parallel_loop3A_802 = vector.broadcast %parallel_loop3A_801 : i32 to vector<16xi32>
        %parallel_loop3A_803 = arith.addi %parallel_loop3A_802, %select_n3A_329 : vector<16xi32>
        %parallel_loop3A_804 = tpu.vector_load_idx %arg7[%parallel_loop3A_803, %parallel_loop3A_530] : memref<128x256xf32, #tpu.memory_space<vmem>>[vector<16xi32>, vector<16xi32>], vector<16xf32>,
        %parallel_loop3A_805 = arith.constant 32 : i32
        %parallel_loop3A_806 = arith.addi %mul3A_507, %parallel_loop3A_805 : i32
        %parallel_loop3A_807 = vector.broadcast %parallel_loop3A_806 : i32 to vector<16xi32>
        %parallel_loop3A_808 = arith.addi %parallel_loop3A_807, %select_n3A_354 : vector<16xi32>
        %parallel_loop3A_809 = tpu.vector_load_idx %arg7[%parallel_loop3A_808, %parallel_loop3A_530] : memref<128x256xf32, #tpu.memory_space<vmem>>[vector<16xi32>, vector<16xi32>], vector<16xf32>,
        %parallel_loop3A_810 = arith.constant 32 : i32
        %parallel_loop3A_811 = arith.addi %mul3A_507, %parallel_loop3A_810 : i32
        %parallel_loop3A_812 = vector.broadcast %parallel_loop3A_811 : i32 to vector<16xi32>
        %parallel_loop3A_813 = arith.addi %parallel_loop3A_812, %select_n3A_379 : vector<16xi32>
        %parallel_loop3A_814 = tpu.vector_load_idx %arg7[%parallel_loop3A_813, %parallel_loop3A_530] : memref<128x256xf32, #tpu.memory_space<vmem>>[vector<16xi32>, vector<16xi32>], vector<16xf32>,
        %parallel_loop3A_815 = arith.constant 32 : i32
        %parallel_loop3A_816 = arith.addi %mul3A_507, %parallel_loop3A_815 : i32
        %parallel_loop3A_817 = vector.broadcast %parallel_loop3A_816 : i32 to vector<16xi32>
        %parallel_loop3A_818 = arith.addi %parallel_loop3A_817, %select_n3A_404 : vector<16xi32>
        %parallel_loop3A_819 = tpu.vector_load_idx %arg7[%parallel_loop3A_818, %parallel_loop3A_530] : memref<128x256xf32, #tpu.memory_space<vmem>>[vector<16xi32>, vector<16xi32>], vector<16xf32>,
        %parallel_loop3A_820 = arith.constant 32 : i32
        %parallel_loop3A_821 = arith.addi %mul3A_507, %parallel_loop3A_820 : i32
        %parallel_loop3A_822 = vector.broadcast %parallel_loop3A_821 : i32 to vector<16xi32>
        %parallel_loop3A_823 = arith.addi %parallel_loop3A_822, %select_n3A_429 : vector<16xi32>
        %parallel_loop3A_824 = tpu.vector_load_idx %arg7[%parallel_loop3A_823, %parallel_loop3A_530] : memref<128x256xf32, #tpu.memory_space<vmem>>[vector<16xi32>, vector<16xi32>], vector<16xf32>,
        %parallel_loop3A_825 = arith.addi %parallel_loop3A_736, %select_n3A_254 : vector<16xi32>
        tpu.vector_store_idx %arg8[%parallel_loop3A_825], %parallel_loop3A_789 : memref<32768xf32, #tpu.memory_space<vmem>>[vector<16xi32>], vector<16xf32>,
        %parallel_loop3A_826 = arith.addi %parallel_loop3A_736, %select_n3A_279 : vector<16xi32>
        tpu.vector_store_idx %arg8[%parallel_loop3A_826], %parallel_loop3A_794 : memref<32768xf32, #tpu.memory_space<vmem>>[vector<16xi32>], vector<16xf32>,
        %parallel_loop3A_827 = arith.addi %parallel_loop3A_736, %select_n3A_304 : vector<16xi32>
        tpu.vector_store_idx %arg8[%parallel_loop3A_827], %parallel_loop3A_799 : memref<32768xf32, #tpu.memory_space<vmem>>[vector<16xi32>], vector<16xf32>,
        %parallel_loop3A_828 = arith.addi %parallel_loop3A_736, %select_n3A_329 : vector<16xi32>
        tpu.vector_store_idx %arg8[%parallel_loop3A_828], %parallel_loop3A_804 : memref<32768xf32, #tpu.memory_space<vmem>>[vector<16xi32>], vector<16xf32>,
        %parallel_loop3A_829 = arith.addi %parallel_loop3A_736, %select_n3A_354 : vector<16xi32>
        tpu.vector_store_idx %arg8[%parallel_loop3A_829], %parallel_loop3A_809 : memref<32768xf32, #tpu.memory_space<vmem>>[vector<16xi32>], vector<16xf32>,
        %parallel_loop3A_830 = arith.addi %parallel_loop3A_736, %select_n3A_379 : vector<16xi32>
        tpu.vector_store_idx %arg8[%parallel_loop3A_830], %parallel_loop3A_814 : memref<32768xf32, #tpu.memory_space<vmem>>[vector<16xi32>], vector<16xf32>,
        %parallel_loop3A_831 = arith.addi %parallel_loop3A_736, %select_n3A_404 : vector<16xi32>
        tpu.vector_store_idx %arg8[%parallel_loop3A_831], %parallel_loop3A_819 : memref<32768xf32, #tpu.memory_space<vmem>>[vector<16xi32>], vector<16xf32>,
        %parallel_loop3A_832 = arith.addi %parallel_loop3A_736, %select_n3A_429 : vector<16xi32>
        tpu.vector_store_idx %arg8[%parallel_loop3A_832], %parallel_loop3A_824 : memref<32768xf32, #tpu.memory_space<vmem>>[vector<16xi32>], vector<16xf32>,
        %parallel_loop3A_833 = arith.constant 48 : i32
        %parallel_loop3A_834 = vector.broadcast %parallel_loop3A_833 : i32 to vector<16xi32>
        %parallel_loop3A_835 = arith.addi %parallel_loop3A_535, %parallel_loop3A_834 : vector<16xi32>
        %parallel_loop3A_836 = arith.constant 48 : i32
        %parallel_loop3A_837 = arith.addi %mul3A_507, %parallel_loop3A_836 : i32
        %parallel_loop3A_838 = vector.broadcast %parallel_loop3A_837 : i32 to vector<16xi32>
        %parallel_loop3A_839 = arith.addi %parallel_loop3A_838, %select_n3A_54 : vector<16xi32>
        %parallel_loop3A_840 = tpu.vector_load_idx %arg7[%parallel_loop3A_839, %parallel_loop3A_530] : memref<128x256xf32, #tpu.memory_space<vmem>>[vector<16xi32>, vector<16xi32>], vector<16xf32>,
        %parallel_loop3A_841 = arith.constant 48 : i32
        %parallel_loop3A_842 = arith.addi %mul3A_507, %parallel_loop3A_841 : i32
        %parallel_loop3A_843 = vector.broadcast %parallel_loop3A_842 : i32 to vector<16xi32>
        %parallel_loop3A_844 = arith.addi %parallel_loop3A_843, %select_n3A_79 : vector<16xi32>
        %parallel_loop3A_845 = tpu.vector_load_idx %arg7[%parallel_loop3A_844, %parallel_loop3A_530] : memref<128x256xf32, #tpu.memory_space<vmem>>[vector<16xi32>, vector<16xi32>], vector<16xf32>,
        %parallel_loop3A_846 = arith.constant 48 : i32
        %parallel_loop3A_847 = arith.addi %mul3A_507, %parallel_loop3A_846 : i32
        %parallel_loop3A_848 = vector.broadcast %parallel_loop3A_847 : i32 to vector<16xi32>
        %parallel_loop3A_849 = arith.addi %parallel_loop3A_848, %select_n3A_104 : vector<16xi32>
        %parallel_loop3A_850 = tpu.vector_load_idx %arg7[%parallel_loop3A_849, %parallel_loop3A_530] : memref<128x256xf32, #tpu.memory_space<vmem>>[vector<16xi32>, vector<16xi32>], vector<16xf32>,
        %parallel_loop3A_851 = arith.constant 48 : i32
        %parallel_loop3A_852 = arith.addi %mul3A_507, %parallel_loop3A_851 : i32
        %parallel_loop3A_853 = vector.broadcast %parallel_loop3A_852 : i32 to vector<16xi32>
        %parallel_loop3A_854 = arith.addi %parallel_loop3A_853, %select_n3A_129 : vector<16xi32>
        %parallel_loop3A_855 = tpu.vector_load_idx %arg7[%parallel_loop3A_854, %parallel_loop3A_530] : memref<128x256xf32, #tpu.memory_space<vmem>>[vector<16xi32>, vector<16xi32>], vector<16xf32>,
        %parallel_loop3A_856 = arith.constant 48 : i32
        %parallel_loop3A_857 = arith.addi %mul3A_507, %parallel_loop3A_856 : i32
        %parallel_loop3A_858 = vector.broadcast %parallel_loop3A_857 : i32 to vector<16xi32>
        %parallel_loop3A_859 = arith.addi %parallel_loop3A_858, %select_n3A_154 : vector<16xi32>
        %parallel_loop3A_860 = tpu.vector_load_idx %arg7[%parallel_loop3A_859, %parallel_loop3A_530] : memref<128x256xf32, #tpu.memory_space<vmem>>[vector<16xi32>, vector<16xi32>], vector<16xf32>,
        %parallel_loop3A_861 = arith.constant 48 : i32
        %parallel_loop3A_862 = arith.addi %mul3A_507, %parallel_loop3A_861 : i32
        %parallel_loop3A_863 = vector.broadcast %parallel_loop3A_862 : i32 to vector<16xi32>
        %parallel_loop3A_864 = arith.addi %parallel_loop3A_863, %select_n3A_179 : vector<16xi32>
        %parallel_loop3A_865 = tpu.vector_load_idx %arg7[%parallel_loop3A_864, %parallel_loop3A_530] : memref<128x256xf32, #tpu.memory_space<vmem>>[vector<16xi32>, vector<16xi32>], vector<16xf32>,
        %parallel_loop3A_866 = arith.constant 48 : i32
        %parallel_loop3A_867 = arith.addi %mul3A_507, %parallel_loop3A_866 : i32
        %parallel_loop3A_868 = vector.broadcast %parallel_loop3A_867 : i32 to vector<16xi32>
        %parallel_loop3A_869 = arith.addi %parallel_loop3A_868, %select_n3A_204 : vector<16xi32>
        %parallel_loop3A_870 = tpu.vector_load_idx %arg7[%parallel_loop3A_869, %parallel_loop3A_530] : memref<128x256xf32, #tpu.memory_space<vmem>>[vector<16xi32>, vector<16xi32>], vector<16xf32>,
        %parallel_loop3A_871 = arith.constant 48 : i32
        %parallel_loop3A_872 = arith.addi %mul3A_507, %parallel_loop3A_871 : i32
        %parallel_loop3A_873 = vector.broadcast %parallel_loop3A_872 : i32 to vector<16xi32>
        %parallel_loop3A_874 = arith.addi %parallel_loop3A_873, %select_n3A_229 : vector<16xi32>
        %parallel_loop3A_875 = tpu.vector_load_idx %arg7[%parallel_loop3A_874, %parallel_loop3A_530] : memref<128x256xf32, #tpu.memory_space<vmem>>[vector<16xi32>, vector<16xi32>], vector<16xf32>,
        %parallel_loop3A_876 = arith.addi %parallel_loop3A_835, %select_n3A_54 : vector<16xi32>
        tpu.vector_store_idx %arg8[%parallel_loop3A_876], %parallel_loop3A_840 : memref<32768xf32, #tpu.memory_space<vmem>>[vector<16xi32>], vector<16xf32>,
        %parallel_loop3A_877 = arith.addi %parallel_loop3A_835, %select_n3A_79 : vector<16xi32>
        tpu.vector_store_idx %arg8[%parallel_loop3A_877], %parallel_loop3A_845 : memref<32768xf32, #tpu.memory_space<vmem>>[vector<16xi32>], vector<16xf32>,
        %parallel_loop3A_878 = arith.addi %parallel_loop3A_835, %select_n3A_104 : vector<16xi32>
        tpu.vector_store_idx %arg8[%parallel_loop3A_878], %parallel_loop3A_850 : memref<32768xf32, #tpu.memory_space<vmem>>[vector<16xi32>], vector<16xf32>,
        %parallel_loop3A_879 = arith.addi %parallel_loop3A_835, %select_n3A_129 : vector<16xi32>
        tpu.vector_store_idx %arg8[%parallel_loop3A_879], %parallel_loop3A_855 : memref<32768xf32, #tpu.memory_space<vmem>>[vector<16xi32>], vector<16xf32>,
        %parallel_loop3A_880 = arith.addi %parallel_loop3A_835, %select_n3A_154 : vector<16xi32>
        tpu.vector_store_idx %arg8[%parallel_loop3A_880], %parallel_loop3A_860 : memref<32768xf32, #tpu.memory_space<vmem>>[vector<16xi32>], vector<16xf32>,
        %parallel_loop3A_881 = arith.addi %parallel_loop3A_835, %select_n3A_179 : vector<16xi32>
        tpu.vector_store_idx %arg8[%parallel_loop3A_881], %parallel_loop3A_865 : memref<32768xf32, #tpu.memory_space<vmem>>[vector<16xi32>], vector<16xf32>,
        %parallel_loop3A_882 = arith.addi %parallel_loop3A_835, %select_n3A_204 : vector<16xi32>
        tpu.vector_store_idx %arg8[%parallel_loop3A_882], %parallel_loop3A_870 : memref<32768xf32, #tpu.memory_space<vmem>>[vector<16xi32>], vector<16xf32>,
        %parallel_loop3A_883 = arith.addi %parallel_loop3A_835, %select_n3A_229 : vector<16xi32>
        tpu.vector_store_idx %arg8[%parallel_loop3A_883], %parallel_loop3A_875 : memref<32768xf32, #tpu.memory_space<vmem>>[vector<16xi32>], vector<16xf32>,
        %parallel_loop3A_884 = arith.constant 48 : i32
        %parallel_loop3A_885 = arith.addi %mul3A_507, %parallel_loop3A_884 : i32
        %parallel_loop3A_886 = vector.broadcast %parallel_loop3A_885 : i32 to vector<16xi32>
        %parallel_loop3A_887 = arith.addi %parallel_loop3A_886, %select_n3A_254 : vector<16xi32>
        %parallel_loop3A_888 = tpu.vector_load_idx %arg7[%parallel_loop3A_887, %parallel_loop3A_530] : memref<128x256xf32, #tpu.memory_space<vmem>>[vector<16xi32>, vector<16xi32>], vector<16xf32>,
        %parallel_loop3A_889 = arith.constant 48 : i32
        %parallel_loop3A_890 = arith.addi %mul3A_507, %parallel_loop3A_889 : i32
        %parallel_loop3A_891 = vector.broadcast %parallel_loop3A_890 : i32 to vector<16xi32>
        %parallel_loop3A_892 = arith.addi %parallel_loop3A_891, %select_n3A_279 : vector<16xi32>
        %parallel_loop3A_893 = tpu.vector_load_idx %arg7[%parallel_loop3A_892, %parallel_loop3A_530] : memref<128x256xf32, #tpu.memory_space<vmem>>[vector<16xi32>, vector<16xi32>], vector<16xf32>,
        %parallel_loop3A_894 = arith.constant 48 : i32
        %parallel_loop3A_895 = arith.addi %mul3A_507, %parallel_loop3A_894 : i32
        %parallel_loop3A_896 = vector.broadcast %parallel_loop3A_895 : i32 to vector<16xi32>
        %parallel_loop3A_897 = arith.addi %parallel_loop3A_896, %select_n3A_304 : vector<16xi32>
        %parallel_loop3A_898 = tpu.vector_load_idx %arg7[%parallel_loop3A_897, %parallel_loop3A_530] : memref<128x256xf32, #tpu.memory_space<vmem>>[vector<16xi32>, vector<16xi32>], vector<16xf32>,
        %parallel_loop3A_899 = arith.constant 48 : i32
        %parallel_loop3A_900 = arith.addi %mul3A_507, %parallel_loop3A_899 : i32
        %parallel_loop3A_901 = vector.broadcast %parallel_loop3A_900 : i32 to vector<16xi32>
        %parallel_loop3A_902 = arith.addi %parallel_loop3A_901, %select_n3A_329 : vector<16xi32>
        %parallel_loop3A_903 = tpu.vector_load_idx %arg7[%parallel_loop3A_902, %parallel_loop3A_530] : memref<128x256xf32, #tpu.memory_space<vmem>>[vector<16xi32>, vector<16xi32>], vector<16xf32>,
        %parallel_loop3A_904 = arith.constant 48 : i32
        %parallel_loop3A_905 = arith.addi %mul3A_507, %parallel_loop3A_904 : i32
        %parallel_loop3A_906 = vector.broadcast %parallel_loop3A_905 : i32 to vector<16xi32>
        %parallel_loop3A_907 = arith.addi %parallel_loop3A_906, %select_n3A_354 : vector<16xi32>
        %parallel_loop3A_908 = tpu.vector_load_idx %arg7[%parallel_loop3A_907, %parallel_loop3A_530] : memref<128x256xf32, #tpu.memory_space<vmem>>[vector<16xi32>, vector<16xi32>], vector<16xf32>,
        %parallel_loop3A_909 = arith.constant 48 : i32
        %parallel_loop3A_910 = arith.addi %mul3A_507, %parallel_loop3A_909 : i32
        %parallel_loop3A_911 = vector.broadcast %parallel_loop3A_910 : i32 to vector<16xi32>
        %parallel_loop3A_912 = arith.addi %parallel_loop3A_911, %select_n3A_379 : vector<16xi32>
        %parallel_loop3A_913 = tpu.vector_load_idx %arg7[%parallel_loop3A_912, %parallel_loop3A_530] : memref<128x256xf32, #tpu.memory_space<vmem>>[vector<16xi32>, vector<16xi32>], vector<16xf32>,
        %parallel_loop3A_914 = arith.constant 48 : i32
        %parallel_loop3A_915 = arith.addi %mul3A_507, %parallel_loop3A_914 : i32
        %parallel_loop3A_916 = vector.broadcast %parallel_loop3A_915 : i32 to vector<16xi32>
        %parallel_loop3A_917 = arith.addi %parallel_loop3A_916, %select_n3A_404 : vector<16xi32>
        %parallel_loop3A_918 = tpu.vector_load_idx %arg7[%parallel_loop3A_917, %parallel_loop3A_530] : memref<128x256xf32, #tpu.memory_space<vmem>>[vector<16xi32>, vector<16xi32>], vector<16xf32>,
        %parallel_loop3A_919 = arith.constant 48 : i32
        %parallel_loop3A_920 = arith.addi %mul3A_507, %parallel_loop3A_919 : i32
        %parallel_loop3A_921 = vector.broadcast %parallel_loop3A_920 : i32 to vector<16xi32>
        %parallel_loop3A_922 = arith.addi %parallel_loop3A_921, %select_n3A_429 : vector<16xi32>
        %parallel_loop3A_923 = tpu.vector_load_idx %arg7[%parallel_loop3A_922, %parallel_loop3A_530] : memref<128x256xf32, #tpu.memory_space<vmem>>[vector<16xi32>, vector<16xi32>], vector<16xf32>,
        %parallel_loop3A_924 = arith.addi %parallel_loop3A_835, %select_n3A_254 : vector<16xi32>
        tpu.vector_store_idx %arg8[%parallel_loop3A_924], %parallel_loop3A_888 : memref<32768xf32, #tpu.memory_space<vmem>>[vector<16xi32>], vector<16xf32>,
        %parallel_loop3A_925 = arith.addi %parallel_loop3A_835, %select_n3A_279 : vector<16xi32>
        tpu.vector_store_idx %arg8[%parallel_loop3A_925], %parallel_loop3A_893 : memref<32768xf32, #tpu.memory_space<vmem>>[vector<16xi32>], vector<16xf32>,
        %parallel_loop3A_926 = arith.addi %parallel_loop3A_835, %select_n3A_304 : vector<16xi32>
        tpu.vector_store_idx %arg8[%parallel_loop3A_926], %parallel_loop3A_898 : memref<32768xf32, #tpu.memory_space<vmem>>[vector<16xi32>], vector<16xf32>,
        %parallel_loop3A_927 = arith.addi %parallel_loop3A_835, %select_n3A_329 : vector<16xi32>
        tpu.vector_store_idx %arg8[%parallel_loop3A_927], %parallel_loop3A_903 : memref<32768xf32, #tpu.memory_space<vmem>>[vector<16xi32>], vector<16xf32>,
        %parallel_loop3A_928 = arith.addi %parallel_loop3A_835, %select_n3A_354 : vector<16xi32>
        tpu.vector_store_idx %arg8[%parallel_loop3A_928], %parallel_loop3A_908 : memref<32768xf32, #tpu.memory_space<vmem>>[vector<16xi32>], vector<16xf32>,
        %parallel_loop3A_929 = arith.addi %parallel_loop3A_835, %select_n3A_379 : vector<16xi32>
        tpu.vector_store_idx %arg8[%parallel_loop3A_929], %parallel_loop3A_913 : memref<32768xf32, #tpu.memory_space<vmem>>[vector<16xi32>], vector<16xf32>,
        %parallel_loop3A_930 = arith.addi %parallel_loop3A_835, %select_n3A_404 : vector<16xi32>
        tpu.vector_store_idx %arg8[%parallel_loop3A_930], %parallel_loop3A_918 : memref<32768xf32, #tpu.memory_space<vmem>>[vector<16xi32>], vector<16xf32>,
        %parallel_loop3A_931 = arith.addi %parallel_loop3A_835, %select_n3A_429 : vector<16xi32>
        tpu.vector_store_idx %arg8[%parallel_loop3A_931], %parallel_loop3A_923 : memref<32768xf32, #tpu.memory_space<vmem>>[vector<16xi32>], vector<16xf32>,
      } {sc.loop_unroll_factor = 1 : i64, sc.parallel_access}
      %eq3A_512 = arith.constant 0 : i32
      %eq3A_513 = arith.cmpi eq, %rem3A_491, %eq3A_512 : i32
      %convert_element_type3A_514 = arith.extui %eq3A_513 : i1 to i32
      %cond3A_515 = arith.constant 0 : i32
      %cond3A_516 = arith.cmpi ne, %convert_element_type3A_514, %cond3A_515 : i32
      scf.if %cond3A_516 {
        %add3A_528 = arith.addi %add3A_4, %while3A_489 : i32
        %mul3A_529 = arith.constant 256 : i32
        %mul3A_530 = arith.muli %add3A_528, %mul3A_529 : i32
        %mul3A_531 = arith.constant 64 : i32
        %mul3A_532 = arith.muli %mul3A_530, %mul3A_531 : i32
        %dma_start3A_533 = arith.constant 0 : i32
        %dma_start3A_534 = tpu.memref_slice %arg8[%dma_start3A_533] : memref<32768xf32, #tpu.memory_space<vmem>> -> memref<16384xf32, #tpu.memory_space<vmem>>
        %dma_start3A_535 = tpu.memref_slice %arg5[%mul3A_532] : memref<64000000xf32, #tpu.memory_space<hbm>> -> memref<16384xf32, #tpu.memory_space<hbm>>
        %dma_start3A_536 = tpu.memref_slice %arg5[%mul3A_532] : memref<64000000xf32, #tpu.memory_space<hbm>> -> memref<16384xf32, #tpu.memory_space<hbm>>
        %dma_start3A_537 = arith.constant 0 : i32
        %dma_start3A_538 = tpu.memref_slice %arg8[%dma_start3A_537] : memref<32768xf32, #tpu.memory_space<vmem>> -> memref<16384xf32, #tpu.memory_space<vmem>>
        tpu.enqueue_dma source(%dma_start3A_538 : memref<16384xf32, #tpu.memory_space<vmem>>) target(%dma_start3A_536 : memref<16384xf32, #tpu.memory_space<hbm>>) target_semaphore(%arg13 : memref<!tpu.dma_semaphore, #tpu.memory_space<semaphore_mem>>)
      } else {
      }
      %eq3A_517 = arith.constant 1 : i32
      %eq3A_518 = arith.cmpi eq, %rem3A_491, %eq3A_517 : i32
      %convert_element_type3A_519 = arith.extui %eq3A_518 : i1 to i32
      %cond3A_520 = arith.constant 0 : i32
      %cond3A_521 = arith.cmpi ne, %convert_element_type3A_519, %cond3A_520 : i32
      scf.if %cond3A_521 {
        %add3A_528 = arith.addi %add3A_4, %while3A_489 : i32
        %mul3A_529 = arith.constant 256 : i32
        %mul3A_530 = arith.muli %add3A_528, %mul3A_529 : i32
        %mul3A_531 = arith.constant 64 : i32
        %mul3A_532 = arith.muli %mul3A_530, %mul3A_531 : i32
        %dma_start3A_533 = arith.constant 16384 : i32
        %dma_start3A_534 = tpu.memref_slice %arg8[%dma_start3A_533] : memref<32768xf32, #tpu.memory_space<vmem>> -> memref<16384xf32, #tpu.memory_space<vmem>>
        %dma_start3A_535 = tpu.memref_slice %arg5[%mul3A_532] : memref<64000000xf32, #tpu.memory_space<hbm>> -> memref<16384xf32, #tpu.memory_space<hbm>>
        %dma_start3A_536 = tpu.memref_slice %arg5[%mul3A_532] : memref<64000000xf32, #tpu.memory_space<hbm>> -> memref<16384xf32, #tpu.memory_space<hbm>>
        %dma_start3A_537 = arith.constant 16384 : i32
        %dma_start3A_538 = tpu.memref_slice %arg8[%dma_start3A_537] : memref<32768xf32, #tpu.memory_space<vmem>> -> memref<16384xf32, #tpu.memory_space<vmem>>
        tpu.enqueue_dma source(%dma_start3A_538 : memref<16384xf32, #tpu.memory_space<vmem>>) target(%dma_start3A_536 : memref<16384xf32, #tpu.memory_space<hbm>>) target_semaphore(%arg14 : memref<!tpu.dma_semaphore, #tpu.memory_space<semaphore_mem>>)
      } else {
      }
      %add3A_522 = arith.constant 2 : i32
      %add3A_523 = arith.addi %while3A_489, %add3A_522 : i32
      %lt3A_524 = arith.cmpi slt, %add3A_523, %add3A_7 : i32
      %convert_element_type3A_525 = arith.extui %lt3A_524 : i1 to i32
      %cond3A_526 = arith.constant 0 : i32
      %cond3A_527 = arith.cmpi ne, %convert_element_type3A_525, %cond3A_526 : i32
      scf.if %cond3A_527 {
        %eq3A_528 = arith.constant 0 : i32
        %eq3A_529 = arith.cmpi eq, %rem3A_491, %eq3A_528 : i32
        %convert_element_type3A_530 = arith.extui %eq3A_529 : i1 to i32
        %cond3A_531 = arith.constant 0 : i32
        %cond3A_532 = arith.cmpi ne, %convert_element_type3A_530, %cond3A_531 : i32
        scf.if %cond3A_532 {
          %add3A_538 = arith.constant 2 : i32
          %add3A_539 = arith.addi %while3A_489, %add3A_538 : i32
          %add3A_540 = arith.addi %add3A_4, %add3A_539 : i32
          %mul3A_541 = arith.constant 256 : i32
          %mul3A_542 = arith.muli %add3A_540, %mul3A_541 : i32
          %dma_start3A_543 = arith.constant 0 : i32
          %dma_start3A_544 = arith.constant 0 : i32
          %dma_start3A_545 = tpu.memref_slice %arg7[%dma_start3A_543, %dma_start3A_544] : memref<128x256xf32, #tpu.memory_space<vmem>> -> memref<64x256xf32, #tpu.memory_space<vmem>>
          %dma_start3A_546 = arith.constant 0 : i32
          %dma_start3A_547 = tpu.memref_slice %arg2[%dma_start3A_546, %mul3A_542] : memref<64x1000000xf32, #tpu.memory_space<hbm>> -> memref<64x256xf32, #tpu.memory_space<hbm>>
          %dma_start3A_548 = arith.constant 0 : i32
          %dma_start3A_549 = arith.constant 0 : i32
          %dma_start3A_550 = tpu.memref_slice %arg7[%dma_start3A_548, %dma_start3A_549] : memref<128x256xf32, #tpu.memory_space<vmem>> -> memref<64x256xf32, #tpu.memory_space<vmem>>
          %dma_start3A_551 = arith.constant 0 : i32
          %dma_start3A_552 = tpu.memref_slice %arg2[%dma_start3A_551, %mul3A_542] : memref<64x1000000xf32, #tpu.memory_space<hbm>> -> memref<64x256xf32, #tpu.memory_space<hbm>>
          tpu.enqueue_dma source(%dma_start3A_552 : memref<64x256xf32, #tpu.memory_space<hbm>>) target(%dma_start3A_550 : memref<64x256xf32, #tpu.memory_space<vmem>>) target_semaphore(%arg11 : memref<!tpu.dma_semaphore, #tpu.memory_space<semaphore_mem>>)
        } else {
        }
        %eq3A_533 = arith.constant 1 : i32
        %eq3A_534 = arith.cmpi eq, %rem3A_491, %eq3A_533 : i32
        %convert_element_type3A_535 = arith.extui %eq3A_534 : i1 to i32
        %cond3A_536 = arith.constant 0 : i32
        %cond3A_537 = arith.cmpi ne, %convert_element_type3A_535, %cond3A_536 : i32
        scf.if %cond3A_537 {
          %add3A_538 = arith.constant 2 : i32
          %add3A_539 = arith.addi %while3A_489, %add3A_538 : i32
          %add3A_540 = arith.addi %add3A_4, %add3A_539 : i32
          %mul3A_541 = arith.constant 256 : i32
          %mul3A_542 = arith.muli %add3A_540, %mul3A_541 : i32
          %dma_start3A_543 = arith.constant 64 : i32
          %dma_start3A_544 = arith.constant 0 : i32
          %dma_start3A_545 = tpu.memref_slice %arg7[%dma_start3A_543, %dma_start3A_544] : memref<128x256xf32, #tpu.memory_space<vmem>> -> memref<64x256xf32, #tpu.memory_space<vmem>>
          %dma_start3A_546 = arith.constant 0 : i32
          %dma_start3A_547 = tpu.memref_slice %arg2[%dma_start3A_546, %mul3A_542] : memref<64x1000000xf32, #tpu.memory_space<hbm>> -> memref<64x256xf32, #tpu.memory_space<hbm>>
          %dma_start3A_548 = arith.constant 64 : i32
          %dma_start3A_549 = arith.constant 0 : i32
          %dma_start3A_550 = tpu.memref_slice %arg7[%dma_start3A_548, %dma_start3A_549] : memref<128x256xf32, #tpu.memory_space<vmem>> -> memref<64x256xf32, #tpu.memory_space<vmem>>
          %dma_start3A_551 = arith.constant 0 : i32
          %dma_start3A_552 = tpu.memref_slice %arg2[%dma_start3A_551, %mul3A_542] : memref<64x1000000xf32, #tpu.memory_space<hbm>> -> memref<64x256xf32, #tpu.memory_space<hbm>>
          tpu.enqueue_dma source(%dma_start3A_552 : memref<64x256xf32, #tpu.memory_space<hbm>>) target(%dma_start3A_550 : memref<64x256xf32, #tpu.memory_space<vmem>>) target_semaphore(%arg12 : memref<!tpu.dma_semaphore, #tpu.memory_space<semaphore_mem>>)
        } else {
        }
      } else {
      }
    }
    %dma_wait3A = arith.constant 0 : i32
    %dma_wait3A_469 = tpu.memref_slice %arg8[%dma_wait3A] : memref<32768xf32, #tpu.memory_space<vmem>> -> memref<16384xf32, #tpu.memory_space<vmem>>
    %dma_wait3A_470 = arith.constant 0 : i32
    %dma_wait3A_471 = tpu.memref_slice %arg5[%dma_wait3A_470] : memref<64000000xf32, #tpu.memory_space<hbm>> -> memref<16384xf32, #tpu.memory_space<hbm>>
    %dma_wait3A_472 = arith.constant 0 : i32
    %dma_wait3A_473 = tpu.memref_slice %arg5[%dma_wait3A_472] : memref<64000000xf32, #tpu.memory_space<hbm>> -> memref<16384xf32, #tpu.memory_space<hbm>>
    %dma_wait3A_474 = arith.constant 0 : i32
    %dma_wait3A_475 = tpu.memref_slice %arg8[%dma_wait3A_474] : memref<32768xf32, #tpu.memory_space<vmem>> -> memref<16384xf32, #tpu.memory_space<vmem>>
    tpu.wait_dma2 semaphore(%arg13 : memref<!tpu.dma_semaphore, #tpu.memory_space<semaphore_mem>>) src(%dma_wait3A_475 : memref<16384xf32, #tpu.memory_space<vmem>>) dst(%dma_wait3A_473 : memref<16384xf32, #tpu.memory_space<hbm>>)
    %dma_wait3A_476 = arith.constant 16384 : i32
    %dma_wait3A_477 = tpu.memref_slice %arg8[%dma_wait3A_476] : memref<32768xf32, #tpu.memory_space<vmem>> -> memref<16384xf32, #tpu.memory_space<vmem>>
    %dma_wait3A_478 = arith.constant 0 : i32
    %dma_wait3A_479 = tpu.memref_slice %arg5[%dma_wait3A_478] : memref<64000000xf32, #tpu.memory_space<hbm>> -> memref<16384xf32, #tpu.memory_space<hbm>>
    %dma_wait3A_480 = arith.constant 0 : i32
    %dma_wait3A_481 = tpu.memref_slice %arg5[%dma_wait3A_480] : memref<64000000xf32, #tpu.memory_space<hbm>> -> memref<16384xf32, #tpu.memory_space<hbm>>
    %dma_wait3A_482 = arith.constant 16384 : i32
    %dma_wait3A_483 = tpu.memref_slice %arg8[%dma_wait3A_482] : memref<32768xf32, #tpu.memory_space<vmem>> -> memref<16384xf32, #tpu.memory_space<vmem>>
    tpu.wait_dma2 semaphore(%arg14 : memref<!tpu.dma_semaphore, #tpu.memory_space<semaphore_mem>>) src(%dma_wait3A_483 : memref<16384xf32, #tpu.memory_space<vmem>>) dst(%dma_wait3A_481 : memref<16384xf32, #tpu.memory_space<hbm>>)
    %eq3A_484 = arith.constant 2 : i32
    %eq3A_485 = arith.cmpi eq, %add3A, %eq3A_484 : i32
    %convert_element_type3A_486 = arith.extui %eq3A_485 : i1 to i32
    %cond3A_487 = arith.constant 0 : i32
    %cond3A_488 = arith.cmpi ne, %convert_element_type3A_486, %cond3A_487 : i32
    scf.if %cond3A_488 {
      "tpu.region"() ({
        %run_scoped3A = tpu.sem_alloc : memref<!tpu.dma_semaphore, #tpu.memory_space<semaphore_mem>>
        tpu.enqueue_dma source(%arg4 : memref<4096xf32, #tpu.memory_space<hbm>>) target(%arg10 : memref<4096xf32, #tpu.memory_space<vmem>>) target_semaphore(%run_scoped3A : memref<!tpu.dma_semaphore, #tpu.memory_space<semaphore_mem>>)
        tpu.wait_dma2 semaphore(%run_scoped3A : memref<!tpu.dma_semaphore, #tpu.memory_space<semaphore_mem>>) src(%arg4 : memref<4096xf32, #tpu.memory_space<hbm>>) dst(%arg10 : memref<4096xf32, #tpu.memory_space<vmem>>)
        tpu.yield
      }) : () -> ()
      "tpu.region"() ({
        %run_scoped3A = tpu.sem_alloc : memref<!tpu.dma_semaphore, #tpu.memory_space<semaphore_mem>>
        %dma_start3A_489 = arith.constant 63995904 : i32
        %dma_start3A_490 = tpu.memref_slice %arg5[%dma_start3A_489] : memref<64000000xf32, #tpu.memory_space<hbm>> -> memref<4096xf32, #tpu.memory_space<hbm>>
        %dma_start3A_491 = arith.constant 63995904 : i32
        %dma_start3A_492 = tpu.memref_slice %arg5[%dma_start3A_491] : memref<64000000xf32, #tpu.memory_space<hbm>> -> memref<4096xf32, #tpu.memory_space<hbm>>
        tpu.enqueue_dma source(%arg10 : memref<4096xf32, #tpu.memory_space<vmem>>) target(%dma_start3A_492 : memref<4096xf32, #tpu.memory_space<hbm>>) target_semaphore(%run_scoped3A : memref<!tpu.dma_semaphore, #tpu.memory_space<semaphore_mem>>)
        %dma_wait3A_493 = arith.constant 63995904 : i32
        %dma_wait3A_494 = tpu.memref_slice %arg5[%dma_wait3A_493] : memref<64000000xf32, #tpu.memory_space<hbm>> -> memref<4096xf32, #tpu.memory_space<hbm>>
        %dma_wait3A_495 = arith.constant 63995904 : i32
        %dma_wait3A_496 = tpu.memref_slice %arg5[%dma_wait3A_495] : memref<64000000xf32, #tpu.memory_space<hbm>> -> memref<4096xf32, #tpu.memory_space<hbm>>
        tpu.wait_dma2 semaphore(%run_scoped3A : memref<!tpu.dma_semaphore, #tpu.memory_space<semaphore_mem>>) src(%arg10 : memref<4096xf32, #tpu.memory_space<vmem>>) dst(%dma_wait3A_496 : memref<4096xf32, #tpu.memory_space<hbm>>)
        tpu.yield
      }) : () -> ()
    } else {
    }
    return
  }
}

#map = affine_map<(d0, d1) -> (0, 0)>
#map1 = affine_map<(d0, d1) -> (0)>
#map2 = affine_map<(d0, d1) -> (0, 0, 0, 0, 0)>
module attributes {stable_mosaic.version = 14 : i64} {
  func.func @body(%arg0: i32, %arg1: i32, %arg2: memref<1000000x64xf32, #tpu.memory_space<hbm>>, %arg3: memref<819200xi32, #tpu.memory_space<hbm>>, %arg4: memref<200x8x32x8x128xf32, #tpu.memory_space<hbm>>, %arg5: memref<2x128xi32, #tpu.memory_space<vmem>>, %arg6: memref<256x64xf32, #tpu.memory_space<vmem>>, %arg7: memref<128x65xf32, #tpu.memory_space<vmem>>, %arg8: memref<2x8x8x128xf32, #tpu.memory_space<vmem>>, %arg9: memref<!tpu.dma_semaphore, #tpu.memory_space<semaphore_mem>>, %arg10: memref<!tpu.dma_semaphore, #tpu.memory_space<semaphore_mem>>, %arg11: memref<!tpu.dma_semaphore, #tpu.memory_space<semaphore_mem>>, %arg12: memref<!tpu.dma_semaphore, #tpu.memory_space<semaphore_mem>>, %arg13: memref<!tpu.dma_semaphore, #tpu.memory_space<semaphore_mem>>, %arg14: memref<!tpu.dma_semaphore, #tpu.memory_space<semaphore_mem>>) attributes {dimension_semantics = [#tpu.dimension_semantics<core_parallel>, #tpu.dimension_semantics<subcore_parallel>], iteration_bounds = array<i64: 2, 16>, scalar_prefetch = 0 : i64, scratch_operands = 10 : i64, tpu.core_type = #tpu.core_type<sc_vector_subcore>, window_params = [{transform_indices = #map}, {transform_indices = #map1}, {transform_indices = #map2}]} {
    %mul3A = arith.constant 2 : i32
    %mul3A_0 = arith.muli %arg1, %mul3A : i32
    %add3A = arith.addi %mul3A_0, %arg0 : i32
    %mul3A_1 = arith.constant 200 : i32
    %mul3A_2 = arith.muli %add3A, %mul3A_1 : i32
    %iota3A = tpu.iota {dimensions = array<i32: 0>} : vector<16xi32>
    %add3A_3 = arith.constant 0 : i32
    %add3A_4 = vector.broadcast %add3A_3 : i32 to vector<16xi32>
    %add3A_5 = arith.addi %add3A_4, %iota3A : vector<16xi32>
    %add3A_6 = arith.constant 16 : i32
    %add3A_7 = vector.broadcast %add3A_6 : i32 to vector<16xi32>
    %add3A_8 = arith.addi %add3A_7, %iota3A : vector<16xi32>
    %add3A_9 = arith.constant 32 : i32
    %add3A_10 = vector.broadcast %add3A_9 : i32 to vector<16xi32>
    %add3A_11 = arith.addi %add3A_10, %iota3A : vector<16xi32>
    %add3A_12 = arith.constant 48 : i32
    %add3A_13 = vector.broadcast %add3A_12 : i32 to vector<16xi32>
    %add3A_14 = arith.addi %add3A_13, %iota3A : vector<16xi32>
    %add3A_15 = arith.constant 64 : i32
    %add3A_16 = vector.broadcast %add3A_15 : i32 to vector<16xi32>
    %add3A_17 = arith.addi %add3A_16, %iota3A : vector<16xi32>
    %add3A_18 = arith.constant 80 : i32
    %add3A_19 = vector.broadcast %add3A_18 : i32 to vector<16xi32>
    %add3A_20 = arith.addi %add3A_19, %iota3A : vector<16xi32>
    %add3A_21 = arith.constant 96 : i32
    %add3A_22 = vector.broadcast %add3A_21 : i32 to vector<16xi32>
    %add3A_23 = arith.addi %add3A_22, %iota3A : vector<16xi32>
    %add3A_24 = arith.constant 112 : i32
    %add3A_25 = vector.broadcast %add3A_24 : i32 to vector<16xi32>
    %add3A_26 = arith.addi %add3A_25, %iota3A : vector<16xi32>
    %add3A_27 = arith.constant 0 : i32
    %add3A_28 = arith.addi %mul3A_2, %add3A_27 : i32
    %div3A = arith.constant 32 : i32
    %div3A_29 = arith.divsi %add3A_28, %div3A : i32
    %mul3A_30 = arith.constant 4096 : i32
    %mul3A_31 = arith.muli %div3A_29, %mul3A_30 : i32
    %rem3A = arith.constant 32 : i32
    %rem3A_32 = arith.remsi %add3A_28, %rem3A : i32
    %mul3A_33 = arith.constant 128 : i32
    %mul3A_34 = arith.muli %rem3A_32, %mul3A_33 : i32
    %add3A_35 = arith.addi %mul3A_31, %mul3A_34 : i32
    %dma_start3A = arith.constant 0 : i32
    %dma_start3A_36 = arith.constant 0 : i32
    %dma_start3A_37 = tpu.memref_slice %arg5[%dma_start3A, %dma_start3A_36] : memref<2x128xi32, #tpu.memory_space<vmem>> -> memref<1x128xi32, #tpu.memory_space<vmem>>
    %dma_start3A_38 = tpu.memref_squeeze %dma_start3A_37 : memref<1x128xi32, #tpu.memory_space<vmem>> -> memref<128xi32, #tpu.memory_space<vmem>>
    %dma_start3A_39 = tpu.memref_slice %arg3[%add3A_35] : memref<819200xi32, #tpu.memory_space<hbm>> -> memref<128xi32, #tpu.memory_space<hbm>>
    %dma_start3A_40 = arith.constant 0 : i32
    %dma_start3A_41 = tpu.memref_slice %arg5[%dma_start3A, %dma_start3A_40] : memref<2x128xi32, #tpu.memory_space<vmem>> -> memref<1x128xi32, #tpu.memory_space<vmem>>
    %dma_start3A_42 = tpu.memref_squeeze %dma_start3A_41 : memref<1x128xi32, #tpu.memory_space<vmem>> -> memref<128xi32, #tpu.memory_space<vmem>>
    %dma_start3A_43 = tpu.memref_slice %arg3[%add3A_35] : memref<819200xi32, #tpu.memory_space<hbm>> -> memref<128xi32, #tpu.memory_space<hbm>>
    tpu.enqueue_dma source(%dma_start3A_43 : memref<128xi32, #tpu.memory_space<hbm>>) target(%dma_start3A_42 : memref<128xi32, #tpu.memory_space<vmem>>) target_semaphore(%arg9 : memref<!tpu.dma_semaphore, #tpu.memory_space<semaphore_mem>>)
    %add3A_44 = arith.constant 1 : i32
    %add3A_45 = arith.addi %mul3A_2, %add3A_44 : i32
    %div3A_46 = arith.constant 32 : i32
    %div3A_47 = arith.divsi %add3A_45, %div3A_46 : i32
    %mul3A_48 = arith.constant 4096 : i32
    %mul3A_49 = arith.muli %div3A_47, %mul3A_48 : i32
    %rem3A_50 = arith.constant 32 : i32
    %rem3A_51 = arith.remsi %add3A_45, %rem3A_50 : i32
    %mul3A_52 = arith.constant 128 : i32
    %mul3A_53 = arith.muli %rem3A_51, %mul3A_52 : i32
    %add3A_54 = arith.addi %mul3A_49, %mul3A_53 : i32
    %dma_start3A_55 = arith.constant 1 : i32
    %dma_start3A_56 = arith.constant 0 : i32
    %dma_start3A_57 = tpu.memref_slice %arg5[%dma_start3A_55, %dma_start3A_56] : memref<2x128xi32, #tpu.memory_space<vmem>> -> memref<1x128xi32, #tpu.memory_space<vmem>>
    %dma_start3A_58 = tpu.memref_squeeze %dma_start3A_57 : memref<1x128xi32, #tpu.memory_space<vmem>> -> memref<128xi32, #tpu.memory_space<vmem>>
    %dma_start3A_59 = tpu.memref_slice %arg3[%add3A_54] : memref<819200xi32, #tpu.memory_space<hbm>> -> memref<128xi32, #tpu.memory_space<hbm>>
    %dma_start3A_60 = arith.constant 0 : i32
    %dma_start3A_61 = tpu.memref_slice %arg5[%dma_start3A_55, %dma_start3A_60] : memref<2x128xi32, #tpu.memory_space<vmem>> -> memref<1x128xi32, #tpu.memory_space<vmem>>
    %dma_start3A_62 = tpu.memref_squeeze %dma_start3A_61 : memref<1x128xi32, #tpu.memory_space<vmem>> -> memref<128xi32, #tpu.memory_space<vmem>>
    %dma_start3A_63 = tpu.memref_slice %arg3[%add3A_54] : memref<819200xi32, #tpu.memory_space<hbm>> -> memref<128xi32, #tpu.memory_space<hbm>>
    tpu.enqueue_dma source(%dma_start3A_63 : memref<128xi32, #tpu.memory_space<hbm>>) target(%dma_start3A_62 : memref<128xi32, #tpu.memory_space<vmem>>) target_semaphore(%arg10 : memref<!tpu.dma_semaphore, #tpu.memory_space<semaphore_mem>>)
    %dma_wait3A = arith.constant 0 : i32
    %dma_wait3A_64 = arith.constant 0 : i32
    %dma_wait3A_65 = tpu.memref_slice %arg5[%dma_wait3A, %dma_wait3A_64] : memref<2x128xi32, #tpu.memory_space<vmem>> -> memref<1x128xi32, #tpu.memory_space<vmem>>
    %dma_wait3A_66 = tpu.memref_squeeze %dma_wait3A_65 : memref<1x128xi32, #tpu.memory_space<vmem>> -> memref<128xi32, #tpu.memory_space<vmem>>
    %dma_wait3A_67 = arith.constant 0 : i32
    %dma_wait3A_68 = tpu.memref_slice %arg3[%dma_wait3A_67] : memref<819200xi32, #tpu.memory_space<hbm>> -> memref<128xi32, #tpu.memory_space<hbm>>
    %dma_wait3A_69 = arith.constant 0 : i32
    %dma_wait3A_70 = tpu.memref_slice %arg5[%dma_wait3A, %dma_wait3A_69] : memref<2x128xi32, #tpu.memory_space<vmem>> -> memref<1x128xi32, #tpu.memory_space<vmem>>
    %dma_wait3A_71 = tpu.memref_squeeze %dma_wait3A_70 : memref<1x128xi32, #tpu.memory_space<vmem>> -> memref<128xi32, #tpu.memory_space<vmem>>
    %dma_wait3A_72 = arith.constant 0 : i32
    %dma_wait3A_73 = tpu.memref_slice %arg3[%dma_wait3A_72] : memref<819200xi32, #tpu.memory_space<hbm>> -> memref<128xi32, #tpu.memory_space<hbm>>
    tpu.wait_dma2 semaphore(%arg9 : memref<!tpu.dma_semaphore, #tpu.memory_space<semaphore_mem>>) src(%dma_wait3A_73 : memref<128xi32, #tpu.memory_space<hbm>>) dst(%dma_wait3A_71 : memref<128xi32, #tpu.memory_space<vmem>>)
    %dma_start3A_74 = arith.constant 0 : i32
    %dma_start3A_75 = arith.constant 0 : i32
    %dma_start3A_76 = arith.constant 0 : i32
    %dma_start3A_77 = tpu.memref_slice %arg6[%dma_start3A_75, %dma_start3A_76] : memref<256x64xf32, #tpu.memory_space<vmem>> -> memref<128x64xf32, #tpu.memory_space<vmem>>
    %dma_start3A_78 = arith.constant 0 : i32
    %dma_start3A_79 = tpu.memref_slice %arg5[%dma_start3A_74, %dma_start3A_78] : memref<2x128xi32, #tpu.memory_space<vmem>> -> memref<1x128xi32, #tpu.memory_space<vmem>>
    %dma_start3A_80 = tpu.memref_squeeze %dma_start3A_79 : memref<1x128xi32, #tpu.memory_space<vmem>> -> memref<128xi32, #tpu.memory_space<vmem>>
    %dma_start3A_81 = arith.constant 0 : i32
    %dma_start3A_82 = arith.constant 0 : i32
    %dma_start3A_83 = tpu.memref_slice %arg2[%dma_start3A_81, %dma_start3A_82] : memref<1000000x64xf32, #tpu.memory_space<hbm>> -> memref<1000000x64xf32, #tpu.memory_space<hbm>>
    tpu.enqueue_indirect_dma source(%dma_start3A_83 : memref<1000000x64xf32, #tpu.memory_space<hbm>>) target(%dma_start3A_77 : memref<128x64xf32, #tpu.memory_space<vmem>>) offsets(%dma_start3A_80 : memref<128xi32, #tpu.memory_space<vmem>>) semaphore(%arg11 : memref<!tpu.dma_semaphore, #tpu.memory_space<semaphore_mem>>)
    %dma_wait3A_84 = arith.constant 1 : i32
    %dma_wait3A_85 = arith.constant 0 : i32
    %dma_wait3A_86 = tpu.memref_slice %arg5[%dma_wait3A_84, %dma_wait3A_85] : memref<2x128xi32, #tpu.memory_space<vmem>> -> memref<1x128xi32, #tpu.memory_space<vmem>>
    %dma_wait3A_87 = tpu.memref_squeeze %dma_wait3A_86 : memref<1x128xi32, #tpu.memory_space<vmem>> -> memref<128xi32, #tpu.memory_space<vmem>>
    %dma_wait3A_88 = arith.constant 0 : i32
    %dma_wait3A_89 = tpu.memref_slice %arg3[%dma_wait3A_88] : memref<819200xi32, #tpu.memory_space<hbm>> -> memref<128xi32, #tpu.memory_space<hbm>>
    %dma_wait3A_90 = arith.constant 0 : i32
    %dma_wait3A_91 = tpu.memref_slice %arg5[%dma_wait3A_84, %dma_wait3A_90] : memref<2x128xi32, #tpu.memory_space<vmem>> -> memref<1x128xi32, #tpu.memory_space<vmem>>
    %dma_wait3A_92 = tpu.memref_squeeze %dma_wait3A_91 : memref<1x128xi32, #tpu.memory_space<vmem>> -> memref<128xi32, #tpu.memory_space<vmem>>
    %dma_wait3A_93 = arith.constant 0 : i32
    %dma_wait3A_94 = tpu.memref_slice %arg3[%dma_wait3A_93] : memref<819200xi32, #tpu.memory_space<hbm>> -> memref<128xi32, #tpu.memory_space<hbm>>
    tpu.wait_dma2 semaphore(%arg10 : memref<!tpu.dma_semaphore, #tpu.memory_space<semaphore_mem>>) src(%dma_wait3A_94 : memref<128xi32, #tpu.memory_space<hbm>>) dst(%dma_wait3A_92 : memref<128xi32, #tpu.memory_space<vmem>>)
    %dma_start3A_95 = arith.constant 1 : i32
    %dma_start3A_96 = arith.constant 128 : i32
    %dma_start3A_97 = arith.constant 0 : i32
    %dma_start3A_98 = tpu.memref_slice %arg6[%dma_start3A_96, %dma_start3A_97] : memref<256x64xf32, #tpu.memory_space<vmem>> -> memref<128x64xf32, #tpu.memory_space<vmem>>
    %dma_start3A_99 = arith.constant 0 : i32
    %dma_start3A_100 = tpu.memref_slice %arg5[%dma_start3A_95, %dma_start3A_99] : memref<2x128xi32, #tpu.memory_space<vmem>> -> memref<1x128xi32, #tpu.memory_space<vmem>>
    %dma_start3A_101 = tpu.memref_squeeze %dma_start3A_100 : memref<1x128xi32, #tpu.memory_space<vmem>> -> memref<128xi32, #tpu.memory_space<vmem>>
    %dma_start3A_102 = arith.constant 0 : i32
    %dma_start3A_103 = arith.constant 0 : i32
    %dma_start3A_104 = tpu.memref_slice %arg2[%dma_start3A_102, %dma_start3A_103] : memref<1000000x64xf32, #tpu.memory_space<hbm>> -> memref<1000000x64xf32, #tpu.memory_space<hbm>>
    tpu.enqueue_indirect_dma source(%dma_start3A_104 : memref<1000000x64xf32, #tpu.memory_space<hbm>>) target(%dma_start3A_98 : memref<128x64xf32, #tpu.memory_space<vmem>>) offsets(%dma_start3A_101 : memref<128xi32, #tpu.memory_space<vmem>>) semaphore(%arg12 : memref<!tpu.dma_semaphore, #tpu.memory_space<semaphore_mem>>)
    %scan3A = arith.constant 0 : i32
    %scan3A_105 = arith.constant 0 : i32
    %scan3A_106 = arith.constant 200 : i32
    %scan3A_107 = arith.addi %scan3A_105, %scan3A_106 : i32
    %scan3A_108 = arith.constant 1 : i32
    scf.for %scan3A_156 = %scan3A_105 to %scan3A_107 step %scan3A_108  : i32 {
      %rem3A_157 = arith.constant 2 : i32
      %rem3A_158 = arith.remsi %scan3A_156, %rem3A_157 : i32
      %eq3A = arith.constant 0 : i32
      %eq3A_159 = arith.cmpi eq, %rem3A_158, %eq3A : i32
      %convert_element_type3A = arith.extui %eq3A_159 : i1 to i32
      %cond3A = arith.constant 0 : i32
      %cond3A_160 = arith.cmpi ne, %convert_element_type3A, %cond3A : i32
      scf.if %cond3A_160 {
        %dma_wait3A_200 = arith.constant 0 : i32
        %dma_wait3A_201 = arith.constant 0 : i32
        %dma_wait3A_202 = arith.constant 0 : i32
        %dma_wait3A_203 = tpu.memref_slice %arg6[%dma_wait3A_201, %dma_wait3A_202] : memref<256x64xf32, #tpu.memory_space<vmem>> -> memref<128x64xf32, #tpu.memory_space<vmem>>
        %dma_wait3A_204 = arith.constant 0 : i32
        %dma_wait3A_205 = tpu.memref_slice %arg5[%dma_wait3A_200, %dma_wait3A_204] : memref<2x128xi32, #tpu.memory_space<vmem>> -> memref<1x128xi32, #tpu.memory_space<vmem>>
        %dma_wait3A_206 = tpu.memref_squeeze %dma_wait3A_205 : memref<1x128xi32, #tpu.memory_space<vmem>> -> memref<128xi32, #tpu.memory_space<vmem>>
        %dma_wait3A_207 = arith.constant 0 : i32
        %dma_wait3A_208 = arith.constant 0 : i32
        %dma_wait3A_209 = tpu.memref_slice %arg2[%dma_wait3A_207, %dma_wait3A_208] : memref<1000000x64xf32, #tpu.memory_space<hbm>> -> memref<1000000x64xf32, #tpu.memory_space<hbm>>
        tpu.wait_indirect_dma semaphore(%arg11 : memref<!tpu.dma_semaphore, #tpu.memory_space<semaphore_mem>>) src(%dma_wait3A_209 : memref<1000000x64xf32, #tpu.memory_space<hbm>>) dst(%dma_wait3A_203 : memref<128x64xf32, #tpu.memory_space<vmem>>)
      } else {
      }
      %eq3A_161 = arith.constant 1 : i32
      %eq3A_162 = arith.cmpi eq, %rem3A_158, %eq3A_161 : i32
      %convert_element_type3A_163 = arith.extui %eq3A_162 : i1 to i32
      %cond3A_164 = arith.constant 0 : i32
      %cond3A_165 = arith.cmpi ne, %convert_element_type3A_163, %cond3A_164 : i32
      scf.if %cond3A_165 {
        %dma_wait3A_200 = arith.constant 1 : i32
        %dma_wait3A_201 = arith.constant 128 : i32
        %dma_wait3A_202 = arith.constant 0 : i32
        %dma_wait3A_203 = tpu.memref_slice %arg6[%dma_wait3A_201, %dma_wait3A_202] : memref<256x64xf32, #tpu.memory_space<vmem>> -> memref<128x64xf32, #tpu.memory_space<vmem>>
        %dma_wait3A_204 = arith.constant 0 : i32
        %dma_wait3A_205 = tpu.memref_slice %arg5[%dma_wait3A_200, %dma_wait3A_204] : memref<2x128xi32, #tpu.memory_space<vmem>> -> memref<1x128xi32, #tpu.memory_space<vmem>>
        %dma_wait3A_206 = tpu.memref_squeeze %dma_wait3A_205 : memref<1x128xi32, #tpu.memory_space<vmem>> -> memref<128xi32, #tpu.memory_space<vmem>>
        %dma_wait3A_207 = arith.constant 0 : i32
        %dma_wait3A_208 = arith.constant 0 : i32
        %dma_wait3A_209 = tpu.memref_slice %arg2[%dma_wait3A_207, %dma_wait3A_208] : memref<1000000x64xf32, #tpu.memory_space<hbm>> -> memref<1000000x64xf32, #tpu.memory_space<hbm>>
        tpu.wait_indirect_dma semaphore(%arg12 : memref<!tpu.dma_semaphore, #tpu.memory_space<semaphore_mem>>) src(%dma_wait3A_209 : memref<1000000x64xf32, #tpu.memory_space<hbm>>) dst(%dma_wait3A_203 : memref<128x64xf32, #tpu.memory_space<vmem>>)
      } else {
      }
      %add3A_166 = arith.constant 2 : i32
      %add3A_167 = arith.addi %scan3A_156, %add3A_166 : i32
      %lt3A = arith.constant 200 : i32
      %lt3A_168 = arith.cmpi slt, %add3A_167, %lt3A : i32
      %convert_element_type3A_169 = arith.extui %lt3A_168 : i1 to i32
      %cond3A_170 = arith.constant 0 : i32
      %cond3A_171 = arith.cmpi ne, %convert_element_type3A_169, %cond3A_170 : i32
      scf.if %cond3A_171 {
        %eq3A_200 = arith.constant 0 : i32
        %eq3A_201 = arith.cmpi eq, %rem3A_158, %eq3A_200 : i32
        %convert_element_type3A_202 = arith.extui %eq3A_201 : i1 to i32
        %cond3A_203 = arith.constant 0 : i32
        %cond3A_204 = arith.cmpi ne, %convert_element_type3A_202, %cond3A_203 : i32
        scf.if %cond3A_204 {
          %add3A_210 = arith.constant 2 : i32
          %add3A_211 = arith.addi %scan3A_156, %add3A_210 : i32
          %add3A_212 = arith.addi %mul3A_2, %add3A_211 : i32
          %div3A_213 = arith.constant 32 : i32
          %div3A_214 = arith.divsi %add3A_212, %div3A_213 : i32
          %mul3A_215 = arith.constant 4096 : i32
          %mul3A_216 = arith.muli %div3A_214, %mul3A_215 : i32
          %rem3A_217 = arith.constant 32 : i32
          %rem3A_218 = arith.remsi %add3A_212, %rem3A_217 : i32
          %mul3A_219 = arith.constant 128 : i32
          %mul3A_220 = arith.muli %rem3A_218, %mul3A_219 : i32
          %add3A_221 = arith.addi %mul3A_216, %mul3A_220 : i32
          %dma_start3A_222 = arith.constant 0 : i32
          %dma_start3A_223 = arith.constant 0 : i32
          %dma_start3A_224 = tpu.memref_slice %arg5[%dma_start3A_222, %dma_start3A_223] : memref<2x128xi32, #tpu.memory_space<vmem>> -> memref<1x128xi32, #tpu.memory_space<vmem>>
          %dma_start3A_225 = tpu.memref_squeeze %dma_start3A_224 : memref<1x128xi32, #tpu.memory_space<vmem>> -> memref<128xi32, #tpu.memory_space<vmem>>
          %dma_start3A_226 = tpu.memref_slice %arg3[%add3A_221] : memref<819200xi32, #tpu.memory_space<hbm>> -> memref<128xi32, #tpu.memory_space<hbm>>
          %dma_start3A_227 = arith.constant 0 : i32
          %dma_start3A_228 = tpu.memref_slice %arg5[%dma_start3A_222, %dma_start3A_227] : memref<2x128xi32, #tpu.memory_space<vmem>> -> memref<1x128xi32, #tpu.memory_space<vmem>>
          %dma_start3A_229 = tpu.memref_squeeze %dma_start3A_228 : memref<1x128xi32, #tpu.memory_space<vmem>> -> memref<128xi32, #tpu.memory_space<vmem>>
          %dma_start3A_230 = tpu.memref_slice %arg3[%add3A_221] : memref<819200xi32, #tpu.memory_space<hbm>> -> memref<128xi32, #tpu.memory_space<hbm>>
          tpu.enqueue_dma source(%dma_start3A_230 : memref<128xi32, #tpu.memory_space<hbm>>) target(%dma_start3A_229 : memref<128xi32, #tpu.memory_space<vmem>>) target_semaphore(%arg9 : memref<!tpu.dma_semaphore, #tpu.memory_space<semaphore_mem>>)
        } else {
        }
        %eq3A_205 = arith.constant 1 : i32
        %eq3A_206 = arith.cmpi eq, %rem3A_158, %eq3A_205 : i32
        %convert_element_type3A_207 = arith.extui %eq3A_206 : i1 to i32
        %cond3A_208 = arith.constant 0 : i32
        %cond3A_209 = arith.cmpi ne, %convert_element_type3A_207, %cond3A_208 : i32
        scf.if %cond3A_209 {
          %add3A_210 = arith.constant 2 : i32
          %add3A_211 = arith.addi %scan3A_156, %add3A_210 : i32
          %add3A_212 = arith.addi %mul3A_2, %add3A_211 : i32
          %div3A_213 = arith.constant 32 : i32
          %div3A_214 = arith.divsi %add3A_212, %div3A_213 : i32
          %mul3A_215 = arith.constant 4096 : i32
          %mul3A_216 = arith.muli %div3A_214, %mul3A_215 : i32
          %rem3A_217 = arith.constant 32 : i32
          %rem3A_218 = arith.remsi %add3A_212, %rem3A_217 : i32
          %mul3A_219 = arith.constant 128 : i32
          %mul3A_220 = arith.muli %rem3A_218, %mul3A_219 : i32
          %add3A_221 = arith.addi %mul3A_216, %mul3A_220 : i32
          %dma_start3A_222 = arith.constant 1 : i32
          %dma_start3A_223 = arith.constant 0 : i32
          %dma_start3A_224 = tpu.memref_slice %arg5[%dma_start3A_222, %dma_start3A_223] : memref<2x128xi32, #tpu.memory_space<vmem>> -> memref<1x128xi32, #tpu.memory_space<vmem>>
          %dma_start3A_225 = tpu.memref_squeeze %dma_start3A_224 : memref<1x128xi32, #tpu.memory_space<vmem>> -> memref<128xi32, #tpu.memory_space<vmem>>
          %dma_start3A_226 = tpu.memref_slice %arg3[%add3A_221] : memref<819200xi32, #tpu.memory_space<hbm>> -> memref<128xi32, #tpu.memory_space<hbm>>
          %dma_start3A_227 = arith.constant 0 : i32
          %dma_start3A_228 = tpu.memref_slice %arg5[%dma_start3A_222, %dma_start3A_227] : memref<2x128xi32, #tpu.memory_space<vmem>> -> memref<1x128xi32, #tpu.memory_space<vmem>>
          %dma_start3A_229 = tpu.memref_squeeze %dma_start3A_228 : memref<1x128xi32, #tpu.memory_space<vmem>> -> memref<128xi32, #tpu.memory_space<vmem>>
          %dma_start3A_230 = tpu.memref_slice %arg3[%add3A_221] : memref<819200xi32, #tpu.memory_space<hbm>> -> memref<128xi32, #tpu.memory_space<hbm>>
          tpu.enqueue_dma source(%dma_start3A_230 : memref<128xi32, #tpu.memory_space<hbm>>) target(%dma_start3A_229 : memref<128xi32, #tpu.memory_space<vmem>>) target_semaphore(%arg10 : memref<!tpu.dma_semaphore, #tpu.memory_space<semaphore_mem>>)
        } else {
        }
      } else {
      }
      %ge3A = arith.constant 2 : i32
      %ge3A_172 = arith.cmpi sge, %scan3A_156, %ge3A : i32
      %convert_element_type3A_173 = arith.extui %ge3A_172 : i1 to i32
      %cond3A_174 = arith.constant 0 : i32
      %cond3A_175 = arith.cmpi ne, %convert_element_type3A_173, %cond3A_174 : i32
      scf.if %cond3A_175 {
        %eq3A_200 = arith.constant 0 : i32
        %eq3A_201 = arith.cmpi eq, %rem3A_158, %eq3A_200 : i32
        %convert_element_type3A_202 = arith.extui %eq3A_201 : i1 to i32
        %cond3A_203 = arith.constant 0 : i32
        %cond3A_204 = arith.cmpi ne, %convert_element_type3A_202, %cond3A_203 : i32
        scf.if %cond3A_204 {
          %dma_wait3A_210 = arith.constant 0 : i32
          %dma_wait3A_211 = arith.constant 0 : i32
          %dma_wait3A_212 = arith.constant 0 : i32
          %dma_wait3A_213 = arith.constant 0 : i32
          %dma_wait3A_214 = arith.constant 0 : i32
          %dma_wait3A_215 = arith.constant 0 : i32
          %dma_wait3A_216 = tpu.memref_slice %arg8[%dma_wait3A_210, %dma_wait3A_213, %dma_wait3A_214, %dma_wait3A_215] : memref<2x8x8x128xf32, #tpu.memory_space<vmem>> -> memref<1x8x8x128xf32, #tpu.memory_space<vmem>>
          %dma_wait3A_217 = tpu.memref_squeeze %dma_wait3A_216 : memref<1x8x8x128xf32, #tpu.memory_space<vmem>> -> memref<8x8x128xf32, #tpu.memory_space<vmem>>
          %dma_wait3A_218 = arith.constant 0 : i32
          %dma_wait3A_219 = arith.constant 0 : i32
          %dma_wait3A_220 = arith.constant 0 : i32
          %dma_wait3A_221 = tpu.memref_slice %arg4[%dma_wait3A_211, %dma_wait3A_218, %dma_wait3A_212, %dma_wait3A_219, %dma_wait3A_220] : memref<200x8x32x8x128xf32, #tpu.memory_space<hbm>> -> memref<1x8x1x8x128xf32, #tpu.memory_space<hbm>>
          %dma_wait3A_222 = tpu.memref_squeeze %dma_wait3A_221 : memref<1x8x1x8x128xf32, #tpu.memory_space<hbm>> -> memref<8x8x128xf32, #tpu.memory_space<hbm>>
          %dma_wait3A_223 = arith.constant 0 : i32
          %dma_wait3A_224 = arith.constant 0 : i32
          %dma_wait3A_225 = arith.constant 0 : i32
          %dma_wait3A_226 = tpu.memref_slice %arg4[%dma_wait3A_211, %dma_wait3A_223, %dma_wait3A_212, %dma_wait3A_224, %dma_wait3A_225] : memref<200x8x32x8x128xf32, #tpu.memory_space<hbm>> -> memref<1x8x1x8x128xf32, #tpu.memory_space<hbm>>
          %dma_wait3A_227 = tpu.memref_squeeze %dma_wait3A_226 : memref<1x8x1x8x128xf32, #tpu.memory_space<hbm>> -> memref<8x8x128xf32, #tpu.memory_space<hbm>>
          %dma_wait3A_228 = arith.constant 0 : i32
          %dma_wait3A_229 = arith.constant 0 : i32
          %dma_wait3A_230 = arith.constant 0 : i32
          %dma_wait3A_231 = tpu.memref_slice %arg8[%dma_wait3A_210, %dma_wait3A_228, %dma_wait3A_229, %dma_wait3A_230] : memref<2x8x8x128xf32, #tpu.memory_space<vmem>> -> memref<1x8x8x128xf32, #tpu.memory_space<vmem>>
          %dma_wait3A_232 = tpu.memref_squeeze %dma_wait3A_231 : memref<1x8x8x128xf32, #tpu.memory_space<vmem>> -> memref<8x8x128xf32, #tpu.memory_space<vmem>>
          tpu.wait_dma2 semaphore(%arg13 : memref<!tpu.dma_semaphore, #tpu.memory_space<semaphore_mem>>) src(%dma_wait3A_232 : memref<8x8x128xf32, #tpu.memory_space<vmem>>) dst(%dma_wait3A_227 : memref<8x8x128xf32, #tpu.memory_space<hbm>>)
        } else {
        }
        %eq3A_205 = arith.constant 1 : i32
        %eq3A_206 = arith.cmpi eq, %rem3A_158, %eq3A_205 : i32
        %convert_element_type3A_207 = arith.extui %eq3A_206 : i1 to i32
        %cond3A_208 = arith.constant 0 : i32
        %cond3A_209 = arith.cmpi ne, %convert_element_type3A_207, %cond3A_208 : i32
        scf.if %cond3A_209 {
          %dma_wait3A_210 = arith.constant 1 : i32
          %dma_wait3A_211 = arith.constant 0 : i32
          %dma_wait3A_212 = arith.constant 0 : i32
          %dma_wait3A_213 = arith.constant 0 : i32
          %dma_wait3A_214 = arith.constant 0 : i32
          %dma_wait3A_215 = arith.constant 0 : i32
          %dma_wait3A_216 = tpu.memref_slice %arg8[%dma_wait3A_210, %dma_wait3A_213, %dma_wait3A_214, %dma_wait3A_215] : memref<2x8x8x128xf32, #tpu.memory_space<vmem>> -> memref<1x8x8x128xf32, #tpu.memory_space<vmem>>
          %dma_wait3A_217 = tpu.memref_squeeze %dma_wait3A_216 : memref<1x8x8x128xf32, #tpu.memory_space<vmem>> -> memref<8x8x128xf32, #tpu.memory_space<vmem>>
          %dma_wait3A_218 = arith.constant 0 : i32
          %dma_wait3A_219 = arith.constant 0 : i32
          %dma_wait3A_220 = arith.constant 0 : i32
          %dma_wait3A_221 = tpu.memref_slice %arg4[%dma_wait3A_211, %dma_wait3A_218, %dma_wait3A_212, %dma_wait3A_219, %dma_wait3A_220] : memref<200x8x32x8x128xf32, #tpu.memory_space<hbm>> -> memref<1x8x1x8x128xf32, #tpu.memory_space<hbm>>
          %dma_wait3A_222 = tpu.memref_squeeze %dma_wait3A_221 : memref<1x8x1x8x128xf32, #tpu.memory_space<hbm>> -> memref<8x8x128xf32, #tpu.memory_space<hbm>>
          %dma_wait3A_223 = arith.constant 0 : i32
          %dma_wait3A_224 = arith.constant 0 : i32
          %dma_wait3A_225 = arith.constant 0 : i32
          %dma_wait3A_226 = tpu.memref_slice %arg4[%dma_wait3A_211, %dma_wait3A_223, %dma_wait3A_212, %dma_wait3A_224, %dma_wait3A_225] : memref<200x8x32x8x128xf32, #tpu.memory_space<hbm>> -> memref<1x8x1x8x128xf32, #tpu.memory_space<hbm>>
          %dma_wait3A_227 = tpu.memref_squeeze %dma_wait3A_226 : memref<1x8x1x8x128xf32, #tpu.memory_space<hbm>> -> memref<8x8x128xf32, #tpu.memory_space<hbm>>
          %dma_wait3A_228 = arith.constant 0 : i32
          %dma_wait3A_229 = arith.constant 0 : i32
          %dma_wait3A_230 = arith.constant 0 : i32
          %dma_wait3A_231 = tpu.memref_slice %arg8[%dma_wait3A_210, %dma_wait3A_228, %dma_wait3A_229, %dma_wait3A_230] : memref<2x8x8x128xf32, #tpu.memory_space<vmem>> -> memref<1x8x8x128xf32, #tpu.memory_space<vmem>>
          %dma_wait3A_232 = tpu.memref_squeeze %dma_wait3A_231 : memref<1x8x8x128xf32, #tpu.memory_space<vmem>> -> memref<8x8x128xf32, #tpu.memory_space<vmem>>
          tpu.wait_dma2 semaphore(%arg14 : memref<!tpu.dma_semaphore, #tpu.memory_space<semaphore_mem>>) src(%dma_wait3A_232 : memref<8x8x128xf32, #tpu.memory_space<vmem>>) dst(%dma_wait3A_227 : memref<8x8x128xf32, #tpu.memory_space<hbm>>)
        } else {
        }
      } else {
      }
      %mul3A_176 = arith.constant 128 : i32
      %mul3A_177 = arith.muli %rem3A_158, %mul3A_176 : i32
      %parallel_loop3A = arith.constant 0 : i32
      %parallel_loop3A_178 = arith.constant 128 : i32
      %parallel_loop3A_179 = arith.constant 2 : i32
      scf.for %parallel_loop3A_200 = %parallel_loop3A to %parallel_loop3A_178 step %parallel_loop3A_179  : i32 {
        %parallel_loop3A_201 = arith.constant 0 : i32
        %parallel_loop3A_202 = arith.addi %parallel_loop3A_200, %parallel_loop3A_201 : i32
        %parallel_loop3A_203 = arith.addi %mul3A_177, %parallel_loop3A_202 : i32
        %parallel_loop3A_204 = arith.index_cast %parallel_loop3A_203 : i32 to index
        %parallel_loop3A_205 = arith.constant 0 : index
        %parallel_loop3A_206 = tpu.vector_load %arg6[%parallel_loop3A_204, %parallel_loop3A_205] {strides = array<i32>} : memref<256x64xf32, #tpu.memory_space<vmem>>, vector<16xf32>,
        %parallel_loop3A_207 = arith.index_cast %parallel_loop3A_202 : i32 to index
        %parallel_loop3A_208 = arith.constant 0 : index
        %parallel_loop3A_209 = tpu.vector_load %arg7[%parallel_loop3A_207, %parallel_loop3A_208] {strides = array<i32>} : memref<128x65xf32, #tpu.memory_space<vmem>>, vector<16xf32>,
        tpu.vector_store %arg7[%parallel_loop3A_207, %parallel_loop3A_208], %parallel_loop3A_206 {strides = array<i32>} : memref<128x65xf32, #tpu.memory_space<vmem>>, vector<16xf32>,
        %parallel_loop3A_210 = arith.addi %mul3A_177, %parallel_loop3A_202 : i32
        %parallel_loop3A_211 = arith.index_cast %parallel_loop3A_210 : i32 to index
        %parallel_loop3A_212 = arith.constant 16 : index
        %parallel_loop3A_213 = tpu.vector_load %arg6[%parallel_loop3A_211, %parallel_loop3A_212] {strides = array<i32>} : memref<256x64xf32, #tpu.memory_space<vmem>>, vector<16xf32>,
        %parallel_loop3A_214 = arith.index_cast %parallel_loop3A_202 : i32 to index
        %parallel_loop3A_215 = arith.constant 16 : index
        %parallel_loop3A_216 = tpu.vector_load %arg7[%parallel_loop3A_214, %parallel_loop3A_215] {strides = array<i32>} : memref<128x65xf32, #tpu.memory_space<vmem>>, vector<16xf32>,
        tpu.vector_store %arg7[%parallel_loop3A_214, %parallel_loop3A_215], %parallel_loop3A_213 {strides = array<i32>} : memref<128x65xf32, #tpu.memory_space<vmem>>, vector<16xf32>,
        %parallel_loop3A_217 = arith.addi %mul3A_177, %parallel_loop3A_202 : i32
        %parallel_loop3A_218 = arith.index_cast %parallel_loop3A_217 : i32 to index
        %parallel_loop3A_219 = arith.constant 32 : index
        %parallel_loop3A_220 = tpu.vector_load %arg6[%parallel_loop3A_218, %parallel_loop3A_219] {strides = array<i32>} : memref<256x64xf32, #tpu.memory_space<vmem>>, vector<16xf32>,
        %parallel_loop3A_221 = arith.index_cast %parallel_loop3A_202 : i32 to index
        %parallel_loop3A_222 = arith.constant 32 : index
        %parallel_loop3A_223 = tpu.vector_load %arg7[%parallel_loop3A_221, %parallel_loop3A_222] {strides = array<i32>} : memref<128x65xf32, #tpu.memory_space<vmem>>, vector<16xf32>,
        tpu.vector_store %arg7[%parallel_loop3A_221, %parallel_loop3A_222], %parallel_loop3A_220 {strides = array<i32>} : memref<128x65xf32, #tpu.memory_space<vmem>>, vector<16xf32>,
        %parallel_loop3A_224 = arith.addi %mul3A_177, %parallel_loop3A_202 : i32
        %parallel_loop3A_225 = arith.index_cast %parallel_loop3A_224 : i32 to index
        %parallel_loop3A_226 = arith.constant 48 : index
        %parallel_loop3A_227 = tpu.vector_load %arg6[%parallel_loop3A_225, %parallel_loop3A_226] {strides = array<i32>} : memref<256x64xf32, #tpu.memory_space<vmem>>, vector<16xf32>,
        %parallel_loop3A_228 = arith.index_cast %parallel_loop3A_202 : i32 to index
        %parallel_loop3A_229 = arith.constant 48 : index
        %parallel_loop3A_230 = tpu.vector_load %arg7[%parallel_loop3A_228, %parallel_loop3A_229] {strides = array<i32>} : memref<128x65xf32, #tpu.memory_space<vmem>>, vector<16xf32>,
        tpu.vector_store %arg7[%parallel_loop3A_228, %parallel_loop3A_229], %parallel_loop3A_227 {strides = array<i32>} : memref<128x65xf32, #tpu.memory_space<vmem>>, vector<16xf32>,
        %parallel_loop3A_231 = arith.constant 1 : i32
        %parallel_loop3A_232 = arith.addi %parallel_loop3A_200, %parallel_loop3A_231 : i32
        %parallel_loop3A_233 = arith.addi %mul3A_177, %parallel_loop3A_232 : i32
        %parallel_loop3A_234 = arith.index_cast %parallel_loop3A_233 : i32 to index
        %parallel_loop3A_235 = arith.constant 0 : index
        %parallel_loop3A_236 = tpu.vector_load %arg6[%parallel_loop3A_234, %parallel_loop3A_235] {strides = array<i32>} : memref<256x64xf32, #tpu.memory_space<vmem>>, vector<16xf32>,
        %parallel_loop3A_237 = arith.index_cast %parallel_loop3A_232 : i32 to index
        %parallel_loop3A_238 = arith.constant 0 : index
        %parallel_loop3A_239 = tpu.vector_load %arg7[%parallel_loop3A_237, %parallel_loop3A_238] {strides = array<i32>} : memref<128x65xf32, #tpu.memory_space<vmem>>, vector<16xf32>,
        tpu.vector_store %arg7[%parallel_loop3A_237, %parallel_loop3A_238], %parallel_loop3A_236 {strides = array<i32>} : memref<128x65xf32, #tpu.memory_space<vmem>>, vector<16xf32>,
        %parallel_loop3A_240 = arith.addi %mul3A_177, %parallel_loop3A_232 : i32
        %parallel_loop3A_241 = arith.index_cast %parallel_loop3A_240 : i32 to index
        %parallel_loop3A_242 = arith.constant 16 : index
        %parallel_loop3A_243 = tpu.vector_load %arg6[%parallel_loop3A_241, %parallel_loop3A_242] {strides = array<i32>} : memref<256x64xf32, #tpu.memory_space<vmem>>, vector<16xf32>,
        %parallel_loop3A_244 = arith.index_cast %parallel_loop3A_232 : i32 to index
        %parallel_loop3A_245 = arith.constant 16 : index
        %parallel_loop3A_246 = tpu.vector_load %arg7[%parallel_loop3A_244, %parallel_loop3A_245] {strides = array<i32>} : memref<128x65xf32, #tpu.memory_space<vmem>>, vector<16xf32>,
        tpu.vector_store %arg7[%parallel_loop3A_244, %parallel_loop3A_245], %parallel_loop3A_243 {strides = array<i32>} : memref<128x65xf32, #tpu.memory_space<vmem>>, vector<16xf32>,
        %parallel_loop3A_247 = arith.addi %mul3A_177, %parallel_loop3A_232 : i32
        %parallel_loop3A_248 = arith.index_cast %parallel_loop3A_247 : i32 to index
        %parallel_loop3A_249 = arith.constant 32 : index
        %parallel_loop3A_250 = tpu.vector_load %arg6[%parallel_loop3A_248, %parallel_loop3A_249] {strides = array<i32>} : memref<256x64xf32, #tpu.memory_space<vmem>>, vector<16xf32>,
        %parallel_loop3A_251 = arith.index_cast %parallel_loop3A_232 : i32 to index
        %parallel_loop3A_252 = arith.constant 32 : index
        %parallel_loop3A_253 = tpu.vector_load %arg7[%parallel_loop3A_251, %parallel_loop3A_252] {strides = array<i32>} : memref<128x65xf32, #tpu.memory_space<vmem>>, vector<16xf32>,
        tpu.vector_store %arg7[%parallel_loop3A_251, %parallel_loop3A_252], %parallel_loop3A_250 {strides = array<i32>} : memref<128x65xf32, #tpu.memory_space<vmem>>, vector<16xf32>,
        %parallel_loop3A_254 = arith.addi %mul3A_177, %parallel_loop3A_232 : i32
        %parallel_loop3A_255 = arith.index_cast %parallel_loop3A_254 : i32 to index
        %parallel_loop3A_256 = arith.constant 48 : index
        %parallel_loop3A_257 = tpu.vector_load %arg6[%parallel_loop3A_255, %parallel_loop3A_256] {strides = array<i32>} : memref<256x64xf32, #tpu.memory_space<vmem>>, vector<16xf32>,
        %parallel_loop3A_258 = arith.index_cast %parallel_loop3A_232 : i32 to index
        %parallel_loop3A_259 = arith.constant 48 : index
        %parallel_loop3A_260 = tpu.vector_load %arg7[%parallel_loop3A_258, %parallel_loop3A_259] {strides = array<i32>} : memref<128x65xf32, #tpu.memory_space<vmem>>, vector<16xf32>,
        tpu.vector_store %arg7[%parallel_loop3A_258, %parallel_loop3A_259], %parallel_loop3A_257 {strides = array<i32>} : memref<128x65xf32, #tpu.memory_space<vmem>>, vector<16xf32>,
      } {sc.loop_unroll_factor = 2 : i64, sc.parallel_access}
      %parallel_loop3A_180 = arith.constant 0 : i32
      %parallel_loop3A_181 = arith.constant 64 : i32
      %parallel_loop3A_182 = arith.constant 1 : i32
      scf.for %parallel_loop3A_200 = %parallel_loop3A_180 to %parallel_loop3A_181 step %parallel_loop3A_182  : i32 {
        %parallel_loop3A_201 = vector.broadcast %parallel_loop3A_200 : i32 to vector<16xi32>
        %parallel_loop3A_202 = arith.constant 8 : i32
        %parallel_loop3A_203 = arith.divsi %parallel_loop3A_200, %parallel_loop3A_202 : i32
        %parallel_loop3A_204 = arith.constant 8 : i32
        %parallel_loop3A_205 = arith.remsi %parallel_loop3A_200, %parallel_loop3A_204 : i32
        %parallel_loop3A_206 = tpu.vector_load_idx %arg7[%add3A_5, %parallel_loop3A_201] : memref<128x65xf32, #tpu.memory_space<vmem>>[vector<16xi32>, vector<16xi32>], vector<16xf32>,
        %parallel_loop3A_207 = arith.index_cast %rem3A_158 : i32 to index
        %parallel_loop3A_208 = arith.index_cast %parallel_loop3A_203 : i32 to index
        %parallel_loop3A_209 = arith.index_cast %parallel_loop3A_205 : i32 to index
        %parallel_loop3A_210 = arith.constant 0 : index
        %parallel_loop3A_211 = tpu.vector_load %arg8[%parallel_loop3A_207, %parallel_loop3A_208, %parallel_loop3A_209, %parallel_loop3A_210] {strides = array<i32>} : memref<2x8x8x128xf32, #tpu.memory_space<vmem>>, vector<16xf32>,
        tpu.vector_store %arg8[%parallel_loop3A_207, %parallel_loop3A_208, %parallel_loop3A_209, %parallel_loop3A_210], %parallel_loop3A_206 {strides = array<i32>} : memref<2x8x8x128xf32, #tpu.memory_space<vmem>>, vector<16xf32>,
        %parallel_loop3A_212 = tpu.vector_load_idx %arg7[%add3A_8, %parallel_loop3A_201] : memref<128x65xf32, #tpu.memory_space<vmem>>[vector<16xi32>, vector<16xi32>], vector<16xf32>,
        %parallel_loop3A_213 = arith.index_cast %rem3A_158 : i32 to index
        %parallel_loop3A_214 = arith.index_cast %parallel_loop3A_203 : i32 to index
        %parallel_loop3A_215 = arith.index_cast %parallel_loop3A_205 : i32 to index
        %parallel_loop3A_216 = arith.constant 16 : index
        %parallel_loop3A_217 = tpu.vector_load %arg8[%parallel_loop3A_213, %parallel_loop3A_214, %parallel_loop3A_215, %parallel_loop3A_216] {strides = array<i32>} : memref<2x8x8x128xf32, #tpu.memory_space<vmem>>, vector<16xf32>,
        tpu.vector_store %arg8[%parallel_loop3A_213, %parallel_loop3A_214, %parallel_loop3A_215, %parallel_loop3A_216], %parallel_loop3A_212 {strides = array<i32>} : memref<2x8x8x128xf32, #tpu.memory_space<vmem>>, vector<16xf32>,
        %parallel_loop3A_218 = tpu.vector_load_idx %arg7[%add3A_11, %parallel_loop3A_201] : memref<128x65xf32, #tpu.memory_space<vmem>>[vector<16xi32>, vector<16xi32>], vector<16xf32>,
        %parallel_loop3A_219 = arith.index_cast %rem3A_158 : i32 to index
        %parallel_loop3A_220 = arith.index_cast %parallel_loop3A_203 : i32 to index
        %parallel_loop3A_221 = arith.index_cast %parallel_loop3A_205 : i32 to index
        %parallel_loop3A_222 = arith.constant 32 : index
        %parallel_loop3A_223 = tpu.vector_load %arg8[%parallel_loop3A_219, %parallel_loop3A_220, %parallel_loop3A_221, %parallel_loop3A_222] {strides = array<i32>} : memref<2x8x8x128xf32, #tpu.memory_space<vmem>>, vector<16xf32>,
        tpu.vector_store %arg8[%parallel_loop3A_219, %parallel_loop3A_220, %parallel_loop3A_221, %parallel_loop3A_222], %parallel_loop3A_218 {strides = array<i32>} : memref<2x8x8x128xf32, #tpu.memory_space<vmem>>, vector<16xf32>,
        %parallel_loop3A_224 = tpu.vector_load_idx %arg7[%add3A_14, %parallel_loop3A_201] : memref<128x65xf32, #tpu.memory_space<vmem>>[vector<16xi32>, vector<16xi32>], vector<16xf32>,
        %parallel_loop3A_225 = arith.index_cast %rem3A_158 : i32 to index
        %parallel_loop3A_226 = arith.index_cast %parallel_loop3A_203 : i32 to index
        %parallel_loop3A_227 = arith.index_cast %parallel_loop3A_205 : i32 to index
        %parallel_loop3A_228 = arith.constant 48 : index
        %parallel_loop3A_229 = tpu.vector_load %arg8[%parallel_loop3A_225, %parallel_loop3A_226, %parallel_loop3A_227, %parallel_loop3A_228] {strides = array<i32>} : memref<2x8x8x128xf32, #tpu.memory_space<vmem>>, vector<16xf32>,
        tpu.vector_store %arg8[%parallel_loop3A_225, %parallel_loop3A_226, %parallel_loop3A_227, %parallel_loop3A_228], %parallel_loop3A_224 {strides = array<i32>} : memref<2x8x8x128xf32, #tpu.memory_space<vmem>>, vector<16xf32>,
        %parallel_loop3A_230 = tpu.vector_load_idx %arg7[%add3A_17, %parallel_loop3A_201] : memref<128x65xf32, #tpu.memory_space<vmem>>[vector<16xi32>, vector<16xi32>], vector<16xf32>,
        %parallel_loop3A_231 = arith.index_cast %rem3A_158 : i32 to index
        %parallel_loop3A_232 = arith.index_cast %parallel_loop3A_203 : i32 to index
        %parallel_loop3A_233 = arith.index_cast %parallel_loop3A_205 : i32 to index
        %parallel_loop3A_234 = arith.constant 64 : index
        %parallel_loop3A_235 = tpu.vector_load %arg8[%parallel_loop3A_231, %parallel_loop3A_232, %parallel_loop3A_233, %parallel_loop3A_234] {strides = array<i32>} : memref<2x8x8x128xf32, #tpu.memory_space<vmem>>, vector<16xf32>,
        tpu.vector_store %arg8[%parallel_loop3A_231, %parallel_loop3A_232, %parallel_loop3A_233, %parallel_loop3A_234], %parallel_loop3A_230 {strides = array<i32>} : memref<2x8x8x128xf32, #tpu.memory_space<vmem>>, vector<16xf32>,
        %parallel_loop3A_236 = tpu.vector_load_idx %arg7[%add3A_20, %parallel_loop3A_201] : memref<128x65xf32, #tpu.memory_space<vmem>>[vector<16xi32>, vector<16xi32>], vector<16xf32>,
        %parallel_loop3A_237 = arith.index_cast %rem3A_158 : i32 to index
        %parallel_loop3A_238 = arith.index_cast %parallel_loop3A_203 : i32 to index
        %parallel_loop3A_239 = arith.index_cast %parallel_loop3A_205 : i32 to index
        %parallel_loop3A_240 = arith.constant 80 : index
        %parallel_loop3A_241 = tpu.vector_load %arg8[%parallel_loop3A_237, %parallel_loop3A_238, %parallel_loop3A_239, %parallel_loop3A_240] {strides = array<i32>} : memref<2x8x8x128xf32, #tpu.memory_space<vmem>>, vector<16xf32>,
        tpu.vector_store %arg8[%parallel_loop3A_237, %parallel_loop3A_238, %parallel_loop3A_239, %parallel_loop3A_240], %parallel_loop3A_236 {strides = array<i32>} : memref<2x8x8x128xf32, #tpu.memory_space<vmem>>, vector<16xf32>,
        %parallel_loop3A_242 = tpu.vector_load_idx %arg7[%add3A_23, %parallel_loop3A_201] : memref<128x65xf32, #tpu.memory_space<vmem>>[vector<16xi32>, vector<16xi32>], vector<16xf32>,
        %parallel_loop3A_243 = arith.index_cast %rem3A_158 : i32 to index
        %parallel_loop3A_244 = arith.index_cast %parallel_loop3A_203 : i32 to index
        %parallel_loop3A_245 = arith.index_cast %parallel_loop3A_205 : i32 to index
        %parallel_loop3A_246 = arith.constant 96 : index
        %parallel_loop3A_247 = tpu.vector_load %arg8[%parallel_loop3A_243, %parallel_loop3A_244, %parallel_loop3A_245, %parallel_loop3A_246] {strides = array<i32>} : memref<2x8x8x128xf32, #tpu.memory_space<vmem>>, vector<16xf32>,
        tpu.vector_store %arg8[%parallel_loop3A_243, %parallel_loop3A_244, %parallel_loop3A_245, %parallel_loop3A_246], %parallel_loop3A_242 {strides = array<i32>} : memref<2x8x8x128xf32, #tpu.memory_space<vmem>>, vector<16xf32>,
        %parallel_loop3A_248 = tpu.vector_load_idx %arg7[%add3A_26, %parallel_loop3A_201] : memref<128x65xf32, #tpu.memory_space<vmem>>[vector<16xi32>, vector<16xi32>], vector<16xf32>,
        %parallel_loop3A_249 = arith.index_cast %rem3A_158 : i32 to index
        %parallel_loop3A_250 = arith.index_cast %parallel_loop3A_203 : i32 to index
        %parallel_loop3A_251 = arith.index_cast %parallel_loop3A_205 : i32 to index
        %parallel_loop3A_252 = arith.constant 112 : index
        %parallel_loop3A_253 = tpu.vector_load %arg8[%parallel_loop3A_249, %parallel_loop3A_250, %parallel_loop3A_251, %parallel_loop3A_252] {strides = array<i32>} : memref<2x8x8x128xf32, #tpu.memory_space<vmem>>, vector<16xf32>,
        tpu.vector_store %arg8[%parallel_loop3A_249, %parallel_loop3A_250, %parallel_loop3A_251, %parallel_loop3A_252], %parallel_loop3A_248 {strides = array<i32>} : memref<2x8x8x128xf32, #tpu.memory_space<vmem>>, vector<16xf32>,
      } {sc.loop_unroll_factor = 4 : i64, sc.parallel_access}
      %eq3A_183 = arith.constant 0 : i32
      %eq3A_184 = arith.cmpi eq, %rem3A_158, %eq3A_183 : i32
      %convert_element_type3A_185 = arith.extui %eq3A_184 : i1 to i32
      %cond3A_186 = arith.constant 0 : i32
      %cond3A_187 = arith.cmpi ne, %convert_element_type3A_185, %cond3A_186 : i32
      scf.if %cond3A_187 {
        %add3A_200 = arith.addi %mul3A_2, %scan3A_156 : i32
        %div3A_201 = arith.constant 32 : i32
        %div3A_202 = arith.divsi %add3A_200, %div3A_201 : i32
        %rem3A_203 = arith.constant 32 : i32
        %rem3A_204 = arith.remsi %add3A_200, %rem3A_203 : i32
        %dma_start3A_205 = arith.constant 0 : i32
        %dma_start3A_206 = arith.constant 0 : i32
        %dma_start3A_207 = arith.constant 0 : i32
        %dma_start3A_208 = arith.constant 0 : i32
        %dma_start3A_209 = tpu.memref_slice %arg8[%dma_start3A_205, %dma_start3A_206, %dma_start3A_207, %dma_start3A_208] : memref<2x8x8x128xf32, #tpu.memory_space<vmem>> -> memref<1x8x8x128xf32, #tpu.memory_space<vmem>>
        %dma_start3A_210 = tpu.memref_squeeze %dma_start3A_209 : memref<1x8x8x128xf32, #tpu.memory_space<vmem>> -> memref<8x8x128xf32, #tpu.memory_space<vmem>>
        %dma_start3A_211 = arith.constant 0 : i32
        %dma_start3A_212 = arith.constant 0 : i32
        %dma_start3A_213 = arith.constant 0 : i32
        %dma_start3A_214 = tpu.memref_slice %arg4[%div3A_202, %dma_start3A_211, %rem3A_204, %dma_start3A_212, %dma_start3A_213] : memref<200x8x32x8x128xf32, #tpu.memory_space<hbm>> -> memref<1x8x1x8x128xf32, #tpu.memory_space<hbm>>
        %dma_start3A_215 = tpu.memref_squeeze %dma_start3A_214 : memref<1x8x1x8x128xf32, #tpu.memory_space<hbm>> -> memref<8x8x128xf32, #tpu.memory_space<hbm>>
        %dma_start3A_216 = arith.constant 0 : i32
        %dma_start3A_217 = arith.constant 0 : i32
        %dma_start3A_218 = arith.constant 0 : i32
        %dma_start3A_219 = tpu.memref_slice %arg4[%div3A_202, %dma_start3A_216, %rem3A_204, %dma_start3A_217, %dma_start3A_218] : memref<200x8x32x8x128xf32, #tpu.memory_space<hbm>> -> memref<1x8x1x8x128xf32, #tpu.memory_space<hbm>>
        %dma_start3A_220 = tpu.memref_squeeze %dma_start3A_219 : memref<1x8x1x8x128xf32, #tpu.memory_space<hbm>> -> memref<8x8x128xf32, #tpu.memory_space<hbm>>
        %dma_start3A_221 = arith.constant 0 : i32
        %dma_start3A_222 = arith.constant 0 : i32
        %dma_start3A_223 = arith.constant 0 : i32
        %dma_start3A_224 = tpu.memref_slice %arg8[%dma_start3A_205, %dma_start3A_221, %dma_start3A_222, %dma_start3A_223] : memref<2x8x8x128xf32, #tpu.memory_space<vmem>> -> memref<1x8x8x128xf32, #tpu.memory_space<vmem>>
        %dma_start3A_225 = tpu.memref_squeeze %dma_start3A_224 : memref<1x8x8x128xf32, #tpu.memory_space<vmem>> -> memref<8x8x128xf32, #tpu.memory_space<vmem>>
        tpu.enqueue_dma source(%dma_start3A_225 : memref<8x8x128xf32, #tpu.memory_space<vmem>>) target(%dma_start3A_220 : memref<8x8x128xf32, #tpu.memory_space<hbm>>) target_semaphore(%arg13 : memref<!tpu.dma_semaphore, #tpu.memory_space<semaphore_mem>>)
      } else {
      }
      %eq3A_188 = arith.constant 1 : i32
      %eq3A_189 = arith.cmpi eq, %rem3A_158, %eq3A_188 : i32
      %convert_element_type3A_190 = arith.extui %eq3A_189 : i1 to i32
      %cond3A_191 = arith.constant 0 : i32
      %cond3A_192 = arith.cmpi ne, %convert_element_type3A_190, %cond3A_191 : i32
      scf.if %cond3A_192 {
        %add3A_200 = arith.addi %mul3A_2, %scan3A_156 : i32
        %div3A_201 = arith.constant 32 : i32
        %div3A_202 = arith.divsi %add3A_200, %div3A_201 : i32
        %rem3A_203 = arith.constant 32 : i32
        %rem3A_204 = arith.remsi %add3A_200, %rem3A_203 : i32
        %dma_start3A_205 = arith.constant 1 : i32
        %dma_start3A_206 = arith.constant 0 : i32
        %dma_start3A_207 = arith.constant 0 : i32
        %dma_start3A_208 = arith.constant 0 : i32
        %dma_start3A_209 = tpu.memref_slice %arg8[%dma_start3A_205, %dma_start3A_206, %dma_start3A_207, %dma_start3A_208] : memref<2x8x8x128xf32, #tpu.memory_space<vmem>> -> memref<1x8x8x128xf32, #tpu.memory_space<vmem>>
        %dma_start3A_210 = tpu.memref_squeeze %dma_start3A_209 : memref<1x8x8x128xf32, #tpu.memory_space<vmem>> -> memref<8x8x128xf32, #tpu.memory_space<vmem>>
        %dma_start3A_211 = arith.constant 0 : i32
        %dma_start3A_212 = arith.constant 0 : i32
        %dma_start3A_213 = arith.constant 0 : i32
        %dma_start3A_214 = tpu.memref_slice %arg4[%div3A_202, %dma_start3A_211, %rem3A_204, %dma_start3A_212, %dma_start3A_213] : memref<200x8x32x8x128xf32, #tpu.memory_space<hbm>> -> memref<1x8x1x8x128xf32, #tpu.memory_space<hbm>>
        %dma_start3A_215 = tpu.memref_squeeze %dma_start3A_214 : memref<1x8x1x8x128xf32, #tpu.memory_space<hbm>> -> memref<8x8x128xf32, #tpu.memory_space<hbm>>
        %dma_start3A_216 = arith.constant 0 : i32
        %dma_start3A_217 = arith.constant 0 : i32
        %dma_start3A_218 = arith.constant 0 : i32
        %dma_start3A_219 = tpu.memref_slice %arg4[%div3A_202, %dma_start3A_216, %rem3A_204, %dma_start3A_217, %dma_start3A_218] : memref<200x8x32x8x128xf32, #tpu.memory_space<hbm>> -> memref<1x8x1x8x128xf32, #tpu.memory_space<hbm>>
        %dma_start3A_220 = tpu.memref_squeeze %dma_start3A_219 : memref<1x8x1x8x128xf32, #tpu.memory_space<hbm>> -> memref<8x8x128xf32, #tpu.memory_space<hbm>>
        %dma_start3A_221 = arith.constant 0 : i32
        %dma_start3A_222 = arith.constant 0 : i32
        %dma_start3A_223 = arith.constant 0 : i32
        %dma_start3A_224 = tpu.memref_slice %arg8[%dma_start3A_205, %dma_start3A_221, %dma_start3A_222, %dma_start3A_223] : memref<2x8x8x128xf32, #tpu.memory_space<vmem>> -> memref<1x8x8x128xf32, #tpu.memory_space<vmem>>
        %dma_start3A_225 = tpu.memref_squeeze %dma_start3A_224 : memref<1x8x8x128xf32, #tpu.memory_space<vmem>> -> memref<8x8x128xf32, #tpu.memory_space<vmem>>
        tpu.enqueue_dma source(%dma_start3A_225 : memref<8x8x128xf32, #tpu.memory_space<vmem>>) target(%dma_start3A_220 : memref<8x8x128xf32, #tpu.memory_space<hbm>>) target_semaphore(%arg14 : memref<!tpu.dma_semaphore, #tpu.memory_space<semaphore_mem>>)
      } else {
      }
      %add3A_193 = arith.constant 2 : i32
      %add3A_194 = arith.addi %scan3A_156, %add3A_193 : i32
      %lt3A_195 = arith.constant 200 : i32
      %lt3A_196 = arith.cmpi slt, %add3A_194, %lt3A_195 : i32
      %convert_element_type3A_197 = arith.extui %lt3A_196 : i1 to i32
      %cond3A_198 = arith.constant 0 : i32
      %cond3A_199 = arith.cmpi ne, %convert_element_type3A_197, %cond3A_198 : i32
      scf.if %cond3A_199 {
        %eq3A_200 = arith.constant 0 : i32
        %eq3A_201 = arith.cmpi eq, %rem3A_158, %eq3A_200 : i32
        %convert_element_type3A_202 = arith.extui %eq3A_201 : i1 to i32
        %cond3A_203 = arith.constant 0 : i32
        %cond3A_204 = arith.cmpi ne, %convert_element_type3A_202, %cond3A_203 : i32
        scf.if %cond3A_204 {
          %dma_wait3A_210 = arith.constant 0 : i32
          %dma_wait3A_211 = arith.constant 0 : i32
          %dma_wait3A_212 = tpu.memref_slice %arg5[%dma_wait3A_210, %dma_wait3A_211] : memref<2x128xi32, #tpu.memory_space<vmem>> -> memref<1x128xi32, #tpu.memory_space<vmem>>
          %dma_wait3A_213 = tpu.memref_squeeze %dma_wait3A_212 : memref<1x128xi32, #tpu.memory_space<vmem>> -> memref<128xi32, #tpu.memory_space<vmem>>
          %dma_wait3A_214 = arith.constant 0 : i32
          %dma_wait3A_215 = tpu.memref_slice %arg3[%dma_wait3A_214] : memref<819200xi32, #tpu.memory_space<hbm>> -> memref<128xi32, #tpu.memory_space<hbm>>
          %dma_wait3A_216 = arith.constant 0 : i32
          %dma_wait3A_217 = tpu.memref_slice %arg5[%dma_wait3A_210, %dma_wait3A_216] : memref<2x128xi32, #tpu.memory_space<vmem>> -> memref<1x128xi32, #tpu.memory_space<vmem>>
          %dma_wait3A_218 = tpu.memref_squeeze %dma_wait3A_217 : memref<1x128xi32, #tpu.memory_space<vmem>> -> memref<128xi32, #tpu.memory_space<vmem>>
          %dma_wait3A_219 = arith.constant 0 : i32
          %dma_wait3A_220 = tpu.memref_slice %arg3[%dma_wait3A_219] : memref<819200xi32, #tpu.memory_space<hbm>> -> memref<128xi32, #tpu.memory_space<hbm>>
          tpu.wait_dma2 semaphore(%arg9 : memref<!tpu.dma_semaphore, #tpu.memory_space<semaphore_mem>>) src(%dma_wait3A_220 : memref<128xi32, #tpu.memory_space<hbm>>) dst(%dma_wait3A_218 : memref<128xi32, #tpu.memory_space<vmem>>)
          %dma_start3A_221 = arith.constant 0 : i32
          %dma_start3A_222 = arith.constant 0 : i32
          %dma_start3A_223 = arith.constant 0 : i32
          %dma_start3A_224 = tpu.memref_slice %arg6[%dma_start3A_222, %dma_start3A_223] : memref<256x64xf32, #tpu.memory_space<vmem>> -> memref<128x64xf32, #tpu.memory_space<vmem>>
          %dma_start3A_225 = arith.constant 0 : i32
          %dma_start3A_226 = tpu.memref_slice %arg5[%dma_start3A_221, %dma_start3A_225] : memref<2x128xi32, #tpu.memory_space<vmem>> -> memref<1x128xi32, #tpu.memory_space<vmem>>
          %dma_start3A_227 = tpu.memref_squeeze %dma_start3A_226 : memref<1x128xi32, #tpu.memory_space<vmem>> -> memref<128xi32, #tpu.memory_space<vmem>>
          %dma_start3A_228 = arith.constant 0 : i32
          %dma_start3A_229 = arith.constant 0 : i32
          %dma_start3A_230 = tpu.memref_slice %arg2[%dma_start3A_228, %dma_start3A_229] : memref<1000000x64xf32, #tpu.memory_space<hbm>> -> memref<1000000x64xf32, #tpu.memory_space<hbm>>
          tpu.enqueue_indirect_dma source(%dma_start3A_230 : memref<1000000x64xf32, #tpu.memory_space<hbm>>) target(%dma_start3A_224 : memref<128x64xf32, #tpu.memory_space<vmem>>) offsets(%dma_start3A_227 : memref<128xi32, #tpu.memory_space<vmem>>) semaphore(%arg11 : memref<!tpu.dma_semaphore, #tpu.memory_space<semaphore_mem>>)
        } else {
        }
        %eq3A_205 = arith.constant 1 : i32
        %eq3A_206 = arith.cmpi eq, %rem3A_158, %eq3A_205 : i32
        %convert_element_type3A_207 = arith.extui %eq3A_206 : i1 to i32
        %cond3A_208 = arith.constant 0 : i32
        %cond3A_209 = arith.cmpi ne, %convert_element_type3A_207, %cond3A_208 : i32
        scf.if %cond3A_209 {
          %dma_wait3A_210 = arith.constant 1 : i32
          %dma_wait3A_211 = arith.constant 0 : i32
          %dma_wait3A_212 = tpu.memref_slice %arg5[%dma_wait3A_210, %dma_wait3A_211] : memref<2x128xi32, #tpu.memory_space<vmem>> -> memref<1x128xi32, #tpu.memory_space<vmem>>
          %dma_wait3A_213 = tpu.memref_squeeze %dma_wait3A_212 : memref<1x128xi32, #tpu.memory_space<vmem>> -> memref<128xi32, #tpu.memory_space<vmem>>
          %dma_wait3A_214 = arith.constant 0 : i32
          %dma_wait3A_215 = tpu.memref_slice %arg3[%dma_wait3A_214] : memref<819200xi32, #tpu.memory_space<hbm>> -> memref<128xi32, #tpu.memory_space<hbm>>
          %dma_wait3A_216 = arith.constant 0 : i32
          %dma_wait3A_217 = tpu.memref_slice %arg5[%dma_wait3A_210, %dma_wait3A_216] : memref<2x128xi32, #tpu.memory_space<vmem>> -> memref<1x128xi32, #tpu.memory_space<vmem>>
          %dma_wait3A_218 = tpu.memref_squeeze %dma_wait3A_217 : memref<1x128xi32, #tpu.memory_space<vmem>> -> memref<128xi32, #tpu.memory_space<vmem>>
          %dma_wait3A_219 = arith.constant 0 : i32
          %dma_wait3A_220 = tpu.memref_slice %arg3[%dma_wait3A_219] : memref<819200xi32, #tpu.memory_space<hbm>> -> memref<128xi32, #tpu.memory_space<hbm>>
          tpu.wait_dma2 semaphore(%arg10 : memref<!tpu.dma_semaphore, #tpu.memory_space<semaphore_mem>>) src(%dma_wait3A_220 : memref<128xi32, #tpu.memory_space<hbm>>) dst(%dma_wait3A_218 : memref<128xi32, #tpu.memory_space<vmem>>)
          %dma_start3A_221 = arith.constant 1 : i32
          %dma_start3A_222 = arith.constant 128 : i32
          %dma_start3A_223 = arith.constant 0 : i32
          %dma_start3A_224 = tpu.memref_slice %arg6[%dma_start3A_222, %dma_start3A_223] : memref<256x64xf32, #tpu.memory_space<vmem>> -> memref<128x64xf32, #tpu.memory_space<vmem>>
          %dma_start3A_225 = arith.constant 0 : i32
          %dma_start3A_226 = tpu.memref_slice %arg5[%dma_start3A_221, %dma_start3A_225] : memref<2x128xi32, #tpu.memory_space<vmem>> -> memref<1x128xi32, #tpu.memory_space<vmem>>
          %dma_start3A_227 = tpu.memref_squeeze %dma_start3A_226 : memref<1x128xi32, #tpu.memory_space<vmem>> -> memref<128xi32, #tpu.memory_space<vmem>>
          %dma_start3A_228 = arith.constant 0 : i32
          %dma_start3A_229 = arith.constant 0 : i32
          %dma_start3A_230 = tpu.memref_slice %arg2[%dma_start3A_228, %dma_start3A_229] : memref<1000000x64xf32, #tpu.memory_space<hbm>> -> memref<1000000x64xf32, #tpu.memory_space<hbm>>
          tpu.enqueue_indirect_dma source(%dma_start3A_230 : memref<1000000x64xf32, #tpu.memory_space<hbm>>) target(%dma_start3A_224 : memref<128x64xf32, #tpu.memory_space<vmem>>) offsets(%dma_start3A_227 : memref<128xi32, #tpu.memory_space<vmem>>) semaphore(%arg12 : memref<!tpu.dma_semaphore, #tpu.memory_space<semaphore_mem>>)
        } else {
        }
      } else {
      }
    }
    %scan3A_109 = arith.constant 200 : i32
    %dma_wait3A_110 = arith.constant 0 : i32
    %dma_wait3A_111 = arith.constant 0 : i32
    %dma_wait3A_112 = arith.constant 0 : i32
    %dma_wait3A_113 = arith.constant 0 : i32
    %dma_wait3A_114 = arith.constant 0 : i32
    %dma_wait3A_115 = arith.constant 0 : i32
    %dma_wait3A_116 = tpu.memref_slice %arg8[%dma_wait3A_110, %dma_wait3A_113, %dma_wait3A_114, %dma_wait3A_115] : memref<2x8x8x128xf32, #tpu.memory_space<vmem>> -> memref<1x8x8x128xf32, #tpu.memory_space<vmem>>
    %dma_wait3A_117 = tpu.memref_squeeze %dma_wait3A_116 : memref<1x8x8x128xf32, #tpu.memory_space<vmem>> -> memref<8x8x128xf32, #tpu.memory_space<vmem>>
    %dma_wait3A_118 = arith.constant 0 : i32
    %dma_wait3A_119 = arith.constant 0 : i32
    %dma_wait3A_120 = arith.constant 0 : i32
    %dma_wait3A_121 = tpu.memref_slice %arg4[%dma_wait3A_111, %dma_wait3A_118, %dma_wait3A_112, %dma_wait3A_119, %dma_wait3A_120] : memref<200x8x32x8x128xf32, #tpu.memory_space<hbm>> -> memref<1x8x1x8x128xf32, #tpu.memory_space<hbm>>
    %dma_wait3A_122 = tpu.memref_squeeze %dma_wait3A_121 : memref<1x8x1x8x128xf32, #tpu.memory_space<hbm>> -> memref<8x8x128xf32, #tpu.memory_space<hbm>>
    %dma_wait3A_123 = arith.constant 0 : i32
    %dma_wait3A_124 = arith.constant 0 : i32
    %dma_wait3A_125 = arith.constant 0 : i32
    %dma_wait3A_126 = tpu.memref_slice %arg4[%dma_wait3A_111, %dma_wait3A_123, %dma_wait3A_112, %dma_wait3A_124, %dma_wait3A_125] : memref<200x8x32x8x128xf32, #tpu.memory_space<hbm>> -> memref<1x8x1x8x128xf32, #tpu.memory_space<hbm>>
    %dma_wait3A_127 = tpu.memref_squeeze %dma_wait3A_126 : memref<1x8x1x8x128xf32, #tpu.memory_space<hbm>> -> memref<8x8x128xf32, #tpu.memory_space<hbm>>
    %dma_wait3A_128 = arith.constant 0 : i32
    %dma_wait3A_129 = arith.constant 0 : i32
    %dma_wait3A_130 = arith.constant 0 : i32
    %dma_wait3A_131 = tpu.memref_slice %arg8[%dma_wait3A_110, %dma_wait3A_128, %dma_wait3A_129, %dma_wait3A_130] : memref<2x8x8x128xf32, #tpu.memory_space<vmem>> -> memref<1x8x8x128xf32, #tpu.memory_space<vmem>>
    %dma_wait3A_132 = tpu.memref_squeeze %dma_wait3A_131 : memref<1x8x8x128xf32, #tpu.memory_space<vmem>> -> memref<8x8x128xf32, #tpu.memory_space<vmem>>
    tpu.wait_dma2 semaphore(%arg13 : memref<!tpu.dma_semaphore, #tpu.memory_space<semaphore_mem>>) src(%dma_wait3A_132 : memref<8x8x128xf32, #tpu.memory_space<vmem>>) dst(%dma_wait3A_127 : memref<8x8x128xf32, #tpu.memory_space<hbm>>)
    %dma_wait3A_133 = arith.constant 1 : i32
    %dma_wait3A_134 = arith.constant 0 : i32
    %dma_wait3A_135 = arith.constant 0 : i32
    %dma_wait3A_136 = arith.constant 0 : i32
    %dma_wait3A_137 = arith.constant 0 : i32
    %dma_wait3A_138 = arith.constant 0 : i32
    %dma_wait3A_139 = tpu.memref_slice %arg8[%dma_wait3A_133, %dma_wait3A_136, %dma_wait3A_137, %dma_wait3A_138] : memref<2x8x8x128xf32, #tpu.memory_space<vmem>> -> memref<1x8x8x128xf32, #tpu.memory_space<vmem>>
    %dma_wait3A_140 = tpu.memref_squeeze %dma_wait3A_139 : memref<1x8x8x128xf32, #tpu.memory_space<vmem>> -> memref<8x8x128xf32, #tpu.memory_space<vmem>>
    %dma_wait3A_141 = arith.constant 0 : i32
    %dma_wait3A_142 = arith.constant 0 : i32
    %dma_wait3A_143 = arith.constant 0 : i32
    %dma_wait3A_144 = tpu.memref_slice %arg4[%dma_wait3A_134, %dma_wait3A_141, %dma_wait3A_135, %dma_wait3A_142, %dma_wait3A_143] : memref<200x8x32x8x128xf32, #tpu.memory_space<hbm>> -> memref<1x8x1x8x128xf32, #tpu.memory_space<hbm>>
    %dma_wait3A_145 = tpu.memref_squeeze %dma_wait3A_144 : memref<1x8x1x8x128xf32, #tpu.memory_space<hbm>> -> memref<8x8x128xf32, #tpu.memory_space<hbm>>
    %dma_wait3A_146 = arith.constant 0 : i32
    %dma_wait3A_147 = arith.constant 0 : i32
    %dma_wait3A_148 = arith.constant 0 : i32
    %dma_wait3A_149 = tpu.memref_slice %arg4[%dma_wait3A_134, %dma_wait3A_146, %dma_wait3A_135, %dma_wait3A_147, %dma_wait3A_148] : memref<200x8x32x8x128xf32, #tpu.memory_space<hbm>> -> memref<1x8x1x8x128xf32, #tpu.memory_space<hbm>>
    %dma_wait3A_150 = tpu.memref_squeeze %dma_wait3A_149 : memref<1x8x1x8x128xf32, #tpu.memory_space<hbm>> -> memref<8x8x128xf32, #tpu.memory_space<hbm>>
    %dma_wait3A_151 = arith.constant 0 : i32
    %dma_wait3A_152 = arith.constant 0 : i32
    %dma_wait3A_153 = arith.constant 0 : i32
    %dma_wait3A_154 = tpu.memref_slice %arg8[%dma_wait3A_133, %dma_wait3A_151, %dma_wait3A_152, %dma_wait3A_153] : memref<2x8x8x128xf32, #tpu.memory_space<vmem>> -> memref<1x8x8x128xf32, #tpu.memory_space<vmem>>
    %dma_wait3A_155 = tpu.memref_squeeze %dma_wait3A_154 : memref<1x8x8x128xf32, #tpu.memory_space<vmem>> -> memref<8x8x128xf32, #tpu.memory_space<vmem>>
    tpu.wait_dma2 semaphore(%arg14 : memref<!tpu.dma_semaphore, #tpu.memory_space<semaphore_mem>>) src(%dma_wait3A_155 : memref<8x8x128xf32, #tpu.memory_space<vmem>>) dst(%dma_wait3A_150 : memref<8x8x128xf32, #tpu.memory_space<hbm>>)
    return
  }
}

</mosaic_0001>

<sc_bundles>
// kernel: kernel.4.cloned.1.call-start
scs
__scs_entry_jumppad:
0x0: {  	(pc) =	sbr.rel $0x88, $3  }
0x1: {  	(tag) =	ssettag $0x0;
	lr =	simm.s32 $0x1  }
0x2: {  	[smem:$0x3F9F] =	sst lr;
	_ =	strace $0xD0000000  }
0x3: {  	_ = 	snop  }
0x4: {  	_ = 	snop  }
0x5: {  	_ = 	snop  }
0x6: {  	_ = 	snop  }
0x7: {  	_ = 	snop  }
__scs_overlays_trampoline_lowered:
0x8: {  	[smem:$0x3FAE] =	sst s0  }
0x9: {  	[smem:$0x3FAF] =	sst s1  }
0xa: {  	[smem:$0x3FB0] =	sst s2  }
0xb: {  	[smem:$0x3FB1] =	sst s3  }
0xc: {  	[smem:$0x3FB2] =	sst s4  }
0xd: {  	[smem:$0x3FB3] =	sst s5  }
0xe: {  	[smem:$0x3FB4] =	sst s6  }
0xf: {  	[smem:$0x3FB5] =	sst s7  }
0x10: {  	[smem:$0x3FB6] =	sst s8  }
0x11: {  	[smem:$0x3FB7] =	sst s9;
	s0 =	simm.s32 @!p0 $0x0  }
0x12: {  	s1 =	sld [smem:$0x3F9D];
	s0 =	simm.s32 @p0 $0x1  }
0x13: {  	[smem:$0x3FB8] =	sst s0;
	s0 =	simm.s32 @!p1 $0x0  }
0x14: {  	s2 =	sld [smem:$0x3F9C];
	s0 =	simm.s32 @p1 $0x1  }
0x15: {  	[smem:$0x3FB9] =	sst s0;
	s0 =	simm.s32 @!p2 $0x0  }
0x16: {  	s3 =	sld [smem:$0x3FDB];
	s0 =	simm.s32 @p2 $0x1  }
0x17: {  	s4 =	simm.s32 $0x1BF5;
	[smem:$0x3FBB] =	sst s0  }
0x18: {  	s0 =	sld [smem:$0x3F9E];
	_ =	swait.ge [sflag:s4], $0x0  }
0x19: {  	s7 =	sld [smem:$0x3F9F]  }
0x1a: {  	s8 =	sadd.s32 $0xFFFFE003, lr  }
0x1b: {  	s9 =	sadd.s32 $0xFFFFFEF7, lr;
	s5 =	simm.s32 $0xFFFFFFFF;
	p2 =	slt.u32 s8, $0xFFFFF086  }
0x1c: {  	p1 =	slt.u32 s9, $0xF7A;
	s5 =	simm.s32 @!p2 $0x0  }
0x1d: {  	s5 =	simm.s32 @p1 $0x1;
	p0 =	seq.s32 s7, s2  }
0x1e: {  	s7 =	smul.u32 @!p0 $0xF7A, s2;
	p2 =	seq.s32 @!p0 s5, $0x0  }
0x1f: {  	s9 =	smul.u32 $0xF7A, s1;
	s8 =	simm.s32 @!p0 $0x1BF5;
	p2 =	por !p2, p0  }
0x20: {  	[sflag:s8] =	ssyncset.s32 @!p0 $0xFFFFF086;
	s6 =	sadd.s32 @!p0 s3, s7;
	s7 =	simm.s32 @!p0 $0x108  }
0x21: {  	s3 =	sadd.s32 s3, s9;
	s6 =	sadd.s32 @!p0 $0x88, s6;
	s7 =	simm.s32 @p2 $0x1082  }
0x22: {  	[simem:s7], [sflag:s8] =	dma.local @!p0 [hbm:s6], $0xF7A  }
0x23: {  	s9 =	sor.u32 $0xD0000000, s2;
	s6 =	simm.s32 $0x108;
	_ =	swait.ge @!p0 [sflag:s8], $0x0  }
0x24: {  	s3 =	sadd.s32 $0x88, s3;
	s6 =	simm.s32 @!p1 $0x1082;
	[sflag:s4] =	ssyncset.s32 $0xFFFFF086  }
0x25: {  	[simem:s6], [sflag:s4] =	dma.local [hbm:s3], $0xF7A  }
0x26: {  	[smem:$0x3F9F] =	sst s1;
	(tag) =	ssettag s2;
	_ =	strace s9  }
0x27: {  	s1 =	sld [smem:$0x3FAF]  }
0x28: {  	s2 =	sld [smem:$0x3FB0]  }
0x29: {  	s4 =	sld [smem:$0x3FB2]  }
0x2a: {  	p0 =	seq.s32 s5, $0x0;
	s5 =	sld [smem:$0x3FB3]  }
0x2b: {  	s6 =	sld [smem:$0x3FB4]  }
0x2c: {  	s7 =	sld [smem:$0x3FB5]  }
0x2d: {  	s3 =	simm.s32 $0x108;
	s8 =	sld [smem:$0x3FB6]  }
0x2e: {  	s3 =	simm.s32 @!p0 $0x1082;
	s9 =	sld [smem:$0x3FB7]  }
0x2f: {  	lr =	sadd.s32 s0, s3;
	s0 =	sld [smem:$0x3FAE]  }
0x30: {  	s3 =	sld [smem:$0x3FB1]  }
0x31: {  	[smem:$0x3FBA] =	sst s10  }
0x32: {  	s10 =	sld [smem:$0x3FB8];
	_ =	sdelay $0x3  }
0x33: {  	p0 =	seq.s32 s10, $0x1;
	s10 =	sld [smem:$0x3FBA];
	_ =	sdelay $0x3  }
0x34: {  	[smem:$0x3FBA] =	sst s10  }
0x35: {  	s10 =	sld [smem:$0x3FB9];
	_ =	sdelay $0x3  }
0x36: {  	p1 =	seq.s32 s10, $0x1;
	s10 =	sld [smem:$0x3FBA];
	_ =	sdelay $0x3  }
0x37: {  	[smem:$0x3FBA] =	sst s10  }
0x38: {  	s10 =	sld [smem:$0x3FBB]  }
0x39: {  	_ = 	snop;
	(pc) =	sbr.ind lr, $3  }
0x3a: {  	_ = 	snop  }
0x3b: {  	_ = 	snop  }
0x3c: {  	p2 =	seq.s32 s10, $0x1;
	s10 =	sld [smem:$0x3FBA]  }
0x3d: {  	_ =	shalt  }
0x3e: {  	_ =	shalt  }
0x3f: {  	_ =	shalt  }
0x40: {  	_ =	shalt  }
0x41: {  	_ =	shalt  }
0x42: {  	_ =	shalt  }
0x43: {  	_ =	shalt  }
0x44: {  	_ =	shalt  }
0x45: {  	_ =	shalt  }
0x46: {  	_ =	shalt  }
0x47: {  	_ =	shalt  }
0x48: {  	_ =	shalt  }
0x49: {  	_ =	shalt  }
0x4a: {  	_ =	shalt  }
0x4b: {  	_ =	shalt  }
0x4c: {  	_ =	shalt  }
0x4d: {  	_ =	shalt  }
0x4e: {  	_ =	shalt  }
0x4f: {  	_ =	shalt  }
0x50: {  	_ =	shalt  }
0x51: {  	_ =	shalt  }
0x52: {  	_ =	shalt  }
0x53: {  	_ =	shalt  }
0x54: {  	_ =	shalt  }
0x55: {  	_ =	shalt  }
0x56: {  	_ =	shalt  }
0x57: {  	_ =	shalt  }
0x58: {  	_ =	shalt  }
0x59: {  	_ =	shalt  }
0x5a: {  	_ =	shalt  }
0x5b: {  	_ =	shalt  }
0x5c: {  	_ =	shalt  }
0x5d: {  	_ =	shalt  }
0x5e: {  	_ =	shalt  }
0x5f: {  	_ =	shalt  }
0x60: {  	_ =	shalt  }
0x61: {  	_ =	shalt  }
0x62: {  	_ =	shalt  }
0x63: {  	_ =	shalt  }
0x64: {  	_ =	shalt  }
0x65: {  	_ =	shalt  }
0x66: {  	_ =	shalt  }
0x67: {  	_ =	shalt  }
0x68: {  	_ =	shalt  }
0x69: {  	_ =	shalt  }
0x6a: {  	_ =	shalt  }
0x6b: {  	_ =	shalt  }
0x6c: {  	_ =	shalt  }
0x6d: {  	_ =	shalt  }
0x6e: {  	_ =	shalt  }
0x6f: {  	_ =	shalt  }
0x70: {  	_ =	shalt  }
0x71: {  	_ =	shalt  }
0x72: {  	_ =	shalt  }
0x73: {  	_ =	shalt  }
0x74: {  	_ =	shalt  }
0x75: {  	_ =	shalt  }
0x76: {  	_ =	shalt  }
0x77: {  	_ =	shalt  }
0x78: {  	_ =	shalt  }
0x79: {  	_ =	shalt  }
0x7a: {  	_ =	shalt  }
0x7b: {  	_ =	shalt  }
0x7c: {  	_ =	shalt  }
0x7d: {  	_ =	shalt  }
0x7e: {  	_ =	shalt  }
0x7f: {  	_ =	shalt  }
0x80: {  	_ =	shalt  }
0x81: {  	_ =	shalt  }
0x82: {  	_ =	shalt  }
0x83: {  	_ =	shalt  }
0x84: {  	_ =	shalt  }
0x85: {  	_ =	shalt  }
0x86: {  	_ =	shalt  }
0x87: {  	_ =	shalt  }
.Lfunc_end0:
.L_simem_size_0:
called_computation_lowered:
.L_overlay_start_0:
0x88: {  	s2 =	sld [smem:$0x3FD9]  }
0x89: {  	s3 =	sld [smem:$0x3FFE];
	_ =	sdelay $0x1  }
0x8a: {  	s1 =	srdreg.scid  }
0x8b: {  	s0 =	sand.u32 $0x1, s1  }
0x8c: {  	s17 =	sshll.u32 s0, $0xA;
	s2 =	sadd.s32 s3, s2  }
0x8d: {  	s2 =	sadd.s32 s2, s17  }
0x8e: {  	[smem:$0x3FC6] =	sst s2  }
0x8f: {  	_ = 	snop  }
0x90: {  	s2 =	sld [smem:$0x3FC9]  }
0x91: {  	s18 =	sld [smem:$0x3FC8]  }
0x92: {  	s4 =	sld [smem:$0x3FD0];
	(tm) =	ssettm $0x1  }
0x93: {  	s5 =	sld [smem:$0x3FFB];
	_ =	sdelay $0x3  }
0x94: {  	_ =	strace s5  }
0x95: {  	s5 =	sld [smem:$0x3FFC];
	_ =	sdelay $0x3  }
0x96: {  	_ =	strace s5  }
0x97: {  	s5 =	sld [smem:$0x3FFD];
	_ =	sdelay $0x3  }
0x98: {  	_ =	strace s5  }
0x99: {  	_ =	strace $0x8FFFFFFF  }
0x9a: {  	s19 =	sld [smem:$0x3FDB];
	_ =	sdelay $0x1  }
0x9b: {  	s6 =	simm.s32 $_scs_section_size  }
0x9c: {  	s7 =	simm.s32 $_size__tile_overlayer_lowered;
	s8 =	simm.s32 $_tile_overlayer_lowered  }
0x9d: {  	s22 =	simm.s32 $0x1BFF;
	s21 =	sshll.u32 s8, $0x1;
	s5 =	sadd.s32 s6, s19  }
0x9e: {  	s9 =	simm.s32 $0x0;
	s20 =	sshll.u32 s7, $0x1;
	s7 =	sadd.s32 s21, s5  }
0x9f: {  	[timem:s9], [sflag:s22] =	dma.local [hbm:s7], s20  }
0xa0: {  	_ =	swait.ge [sflag:s22], s20  }
0xa1: {  	s6 =	ssub.s32 $0x0, s20;
	[sflag:s22] =	ssyncset.done $0x0  }
0xa2: {  	[sflag:s22] =	ssyncadd.s32 s6;
	_ =	sdelay $0x1  }
0xa3: {  	s23 =	simm.s32 $0x1B8B  }
0xa4: {  	_ =	swait.ge [sflag:s23], $0x1  }
0xa5: {  	[sflag:s23] =	ssyncset.done $0x0  }
0xa6: {  	s25 =	simm.s32 $0x1B8E;
	s24 =	sld [smem:$0x3FFE];
	[sflag:s23] =	ssyncadd.s32 $0xFFFFFFFF  }
0xa7: {  	s26 =	simm.s32 $execute0_lowered;
	[smem:$0x3FD2] =	sst s25  }
0xa8: {  	s7 =	sshll.u32 s26, $0x1;
	_ =	strace $0x80000046;
	[dreg:$0x1] =	wrdreg $0xFFFFFFFF  }
0xa9: {  	s28 =	simm.s32 $_size_execute0_lowered;
	s5 =	sadd.s32 s5, s7;
	[dreg:$0x0] =	wrdreg $0x0  }
0xaa: {  	s7 =	sshll.u32 s28, $0x1;
	[dreg:$0x2] =	wrdreg s5  }
0xab: {  	[dreg:$0x3] =	wrdreg s7  }
0xac: {  	[dreg:$0x4] =	wrdreg $0xC0  }
0xad: {  	_ =	task [dreg:s9], $0x5FFFF  }
0xae: {  	[dreg:$0x1] =	wrdreg $0xFFFFFFFF  }
0xaf: {  	[dreg:$0x0] =	wrdreg $0x60  }
0xb0: {  	[dreg:$0x2] =	wrdreg s18  }
0xb1: {  	[dreg:$0x3] =	wrdreg s2  }
0xb2: {  	[dreg:$0x4] =	wrdreg s4  }
0xb3: {  	[dreg:$0x5] =	wrdreg s24  }
0xb4: {  	[dreg:$0x6] =	wrdreg $0x9  }
0xb5: {  	_ =	task.clear_ibuf [dreg:s9], $0x7FFFF;
	_ =	strace $0x90000046  }
0xb6: {  	s29 =	simm.s32 $0x9;
	_ =	strace $0x80000048  }
0xb7: {  	_ =	swait.ge [sflag:s29], $0x1  }
0xb8: {  	[sflag:s29] =	ssyncadd.s32 $0xFFFFFFFF  }
0xb9: {  	_ =	strace $0x90000048  }
0xba: {  	_ =	sfence  }
0xbb: {  	s30 =	sld [smem:$0x0];
	_ =	sdelay $0x2  }
0xbc: {  	s31 =	sshll.u32 s1, $0xD;
	s1 =	sshrl.u32 s1, $0x2  }
0xbd: {  	s3 =	sand.u32 $0x4000, s31;
	s1 =	sadd.s32 s1, s30  }
0xbe: {  	s0 =	sor.u32 s3, s0;
	s1 =	sshll.u32 s1, $0x11  }
0xbf: {  	s0 =	sor.u32 s1, s0  }
0xc0: {  	s0 =	sadd.s32 $0x8F2B, s0  }
0xc1: {  	[sflag:s0] =	ssyncadd.remote.s32 $0x1  }
0xc2: {  	_ =	sfence.sel $0xFFFF  }
0xc3: {  	[dreg:$0x0] =	wrdreg $0xFFFFFFFF;
	(pc) =	sbr.abs _section_cstart, $3  }
0xc4: {  	[dreg:$0x1] =	wrdreg $0xFFFFFFFF  }
0xc5: {  	_ =	task.clear_ibuf [dreg:s9], $0x2FFFF;
	_ =	strace $0x9FFFFFFF  }
0xc6: {  	(tm) =	ssettm $0x7FFFFFFF  }
0xc7: {  	_ =	shalt  }
tec
execute0_lowered:
.L_overlay_start_1:
0x0: {  	(tag) =	ssettag $0x1  }
0x1: {  	v0 =	vimm.s32 $0xE00  }
0x2: {  	vm8 =	vcmask $0x300;
	vm7 =	vcmask $0x704;
	vm5 =	vcmask $0xB08  }
0x3: {  	vm6 =	vcmask $0xF0C;
	vm4 =	vcmask $0x1310;
	vm3 =	vcmask $0x1714  }
0x4: {  	v1 =	vimm.s32 $0xD00;
	vm2 =	vcmask $0x1B18;
	vm1 =	vcmask $0x1F1C  }
0x5: {  	v2 =	vimm.s32 $0xC00;
	v3 =	vimm.s32 $0xB00;
	v4 =	vimm.s32 $0xA00  }
0x6: {  	v5 =	vimm.s32 $0x900;
	v6 =	vimm.s32 $0x800;
	v7 =	vimm.s32 $0x700  }
0x7: {  	v8 =	vimm.s32 $0x600;
	v9 =	vimm.s32 $0x500;
	v10 =	vimm.s32 $0x400  }
0x8: {  	v20 =	vimm.s32 $0x300;
	v17 =	vimm.s32 $0x200;
	v16 =	vimm.s32 $0x100  }
0x9: {  	v14 =	vimm.s32 $0x0;
	v18 =	vimm.s32 $0x80;
	v43 =	vimm.s32 $0x280  }
0xa: {  	v22 =	vimm.s32 $0xC4834201;
	v48 =	vimm.s32 $0xC5844302;
	vm9 =	vcmask $0xF00  }
0xb: {  	v24 =	vimm.s32 $0xC6854403;
	v25 =	vimm.s32 $0xC7864504;
	v0 =	vsel vm8, $0xF00, v0  }
0xc: {  	v1 =	vsel vm8, $0xE00, v1;
	v2 =	vsel vm8, $0xD00, v2;
	v3 =	vsel vm8, $0xC00, v3  }
0xd: {  	v4 =	vsel vm8, $0xB00, v4;
	v5 =	vsel vm8, $0xA00, v5;
	v6 =	vsel vm8, $0x900, v6  }
0xe: {  	v7 =	vsel vm8, $0x800, v7;
	v8 =	vsel vm8, $0x700, v8;
	v9 =	vsel vm8, $0x600, v9  }
0xf: {  	v10 =	vsel vm8, $0x500, v10;
	v11 =	vsel vm8, $0x400, v20;
	v12 =	vsel vm8, $0x300, v17  }
0x10: {  	v13 =	vsel vm8, $0x200, v16;
	v15 =	vsel vm8, $0x100, v14;
	v14 =	vsel vm8, $0x80, v14  }
0x11: {  	v18 =	vsel vm8, $0x100, v18;
	v21 =	vsel vm8, $0x280, v17;
	v20 =	vsel vm8, $0x380, v20  }
0x12: {  	v22 =	vunpack.c.0.s8.s32 v22;
	v24 =	vunpack.c.0.s8.s32 v24;
	v25 =	vunpack.c.0.s8.s32 v25  }
0x13: {  	v0 =	vsel vm7, $0x0, v0;
	v1 =	vsel vm7, $0xF00, v1;
	v2 =	vsel vm7, $0xE00, v2  }
0x14: {  	v3 =	vsel vm7, $0xD00, v3;
	v4 =	vsel vm7, $0xC00, v4;
	v5 =	vsel vm7, $0xB00, v5  }
0x15: {  	v6 =	vsel vm7, $0xA00, v6;
	v7 =	vsel vm7, $0x900, v7;
	v8 =	vsel vm7, $0x800, v8  }
0x16: {  	v9 =	vsel vm7, $0x700, v9;
	v10 =	vsel vm7, $0x600, v10;
	v11 =	vsel vm7, $0x500, v11  }
0x17: {  	v12 =	vsel vm7, $0x400, v12;
	v13 =	vsel vm7, $0x300, v13;
	v1 =	vsel vm5, $0x0, v1  }
0x18: {  	v15 =	vsel vm7, $0x200, v15;
	v2 =	vsel vm5, $0xF00, v2;
	v26 =	vsel vm6, $0x100, v1  }
0x19: {  	v19 =	vsel vm7, $0x100, v14;
	v3 =	vsel vm5, $0xE00, v3;
	v27 =	vsel vm6, $0x0, v2;
	[tilespmem:$0x1EBA0] =	vst v26  }
0x1a: {  	v18 =	vsel vm7, $0x180, v18;
	v4 =	vsel vm5, $0xD00, v4;
	v28 =	vsel vm6, $0xF00, v3;
	[tilespmem:$0x1EBB0] =	vst v27  }
0x1b: {  	v23 =	vsel vm7, $0x0, v20;
	v5 =	vsel vm5, $0xC00, v5;
	v29 =	vsel vm6, $0xE00, v4;
	[tilespmem:$0x1EBC0] =	vst v28  }
0x1c: {  	v0 =	vsel vm5, $0x100, v0;
	v6 =	vsel vm5, $0xB00, v6;
	v30 =	vsel vm6, $0xD00, v5;
	[tilespmem:$0x1EBD0] =	vst v29  }
0x1d: {  	v7 =	vsel vm5, $0xA00, v7;
	v8 =	vsel vm5, $0x900, v8;
	v31 =	vsel vm6, $0xC00, v6;
	[tilespmem:$0x1EBE0] =	vst v30  }
0x1e: {  	v9 =	vsel vm5, $0x800, v9;
	v10 =	vsel vm5, $0x700, v10;
	v32 =	vsel vm6, $0xB00, v7;
	[tilespmem:$0x1EBF0] =	vst v31  }
0x1f: {  	v11 =	vsel vm5, $0x600, v11;
	v12 =	vsel vm5, $0x500, v12;
	v33 =	vsel vm6, $0xA00, v8;
	[tilespmem:$0x1EC00] =	vst v32  }
0x20: {  	v13 =	vsel vm5, $0x400, v13;
	v15 =	vsel vm5, $0x300, v15;
	v34 =	vsel vm6, $0x900, v9;
	[tilespmem:$0x1EC10] =	vst v33  }
0x21: {  	v18 =	vsel vm5, $0x200, v18;
	v47 =	vsel vm5, $0x80, v23;
	v35 =	vsel vm6, $0x800, v10;
	[tilespmem:$0x1EC20] =	vst v34  }
0x22: {  	v22 =	vand.u32 $0xFF, v22;
	v23 =	vunpack.c.0.s8.s32 v48;
	v36 =	vsel vm6, $0x700, v11;
	[tilespmem:$0x1EC30] =	vst v35  }
0x23: {  	v24 =	vand.u32 $0xFF, v24;
	v25 =	vand.u32 $0xFF, v25;
	v37 =	vsel vm6, $0x600, v12;
	[tilespmem:$0x1EC40] =	vst v36  }
0x24: {  	v48 =	vimm.s32 $0xDF9E5D1C;
	v0 =	vsel vm6, $0x200, v0;
	v38 =	vsel vm6, $0x500, v13;
	[tilespmem:$0x1EC50] =	vst v37  }
0x25: {  	v39 =	vsel vm6, $0x400, v15;
	v15 =	vsel vm5, $0x180, v19;
	v19 =	vsel vm8, $0x180, v16;
	[tilespmem:$0x1EC60] =	vst v38  }
0x26: {  	v41 =	vsel vm6, $0x280, v18;
	v49 =	vsel vm6, $0x100, v47;
	v50 =	vnsel vm9, $0x3C0, v22;
	[tilespmem:$0x1EC70] =	vst v39  }
0x27: {  	v52 =	vnsel vm9, $0x3C2, v24;
	v53 =	vnsel vm9, $0x3C3, v25;
	v47 =	vimm.s32 $0xDE9D5C1B;
	[tilespmem:$0x1EC90] =	vst v41  }
0x28: {  	v48 =	vunpack.c.0.s8.s32 v48;
	v3 =	vimm.s32 $0xF4B37231;
	v0 =	vsel vm4, $0x300, v0;
	[tilespmem:$0x1ECE0] =	vst v49  }
0x29: {  	v40 =	vsel vm6, $0x200, v15;
	v18 =	vsel vm7, $0x200, v19;
	v19 =	vimm.s32 $0x180;
	[tilespmem:$0x1ECF0] =	vst v50  }
0x2a: {  	v23 =	vand.u32 $0xFF, v23;
	v26 =	vimm.s32 $0xC8874605;
	v27 =	vimm.s32 $0xC9884706;
	[tilespmem:$0x1ED10] =	vst v52  }
0x2b: {  	v28 =	vimm.s32 $0xCA894807;
	v29 =	vimm.s32 $0xCB8A4908;
	v30 =	vimm.s32 $0xCC8B4A09  }
0x2c: {  	v31 =	vimm.s32 $0xCD8C4B0A;
	v32 =	vimm.s32 $0xCE8D4C0B;
	v33 =	vimm.s32 $0xCF8E4D0C  }
0x2d: {  	v34 =	vimm.s32 $0xC08F4E0D;
	v35 =	vimm.s32 $0xC1804F0E;
	v36 =	vimm.s32 $0xC281400F  }
0x2e: {  	v37 =	vimm.s32 $0xD4935211;
	v38 =	vimm.s32 $0xD5945312;
	v39 =	vimm.s32 $0xD6955413  }
0x2f: {  	[tilespmem:$0x1ED20] =	vst v53;
	v41 =	vimm.s32 $0xD8975615;
	v47 =	vunpack.c.0.s8.s32 v47;
	v49 =	vimm.s32 $0xD09F5E1D  }
0x30: {  	v50 =	vimm.s32 $0xD1905F1E;
	v52 =	vimm.s32 $0xE4A36221;
	v53 =	vimm.s32 $0xE5A46322  }
0x31: {  	v3 =	vunpack.c.0.s8.s32 v3;
	v0 =	vsel vm3, $0x400, v0;
	v18 =	vsel vm5, $0x280, v18  }
0x32: {  	v19 =	vsel vm8, $0x200, v19;
	v51 =	vnsel vm9, $0x3C1, v23;
	v26 =	vunpack.c.0.s8.s32 v26  }
0x33: {  	v27 =	vunpack.c.0.s8.s32 v27;
	v28 =	vunpack.c.0.s8.s32 v28;
	v29 =	vunpack.c.0.s8.s32 v29  }
0x34: {  	v30 =	vunpack.c.0.s8.s32 v30;
	v31 =	vunpack.c.0.s8.s32 v31;
	v32 =	vunpack.c.0.s8.s32 v32  }
0x35: {  	v33 =	vunpack.c.0.s8.s32 v33;
	v34 =	vunpack.c.0.s8.s32 v34;
	v35 =	vunpack.c.0.s8.s32 v35  }
0x36: {  	v36 =	vunpack.c.0.s8.s32 v36;
	v37 =	vunpack.c.0.s8.s32 v37;
	v38 =	vunpack.c.0.s8.s32 v38  }
0x37: {  	[tilespmem:$0x1EC80] =	vst v40;
	v40 =	vimm.s32 $0xD7965514;
	v39 =	vunpack.c.0.s8.s32 v39;
	v41 =	vunpack.c.0.s8.s32 v41  }
0x38: {  	v49 =	vunpack.c.0.s8.s32 v49;
	v48 =	vand.u32 $0xFF, v48;
	v50 =	vunpack.c.0.s8.s32 v50  }
0x39: {  	v52 =	vunpack.c.0.s8.s32 v52;
	v53 =	vunpack.c.0.s8.s32 v53;
	v0 =	vsel vm2, $0x500, v0  }
0x3a: {  	v42 =	vsel vm6, $0x300, v18;
	v18 =	vsel vm7, $0x280, v19;
	v19 =	vsel vm7, $0x300, v21;
	[tilespmem:$0x1ED00] =	vst v51  }
0x3b: {  	v21 =	vsel vm8, $0x300, v43;
	v0 =	vsel vm1, $0x600, v0;
	[tilespmem:$0x1ECA0] =	vst v42;
	v18 =	vsel vm5, $0x300, v18  }
0x3c: {  	v40 =	vunpack.c.0.s8.s32 v40;
	v19 =	vsel vm5, $0x380, v19;
	[tilespmem:$0x1EB90] =	vst v0;
	v44 =	vsel vm6, $0x380, v18  }
0x3d: {  	v43 =	vimm.s32 $0xDA995817;
	v26 =	vand.u32 $0xFF, v26;
	v45 =	vsel vm6, $0x0, v19;
	[tilespmem:$0x1ECB0] =	vst v44  }
0x3e: {  	v47 =	vand.u32 $0xFF, v47;
	v27 =	vand.u32 $0xFF, v27;
	v54 =	vnsel vm9, $0x3C4, v26;
	[tilespmem:$0x1ECC0] =	vst v45  }
0x3f: {  	v51 =	vimm.s32 $0xD291501F;
	v28 =	vand.u32 $0xFF, v28;
	v55 =	vnsel vm9, $0x3C5, v27;
	[tilespmem:$0x1ED30] =	vst v54  }
0x40: {  	v3 =	vand.u32 $0xFF, v3;
	v29 =	vand.u32 $0xFF, v29;
	v56 =	vnsel vm9, $0x3C6, v28;
	[tilespmem:$0x1ED40] =	vst v55  }
0x41: {  	v21 =	vsel vm7, $0x380, v21;
	v30 =	vand.u32 $0xFF, v30;
	v57 =	vnsel vm9, $0x3C7, v29;
	[tilespmem:$0x1ED50] =	vst v56  }
0x42: {  	v31 =	vand.u32 $0xFF, v31;
	v32 =	vand.u32 $0xFF, v32;
	v58 =	vnsel vm9, $0x3C8, v30;
	[tilespmem:$0x1ED60] =	vst v57  }
0x43: {  	v33 =	vand.u32 $0xFF, v33;
	v34 =	vand.u32 $0xFF, v34;
	v59 =	vnsel vm9, $0x3C9, v31;
	[tilespmem:$0x1ED70] =	vst v58  }
0x44: {  	v35 =	vand.u32 $0xFF, v35;
	v36 =	vand.u32 $0xFF, v36;
	v60 =	vnsel vm9, $0x3CA, v32;
	[tilespmem:$0x1ED80] =	vst v59  }
0x45: {  	v37 =	vand.u32 $0xFF, v37;
	v38 =	vand.u32 $0xFF, v38;
	v61 =	vnsel vm9, $0x3CB, v33;
	[tilespmem:$0x1ED90] =	vst v60  }
0x46: {  	v39 =	vand.u32 $0xFF, v39;
	v42 =	vimm.s32 $0xD9985716;
	v62 =	vnsel vm9, $0x3CC, v34;
	[tilespmem:$0x1EDA0] =	vst v61  }
0x47: {  	v41 =	vand.u32 $0xFF, v41;
	v43 =	vunpack.c.0.s8.s32 v43;
	v63 =	vnsel vm9, $0x3CD, v35;
	[tilespmem:$0x1EDB0] =	vst v62  }
0x48: {  	v49 =	vand.u32 $0xFF, v49;
	v50 =	vand.u32 $0xFF, v50;
	v8 =	vnsel vm9, $0x3CE, v36;
	[tilespmem:$0x1EDC0] =	vst v63  }
0x49: {  	v51 =	vunpack.c.0.s8.s32 v51;
	v52 =	vand.u32 $0xFF, v52;
	v9 =	vnsel vm9, $0x3D0, v37;
	[tilespmem:$0x1EDD0] =	vst v8  }
0x4a: {  	v53 =	vand.u32 $0xFF, v53;
	v21 =	vsel vm5, $0x0, v21;
	v10 =	vnsel vm9, $0x3D1, v38;
	[tilespmem:$0x1EDE0] =	vst v9  }
0x4b: {  	v40 =	vand.u32 $0xFF, v40;
	v11 =	vnsel vm9, $0x3D2, v39;
	v42 =	vunpack.c.0.s8.s32 v42;
	[tilespmem:$0x1EDF0] =	vst v10  }
0x4c: {  	v27 =	vnsel vm9, $0x3DA, v47;
	v28 =	vnsel vm9, $0x3DB, v48;
	v29 =	vnsel vm9, $0x3DC, v49;
	[tilespmem:$0x1EE00] =	vst v11  }
0x4d: {  	v30 =	vnsel vm9, $0x3DD, v50;
	v32 =	vnsel vm9, $0x3E0, v52;
	v33 =	vnsel vm9, $0x3E1, v53;
	[tilespmem:$0x1EE80] =	vst v27  }
0x4e: {  	v48 =	vimm.s32 $0xF5B47332;
	v50 =	vnsel vm9, $0x3F0, v3;
	v52 =	vimm.s32 $0xF7B67534;
	[tilespmem:$0x1EE90] =	vst v28  }
0x4f: {  	v3 =	vimm.s32 $0xF9B87736;
	v46 =	vsel vm6, $0x80, v21;
	v20 =	vnsel vm9, $0x3D3, v40;
	[tilespmem:$0x1EEA0] =	vst v29  }
0x50: {  	v21 =	vnsel vm9, $0x3D4, v41;
	v44 =	vimm.s32 $0xDB9A5918;
	v45 =	vimm.s32 $0xDC9B5A19;
	[tilespmem:$0x1EEB0] =	vst v30  }
0x51: {  	v43 =	vand.u32 $0xFF, v43;
	v54 =	vimm.s32 $0xE6A56423;
	[tilespmem:$0x1EED0] =	vst v32;
	v55 =	vimm.s32 $0xE7A66524  }
0x52: {  	v51 =	vand.u32 $0xFF, v51;
	v56 =	vimm.s32 $0xE8A76625;
	[tilespmem:$0x1EEE0] =	vst v33;
	v57 =	vimm.s32 $0xE9A86726  }
0x53: {  	v58 =	vimm.s32 $0xEAA96827;
	v59 =	vimm.s32 $0xEBAA6928;
	v60 =	vimm.s32 $0xECAB6A29  }
0x54: {  	v61 =	vimm.s32 $0xEDAC6B2A;
	v62 =	vimm.s32 $0xEEAD6C2B;
	v63 =	vimm.s32 $0xEFAE6D2C  }
0x55: {  	[tilespmem:$0x1EFC0] =	vst v50;
	v3 =	vunpack.c.0.s8.s32 v3;
	v42 =	vand.u32 $0xFF, v42;
	v44 =	vunpack.c.0.s8.s32 v44  }
0x56: {  	[tilespmem:$0x1ECD0] =	vst v46;
	v45 =	vunpack.c.0.s8.s32 v45;
	v23 =	vnsel vm9, $0x3D6, v43;
	v46 =	vimm.s32 $0xDD9C5B1A  }
0x57: {  	[tilespmem:$0x1EE10] =	vst v20;
	v31 =	vnsel vm9, $0x3DE, v51;
	v54 =	vunpack.c.0.s8.s32 v54;
	v55 =	vunpack.c.0.s8.s32 v55  }
0x58: {  	[tilespmem:$0x1EE20] =	vst v21;
	v56 =	vunpack.c.0.s8.s32 v56;
	v57 =	vunpack.c.0.s8.s32 v57;
	v58 =	vunpack.c.0.s8.s32 v58  }
0x59: {  	v59 =	vunpack.c.0.s8.s32 v59;
	v60 =	vunpack.c.0.s8.s32 v60;
	v61 =	vunpack.c.0.s8.s32 v61;
	[tilespmem:$0x1EE40] =	vst v23  }
0x5a: {  	v62 =	vunpack.c.0.s8.s32 v62;
	v22 =	vnsel vm9, $0x3D5, v42;
	[tilespmem:$0x1EEC0] =	vst v31;
	v44 =	vand.u32 $0xFF, v44  }
0x5b: {  	v63 =	vunpack.c.0.s8.s32 v63;
	[tilespmem:$0x1EE30] =	vst v22;
	v45 =	vand.u32 $0xFF, v45;
	v24 =	vnsel vm9, $0x3D7, v44  }
0x5c: {  	v43 =	vimm.s32 $0xE1A06F2E;
	v54 =	vand.u32 $0xFF, v54;
	v25 =	vnsel vm9, $0x3D8, v45;
	[tilespmem:$0x1EE50] =	vst v24  }
0x5d: {  	v51 =	vimm.s32 $0xF6B57433;
	v55 =	vand.u32 $0xFF, v55;
	v34 =	vnsel vm9, $0x3E2, v54;
	[tilespmem:$0x1EE60] =	vst v25  }
0x5e: {  	v46 =	vunpack.c.0.s8.s32 v46;
	v56 =	vand.u32 $0xFF, v56;
	v35 =	vnsel vm9, $0x3E3, v55;
	[tilespmem:$0x1EEF0] =	vst v34  }
0x5f: {  	v42 =	vimm.s32 $0xE0AF6E2D;
	v57 =	vand.u32 $0xFF, v57;
	v36 =	vnsel vm9, $0x3E4, v56;
	[tilespmem:$0x1EF00] =	vst v35  }
0x60: {  	v1 =	vunpack.c.0.s8.s32 v43;
	v58 =	vand.u32 $0xFF, v58;
	v37 =	vnsel vm9, $0x3E5, v57;
	[tilespmem:$0x1EF10] =	vst v36  }
0x61: {  	v3 =	vand.u32 $0xFF, v3;
	v59 =	vand.u32 $0xFF, v59;
	v38 =	vnsel vm9, $0x3E6, v58;
	[tilespmem:$0x1EF20] =	vst v37  }
0x62: {  	v60 =	vand.u32 $0xFF, v60;
	v61 =	vand.u32 $0xFF, v61;
	v39 =	vnsel vm9, $0x3E7, v59;
	[tilespmem:$0x1EF30] =	vst v38  }
0x63: {  	v62 =	vand.u32 $0xFF, v62;
	v0 =	vunpack.c.0.s8.s32 v42;
	v40 =	vnsel vm9, $0x3E8, v60;
	[tilespmem:$0x1EF40] =	vst v39  }
0x64: {  	v63 =	vand.u32 $0xFF, v63;
	v46 =	vand.u32 $0xFF, v46;
	v41 =	vnsel vm9, $0x3E9, v61;
	[tilespmem:$0x1EF50] =	vst v40  }
0x65: {  	v44 =	vnsel vm9, $0x3EA, v62;
	v45 =	vnsel vm9, $0x3EB, v63;
	[tilespmem:$0x1EF60] =	vst v41;
	v0 =	vand.u32 $0xFF, v0  }
0x66: {  	v1 =	vand.u32 $0xFF, v1;
	v57 =	vnsel vm9, $0x3F5, v3;
	[tilespmem:$0x1EF70] =	vst v44;
	v0 =	vnsel vm9, $0x3EC, v0  }
0x67: {  	v26 =	vnsel vm9, $0x3D9, v46;
	v46 =	vimm.s32 $0xE2A1602F;
	[tilespmem:$0x1EF90] =	vst v0;
	v0 =	vunpack.c.0.s8.s32 v48  }
0x68: {  	[tilespmem:$0x1EF80] =	vst v45;
	v47 =	vnsel vm9, $0x3ED, v1;
	v1 =	vunpack.c.0.s8.s32 v51;
	v2 =	vunpack.c.0.s8.s32 v46  }
0x69: {  	v53 =	vimm.s32 $0xF8B77635;
	v55 =	vimm.s32 $0xFAB97837;
	[tilespmem:$0x1F010] =	vst v57;
	v0 =	vand.u32 $0xFF, v0  }
0x6a: {  	[tilespmem:$0x1EE70] =	vst v26;
	v1 =	vand.u32 $0xFF, v1;
	v2 =	vand.u32 $0xFF, v2;
	v0 =	vnsel vm9, $0x3F1, v0  }
0x6b: {  	v49 =	vnsel vm9, $0x3EE, v2;
	v2 =	vunpack.c.0.s8.s32 v52;
	[tilespmem:$0x1EFD0] =	vst v0;
	v0 =	vunpack.c.0.s8.s32 v53  }
0x6c: {  	v56 =	vimm.s32 $0xFBBA7938;
	v58 =	vimm.s32 $0xFCBB7A39;
	[tilespmem:$0x1EFA0] =	vst v47;
	v1 =	vnsel vm9, $0x3F2, v1  }
0x6d: {  	[tilespmem:$0x1EFE0] =	vst v1;
	v1 =	vunpack.c.0.s8.s32 v55;
	v2 =	vand.u32 $0xFF, v2;
	v0 =	vand.u32 $0xFF, v0  }
0x6e: {  	[tilespmem:$0x1EFB0] =	vst v49;
	v54 =	vnsel vm9, $0x3F3, v2;
	v2 =	vunpack.c.0.s8.s32 v56;
	v0 =	vnsel vm9, $0x3F4, v0  }
0x6f: {  	v1 =	vand.u32 $0xFF, v1;
	[tilespmem:$0x1F000] =	vst v0;
	v0 =	vunpack.c.0.s8.s32 v58  }
0x70: {  	v1 =	vnsel vm9, $0x3F6, v1;
	[tilespmem:$0x1EFF0] =	vst v54;
	v2 =	vand.u32 $0xFF, v2  }
0x71: {  	[tilespmem:$0x1F020] =	vst v1;
	v59 =	vnsel vm9, $0x3F7, v2;
	v0 =	vand.u32 $0xFF, v0  }
0x72: {  	[tilespmem:$0x1F030] =	vst v59;
	v0 =	vnsel vm9, $0x3F8, v0  }
0x73: {  	[tilespmem:$0x1F040] =	vst v0  }
0x74: {  	v10 =	vld [tilespmem:$0x1EB90]  }
0x75: {  	v11 =	vld [tilespmem:$0x1EBA0]  }
0x76: {  	v20 =	vld [tilespmem:$0x1EC00]  }
0x77: {  	v21 =	vld [tilespmem:$0x1EC10]  }
0x78: {  	v22 =	vld [tilespmem:$0x1EC20]  }
0x79: {  	v23 =	vld [tilespmem:$0x1EC30]  }
0x7a: {  	v24 =	vld [tilespmem:$0x1ECC0]  }
0x7b: {  	v25 =	vld [tilespmem:$0x1ECD0]  }
0x7c: {  	v26 =	vld [tilespmem:$0x1ECE0]  }
0x7d: {  	v27 =	vld [tilespmem:$0x1ECF0]  }
0x7e: {  	v28 =	vld [tilespmem:$0x1ED00]  }
0x7f: {  	v29 =	vld [tilespmem:$0x1ED10]  }
0x80: {  	v30 =	vld [tilespmem:$0x1ED20]  }
0x81: {  	v31 =	vld [tilespmem:$0x1ED30]  }
0x82: {  	v32 =	vld [tilespmem:$0x1ED40]  }
0x83: {  	v33 =	vld [tilespmem:$0x1ED50]  }
0x84: {  	v34 =	vld [tilespmem:$0x1ED60]  }
0x85: {  	v35 =	vld [tilespmem:$0x1ED70]  }
0x86: {  	v36 =	vld [tilespmem:$0x1ED80]  }
0x87: {  	v37 =	vld [tilespmem:$0x1ED90]  }
0x88: {  	v38 =	vld [tilespmem:$0x1EDA0]  }
0x89: {  	v39 =	vld [tilespmem:$0x1EDB0]  }
0x8a: {  	v40 =	vld [tilespmem:$0x1EDC0]  }
0x8b: {  	v41 =	vld [tilespmem:$0x1EDD0]  }
0x8c: {  	v42 =	vld [tilespmem:$0x1EDE0]  }
0x8d: {  	v43 =	vld [tilespmem:$0x1EDF0]  }
0x8e: {  	v44 =	vld [tilespmem:$0x1EE00]  }
0x8f: {  	v45 =	vld [tilespmem:$0x1EE10]  }
0x90: {  	v3 =	vimm.s32 $0xFDBC7B3A;
	v46 =	vld [tilespmem:$0x1EE20]  }
0x91: {  	v62 =	vimm.s32 $0xFFBE7D3C;
	v3 =	vunpack.c.0.s8.s32 v3;
	v47 =	vld [tilespmem:$0x1EE30]  }
0x92: {  	v15 =	vimm.s32 $0xF0BF7E3D;
	v0 =	vunpack.c.0.s8.s32 v62;
	v48 =	vld [tilespmem:$0x1EE40]  }
0x93: {  	v15 =	vunpack.c.0.s8.s32 v15;
	v60 =	vimm.s32 $0xFEBD7C3B;
	v3 =	vand.u32 $0xFF, v3;
	v52 =	vld [tilespmem:$0x1EE80]  }
0x94: {  	v61 =	vnsel vm9, $0x3F9, v3;
	v3 =	vimm.s32 $0xF2B1703F;
	v56 =	vld [tilespmem:$0x1EEC0];
	v0 =	vand.u32 $0xFF, v0  }
0x95: {  	v3 =	vunpack.c.0.s8.s32 v3;
	v1 =	vunpack.c.0.s8.s32 v60;
	v60 =	vld [tilespmem:$0x1EF00];
	v0 =	vnsel vm9, $0x3FB, v0  }
0x96: {  	vm0 =	vcmask $0x2320;
	v15 =	vand.u32 $0xFF, v15;
	[tilespmem:$0x1F070] =	vst v0;
	v0 =	vld [tilespmem:$0x1EF40]  }
0x97: {  	v8 =	vnsel vm9, $0x3FC, v15;
	v3 =	vand.u32 $0xFF, v3;
	v1 =	vand.u32 $0xFF, v1;
	v49 =	vld [tilespmem:$0x1EE50]  }
0x98: {  	[tilespmem:$0x1F080] =	vst v8;
	v53 =	vld [tilespmem:$0x1EE90];
	v8 =	vsel vm4, $0xC00, v20;
	v20 =	vsel vm4, $0x80, v24;
	v24 =	vsel vm4, $0x106, v28  }
0x99: {  	v57 =	vld [tilespmem:$0x1EED0];
	v28 =	vsel vm4, $0x10A, v32;
	v32 =	vsel vm4, $0x10E, v36;
	v36 =	vsel vm4, $0x102, v40  }
0x9a: {  	[tilespmem:$0x1F050] =	vst v61;
	v61 =	vld [tilespmem:$0x1EF10];
	v40 =	vsel vm4, $0x117, v44;
	v44 =	vsel vm4, $0x11B, v48;
	v48 =	vsel vm4, $0x11F, v52  }
0x9b: {  	v52 =	vsel vm4, $0x113, v56;
	v56 =	vsel vm4, $0x128, v60;
	v60 =	vsel vm4, $0x12C, v0;
	v0 =	vld [tilespmem:$0x1EF50]  }
0x9c: {  	v63 =	vimm.s32 $0xF1B07F3E;
	v9 =	vnsel vm9, $0x3FE, v3;
	v1 =	vnsel vm9, $0x3FA, v1;
	v50 =	vld [tilespmem:$0x1EE60]  }
0x9d: {  	[tilespmem:$0x1F090] =	vst v9;
	v54 =	vld [tilespmem:$0x1EEA0];
	v9 =	vsel vm4, $0xB00, v21;
	v21 =	vsel vm4, $0x100, v25;
	v25 =	vsel vm4, $0x107, v29  }
0x9e: {  	v58 =	vld [tilespmem:$0x1EEE0];
	v29 =	vsel vm4, $0x10B, v33;
	v33 =	vsel vm4, $0x10F, v37;
	v37 =	vsel vm4, $0x103, v41  }
0x9f: {  	v62 =	vld [tilespmem:$0x1EF20];
	v41 =	vsel vm4, $0x118, v45;
	v45 =	vsel vm4, $0x11C, v49;
	v49 =	vsel vm4, $0x110, v53  }
0xa0: {  	v53 =	vsel vm4, $0x125, v57;
	v57 =	vsel vm4, $0x129, v61;
	v61 =	vsel vm4, $0x12D, v0;
	v0 =	vld [tilespmem:$0x1EF60]  }
0xa1: {  	v2 =	vunpack.c.0.s8.s32 v63;
	[tilespmem:$0x1F060] =	vst v1;
	v51 =	vld [tilespmem:$0x1EE70];
	v1 =	vsel vm0, $0x700, v10  }
0xa2: {  	v55 =	vld [tilespmem:$0x1EEB0];
	v10 =	vsel vm4, $0xA00, v22;
	v22 =	vsel vm4, $0x180, v26;
	v26 =	vsel vm4, $0x108, v30  }
0xa3: {  	v59 =	vld [tilespmem:$0x1EEF0];
	v30 =	vsel vm4, $0x10C, v34;
	v34 =	vsel vm4, $0x100, v38;
	v38 =	vsel vm4, $0x115, v42  }
0xa4: {  	v63 =	vld [tilespmem:$0x1EF30];
	v42 =	vsel vm4, $0x119, v46;
	v46 =	vsel vm4, $0x11D, v50;
	v50 =	vsel vm4, $0x111, v54  }
0xa5: {  	v54 =	vsel vm4, $0x126, v58;
	v58 =	vsel vm4, $0x12A, v62;
	v62 =	vsel vm4, $0x12E, v0;
	v0 =	vld [tilespmem:$0x1EF70]  }
0xa6: {  	[tilespmem:$0x1F1C0] =	vst v1;
	v1 =	vsel vm4, $0x200, v11  }
0xa7: {  	v11 =	vsel vm4, $0x900, v23;
	v23 =	vsel vm4, $0x105, v27;
	v27 =	vsel vm4, $0x109, v31  }
0xa8: {  	v31 =	vsel vm4, $0x10D, v35;
	v35 =	vsel vm4, $0x101, v39;
	v39 =	vsel vm4, $0x116, v43  }
0xa9: {  	v43 =	vsel vm4, $0x11A, v47;
	v47 =	vsel vm4, $0x11E, v51;
	v51 =	vsel vm4, $0x112, v55  }
0xaa: {  	v55 =	vsel vm4, $0x127, v59;
	v59 =	vsel vm4, $0x12B, v63;
	v63 =	vsel vm4, $0x12F, v0;
	v0 =	vld [tilespmem:$0x1EF80];
	_ =	sdelay $0x4  }
0xab: {  	v0 =	vsel vm4, $0x120, v0  }
0xac: {  	[tilespmem:$0x1F0A0] =	vst v0;
	v0 =	vld [tilespmem:$0x1EF90];
	_ =	sdelay $0x4  }
0xad: {  	v0 =	vsel vm4, $0x121, v0  }
0xae: {  	[tilespmem:$0x1F0B0] =	vst v0;
	v0 =	vld [tilespmem:$0x1EFA0];
	_ =	sdelay $0x4  }
0xaf: {  	v0 =	vsel vm4, $0x122, v0  }
0xb0: {  	[tilespmem:$0x1F0C0] =	vst v0;
	v0 =	vld [tilespmem:$0x1EFB0];
	_ =	sdelay $0x4  }
0xb1: {  	v0 =	vsel vm4, $0x123, v0  }
0xb2: {  	[tilespmem:$0x1F0D0] =	vst v0;
	v0 =	vld [tilespmem:$0x1EFC0];
	_ =	sdelay $0x4  }
0xb3: {  	v0 =	vsel vm4, $0x135, v0  }
0xb4: {  	[tilespmem:$0x1F0E0] =	vst v0;
	v0 =	vld [tilespmem:$0x1EFD0];
	_ =	sdelay $0x4  }
0xb5: {  	v0 =	vsel vm4, $0x136, v0  }
0xb6: {  	[tilespmem:$0x1F0F0] =	vst v0;
	v0 =	vld [tilespmem:$0x1EFE0];
	_ =	sdelay $0x4  }
0xb7: {  	v0 =	vsel vm4, $0x137, v0  }
0xb8: {  	[tilespmem:$0x1F100] =	vst v0;
	v0 =	vld [tilespmem:$0x1EFF0];
	_ =	sdelay $0x4  }
0xb9: {  	v0 =	vsel vm4, $0x138, v0  }
0xba: {  	[tilespmem:$0x1F110] =	vst v0;
	v0 =	vld [tilespmem:$0x1F000];
	_ =	sdelay $0x4  }
0xbb: {  	v0 =	vsel vm4, $0x139, v0  }
0xbc: {  	[tilespmem:$0x1F120] =	vst v0;
	v0 =	vld [tilespmem:$0x1F010];
	_ =	sdelay $0x4  }
0xbd: {  	v0 =	vsel vm4, $0x13A, v0  }
0xbe: {  	[tilespmem:$0x1F130] =	vst v0;
	v0 =	vld [tilespmem:$0x1F020];
	_ =	sdelay $0x4  }
0xbf: {  	v0 =	vsel vm4, $0x13B, v0  }
0xc0: {  	[tilespmem:$0x1F140] =	vst v0;
	v0 =	vld [tilespmem:$0x1F030];
	_ =	sdelay $0x4  }
0xc1: {  	v0 =	vsel vm4, $0x13C, v0  }
0xc2: {  	[tilespmem:$0x1F150] =	vst v0;
	v0 =	vld [tilespmem:$0x1F040];
	_ =	sdelay $0x4  }
0xc3: {  	v0 =	vsel vm4, $0x13D, v0  }
0xc4: {  	[tilespmem:$0x1F160] =	vst v0;
	v0 =	vld [tilespmem:$0x1F050];
	_ =	sdelay $0x4  }
0xc5: {  	v0 =	vsel vm4, $0x13E, v0  }
0xc6: {  	[tilespmem:$0x1F170] =	vst v0;
	v0 =	vld [tilespmem:$0x1F060];
	_ =	sdelay $0x4  }
0xc7: {  	v0 =	vsel vm4, $0x13F, v0  }
0xc8: {  	[tilespmem:$0x1F180] =	vst v0;
	v0 =	vld [tilespmem:$0x1F070];
	_ =	sdelay $0x4  }
0xc9: {  	v0 =	vsel vm4, $0x130, v0  }
0xca: {  	[tilespmem:$0x1F190] =	vst v0;
	v0 =	vld [tilespmem:$0x1F080];
	_ =	sdelay $0x4  }
0xcb: {  	v0 =	vsel vm4, $0x131, v0  }
0xcc: {  	[tilespmem:$0x1F1A0] =	vst v0;
	v0 =	vld [tilespmem:$0x1F090];
	_ =	sdelay $0x4  }
0xcd: {  	v0 =	vsel vm4, $0x133, v0  }
0xce: {  	[tilespmem:$0x1F1B0] =	vst v0;
	v0 =	vld [tilespmem:$0x1F0A0];
	_ =	sdelay $0x4  }
0xcf: {  	v0 =	vsel vm3, $0x161, v0  }
0xd0: {  	[tilespmem:$0x1F1D0] =	vst v0;
	v0 =	vld [tilespmem:$0x1F0B0];
	_ =	sdelay $0x4  }
0xd1: {  	v0 =	vsel vm3, $0x162, v0  }
0xd2: {  	[tilespmem:$0x1F1E0] =	vst v0;
	v0 =	vld [tilespmem:$0x1F0C0];
	_ =	sdelay $0x4  }
0xd3: {  	v0 =	vsel vm3, $0x163, v0  }
0xd4: {  	[tilespmem:$0x1F1F0] =	vst v0;
	v0 =	vld [tilespmem:$0x1F0D0];
	_ =	sdelay $0x4  }
0xd5: {  	v0 =	vsel vm3, $0x164, v0  }
0xd6: {  	[tilespmem:$0x1F200] =	vst v0;
	v0 =	vld [tilespmem:$0x1F0E0];
	_ =	sdelay $0x4  }
0xd7: {  	v0 =	vsel vm3, $0x176, v0  }
0xd8: {  	[tilespmem:$0x1F210] =	vst v0;
	v0 =	vld [tilespmem:$0x1F0F0];
	_ =	sdelay $0x4  }
0xd9: {  	v0 =	vsel vm3, $0x177, v0  }
0xda: {  	[tilespmem:$0x1F220] =	vst v0;
	v0 =	vld [tilespmem:$0x1F100];
	_ =	sdelay $0x4  }
0xdb: {  	v0 =	vsel vm3, $0x178, v0  }
0xdc: {  	[tilespmem:$0x1F230] =	vst v0;
	v0 =	vld [tilespmem:$0x1F110];
	_ =	sdelay $0x4  }
0xdd: {  	v0 =	vsel vm3, $0x179, v0  }
0xde: {  	[tilespmem:$0x1F240] =	vst v0;
	v0 =	vld [tilespmem:$0x1F120];
	_ =	sdelay $0x4  }
0xdf: {  	v0 =	vsel vm3, $0x17A, v0  }
0xe0: {  	[tilespmem:$0x1F250] =	vst v0;
	v0 =	vld [tilespmem:$0x1F130];
	_ =	sdelay $0x4  }
0xe1: {  	v0 =	vsel vm3, $0x17B, v0  }
0xe2: {  	[tilespmem:$0x1F260] =	vst v0;
	v0 =	vld [tilespmem:$0x1F140];
	_ =	sdelay $0x4  }
0xe3: {  	v0 =	vsel vm3, $0x17C, v0  }
0xe4: {  	[tilespmem:$0x1F270] =	vst v0;
	v0 =	vld [tilespmem:$0x1F150];
	_ =	sdelay $0x4  }
0xe5: {  	v0 =	vsel vm3, $0x17D, v0  }
0xe6: {  	[tilespmem:$0x1F280] =	vst v0;
	v0 =	vld [tilespmem:$0x1F160];
	_ =	sdelay $0x4  }
0xe7: {  	v0 =	vsel vm3, $0x17E, v0  }
0xe8: {  	[tilespmem:$0x1F290] =	vst v0;
	v0 =	vld [tilespmem:$0x1F170];
	_ =	sdelay $0x4  }
0xe9: {  	v0 =	vsel vm3, $0x17F, v0  }
0xea: {  	[tilespmem:$0x1F2A0] =	vst v0;
	v0 =	vld [tilespmem:$0x1F180];
	_ =	sdelay $0x4  }
0xeb: {  	v0 =	vsel vm3, $0x170, v0  }
0xec: {  	[tilespmem:$0x1F2B0] =	vst v0;
	v0 =	vld [tilespmem:$0x1F190];
	_ =	sdelay $0x4  }
0xed: {  	v0 =	vsel vm3, $0x171, v0  }
0xee: {  	[tilespmem:$0x1F2C0] =	vst v0;
	v0 =	vld [tilespmem:$0x1F1A0];
	_ =	sdelay $0x2  }
0xef: {  	v2 =	vand.u32 $0xFF, v2  }
0xf0: {  	v2 =	vnsel vm9, $0x3FD, v2  }
0xf1: {  	v2 =	vsel vm4, $0x132, v2;
	v0 =	vsel vm3, $0x172, v0  }
0xf2: {  	[tilespmem:$0x1F2D0] =	vst v0;
	v0 =	vsel vm3, $0x173, v2  }
0xf3: {  	[tilespmem:$0x1F2E0] =	vst v0;
	v0 =	vld [tilespmem:$0x1F1B0];
	_ =	sdelay $0x2  }
0xf4: {  	v14 =	vld [tilespmem:$0x1EC60]  }
0xf5: {  	v15 =	vld [tilespmem:$0x1EC70]  }
0xf6: {  	v16 =	vld [tilespmem:$0x1EC80];
	v0 =	vsel vm3, $0x174, v0  }
0xf7: {  	[tilespmem:$0x1F2F0] =	vst v0;
	v0 =	vld [tilespmem:$0x1F1C0]  }
0xf8: {  	v17 =	vld [tilespmem:$0x1EC90]  }
0xf9: {  	v18 =	vld [tilespmem:$0x1ECA0]  }
0xfa: {  	vm10 =	vcmask $0x2724;
	v19 =	vld [tilespmem:$0x1ECB0];
	v14 =	vsel vm4, $0x600, v14  }
0xfb: {  	v15 =	vsel vm4, $0x500, v15;
	v16 =	vsel vm4, $0x280, v16;
	v14 =	vsel vm3, $0x700, v14  }
0xfc: {  	v15 =	vsel vm3, $0x600, v15;
	v2 =	vsel vm10, $0x800, v0;
	v0 =	vsel vm2, $0x800, v14  }
0xfd: {  	v17 =	vsel vm4, $0x300, v17;
	v16 =	vsel vm3, $0x300, v16;
	[tilespmem:$0x1F300] =	vst v0;
	v0 =	vsel vm2, $0x700, v15  }
0xfe: {  	v18 =	vsel vm4, $0x380, v18;
	v17 =	vsel vm3, $0x380, v17;
	[tilespmem:$0x1F310] =	vst v0;
	v0 =	vsel vm2, $0x380, v16  }
0xff: {  	v19 =	vsel vm4, $0x0, v19;
	v18 =	vsel vm3, $0x0, v18;
	[tilespmem:$0x1F3C0] =	vst v0;
	v0 =	vsel vm2, $0x0, v17  }
0x100: {  	v19 =	vsel vm3, $0x80, v19;
	[tilespmem:$0x1F3D0] =	vst v0;
	v0 =	vsel vm2, $0x80, v18  }
0x101: {  	[tilespmem:$0x1F3E0] =	vst v0;
	v0 =	vsel vm2, $0x100, v19  }
0x102: {  	[tilespmem:$0x1F3F0] =	vst v0;
	v0 =	vld [tilespmem:$0x1F220];
	_ =	sdelay $0x4  }
0x103: {  	v0 =	vsel vm2, $0x1B8, v0  }
0x104: {  	[tilespmem:$0x1F320] =	vst v0;
	v0 =	vld [tilespmem:$0x1F230];
	_ =	sdelay $0x4  }
0x105: {  	v0 =	vsel vm2, $0x1B9, v0  }
0x106: {  	[tilespmem:$0x1F330] =	vst v0;
	v0 =	vld [tilespmem:$0x1F240];
	_ =	sdelay $0x4  }
0x107: {  	v0 =	vsel vm2, $0x1BA, v0  }
0x108: {  	[tilespmem:$0x1F340] =	vst v0;
	v0 =	vld [tilespmem:$0x1F250];
	_ =	sdelay $0x4  }
0x109: {  	v0 =	vsel vm2, $0x1BB, v0  }
0x10a: {  	[tilespmem:$0x1F350] =	vst v0;
	v0 =	vld [tilespmem:$0x1F260];
	_ =	sdelay $0x4  }
0x10b: {  	v0 =	vsel vm2, $0x1BC, v0  }
0x10c: {  	[tilespmem:$0x1F360] =	vst v0;
	v0 =	vld [tilespmem:$0x1F270];
	_ =	sdelay $0x4  }
0x10d: {  	v0 =	vsel vm2, $0x1BD, v0  }
0x10e: {  	[tilespmem:$0x1F370] =	vst v0;
	v0 =	vld [tilespmem:$0x1F280];
	_ =	sdelay $0x4  }
0x10f: {  	v0 =	vsel vm2, $0x1BE, v0  }
0x110: {  	[tilespmem:$0x1F380] =	vst v0;
	v0 =	vld [tilespmem:$0x1F290];
	_ =	sdelay $0x4  }
0x111: {  	v0 =	vsel vm2, $0x1BF, v0  }
0x112: {  	[tilespmem:$0x1F390] =	vst v0;
	v0 =	vld [tilespmem:$0x1F2A0];
	_ =	sdelay $0x4  }
0x113: {  	v0 =	vsel vm2, $0x1B0, v0  }
0x114: {  	[tilespmem:$0x1F3A0] =	vst v0;
	v0 =	vld [tilespmem:$0x1F2B0];
	_ =	sdelay $0x4  }
0x115: {  	v0 =	vsel vm2, $0x1B1, v0  }
0x116: {  	v20 =	vsel vm3, $0x100, v20;
	[tilespmem:$0x1F3B0] =	vst v0;
	v0 =	vld [tilespmem:$0x1F2C0]  }
0x117: {  	v20 =	vsel vm2, $0x180, v20  }
0x118: {  	[tilespmem:$0x1F400] =	vst v20;
	v20 =	vld [tilespmem:$0x1F1E0];
	_ =	sdelay $0x2  }
0x119: {  	v14 =	vsel vm2, $0x1B2, v0;
	v0 =	vld [tilespmem:$0x1F2D0];
	_ =	sdelay $0x1  }
0x11a: {  	v18 =	vsel vm2, $0x1A3, v20  }
0x11b: {  	v18 =	vsel vm1, $0x1E4, v18  }
0x11c: {  	[tilespmem:$0x1F430] =	vst v18;
	v18 =	vld [tilespmem:$0x1F320]  }
0x11d: {  	v15 =	vsel vm2, $0x1B3, v0;
	v0 =	vld [tilespmem:$0x1F2E0];
	_ =	sdelay $0x4  }
0x11e: {  	v18 =	vsel vm1, $0x1F9, v18;
	v16 =	vsel vm2, $0x1B4, v0;
	v0 =	vld [tilespmem:$0x1F2F0]  }
0x11f: {  	[tilespmem:$0x1F440] =	vst v18;
	v18 =	vld [tilespmem:$0x1F330];
	_ =	sdelay $0x2  }
0x120: {  	vm11 =	vcmask $0x2B28;
	v1 =	vsel vm3, $0x300, v1  }
0x121: {  	v1 =	vsel vm2, $0x400, v1;
	v17 =	vsel vm2, $0x1B5, v0;
	v0 =	vsel vm11, $0x900, v2  }
0x122: {  	v18 =	vsel vm1, $0x1FA, v18;
	[tilespmem:$0x1F4E0] =	vst v0;
	v0 =	vsel vm1, $0x500, v1  }
0x123: {  	[tilespmem:$0x1F450] =	vst v18;
	v18 =	vld [tilespmem:$0x1F340];
	v0 =	vsel vm0, $0x600, v0  }
0x124: {  	[tilespmem:$0x1F4F0] =	vst v0;
	v0 =	vld [tilespmem:$0x1F3C0];
	_ =	sdelay $0x3  }
0x125: {  	v18 =	vsel vm1, $0x1FB, v18  }
0x126: {  	[tilespmem:$0x1F460] =	vst v18;
	v18 =	vld [tilespmem:$0x1F350];
	v0 =	vsel vm0, $0x80, v0  }
0x127: {  	[tilespmem:$0x1F500] =	vst v0;
	v0 =	vld [tilespmem:$0x1F3D0];
	_ =	sdelay $0x3  }
0x128: {  	v18 =	vsel vm1, $0x1FC, v18  }
0x129: {  	[tilespmem:$0x1F470] =	vst v18;
	v18 =	vld [tilespmem:$0x1F360];
	v0 =	vsel vm0, $0x100, v0  }
0x12a: {  	[tilespmem:$0x1F510] =	vst v0;
	v0 =	vld [tilespmem:$0x1F3E0];
	_ =	sdelay $0x3  }
0x12b: {  	v18 =	vsel vm1, $0x1FD, v18  }
0x12c: {  	[tilespmem:$0x1F480] =	vst v18;
	v18 =	vld [tilespmem:$0x1F370];
	v0 =	vsel vm0, $0x180, v0  }
0x12d: {  	[tilespmem:$0x1F520] =	vst v0;
	v0 =	vld [tilespmem:$0x1F3F0];
	_ =	sdelay $0x3  }
0x12e: {  	v18 =	vsel vm1, $0x1FE, v18  }
0x12f: {  	[tilespmem:$0x1F490] =	vst v18;
	v18 =	vld [tilespmem:$0x1F380];
	v0 =	vsel vm0, $0x200, v0  }
0x130: {  	[tilespmem:$0x1F530] =	vst v0;
	v0 =	vld [tilespmem:$0x1F400];
	_ =	sdelay $0x1  }
0x131: {  	v21 =	vsel vm3, $0x180, v21  }
0x132: {  	v21 =	vsel vm2, $0x200, v21  }
0x133: {  	[tilespmem:$0x1F410] =	vst v21;
	v18 =	vsel vm1, $0x1FF, v18  }
0x134: {  	[tilespmem:$0x1F4A0] =	vst v18;
	v18 =	vld [tilespmem:$0x1F390];
	v0 =	vsel vm0, $0x280, v0  }
0x135: {  	[tilespmem:$0x1F540] =	vst v0;
	v0 =	vld [tilespmem:$0x1F410];
	_ =	sdelay $0x1  }
0x136: {  	v22 =	vsel vm3, $0x200, v22  }
0x137: {  	v22 =	vsel vm2, $0x280, v22  }
0x138: {  	[tilespmem:$0x1F420] =	vst v22;
	v18 =	vsel vm1, $0x1F0, v18  }
0x139: {  	[tilespmem:$0x1F4B0] =	vst v18;
	v18 =	vld [tilespmem:$0x1F3A0];
	v0 =	vsel vm0, $0x300, v0  }
0x13a: {  	[tilespmem:$0x1F550] =	vst v0;
	v0 =	vld [tilespmem:$0x1F420];
	_ =	sdelay $0x3  }
0x13b: {  	v18 =	vsel vm1, $0x1F1, v18  }
0x13c: {  	[tilespmem:$0x1F4C0] =	vst v18;
	v18 =	vld [tilespmem:$0x1F3B0];
	v0 =	vsel vm0, $0x380, v0  }
0x13d: {  	[tilespmem:$0x1F560] =	vst v0;
	v0 =	vld [tilespmem:$0x1F430];
	_ =	sdelay $0x3  }
0x13e: {  	v18 =	vsel vm1, $0x1F2, v18  }
0x13f: {  	[tilespmem:$0x1F4D0] =	vst v18;
	v18 =	vsel vm0, $0x225, v0;
	v0 =	vld [tilespmem:$0x1F440];
	_ =	sdelay $0x4  }
0x140: {  	v0 =	vsel vm0, $0x23A, v0  }
0x141: {  	[tilespmem:$0x1F570] =	vst v0;
	v0 =	vld [tilespmem:$0x1F450];
	_ =	sdelay $0x4  }
0x142: {  	v0 =	vsel vm0, $0x23B, v0  }
0x143: {  	[tilespmem:$0x1F580] =	vst v0;
	v0 =	vld [tilespmem:$0x1F460];
	_ =	sdelay $0x4  }
0x144: {  	v3 =	vld [tilespmem:$0x1EBB0];
	v0 =	vsel vm0, $0x23C, v0  }
0x145: {  	[tilespmem:$0x1F590] =	vst v0;
	v0 =	vld [tilespmem:$0x1F470]  }
0x146: {  	v4 =	vld [tilespmem:$0x1EBC0]  }
0x147: {  	v5 =	vld [tilespmem:$0x1EBD0]  }
0x148: {  	v6 =	vld [tilespmem:$0x1EBE0]  }
0x149: {  	v7 =	vld [tilespmem:$0x1EBF0]  }
0x14a: {  	v12 =	vld [tilespmem:$0x1EC40];
	v0 =	vsel vm0, $0x23D, v0  }
0x14b: {  	[tilespmem:$0x1F5A0] =	vst v0;
	v0 =	vld [tilespmem:$0x1F480]  }
0x14c: {  	v13 =	vld [tilespmem:$0x1EC50]  }
0x14d: {  	vm12 =	vcmask $0x2F2C  }
0x14e: {  	vm13 =	vcmask $0x3330;
	vm14 =	vcmask $0x3734;
	vm15 =	vcmask $0x3B38  }
0x14f: {  	v3 =	vsel vm4, $0x100, v3;
	v4 =	vsel vm4, $0x0, v4;
	v5 =	vsel vm4, $0xF00, v5  }
0x150: {  	v6 =	vsel vm4, $0xE00, v6;
	v7 =	vsel vm4, $0xD00, v7;
	v0 =	vsel vm0, $0x23E, v0  }
0x151: {  	v12 =	vsel vm4, $0x800, v12;
	v13 =	vsel vm4, $0x700, v13;
	v3 =	vsel vm3, $0x200, v3;
	[tilespmem:$0x1F5B0] =	vst v0;
	v0 =	vld [tilespmem:$0x1F490]  }
0x152: {  	v4 =	vsel vm3, $0x100, v4;
	v5 =	vsel vm3, $0x0, v5;
	v6 =	vsel vm3, $0xF00, v6  }
0x153: {  	v7 =	vsel vm3, $0xE00, v7;
	v8 =	vsel vm3, $0xD00, v8;
	v9 =	vsel vm3, $0xC00, v9  }
0x154: {  	v10 =	vsel vm3, $0xB00, v10;
	v12 =	vsel vm3, $0x900, v12;
	v13 =	vsel vm3, $0x800, v13  }
0x155: {  	v24 =	vsel vm3, $0x147, v24;
	v25 =	vsel vm3, $0x148, v25;
	v26 =	vsel vm3, $0x149, v26  }
0x156: {  	v28 =	vsel vm3, $0x14B, v28;
	v29 =	vsel vm3, $0x14C, v29;
	v0 =	vsel vm0, $0x23F, v0  }
0x157: {  	v30 =	vsel vm3, $0x14D, v30;
	v32 =	vsel vm3, $0x14F, v32;
	v33 =	vsel vm3, $0x140, v33;
	[tilespmem:$0x1F5C0] =	vst v0;
	v0 =	vld [tilespmem:$0x1F4A0]  }
0x158: {  	v34 =	vsel vm3, $0x141, v34;
	v36 =	vsel vm3, $0x143, v36;
	v37 =	vsel vm3, $0x144, v37  }
0x159: {  	v38 =	vsel vm3, $0x156, v38;
	v40 =	vsel vm3, $0x158, v40;
	v41 =	vsel vm3, $0x159, v41  }
0x15a: {  	v42 =	vsel vm3, $0x15A, v42;
	v44 =	vsel vm3, $0x15C, v44;
	v45 =	vsel vm3, $0x15D, v45  }
0x15b: {  	v46 =	vsel vm3, $0x15E, v46;
	v48 =	vsel vm3, $0x150, v48;
	v49 =	vsel vm3, $0x151, v49  }
0x15c: {  	v50 =	vsel vm3, $0x152, v50;
	v52 =	vsel vm3, $0x154, v52;
	v0 =	vsel vm0, $0x230, v0  }
0x15d: {  	v53 =	vsel vm3, $0x166, v53;
	v54 =	vsel vm3, $0x167, v54;
	v56 =	vsel vm3, $0x169, v56;
	[tilespmem:$0x1F5D0] =	vst v0;
	v0 =	vld [tilespmem:$0x1F4B0]  }
0x15e: {  	v57 =	vsel vm3, $0x16A, v57;
	v58 =	vsel vm3, $0x16B, v58;
	v11 =	vsel vm3, $0xA00, v11  }
0x15f: {  	v23 =	vsel vm3, $0x146, v23;
	v27 =	vsel vm3, $0x14A, v27;
	v31 =	vsel vm3, $0x14E, v31  }
0x160: {  	v35 =	vsel vm3, $0x142, v35;
	v39 =	vsel vm3, $0x157, v39;
	v43 =	vsel vm3, $0x15B, v43  }
0x161: {  	v47 =	vsel vm3, $0x15F, v47;
	v51 =	vsel vm3, $0x153, v51;
	v55 =	vsel vm3, $0x168, v55  }
0x162: {  	v59 =	vsel vm3, $0x16C, v59;
	v3 =	vsel vm2, $0x300, v3;
	v0 =	vsel vm0, $0x231, v0  }
0x163: {  	v4 =	vsel vm2, $0x200, v4;
	v5 =	vsel vm2, $0x100, v5;
	v6 =	vsel vm2, $0x0, v6;
	[tilespmem:$0x1F5E0] =	vst v0;
	v0 =	vld [tilespmem:$0x1F4C0]  }
0x164: {  	v7 =	vsel vm2, $0xF00, v7;
	v8 =	vsel vm2, $0xE00, v8;
	v9 =	vsel vm2, $0xD00, v9  }
0x165: {  	v10 =	vsel vm2, $0xC00, v10;
	v12 =	vsel vm2, $0xA00, v12;
	v13 =	vsel vm2, $0x900, v13  }
0x166: {  	v11 =	vsel vm2, $0xB00, v11;
	v22 =	vsel vm2, $0x187, v23;
	v23 =	vsel vm2, $0x188, v24  }
0x167: {  	v24 =	vsel vm2, $0x189, v25;
	v25 =	vsel vm2, $0x18A, v26;
	v26 =	vsel vm2, $0x18B, v27  }
0x168: {  	v27 =	vsel vm2, $0x18C, v28;
	v28 =	vsel vm2, $0x18D, v29;
	v0 =	vsel vm0, $0x232, v0  }
0x169: {  	v29 =	vsel vm2, $0x18E, v30;
	v30 =	vsel vm2, $0x18F, v31;
	v31 =	vsel vm2, $0x180, v32;
	[tilespmem:$0x1F5F0] =	vst v0;
	v0 =	vld [tilespmem:$0x1F4D0]  }
0x16a: {  	v32 =	vsel vm2, $0x181, v33;
	v33 =	vsel vm2, $0x182, v34;
	v34 =	vsel vm2, $0x183, v35  }
0x16b: {  	v35 =	vsel vm2, $0x184, v36;
	v36 =	vsel vm2, $0x185, v37;
	v37 =	vsel vm2, $0x197, v38  }
0x16c: {  	v38 =	vsel vm2, $0x198, v39;
	v39 =	vsel vm2, $0x199, v40;
	v40 =	vsel vm2, $0x19A, v41  }
0x16d: {  	v41 =	vsel vm2, $0x19B, v42;
	v42 =	vsel vm2, $0x19C, v43;
	v43 =	vsel vm2, $0x19D, v44  }
0x16e: {  	v44 =	vsel vm2, $0x19E, v45;
	v45 =	vsel vm2, $0x19F, v46;
	v0 =	vsel vm0, $0x233, v0  }
0x16f: {  	v46 =	vsel vm2, $0x190, v47;
	v47 =	vsel vm2, $0x191, v48;
	v48 =	vsel vm2, $0x192, v49;
	[tilespmem:$0x1F600] =	vst v0;
	v0 =	vld [tilespmem:$0x1F4E0]  }
0x170: {  	v49 =	vsel vm2, $0x193, v50;
	v50 =	vsel vm2, $0x194, v51;
	v51 =	vsel vm2, $0x195, v52  }
0x171: {  	v52 =	vsel vm2, $0x1A7, v53;
	v53 =	vsel vm2, $0x1A8, v54;
	v54 =	vsel vm2, $0x1A9, v55  }
0x172: {  	v55 =	vsel vm2, $0x1AA, v56;
	v56 =	vsel vm2, $0x1AB, v57;
	v57 =	vsel vm2, $0x1AC, v58  }
0x173: {  	v58 =	vsel vm2, $0x1AD, v59;
	v60 =	vsel vm3, $0x16D, v60;
	v22 =	vsel vm1, $0x1C8, v22  }
0x174: {  	v23 =	vsel vm1, $0x1C9, v23;
	v24 =	vsel vm1, $0x1CA, v24;
	v0 =	vsel vm12, $0xA00, v0  }
0x175: {  	v25 =	vsel vm1, $0x1CB, v25;
	v26 =	vsel vm1, $0x1CC, v26;
	v27 =	vsel vm1, $0x1CD, v27;
	[tilespmem:$0x1F610] =	vst v0;
	v0 =	vld [tilespmem:$0x1F4F0]  }
0x176: {  	v28 =	vsel vm1, $0x1CE, v28;
	v29 =	vsel vm1, $0x1CF, v29;
	v30 =	vsel vm1, $0x1C0, v30  }
0x177: {  	v31 =	vsel vm1, $0x1C1, v31;
	v32 =	vsel vm1, $0x1C2, v32;
	v33 =	vsel vm1, $0x1C3, v33  }
0x178: {  	v34 =	vsel vm1, $0x1C4, v34;
	v35 =	vsel vm1, $0x1C5, v35;
	v36 =	vsel vm1, $0x1C6, v36  }
0x179: {  	v37 =	vsel vm1, $0x1D8, v37;
	v38 =	vsel vm1, $0x1D9, v38;
	v39 =	vsel vm1, $0x1DA, v39  }
0x17a: {  	v40 =	vsel vm1, $0x1DB, v40;
	v41 =	vsel vm1, $0x1DC, v41;
	v0 =	vsel vm10, $0x700, v0  }
0x17b: {  	v42 =	vsel vm1, $0x1DD, v42;
	v43 =	vsel vm1, $0x1DE, v43;
	v44 =	vsel vm1, $0x1DF, v44;
	[tilespmem:$0x1F620] =	vst v0;
	v0 =	vld [tilespmem:$0x1F500]  }
0x17c: {  	v45 =	vsel vm1, $0x1D0, v45;
	v46 =	vsel vm1, $0x1D1, v46;
	v47 =	vsel vm1, $0x1D2, v47  }
0x17d: {  	v48 =	vsel vm1, $0x1D3, v48;
	v49 =	vsel vm1, $0x1D4, v49;
	v50 =	vsel vm1, $0x1D5, v50  }
0x17e: {  	v51 =	vsel vm1, $0x1D6, v51;
	v52 =	vsel vm1, $0x1E8, v52;
	v1 =	vsel vm1, $0x400, v3  }
0x17f: {  	v53 =	vsel vm1, $0x1E9, v53;
	v54 =	vsel vm1, $0x1EA, v54;
	v1 =	vsel vm0, $0x500, v1  }
0x180: {  	v55 =	vsel vm1, $0x1EB, v55;
	v1 =	vsel vm10, $0x600, v1;
	v0 =	vsel vm10, $0x100, v0  }
0x181: {  	v56 =	vsel vm1, $0x1EC, v56;
	v57 =	vsel vm1, $0x1ED, v57;
	v1 =	vsel vm11, $0x700, v1;
	[tilespmem:$0x1F630] =	vst v0;
	v0 =	vld [tilespmem:$0x1F510]  }
0x182: {  	v58 =	vsel vm1, $0x1EE, v58;
	v59 =	vsel vm2, $0x1AE, v60;
	v22 =	vsel vm0, $0x209, v22;
	[tilespmem:$0x1F750] =	vst v1;
	v1 =	vld [tilespmem:$0x1F630]  }
0x183: {  	v23 =	vsel vm0, $0x20A, v23;
	v24 =	vsel vm0, $0x20B, v24;
	v25 =	vsel vm0, $0x20C, v25  }
0x184: {  	v26 =	vsel vm0, $0x20D, v26;
	v27 =	vsel vm0, $0x20E, v27;
	v28 =	vsel vm0, $0x20F, v28  }
0x185: {  	v29 =	vsel vm0, $0x200, v29;
	v30 =	vsel vm0, $0x201, v30;
	v31 =	vsel vm0, $0x202, v31  }
0x186: {  	v32 =	vsel vm0, $0x203, v32;
	v33 =	vsel vm0, $0x204, v33;
	v0 =	vsel vm10, $0x180, v0  }
0x187: {  	v34 =	vsel vm0, $0x205, v34;
	v35 =	vsel vm0, $0x206, v35;
	[tilespmem:$0x1F640] =	vst v0;
	v0 =	vld [tilespmem:$0x1F520];
	v1 =	vsel vm11, $0x180, v1  }
0x188: {  	v36 =	vsel vm0, $0x207, v36;
	v37 =	vsel vm0, $0x219, v37;
	v38 =	vsel vm0, $0x21A, v38;
	[tilespmem:$0x1F760] =	vst v1;
	v1 =	vld [tilespmem:$0x1F640]  }
0x189: {  	v39 =	vsel vm0, $0x21B, v39;
	v40 =	vsel vm0, $0x21C, v40;
	v41 =	vsel vm0, $0x21D, v41  }
0x18a: {  	v42 =	vsel vm0, $0x21E, v42;
	v43 =	vsel vm0, $0x21F, v43;
	v44 =	vsel vm0, $0x210, v44  }
0x18b: {  	v45 =	vsel vm0, $0x211, v45;
	v46 =	vsel vm0, $0x212, v46;
	v47 =	vsel vm0, $0x213, v47  }
0x18c: {  	v48 =	vsel vm0, $0x214, v48;
	v49 =	vsel vm0, $0x215, v49;
	v0 =	vsel vm10, $0x200, v0  }
0x18d: {  	v50 =	vsel vm0, $0x216, v50;
	v51 =	vsel vm0, $0x217, v51;
	[tilespmem:$0x1F650] =	vst v0;
	v0 =	vld [tilespmem:$0x1F530];
	v1 =	vsel vm11, $0x200, v1  }
0x18e: {  	v52 =	vsel vm0, $0x229, v52;
	v53 =	vsel vm0, $0x22A, v53;
	v54 =	vsel vm0, $0x22B, v54;
	[tilespmem:$0x1F770] =	vst v1;
	v1 =	vld [tilespmem:$0x1F650]  }
0x18f: {  	v55 =	vsel vm0, $0x22C, v55;
	v56 =	vsel vm0, $0x22D, v56;
	v57 =	vsel vm0, $0x22E, v57  }
0x190: {  	v58 =	vsel vm0, $0x22F, v58;
	v59 =	vsel vm1, $0x1EF, v59;
	v22 =	vsel vm10, $0x24A, v22  }
0x191: {  	v23 =	vsel vm10, $0x24B, v23;
	v24 =	vsel vm10, $0x24C, v24;
	v25 =	vsel vm10, $0x24D, v25  }
0x192: {  	v26 =	vsel vm10, $0x24E, v26;
	v27 =	vsel vm10, $0x24F, v27;
	v0 =	vsel vm10, $0x280, v0  }
0x193: {  	v28 =	vsel vm10, $0x240, v28;
	v29 =	vsel vm10, $0x241, v29;
	[tilespmem:$0x1F660] =	vst v0;
	v0 =	vld [tilespmem:$0x1F540];
	v1 =	vsel vm11, $0x280, v1  }
0x194: {  	v30 =	vsel vm10, $0x242, v30;
	v31 =	vsel vm10, $0x243, v31;
	v32 =	vsel vm10, $0x244, v32;
	[tilespmem:$0x1F780] =	vst v1;
	v1 =	vld [tilespmem:$0x1F660]  }
0x195: {  	v33 =	vsel vm10, $0x245, v33;
	v34 =	vsel vm10, $0x246, v34;
	v35 =	vsel vm10, $0x247, v35  }
0x196: {  	v36 =	vsel vm10, $0x248, v36;
	v37 =	vsel vm10, $0x25A, v37;
	v38 =	vsel vm10, $0x25B, v38  }
0x197: {  	v39 =	vsel vm10, $0x25C, v39;
	v40 =	vsel vm10, $0x25D, v40;
	v41 =	vsel vm10, $0x25E, v41  }
0x198: {  	v42 =	vsel vm10, $0x25F, v42;
	v43 =	vsel vm10, $0x250, v43;
	v0 =	vsel vm10, $0x300, v0  }
0x199: {  	v44 =	vsel vm10, $0x251, v44;
	v45 =	vsel vm10, $0x252, v45;
	[tilespmem:$0x1F670] =	vst v0;
	v0 =	vld [tilespmem:$0x1F550];
	v1 =	vsel vm11, $0x300, v1  }
0x19a: {  	v46 =	vsel vm10, $0x253, v46;
	v47 =	vsel vm10, $0x254, v47;
	v48 =	vsel vm10, $0x255, v48;
	[tilespmem:$0x1F790] =	vst v1;
	v1 =	vld [tilespmem:$0x1F670]  }
0x19b: {  	v49 =	vsel vm10, $0x256, v49;
	v50 =	vsel vm10, $0x257, v50;
	v51 =	vsel vm10, $0x258, v51  }
0x19c: {  	v52 =	vsel vm10, $0x26A, v52;
	v53 =	vsel vm10, $0x26B, v53;
	v54 =	vsel vm10, $0x26C, v54  }
0x19d: {  	v55 =	vsel vm10, $0x26D, v55;
	v56 =	vsel vm10, $0x26E, v56;
	v57 =	vsel vm10, $0x26F, v57  }
0x19e: {  	v58 =	vsel vm10, $0x260, v58;
	v59 =	vsel vm0, $0x220, v59;
	v0 =	vsel vm10, $0x380, v0  }
0x19f: {  	v22 =	vsel vm11, $0x28B, v22;
	v23 =	vsel vm11, $0x28C, v23;
	[tilespmem:$0x1F680] =	vst v0;
	v0 =	vld [tilespmem:$0x1F560];
	v1 =	vsel vm11, $0x380, v1  }
0x1a0: {  	v24 =	vsel vm11, $0x28D, v24;
	v25 =	vsel vm11, $0x28E, v25;
	v26 =	vsel vm11, $0x28F, v26;
	[tilespmem:$0x1F7A0] =	vst v1;
	v1 =	vld [tilespmem:$0x1F680]  }
0x1a1: {  	v27 =	vsel vm11, $0x280, v27;
	v28 =	vsel vm11, $0x281, v28;
	v29 =	vsel vm11, $0x282, v29  }
0x1a2: {  	v30 =	vsel vm11, $0x283, v30;
	v31 =	vsel vm11, $0x284, v31;
	v32 =	vsel vm11, $0x285, v32  }
0x1a3: {  	v33 =	vsel vm11, $0x286, v33;
	v34 =	vsel vm11, $0x287, v34;
	v35 =	vsel vm11, $0x288, v35  }
0x1a4: {  	v36 =	vsel vm11, $0x289, v36;
	v37 =	vsel vm11, $0x29B, v37;
	v0 =	vsel vm10, $0x0, v0  }
0x1a5: {  	v38 =	vsel vm11, $0x29C, v38;
	v39 =	vsel vm11, $0x29D, v39;
	[tilespmem:$0x1F690] =	vst v0;
	v0 =	vld [tilespmem:$0x1F570];
	v1 =	vsel vm11, $0x0, v1  }
0x1a6: {  	v40 =	vsel vm11, $0x29E, v40;
	v41 =	vsel vm11, $0x29F, v41;
	v42 =	vsel vm11, $0x290, v42;
	[tilespmem:$0x1F7B0] =	vst v1;
	v1 =	vld [tilespmem:$0x1F690]  }
0x1a7: {  	v43 =	vsel vm11, $0x291, v43;
	v44 =	vsel vm11, $0x292, v44;
	v45 =	vsel vm11, $0x293, v45  }
0x1a8: {  	v46 =	vsel vm11, $0x294, v46;
	v47 =	vsel vm11, $0x295, v47;
	v48 =	vsel vm11, $0x296, v48  }
0x1a9: {  	v3 =	vsel vm1, $0x200, v5;
	v5 =	vsel vm1, $0x0, v7;
	v7 =	vsel vm1, $0xE00, v9  }
0x1aa: {  	v9 =	vsel vm1, $0xC00, v11;
	v11 =	vsel vm1, $0xA00, v13;
	v13 =	vld [tilespmem:$0x1F310];
	v0 =	vsel vm10, $0x27B, v0  }
0x1ab: {  	v49 =	vsel vm11, $0x297, v49;
	v50 =	vsel vm11, $0x298, v50;
	[tilespmem:$0x1F6A0] =	vst v0;
	v0 =	vld [tilespmem:$0x1F580];
	v1 =	vsel vm11, $0x80, v1  }
0x1ac: {  	v51 =	vsel vm11, $0x299, v51;
	v52 =	vsel vm11, $0x2AB, v52;
	v53 =	vsel vm11, $0x2AC, v53;
	[tilespmem:$0x1F7C0] =	vst v1;
	v1 =	vld [tilespmem:$0x1F6A0]  }
0x1ad: {  	v54 =	vsel vm11, $0x2AD, v54;
	v55 =	vsel vm11, $0x2AE, v55;
	v56 =	vsel vm11, $0x2AF, v56  }
0x1ae: {  	v57 =	vsel vm11, $0x2A0, v57;
	v58 =	vsel vm11, $0x2A1, v58;
	v59 =	vsel vm10, $0x261, v59  }
0x1af: {  	v22 =	vsel vm12, $0x2CC, v22;
	v23 =	vsel vm12, $0x2CD, v23;
	v24 =	vsel vm12, $0x2CE, v24  }
0x1b0: {  	v25 =	vsel vm12, $0x2CF, v25;
	v26 =	vsel vm12, $0x2C0, v26;
	v0 =	vsel vm10, $0x27C, v0  }
0x1b1: {  	v27 =	vsel vm12, $0x2C1, v27;
	v13 =	vsel vm1, $0x800, v13;
	[tilespmem:$0x1F6B0] =	vst v0;
	v0 =	vld [tilespmem:$0x1F590];
	v1 =	vsel vm11, $0x2BC, v1  }
0x1b2: {  	v28 =	vsel vm12, $0x2C2, v28;
	v29 =	vsel vm12, $0x2C3, v29;
	v13 =	vsel vm0, $0x900, v13;
	[tilespmem:$0x1F7D0] =	vst v1;
	v1 =	vld [tilespmem:$0x1F6B0]  }
0x1b3: {  	v30 =	vsel vm12, $0x2C4, v30;
	v31 =	vsel vm12, $0x2C5, v31;
	v13 =	vsel vm10, $0xA00, v13  }
0x1b4: {  	v32 =	vsel vm12, $0x2C6, v32;
	v33 =	vsel vm12, $0x2C7, v33;
	v13 =	vsel vm11, $0xB00, v13  }
0x1b5: {  	v34 =	vsel vm12, $0x2C8, v34;
	v35 =	vsel vm12, $0x2C9, v35;
	v13 =	vsel vm12, $0xC00, v13  }
0x1b6: {  	v36 =	vsel vm12, $0x2CA, v36;
	v37 =	vsel vm12, $0x2DC, v37;
	[tilespmem:$0x1F960] =	vst v13;
	v13 =	vld [tilespmem:$0x1F760];
	v0 =	vsel vm10, $0x27D, v0  }
0x1b7: {  	v38 =	vsel vm12, $0x2DD, v38;
	v39 =	vsel vm12, $0x2DE, v39;
	[tilespmem:$0x1F6C0] =	vst v0;
	v0 =	vld [tilespmem:$0x1F5A0];
	v1 =	vsel vm11, $0x2BD, v1  }
0x1b8: {  	v40 =	vsel vm12, $0x2DF, v40;
	v41 =	vsel vm12, $0x2D0, v41;
	v43 =	vsel vm12, $0x2D2, v43;
	[tilespmem:$0x1F7E0] =	vst v1;
	v1 =	vld [tilespmem:$0x1F6C0]  }
0x1b9: {  	v44 =	vsel vm12, $0x2D3, v44;
	v47 =	vsel vm12, $0x2D6, v47;
	v48 =	vsel vm12, $0x2D7, v48;
	[tilespmem:$0x1F9E0] =	vst v41  }
0x1ba: {  	v49 =	vsel vm12, $0x2D8, v49;
	v50 =	vsel vm12, $0x2D9, v50;
	v53 =	vsel vm12, $0x2ED, v53;
	[tilespmem:$0x1FA00] =	vst v44  }
0x1bb: {  	v54 =	vsel vm12, $0x2EE, v54;
	v55 =	vsel vm12, $0x2EF, v55;
	[tilespmem:$0x1FA30] =	vst v50;
	v13 =	vsel vm12, $0x200, v13  }
0x1bc: {  	v56 =	vsel vm12, $0x2E0, v56;
	v61 =	vsel vm3, $0x16E, v61;
	[tilespmem:$0x1F970] =	vst v13;
	v13 =	vld [tilespmem:$0x1F770];
	v0 =	vsel vm10, $0x27E, v0  }
0x1bd: {  	v59 =	vsel vm11, $0x2A2, v59;
	v41 =	vsel vm12, $0x2D1, v42;
	[tilespmem:$0x1F6D0] =	vst v0;
	v0 =	vld [tilespmem:$0x1F5B0];
	v1 =	vsel vm11, $0x2BE, v1  }
0x1be: {  	v44 =	vsel vm12, $0x2D4, v45;
	v45 =	vsel vm12, $0x2D5, v46;
	v50 =	vsel vm12, $0x2DA, v51;
	[tilespmem:$0x1F7F0] =	vst v1;
	v1 =	vld [tilespmem:$0x1F6D0]  }
0x1bf: {  	v51 =	vsel vm12, $0x2EC, v52;
	[tilespmem:$0x1FA60] =	vst v56;
	v56 =	vsel vm12, $0x2E1, v57;
	v57 =	vsel vm12, $0x2E2, v58  }
0x1c0: {  	v60 =	vsel vm2, $0x1AF, v61;
	v62 =	vsel vm3, $0x16F, v62;
	v63 =	vsel vm3, $0x160, v63  }
0x1c1: {  	v61 =	vsel vm2, $0x1A0, v62;
	v62 =	vsel vm2, $0x1A1, v63;
	v63 =	vld [tilespmem:$0x1F1D0];
	v13 =	vsel vm12, $0x280, v13  }
0x1c2: {  	v59 =	vsel vm12, $0x2E3, v59;
	v60 =	vsel vm1, $0x1E0, v60;
	[tilespmem:$0x1F980] =	vst v13;
	v13 =	vld [tilespmem:$0x1F780];
	v0 =	vsel vm10, $0x27F, v0  }
0x1c3: {  	v60 =	vsel vm0, $0x221, v60;
	v61 =	vsel vm1, $0x1E1, v61;
	[tilespmem:$0x1F6E0] =	vst v0;
	v0 =	vld [tilespmem:$0x1F5C0];
	v1 =	vsel vm11, $0x2BF, v1  }
0x1c4: {  	v56 =	vsel vm13, $0x322, v56;
	v60 =	vsel vm10, $0x262, v60;
	v61 =	vsel vm0, $0x222, v61;
	[tilespmem:$0x1F800] =	vst v1;
	v1 =	vld [tilespmem:$0x1F6E0]  }
0x1c5: {  	v57 =	vsel vm13, $0x323, v57;
	v60 =	vsel vm11, $0x2A3, v60;
	v61 =	vsel vm10, $0x263, v61  }
0x1c6: {  	v59 =	vsel vm13, $0x324, v59;
	v60 =	vsel vm12, $0x2E4, v60;
	v61 =	vsel vm11, $0x2A4, v61  }
0x1c7: {  	v58 =	vsel vm12, $0x2E5, v61;
	v63 =	vsel vm2, $0x1A2, v63;
	v13 =	vsel vm12, $0x300, v13  }
0x1c8: {  	v62 =	vsel vm1, $0x1E2, v62;
	v63 =	vsel vm1, $0x1E3, v63;
	[tilespmem:$0x1F9A0] =	vst v13;
	v13 =	vld [tilespmem:$0x1F790];
	v0 =	vsel vm10, $0x270, v0  }
0x1c9: {  	v62 =	vsel vm0, $0x223, v62;
	v63 =	vsel vm0, $0x224, v63;
	[tilespmem:$0x1F6F0] =	vst v0;
	v0 =	vld [tilespmem:$0x1F5D0];
	v1 =	vsel vm11, $0x2B0, v1  }
0x1ca: {  	v62 =	vsel vm10, $0x264, v62;
	v63 =	vsel vm10, $0x265, v63;
	v14 =	vsel vm1, $0x1F3, v14;
	[tilespmem:$0x1F810] =	vst v1;
	v1 =	vld [tilespmem:$0x1F6F0]  }
0x1cb: {  	v62 =	vsel vm11, $0x2A5, v62;
	v63 =	vsel vm11, $0x2A6, v63;
	v14 =	vsel vm0, $0x234, v14  }
0x1cc: {  	v62 =	vsel vm12, $0x2E6, v62;
	v61 =	vsel vm12, $0x2E7, v63;
	v14 =	vsel vm10, $0x275, v14  }
0x1cd: {  	v14 =	vsel vm11, $0x2B6, v14;
	v15 =	vsel vm1, $0x1F4, v15;
	v13 =	vsel vm12, $0x380, v13  }
0x1ce: {  	v15 =	vsel vm0, $0x235, v15;
	v16 =	vsel vm1, $0x1F5, v16;
	[tilespmem:$0x1F9B0] =	vst v13;
	v13 =	vld [tilespmem:$0x1F7A0];
	v0 =	vsel vm10, $0x271, v0  }
0x1cf: {  	v15 =	vsel vm10, $0x276, v15;
	v16 =	vsel vm0, $0x236, v16;
	[tilespmem:$0x1F700] =	vst v0;
	v0 =	vld [tilespmem:$0x1F5E0];
	v1 =	vsel vm11, $0x2B1, v1  }
0x1d0: {  	v14 =	vsel vm12, $0x2F7, v14;
	v15 =	vsel vm11, $0x2B7, v15;
	v16 =	vsel vm10, $0x277, v16;
	[tilespmem:$0x1F820] =	vst v1;
	v1 =	vld [tilespmem:$0x1F700]  }
0x1d1: {  	[tilespmem:$0x1FB00] =	vst v14;
	v14 =	vsel vm12, $0x2F8, v15;
	v16 =	vsel vm11, $0x2B8, v16;
	v2 =	vsel vm1, $0x300, v4  }
0x1d2: {  	v4 =	vsel vm1, $0x100, v6;
	v6 =	vsel vm1, $0xF00, v8;
	v8 =	vsel vm1, $0xD00, v10  }
0x1d3: {  	v10 =	vsel vm1, $0xB00, v12;
	v17 =	vsel vm1, $0x1F6, v17;
	v13 =	vsel vm12, $0x0, v13  }
0x1d4: {  	v2 =	vsel vm0, $0x400, v2;
	v4 =	vsel vm0, $0x200, v4;
	[tilespmem:$0x1F9C0] =	vst v13;
	v13 =	vld [tilespmem:$0x1F7B0];
	v0 =	vsel vm10, $0x272, v0  }
0x1d5: {  	v6 =	vsel vm0, $0x0, v6;
	v8 =	vsel vm0, $0xE00, v8;
	[tilespmem:$0x1F710] =	vst v0;
	v0 =	vld [tilespmem:$0x1F5F0];
	v1 =	vsel vm11, $0x2B2, v1  }
0x1d6: {  	v10 =	vsel vm0, $0xC00, v10;
	v3 =	vsel vm0, $0x300, v3;
	v5 =	vsel vm0, $0x100, v5;
	[tilespmem:$0x1F830] =	vst v1;
	v1 =	vld [tilespmem:$0x1F710]  }
0x1d7: {  	v7 =	vsel vm0, $0xF00, v7;
	v9 =	vsel vm0, $0xD00, v9;
	v11 =	vsel vm0, $0xB00, v11  }
0x1d8: {  	v17 =	vsel vm0, $0x237, v17;
	v2 =	vsel vm10, $0x500, v2;
	v4 =	vsel vm10, $0x300, v4  }
0x1d9: {  	v12 =	vld [tilespmem:$0x1F300];
	v6 =	vsel vm10, $0x100, v6;
	v8 =	vsel vm10, $0xF00, v8;
	v13 =	vsel vm12, $0x80, v13  }
0x1da: {  	v10 =	vsel vm10, $0xD00, v10;
	v3 =	vsel vm10, $0x400, v3;
	[tilespmem:$0x1F9D0] =	vst v13;
	v13 =	vld [tilespmem:$0x1F7C0];
	v0 =	vsel vm10, $0x273, v0  }
0x1db: {  	v5 =	vsel vm10, $0x200, v5;
	v7 =	vsel vm10, $0x0, v7;
	[tilespmem:$0x1F720] =	vst v0;
	v0 =	vld [tilespmem:$0x1F600];
	v1 =	vsel vm11, $0x2B3, v1  }
0x1dc: {  	v9 =	vsel vm10, $0xE00, v9;
	v11 =	vsel vm10, $0xC00, v11;
	v17 =	vsel vm10, $0x278, v17;
	[tilespmem:$0x1F840] =	vst v1;
	v1 =	vld [tilespmem:$0x1F720]  }
0x1dd: {  	[tilespmem:$0x1FA10] =	vst v47;
	v2 =	vsel vm11, $0x600, v2;
	v4 =	vsel vm11, $0x400, v4;
	v6 =	vsel vm11, $0x200, v6;
	v46 =	vld [tilespmem:$0x1F7D0]  }
0x1de: {  	[tilespmem:$0x1FA20] =	vst v48;
	v8 =	vsel vm11, $0x0, v8;
	v10 =	vsel vm11, $0xE00, v10;
	v3 =	vsel vm11, $0x500, v3;
	v47 =	vld [tilespmem:$0x1F7E0]  }
0x1df: {  	[tilespmem:$0x1FA40] =	vst v53;
	v5 =	vsel vm11, $0x300, v5;
	v7 =	vsel vm11, $0x100, v7;
	v9 =	vsel vm11, $0xF00, v9;
	v48 =	vld [tilespmem:$0x1F7F0]  }
0x1e0: {  	[tilespmem:$0x1FA50] =	vst v54;
	v11 =	vsel vm11, $0xD00, v11;
	v17 =	vsel vm11, $0x2B9, v17;
	v52 =	vld [tilespmem:$0x1F800];
	v0 =	vsel vm10, $0x274, v0  }
0x1e1: {  	v2 =	vsel vm12, $0x700, v2;
	v4 =	vsel vm12, $0x500, v4;
	[tilespmem:$0x1F730] =	vst v0;
	v0 =	vld [tilespmem:$0x1F610];
	v1 =	vsel vm11, $0x2B4, v1  }
0x1e2: {  	v6 =	vsel vm12, $0x300, v6;
	v8 =	vsel vm12, $0x100, v8;
	v10 =	vsel vm12, $0xF00, v10;
	[tilespmem:$0x1F850] =	vst v1;
	v1 =	vld [tilespmem:$0x1F730]  }
0x1e3: {  	[tilespmem:$0x1F9F0] =	vst v41;
	v12 =	vsel vm1, $0x900, v12;
	v3 =	vsel vm12, $0x600, v3;
	v5 =	vsel vm12, $0x400, v5;
	v53 =	vld [tilespmem:$0x1F810]  }
0x1e4: {  	[tilespmem:$0x1FB10] =	vst v14;
	v7 =	vsel vm12, $0x200, v7;
	v9 =	vsel vm12, $0x0, v9;
	v41 =	vsel vm12, $0x2FD, v46;
	v54 =	vld [tilespmem:$0x1F820]  }
0x1e5: {  	v11 =	vsel vm12, $0xE00, v11;
	v14 =	vsel vm12, $0x2FA, v17;
	[tilespmem:$0x1FA70] =	vst v41;
	v41 =	vsel vm12, $0x2FF, v48;
	v46 =	vld [tilespmem:$0x1F830]  }
0x1e6: {  	v12 =	vsel vm0, $0xA00, v12;
	v63 =	vsel vm12, $0x2FE, v47;
	[tilespmem:$0x1FA80] =	vst v41;
	v47 =	vld [tilespmem:$0x1F840];
	v0 =	vsel vm13, $0xB00, v0  }
0x1e7: {  	v12 =	vsel vm10, $0xB00, v12;
	v18 =	vsel vm10, $0x266, v18;
	[tilespmem:$0x1F740] =	vst v0;
	v0 =	vld [tilespmem:$0x1F620];
	v1 =	vsel vm11, $0x2B5, v1  }
0x1e8: {  	v12 =	vsel vm11, $0xC00, v12;
	v18 =	vsel vm11, $0x2A7, v18;
	v41 =	vsel vm12, $0x2F0, v52;
	[tilespmem:$0x1F860] =	vst v1;
	v1 =	vld [tilespmem:$0x1F740]  }
0x1e9: {  	v12 =	vsel vm12, $0xD00, v12;
	v18 =	vsel vm12, $0x2E8, v18;
	[tilespmem:$0x1FA90] =	vst v41;
	v41 =	vsel vm12, $0x2F1, v53;
	v48 =	vld [tilespmem:$0x1F850]  }
0x1ea: {  	v18 =	vsel vm13, $0x329, v18;
	[tilespmem:$0x1FAA0] =	vst v41;
	v41 =	vsel vm12, $0x2F2, v54;
	v54 =	vsel vm13, $0x800, v2;
	v52 =	vld [tilespmem:$0x1F860]  }
0x1eb: {  	v13 =	vsel vm12, $0x100, v13;
	[tilespmem:$0x1FAB0] =	vst v41;
	v42 =	vsel vm14, $0x900, v54;
	v41 =	vsel vm12, $0x2F3, v46  }
0x1ec: {  	v54 =	vsel vm13, $0x400, v6;
	v6 =	vsel vm13, $0x304, v29;
	[tilespmem:$0x1FAC0] =	vst v41;
	v41 =	vsel vm12, $0x2F4, v47  }
0x1ed: {  	v29 =	vsel vm13, $0x31E, v38;
	[tilespmem:$0x1FAD0] =	vst v41;
	v0 =	vsel vm11, $0x800, v0;
	v1 =	vsel vm14, $0xC00, v1  }
0x1ee: {  	v47 =	vsel vm12, $0x2F9, v16;
	v41 =	vsel vm12, $0x2F5, v48;
	v0 =	vsel vm12, $0x900, v0;
	[tilespmem:$0x1F870] =	vst v1;
	v1 =	vld [tilespmem:$0x1F750]  }
0x1ef: {  	[tilespmem:$0x1FAE0] =	vst v41;
	v0 =	vsel vm13, $0xA00, v0;
	v41 =	vsel vm12, $0x2F6, v52;
	v52 =	vsel vm13, $0x600, v4  }
0x1f0: {  	v4 =	vsel vm13, $0x302, v27;
	v27 =	vsel vm13, $0x309, v34;
	[tilespmem:$0x1FAF0] =	vst v41;
	v41 =	vsel vm13, $0x700, v3  }
0x1f1: {  	v0 =	vsel vm14, $0xB00, v0;
	v3 =	vsel vm13, $0x301, v26;
	v46 =	vsel vm14, $0x800, v41  }
0x1f2: {  	v15 =	vsel vm14, $0x343, v4;
	v26 =	vsel vm13, $0x308, v33;
	v48 =	vsel vm15, $0x900, v46  }
0x1f3: {  	v0 =	vsel vm15, $0xC00, v0;
	[tilespmem:$0x1F8C0] =	vst v48;
	v48 =	vsel vm13, $0x300, v7;
	v1 =	vsel vm12, $0x800, v1  }
0x1f4: {  	v7 =	vsel vm13, $0x305, v30;
	v30 =	vsel vm13, $0x31F, v39;
	v53 =	vsel vm13, $0x900, v1  }
0x1f5: {  	[tilespmem:$0x1F890] =	vst v0;
	v39 =	vsel vm13, $0x315, v44;
	v0 =	vsel vm14, $0xA00, v53;
	v53 =	vsel vm13, $0x500, v5  }
0x1f6: {  	v5 =	vsel vm13, $0x303, v28;
	v28 =	vsel vm13, $0x31D, v37;
	v0 =	vsel vm15, $0xB00, v0  }
0x1f7: {  	v34 =	vld [tilespmem:$0x1F9F0];
	v41 =	vsel vm14, $0x600, v53;
	[tilespmem:$0x1F8A0] =	vst v0;
	v0 =	vsel vm15, $0xA00, v42;
	v42 =	vsel vm14, $0x500, v54  }
0x1f8: {  	v53 =	vsel vm13, $0x100, v9;
	[tilespmem:$0x1F8B0] =	vst v0;
	v0 =	vsel vm14, $0x700, v52;
	v46 =	vsel vm15, $0x600, v42  }
0x1f9: {  	v37 =	vld [tilespmem:$0x1FA00];
	v52 =	vsel vm13, $0x200, v8;
	v8 =	vsel vm14, $0x200, v53;
	v0 =	vsel vm15, $0x800, v0;
	[tilespmem:$0x1F8F0] =	vst v46  }
0x1fa: {  	v16 =	vsel vm14, $0x344, v5;
	v42 =	vsel vm13, $0xF00, v11;
	v9 =	vsel vm15, $0x300, v8;
	v8 =	vld [tilespmem:$0x1F970];
	[tilespmem:$0x1F8D0] =	vst v0  }
0x1fb: {  	v54 =	vsel vm14, $0x300, v52;
	v46 =	vsel vm13, $0xE00, v12;
	v0 =	vsel vm15, $0x700, v41;
	[tilespmem:$0x1F920] =	vst v9  }
0x1fc: {  	v12 =	vsel vm13, $0x30A, v35;
	v35 =	vsel vm13, $0x312, v34;
	v9 =	vld [tilespmem:$0x1F980];
	[tilespmem:$0x1F8E0] =	vst v0;
	v0 =	vsel vm14, $0x400, v48  }
0x1fd: {  	v41 =	vsel vm13, $0x0, v10;
	v52 =	vsel vm14, $0xF00, v46;
	v46 =	vld [tilespmem:$0x1F9C0];
	v0 =	vsel vm15, $0x500, v0  }
0x1fe: {  	v38 =	vsel vm13, $0x314, v37;
	v48 =	vsel vm14, $0x0, v42;
	v42 =	vld [tilespmem:$0x1F9B0];
	[tilespmem:$0x1F900] =	vst v0;
	v0 =	vsel vm15, $0x400, v54  }
0x1ff: {  	v53 =	vsel vm15, $0x0, v52;
	[tilespmem:$0x1F910] =	vst v0;
	v0 =	vsel vm14, $0x100, v41;
	v1 =	vsel vm13, $0x280, v8  }
0x200: {  	v8 =	vsel vm13, $0x30D, v22;
	v22 =	vsel vm13, $0x300, v25;
	v25 =	vsel vm13, $0x307, v32  }
0x201: {  	v0 =	vsel vm15, $0x200, v0;
	v2 =	vsel vm13, $0x300, v9;
	v10 =	vsel vm14, $0x300, v1  }
0x202: {  	v9 =	vsel vm14, $0x34E, v8;
	[tilespmem:$0x1F930] =	vst v0;
	v0 =	vsel vm15, $0x100, v48;
	v11 =	vsel vm14, $0x380, v2  }
0x203: {  	v54 =	vld [tilespmem:$0x1F960];
	[tilespmem:$0x1FB40] =	vst v10;
	v1 =	vsel vm13, $0x0, v42;
	v2 =	vsel vm13, $0x80, v46;
	v10 =	vsel vm13, $0x30E, v23  }
0x204: {  	[tilespmem:$0x1FC10] =	vst v9;
	v9 =	vsel vm14, $0x348, v25;
	v46 =	vsel vm14, $0x35E, v28;
	v42 =	vsel vm14, $0x35F, v29  }
0x205: {  	v32 =	vld [tilespmem:$0x1F9E0];
	v25 =	vsel vm13, $0x31B, v50;
	v50 =	vsel vm13, $0x320, v55;
	v48 =	vsel vm14, $0x80, v1  }
0x206: {  	v41 =	vld [tilespmem:$0x1F9A0];
	[tilespmem:$0x1FB60] =	vst v11;
	v52 =	vsel vm14, $0x100, v2;
	v11 =	vsel vm13, $0x30F, v24;
	v24 =	vsel vm13, $0x306, v31  }
0x207: {  	[tilespmem:$0x1F940] =	vst v0;
	v31 =	vsel vm13, $0x310, v40;
	v40 =	vsel vm13, $0x316, v45;
	v1 =	vsel vm13, $0x326, v58  }
0x208: {  	v45 =	vld [tilespmem:$0x1FA20];
	v0 =	vsel vm13, $0xD00, v54;
	[tilespmem:$0x1FBA0] =	vst v48;
	v48 =	vsel vm14, $0x34F, v10;
	v23 =	vsel vm14, $0x340, v11  }
0x209: {  	[tilespmem:$0x1F950] =	vst v53;
	v53 =	vld [tilespmem:$0x1F9D0];
	v8 =	vsel vm14, $0x347, v24;
	v10 =	vsel vm14, $0x349, v26;
	v0 =	vsel vm14, $0xE00, v0  }
0x20a: {  	v11 =	vsel vm14, $0x34A, v27;
	[tilespmem:$0x1FC20] =	vst v23;
	v33 =	vsel vm13, $0x311, v32;
	v23 =	vld [tilespmem:$0x1FA30];
	v0 =	vsel vm15, $0xF00, v0  }
0x20b: {  	v26 =	vsel vm14, $0x352, v33;
	[tilespmem:$0x1F990] =	vst v0;
	v0 =	vsel vm13, $0x380, v41;
	v41 =	vsel vm14, $0x351, v31  }
0x20c: {  	v31 =	vsel vm14, $0x357, v40;
	v40 =	vsel vm13, $0x32D, v51;
	v0 =	vsel vm14, $0x0, v0  }
0x20d: {  	v2 =	vsel vm13, $0x318, v45;
	v37 =	vsel vm14, $0x36E, v40;
	v45 =	vld [tilespmem:$0x1FA50];
	v40 =	vsel vm14, $0x361, v50  }
0x20e: {  	v50 =	vsel vm13, $0x33F, v63;
	v33 =	vsel vm14, $0x359, v2;
	v2 =	vsel vm13, $0x327, v62;
	v62 =	vld [tilespmem:$0x1FA90]  }
0x20f: {  	[tilespmem:$0x1FB80] =	vst v0;
	v0 =	vsel vm13, $0x100, v53;
	v58 =	vsel vm14, $0x370, v50;
	v50 =	vld [tilespmem:$0x1FAB0];
	v24 =	vsel vm13, $0x31A, v23  }
0x210: {  	[tilespmem:$0x1FBC0] =	vst v52;
	v27 =	vsel vm14, $0x353, v35;
	v0 =	vsel vm14, $0x180, v0;
	v35 =	vsel vm14, $0x35B, v24;
	v24 =	vld [tilespmem:$0x1FA70]  }
0x211: {  	v54 =	vsel vm13, $0x180, v13;
	v52 =	vsel vm14, $0x341, v22;
	[tilespmem:$0x1FBE0] =	vst v0;
	v0 =	vsel vm13, $0x325, v60;
	v60 =	vld [tilespmem:$0x1FA80]  }
0x212: {  	v13 =	vsel vm13, $0x30B, v36;
	v36 =	vsel vm13, $0x313, v43;
	v22 =	vsel vm13, $0x319, v49;
	v63 =	vld [tilespmem:$0x1FAA0]  }
0x213: {  	v29 =	vsel vm14, $0x355, v38;
	v43 =	vld [tilespmem:$0x1FA10];
	v28 =	vsel vm14, $0x354, v36;
	v34 =	vsel vm14, $0x35A, v22  }
0x214: {  	v36 =	vsel vm14, $0x35C, v25;
	v25 =	vsel vm14, $0x364, v57;
	v51 =	vld [tilespmem:$0x1FA60];
	v23 =	vsel vm13, $0x328, v61  }
0x215: {  	v49 =	vsel vm13, $0x32F, v45;
	v57 =	vsel vm13, $0x333, v50;
	v50 =	vld [tilespmem:$0x1FAD0];
	v45 =	vsel vm13, $0x33E, v24  }
0x216: {  	v61 =	vsel vm13, $0x330, v60;
	v60 =	vsel vm13, $0x331, v62;
	v62 =	vsel vm14, $0x374, v57;
	v57 =	vld [tilespmem:$0x1FAE0]  }
0x217: {  	v53 =	vsel vm14, $0x200, v54;
	v24 =	vsel vm14, $0x37F, v45;
	v45 =	vsel vm13, $0x332, v63;
	v63 =	vld [tilespmem:$0x1FAC0]  }
0x218: {  	v54 =	vsel vm14, $0x350, v30;
	v30 =	vsel vm14, $0x356, v39;
	v44 =	vsel vm13, $0x317, v43;
	v43 =	vld [tilespmem:$0x1FA40]  }
0x219: {  	v32 =	vsel vm14, $0x358, v44;
	v55 =	vsel vm13, $0x321, v51;
	v22 =	vsel vm14, $0x366, v0  }
0x21a: {  	v51 =	vsel vm14, $0x367, v1;
	v39 =	vsel vm14, $0x360, v49;
	v0 =	vsel vm13, $0x335, v50;
	v50 =	vld [tilespmem:$0x1FB00]  }
0x21b: {  	[tilespmem:$0x1FB20] =	vst v14;
	v49 =	vsel vm14, $0x365, v59;
	v59 =	vsel vm14, $0x371, v61;
	v1 =	vsel vm13, $0x336, v57;
	v57 =	vld [tilespmem:$0x1FB10]  }
0x21c: {  	v61 =	vsel vm14, $0x373, v45;
	v45 =	vsel vm13, $0x334, v63;
	v63 =	vsel vm13, $0x33A, v47;
	v47 =	vld [tilespmem:$0x1FB20]  }
0x21d: {  	v44 =	vsel vm13, $0x32E, v43;
	v43 =	vsel vm14, $0x362, v55;
	v55 =	vsel vm14, $0x368, v2  }
0x21e: {  	v14 =	vld [tilespmem:$0x1F870];
	v38 =	vsel vm14, $0x36F, v44;
	v44 =	vsel vm14, $0x363, v56;
	v56 =	vsel vm14, $0x369, v23  }
0x21f: {  	v23 =	vsel vm14, $0x36A, v18;
	v5 =	vsel vm14, $0x377, v1;
	v18 =	vsel vm14, $0x375, v45;
	v45 =	vld [tilespmem:$0x1FAF0]  }
0x220: {  	v1 =	vsel vm13, $0x338, v50;
	v50 =	vlaneseq.u32;
	v2 =	vsel vm13, $0x339, v57;
	v57 =	vld [tilespmem:$0x1FB40]  }
0x221: {  	v4 =	vsel vm14, $0x379, v1;
	v1 =	vsel vm13, $0x33B, v47;
	v47 =	vand.u32 $0x7, v50;
	v50 =	vld [tilespmem:$0x1FB60];
	_ =	sdelay $0x1  }
0x222: {  	v17 =	vsel vm14, $0x342, v3;
	v14 =	vsel vm15, $0xD00, v14  }
0x223: {  	[tilespmem:$0x1F880] =	vst v14;
	v14 =	vsel vm14, $0x345, v6;
	v6 =	vsel vm14, $0x376, v0;
	v0 =	vsel vm13, $0x337, v45  }
0x224: {  	v3 =	vsel vm14, $0x378, v0;
	v0 =	vsel vm14, $0x37B, v63;
	v63 =	vsel vm15, $0x380, v57  }
0x225: {  	[tilespmem:$0x1FB50] =	vst v63;
	v57 =	vsel vm15, $0x0, v50;
	v63 =	vld [tilespmem:$0x1FB80]  }
0x226: {  	v7 =	vsel vm14, $0x346, v7;
	[tilespmem:$0x1FB70] =	vst v57;
	v57 =	vld [tilespmem:$0x1FBA0]  }
0x227: {  	v7 =	vsel vm15, $0x387, v7  }
0x228: {  	[tilespmem:$0x1FC50] =	vst v7;
	v14 =	vsel vm15, $0x386, v14  }
0x229: {  	[tilespmem:$0x1FC40] =	vst v14;
	v8 =	vsel vm15, $0x388, v8  }
0x22a: {  	[tilespmem:$0x1FC60] =	vst v8;
	v50 =	vsel vm15, $0x80, v63  }
0x22b: {  	[tilespmem:$0x1FB90] =	vst v50;
	v63 =	vsel vm15, $0x100, v57;
	v50 =	vld [tilespmem:$0x1FBC0]  }
0x22c: {  	v27 =	vsel vm15, $0x394, v27;
	[tilespmem:$0x1FBB0] =	vst v63;
	v63 =	vld [tilespmem:$0x1FBE0]  }
0x22d: {  	[tilespmem:$0x1FD10] =	vst v27;
	v28 =	vsel vm15, $0x395, v28  }
0x22e: {  	v13 =	vsel vm14, $0x34C, v13;
	v26 =	vsel vm15, $0x393, v26;
	[tilespmem:$0x1FD20] =	vst v28  }
0x22f: {  	[tilespmem:$0x1FD00] =	vst v26;
	v47 =	vmul.u32 $0x80, v47;
	v45 =	vsel vm15, $0x38D, v13  }
0x230: {  	[tilespmem:$0x1FCB0] =	vst v45  }
0x231: {  	[tilespmem:$0x1FB30] =	vst v47;
	v57 =	vsel vm15, $0x180, v50;
	v50 =	vsel vm15, $0x200, v63;
	v63 =	vld [tilespmem:$0x1FC10]  }
0x232: {  	[tilespmem:$0x1FBF0] =	vst v50;
	v50 =	vld [tilespmem:$0x1FC20]  }
0x233: {  	[tilespmem:$0x1FBD0] =	vst v57;
	v57 =	vsel vm15, $0x280, v53  }
0x234: {  	v53 =	vsel vm15, $0x380, v48;
	v48 =	vsel vm15, $0x389, v9;
	[tilespmem:$0x1FC00] =	vst v57  }
0x235: {  	[tilespmem:$0x1FC70] =	vst v48;
	v48 =	vsel vm15, $0x39F, v46  }
0x236: {  	[tilespmem:$0x1FCC0] =	vst v48;
	v47 =	vsel vm15, $0x38F, v63;
	v63 =	vsel vm15, $0x382, v52  }
0x237: {  	v12 =	vsel vm14, $0x34B, v12;
	v57 =	vsel vm15, $0x381, v50;
	[tilespmem:$0x1FC30] =	vst v63;
	v50 =	vsel vm15, $0x38A, v10  }
0x238: {  	v63 =	vsel vm15, $0x38C, v12;
	[tilespmem:$0x1FC80] =	vst v50  }
0x239: {  	v21 =	vld [tilespmem:$0x1F1F0];
	v52 =	vsel vm15, $0x384, v15;
	v15 =	vmov v57;
	v57 =	vsel vm15, $0x38B, v11;
	[tilespmem:$0x1FCA0] =	vst v63  }
0x23a: {  	s4 =	simm.s32 $0x0;
	v50 =	vsel vm15, $0x390, v42;
	[tilespmem:$0x1FC90] =	vst v57  }
0x23b: {  	[smem:$0x7FF] =	sst s4;
	v63 =	vsel vm15, $0x392, v41;
	[tilespmem:$0x1FCD0] =	vst v50  }
0x23c: {  	s0 =	rddreg [dreg:$0x0];
	v57 =	vsel vm15, $0x391, v54;
	[tilespmem:$0x1FCF0] =	vst v63  }
0x23d: {  	s2 =	rddreg [dreg:$0x1];
	v20 =	vld [tilespmem:$0x1F200];
	v29 =	vsel vm15, $0x396, v29;
	[tilespmem:$0x1FCE0] =	vst v57  }
0x23e: {  	s3 =	rddreg [dreg:$0x3];
	v19 =	vsel vm2, $0x1A4, v21;
	v21 =	vld [tilespmem:$0x1F210];
	v30 =	vsel vm15, $0x397, v30;
	_ =	strace $0x80000047;
	[tilespmem:$0x1FD30] =	vst v29  }
0x23f: {  	v31 =	vsel vm15, $0x398, v31;
	[tilespmem:$0x1FD40] =	vst v30  }
0x240: {  	v32 =	vsel vm15, $0x399, v32;
	[tilespmem:$0x1FD50] =	vst v31  }
0x241: {  	v33 =	vsel vm15, $0x39A, v33;
	[tilespmem:$0x1FD60] =	vst v32  }
0x242: {  	v34 =	vsel vm15, $0x39B, v34;
	[tilespmem:$0x1FD70] =	vst v33  }
0x243: {  	v35 =	vsel vm15, $0x39C, v35;
	[tilespmem:$0x1FD80] =	vst v34  }
0x244: {  	v36 =	vsel vm15, $0x39D, v36;
	[tilespmem:$0x1FD90] =	vst v35  }
0x245: {  	v45 =	vsel vm15, $0x3A1, v39;
	[tilespmem:$0x1FDA0] =	vst v36  }
0x246: {  	v54 =	vsel vm15, $0x3A4, v44;
	[tilespmem:$0x1FDB0] =	vst v45  }
0x247: {  	v57 =	vsel vm15, $0x3A5, v25;
	[tilespmem:$0x1FDC0] =	vst v54  }
0x248: {  	v7 =	vsel vm15, $0x3A6, v49;
	[tilespmem:$0x1FDD0] =	vst v57  }
0x249: {  	v6 =	vsel vm15, $0x3B7, v6;
	[tilespmem:$0x1FDE0] =	vst v7  }
0x24a: {  	v5 =	vsel vm15, $0x3B8, v5;
	[tilespmem:$0x1FEE0] =	vst v6  }
0x24b: {  	v2 =	vsel vm14, $0x37A, v2;
	v3 =	vsel vm15, $0x3B9, v3;
	[tilespmem:$0x1FEF0] =	vst v5  }
0x24c: {  	v2 =	vsel vm15, $0x3BB, v2;
	[tilespmem:$0x1FF00] =	vst v3  }
0x24d: {  	v0 =	vsel vm15, $0x3BC, v0;
	[tilespmem:$0x1FF20] =	vst v2  }
0x24e: {  	[tilespmem:$0x1FF30] =	vst v0  }
0x24f: {  	[tilespmem:$0x1FF60] =	vst v15  }
0x250: {  	v17 =	vsel vm15, $0x383, v17;
	[tilespmem:$0x1FF70] =	vst v52  }
0x251: {  	v16 =	vsel vm15, $0x385, v16;
	[tilespmem:$0x1FF80] =	vst v17  }
0x252: {  	v12 =	vsel vm15, $0x3A3, v43;
	[tilespmem:$0x1FF90] =	vst v16  }
0x253: {  	v46 =	vsel vm15, $0x3A2, v40;
	[tilespmem:$0x1FFA0] =	vst v12  }
0x254: {  	v19 =	vsel vm1, $0x1E5, v19;
	v42 =	vsel vm15, $0x3A0, v38;
	[tilespmem:$0x1FFB0] =	vst v46  }
0x255: {  	v19 =	vsel vm0, $0x226, v19;
	v41 =	vsel vm15, $0x3AF, v37;
	[tilespmem:$0x1FFC0] =	vst v42  }
0x256: {  	v19 =	vsel vm10, $0x267, v19;
	v20 =	vsel vm2, $0x1A5, v20;
	[tilespmem:$0x1FFD0] =	vst v41  }
0x257: {  	v19 =	vsel vm11, $0x2A8, v19;
	v21 =	vsel vm2, $0x1B7, v21;
	v20 =	vsel vm1, $0x1E6, v20;
	[tilespmem:$0x1FFE0] =	vst v47  }
0x258: {  	v19 =	vsel vm12, $0x2E9, v19;
	v21 =	vsel vm1, $0x1F8, v21;
	v7 =	vsel vm15, $0x3A7, v22;
	[tilespmem:$0x1FFF0] =	vst v53  }
0x259: {  	v20 =	vsel vm0, $0x227, v20;
	v19 =	vsel vm13, $0x32A, v19;
	v3 =	vsel vm15, $0x3BA, v4;
	[tilespmem:$0x1FDF0] =	vst v7  }
0x25a: {  	v21 =	vsel vm0, $0x239, v21;
	v5 =	vlaneseq.u32;
	v7 =	vsel vm15, $0x3A8, v51;
	[tilespmem:$0x1FF10] =	vst v3  }
0x25b: {  	v20 =	vsel vm10, $0x268, v20;
	v63 =	vmul.u32 $0x100, v5;
	[tilespmem:$0x1FE00] =	vst v7;
	v7 =	vsel vm15, $0x3A9, v55  }
0x25c: {  	v19 =	vsel vm14, $0x36B, v19;
	v21 =	vsel vm10, $0x27A, v21;
	v20 =	vsel vm11, $0x2A9, v20;
	[tilespmem:$0x1FE10] =	vst v7  }
0x25d: {  	s1 =	srdreg.scid;
	s9 =	stileid.u32;
	v21 =	vsel vm11, $0x2BB, v21;
	v20 =	vsel vm12, $0x2EA, v20;
	v7 =	vsel vm15, $0x3AA, v56;
	[tilespmem:$0x1FF50] =	vst v63  }
0x25e: {  	s21 =	simm.s32 $0x5;
	s28 =	simm.s32 $0x3;
	s29 =	simm.s32 $0x4;
	v21 =	vsel vm12, $0x2FC, v21;
	v20 =	vsel vm13, $0x32B, v20;
	[tilespmem:$0x1FE20] =	vst v7;
	v7 =	vsel vm15, $0x3AB, v23  }
0x25f: {  	s30 =	simm.s32 $0x2;
	s31 =	simm.s32 $0x0;
	s5 =	sand.u32 $0x1, s1;
	v21 =	vsel vm13, $0x33D, v21;
	v20 =	vsel vm14, $0x36C, v20;
	[tilespmem:$0x1FE30] =	vst v7;
	v7 =	vsel vm15, $0x3AC, v19  }
0x260: {  	s25 =	sshll.u32 s9, $0x1;
	p0 =	seq.s32 s9, $0x0;
	s9 =	simm.s32 $0x7B;
	v21 =	vsel vm14, $0x37E, v21;
	[tilespmem:$0x1FE40] =	vst v7;
	v7 =	vsel vm15, $0x3AD, v20  }
0x261: {  	s1 =	sor.u32 s5, s25;
	s7 =	ssub.s32 $0x2, s5;
	s9 =	simm.s32 @!p0 $0x7A;
	[tilespmem:$0x1FE50] =	vst v7;
	v7 =	vsel vm15, $0x3BF, v21  }
0x262: {  	s25 =	simm.s32 $0x1;
	s13 =	sshll.u32 s1, $0xC;
	s11 =	smul.u32 $0x7A, s1;
	[tilespmem:$0x1FE60] =	vst v7;
	v7 =	vsel vm15, $0x3B0, v24  }
0x263: {  	s8 =	sshrl.u32 s7, $0x1;
	s12 =	smin.u32 s1, $0x2;
	p0 =	sgt.u32 s1, $0x18;
	[tilespmem:$0x1FE70] =	vst v7;
	v7 =	vsel vm15, $0x3B1, v58  }
0x264: {  	p1 =	sne.s32 s1, $0x2;
	s20 =	ssub.s32 s7, s8;
	s11 =	sadd.s32 s12, s11;
	v60 =	vsel vm14, $0x372, v60;
	[tilespmem:$0x1FE80] =	vst v7;
	v7 =	vsel vm15, $0x3B2, v59  }
0x265: {  	s20 =	smax.u32 s20, $0x1;
	s16 =	sadd.s32 s13, s3;
	s19 =	sadd.s32 $0x7A1C00, s3;
	[tilespmem:$0x1FE90] =	vst v7;
	v7 =	vsel vm15, $0x3B3, v60  }
0x266: {  	s26 =	sshll.u32 s11, $0x8;
	s5 =	sadd.s32 $0x7A1E00, s16;
	s7 =	sadd.s32 $0x7A2200, s16;
	[tilespmem:$0x1FEA0] =	vst v7;
	v7 =	vsel vm15, $0x3B4, v61  }
0x267: {  	s6 =	sadd.s32 $0xC00, s3;
	s2 =	sadd.s32 s2, s13;
	s8 =	sadd.s32 $0x7A2400, s16;
	v1 =	vsel vm14, $0x37C, v1;
	[tilespmem:$0x1FEB0] =	vst v7;
	v7 =	vsel vm15, $0x3B5, v62  }
0x268: {  	s17 =	sadd.s32 s0, s26;
	s10 =	sadd.s32 $0x7A2600, s16;
	s12 =	sadd.s32 $0x7A2800, s16;
	v62 =	vsel vm15, $0x3BD, v1;
	[tilespmem:$0x1FEC0] =	vst v7  }
0x269: {  	s26 =	simm.s32 $0x8000;
	s14 =	sadd.s32 $0x7A2A00, s16;
	s15 =	sadd.s32 $0x7A2000, s16;
	v7 =	vsel vm15, $0x3B6, v18;
	[tilespmem:$0x1FF40] =	vst v62  }
0x26a: {  	s16 =	sadd.s32 $0x7A2C00, s16;
	s18 =	sadd.s32 $0x100, s17;
	v14 =	vmov v53;
	v48 =	vmov v17;
	v13 =	vmov v47;
	[dreg:$0x5] =	wrdreg s2;
	[tilespmem:$0x1FED0] =	vst v7  }
.LBB2_1:
.Ltmp0:
0x26b: {  	(pc) =	sbr.rel @p0 .LBB2_19-.Ltmp0, $1  }
0x26c: {  	_ =	sdelay $0x3  }
0x26d: {  	s2 =	simm.s32 $0x0;
	s1 =	simm.s32 $0x10000;
	s3 =	rddreg [dreg:$0x5]  }
0x26e: {  	[tilespmem:s1], [sflag:$0x5] =	stream.linear.gather [hbm4b:s3+s2], $0x8000, $0x38;
	[tilespmem:$0x19000] =	vst v63  }
0x26f: {  	_ =	swait.ge [sflag:s21], $0x8000  }
0x270: {  	s13 =	sadd.s32 $0x0, s5;
	[sflag:s21] =	ssyncset.done $0x0  }
0x271: {  	s2 =	simm.s32 $0x10;
	s3 =	simm.s32 $0x10400;
	[sflag:s21] =	ssyncadd.s32 $0xFFFF8000  }
.LBB2_3:
0x272: {  	[hbm4b:s13+s4] =	stream.linear.scatter [tilespmem:s1], [sflag:$0x5], $0x80, $0x38;
	[tilespmem:$0x19000] =	vst v63  }
0x273: {  	s13 =	smov.u32 s2;
	s1 =	smov.u32 s3;
	p2 =	sne.s32 s2, $0x1F0  }
.Ltmp1:
0x274: {  	s2 =	sadd.s32 $0x10, s2;
	(pc) =	sbr.rel @p2 .LBB2_3-.Ltmp1, $2  }
0x275: {  	_ =	sdelay $0x2  }
0x276: {  	s3 =	sadd.s32 $0x400, s3;
	s13 =	sadd.s32 s13, s5  }
0x277: {  	[hbm4b:s13+s4] =	stream.linear.scatter [tilespmem:s1], [sflag:$0x5], $0x80, $0x38;
	[tilespmem:$0x19000] =	vst v63  }
0x278: {  	_ =	swait.ge [sflag:s21], $0x1000  }
0x279: {  	s1 =	simm.s32 $0x10080;
	s2 =	simm.s32 $0x10;
	[sflag:s21] =	ssyncset.done $0x0  }
0x27a: {  	s13 =	sadd.s32 $0x0, s15;
	s3 =	simm.s32 $0x10480;
	[sflag:s21] =	ssyncadd.s32 $0xFFFFF000  }
.LBB2_5:
0x27b: {  	[hbm4b:s13+s4] =	stream.linear.scatter [tilespmem:s1], [sflag:$0x5], $0x80, $0x38;
	[tilespmem:$0x19000] =	vst v63  }
0x27c: {  	s13 =	smov.u32 s2;
	s1 =	smov.u32 s3;
	p2 =	sne.s32 s2, $0x1F0  }
.Ltmp2:
0x27d: {  	s2 =	sadd.s32 $0x10, s2;
	(pc) =	sbr.rel @p2 .LBB2_5-.Ltmp2, $2  }
0x27e: {  	_ =	sdelay $0x2  }
0x27f: {  	s3 =	sadd.s32 $0x400, s3;
	s13 =	sadd.s32 s13, s15  }
0x280: {  	[hbm4b:s13+s4] =	stream.linear.scatter [tilespmem:s1], [sflag:$0x5], $0x80, $0x38;
	[tilespmem:$0x19000] =	vst v63  }
0x281: {  	_ =	swait.ge [sflag:s21], $0x1000  }
0x282: {  	s1 =	simm.s32 $0x10100;
	s2 =	simm.s32 $0x10;
	[sflag:s21] =	ssyncset.done $0x0  }
0x283: {  	s13 =	sadd.s32 $0x0, s7;
	s3 =	simm.s32 $0x10500;
	[sflag:s21] =	ssyncadd.s32 $0xFFFFF000  }
.LBB2_7:
0x284: {  	[hbm4b:s13+s4] =	stream.linear.scatter [tilespmem:s1], [sflag:$0x5], $0x80, $0x38;
	[tilespmem:$0x19000] =	vst v63  }
0x285: {  	s13 =	smov.u32 s2;
	s1 =	smov.u32 s3;
	p2 =	sne.s32 s2, $0x1F0  }
.Ltmp3:
0x286: {  	s2 =	sadd.s32 $0x10, s2;
	(pc) =	sbr.rel @p2 .LBB2_7-.Ltmp3, $2  }
0x287: {  	_ =	sdelay $0x2  }
0x288: {  	s3 =	sadd.s32 $0x400, s3;
	s13 =	sadd.s32 s13, s7  }
0x289: {  	[hbm4b:s13+s4] =	stream.linear.scatter [tilespmem:s1], [sflag:$0x5], $0x80, $0x38;
	[tilespmem:$0x19000] =	vst v63  }
0x28a: {  	_ =	swait.ge [sflag:s21], $0x1000  }
0x28b: {  	s1 =	simm.s32 $0x10180;
	s2 =	simm.s32 $0x10;
	[sflag:s21] =	ssyncset.done $0x0  }
0x28c: {  	s13 =	sadd.s32 $0x0, s8;
	s3 =	simm.s32 $0x10580;
	[sflag:s21] =	ssyncadd.s32 $0xFFFFF000  }
.LBB2_9:
0x28d: {  	[hbm4b:s13+s4] =	stream.linear.scatter [tilespmem:s1], [sflag:$0x5], $0x80, $0x38;
	[tilespmem:$0x19000] =	vst v63  }
0x28e: {  	s13 =	smov.u32 s2;
	s1 =	smov.u32 s3;
	p2 =	sne.s32 s2, $0x1F0  }
.Ltmp4:
0x28f: {  	s2 =	sadd.s32 $0x10, s2;
	(pc) =	sbr.rel @p2 .LBB2_9-.Ltmp4, $2  }
0x290: {  	_ =	sdelay $0x2  }
0x291: {  	s3 =	sadd.s32 $0x400, s3;
	s13 =	sadd.s32 s13, s8  }
0x292: {  	[hbm4b:s13+s4] =	stream.linear.scatter [tilespmem:s1], [sflag:$0x5], $0x80, $0x38;
	[tilespmem:$0x19000] =	vst v63  }
0x293: {  	_ =	swait.ge [sflag:s21], $0x1000  }
0x294: {  	s1 =	simm.s32 $0x10200;
	s2 =	simm.s32 $0x10;
	[sflag:s21] =	ssyncset.done $0x0  }
0x295: {  	s13 =	sadd.s32 $0x0, s10;
	s3 =	simm.s32 $0x10600;
	[sflag:s21] =	ssyncadd.s32 $0xFFFFF000  }
.LBB2_11:
0x296: {  	[hbm4b:s13+s4] =	stream.linear.scatter [tilespmem:s1], [sflag:$0x5], $0x80, $0x38;
	[tilespmem:$0x19000] =	vst v63  }
0x297: {  	s13 =	smov.u32 s2;
	s1 =	smov.u32 s3;
	p2 =	sne.s32 s2, $0x1F0  }
.Ltmp5:
0x298: {  	s2 =	sadd.s32 $0x10, s2;
	(pc) =	sbr.rel @p2 .LBB2_11-.Ltmp5, $2  }
0x299: {  	_ =	sdelay $0x2  }
0x29a: {  	s3 =	sadd.s32 $0x400, s3;
	s13 =	sadd.s32 s13, s10  }
0x29b: {  	[hbm4b:s13+s4] =	stream.linear.scatter [tilespmem:s1], [sflag:$0x5], $0x80, $0x38;
	[tilespmem:$0x19000] =	vst v63  }
0x29c: {  	_ =	swait.ge [sflag:s21], $0x1000  }
0x29d: {  	s1 =	simm.s32 $0x10280;
	s2 =	simm.s32 $0x10;
	[sflag:s21] =	ssyncset.done $0x0  }
0x29e: {  	s13 =	sadd.s32 $0x0, s12;
	s3 =	simm.s32 $0x10680;
	[sflag:s21] =	ssyncadd.s32 $0xFFFFF000  }
.LBB2_13:
0x29f: {  	[hbm4b:s13+s4] =	stream.linear.scatter [tilespmem:s1], [sflag:$0x5], $0x80, $0x38;
	[tilespmem:$0x19000] =	vst v63  }
0x2a0: {  	s13 =	smov.u32 s2;
	s1 =	smov.u32 s3;
	p2 =	sne.s32 s2, $0x1F0  }
.Ltmp6:
0x2a1: {  	s2 =	sadd.s32 $0x10, s2;
	(pc) =	sbr.rel @p2 .LBB2_13-.Ltmp6, $2  }
0x2a2: {  	_ =	sdelay $0x2  }
0x2a3: {  	s3 =	sadd.s32 $0x400, s3;
	s13 =	sadd.s32 s13, s12  }
0x2a4: {  	[hbm4b:s13+s4] =	stream.linear.scatter [tilespmem:s1], [sflag:$0x5], $0x80, $0x38;
	[tilespmem:$0x19000] =	vst v63  }
0x2a5: {  	_ =	swait.ge [sflag:s21], $0x1000  }
0x2a6: {  	s1 =	simm.s32 $0x10300;
	s2 =	simm.s32 $0x10;
	[sflag:s21] =	ssyncset.done $0x0  }
0x2a7: {  	s13 =	sadd.s32 $0x0, s14;
	s3 =	simm.s32 $0x10700;
	[sflag:s21] =	ssyncadd.s32 $0xFFFFF000  }
.LBB2_15:
0x2a8: {  	[hbm4b:s13+s4] =	stream.linear.scatter [tilespmem:s1], [sflag:$0x5], $0x80, $0x38;
	[tilespmem:$0x19000] =	vst v63  }
0x2a9: {  	s13 =	smov.u32 s2;
	s1 =	smov.u32 s3;
	p2 =	sne.s32 s2, $0x1F0  }
.Ltmp7:
0x2aa: {  	s2 =	sadd.s32 $0x10, s2;
	(pc) =	sbr.rel @p2 .LBB2_15-.Ltmp7, $2  }
0x2ab: {  	_ =	sdelay $0x2  }
0x2ac: {  	s3 =	sadd.s32 $0x400, s3;
	s13 =	sadd.s32 s13, s14  }
0x2ad: {  	[hbm4b:s13+s4] =	stream.linear.scatter [tilespmem:s1], [sflag:$0x5], $0x80, $0x38;
	[tilespmem:$0x19000] =	vst v63  }
0x2ae: {  	_ =	swait.ge [sflag:s21], $0x1000  }
0x2af: {  	s1 =	simm.s32 $0x10380;
	s2 =	simm.s32 $0x10;
	[sflag:s21] =	ssyncset.done $0x0  }
0x2b0: {  	s13 =	sadd.s32 $0x0, s16;
	s3 =	simm.s32 $0x10780;
	[sflag:s21] =	ssyncadd.s32 $0xFFFFF000  }
.LBB2_17:
0x2b1: {  	[hbm4b:s13+s4] =	stream.linear.scatter [tilespmem:s1], [sflag:$0x5], $0x80, $0x38;
	[tilespmem:$0x19000] =	vst v63  }
0x2b2: {  	s13 =	smov.u32 s2;
	s1 =	smov.u32 s3;
	p2 =	sne.s32 s2, $0x1F0  }
.Ltmp8:
0x2b3: {  	s2 =	sadd.s32 $0x10, s2;
	(pc) =	sbr.rel @p2 .LBB2_17-.Ltmp8, $2  }
0x2b4: {  	_ =	sdelay $0x2  }
0x2b5: {  	s3 =	sadd.s32 $0x400, s3;
	s13 =	sadd.s32 s13, s16  }
0x2b6: {  	[hbm4b:s13+s4] =	stream.linear.scatter [tilespmem:s1], [sflag:$0x5], $0x80, $0x38;
	[tilespmem:$0x19000] =	vst v63  }
0x2b7: {  	_ =	swait.ge [sflag:s21], $0x1000  }
0x2b8: {  	[sflag:s21] =	ssyncset.done $0x0  }
0x2b9: {  	[sflag:s21] =	ssyncadd.s32 $0xFFFFF000  }
.LBB2_19:
0x2ba: {  	s3 =	simm.s32 $0x0;
	s1 =	simm.s32 $0x800;
	s2 =	simm.s32 $0x7A1400  }
0x2bb: {  	[tilespmem:s3], [sflag:$0x1] =	stream.strided.gather [hbm4b:s17+s1], $0x4000, s2, s1, $0x38;
	[tilespmem:$0x19000] =	vst v63  }
0x2bc: {  	s13 =	simm.s32 $0x4000;
	p2 =	por $0x0, $0x0  }
0x2bd: {  	[tilespmem:s13], [sflag:$0x2] =	stream.strided.gather [hbm4b:s18+s1], $0x4000, s2, s1, $0x38;
	[tilespmem:$0x19000] =	vst v63  }
.LBB2_20:
0x2be: {  	s2 =	sand.u32 $0x1, s3  }
0x2bf: {  	p3 =	seq.s32 s2, $0x1  }
.Ltmp9:
0x2c0: {  	_ = 	snop;
	(pc) =	sbr.rel @p3 .LBB2_22-.Ltmp9, $2  }
0x2c1: {  	_ =	sdelay $0x2  }
0x2c2: {  	v53 =	vmov v16  }
0x2c3: {  	p3 =	sgt.u32 s3, $0x1  }
.Ltmp10:
0x2c4: {  	_ = 	snop;
	(pc) =	sbr.rel @p3 .LBB2_23-.Ltmp10, $4  }
.Ltmp11:
0x2c5: {  	_ = 	snop;
	(pc) =	sbr.rel @!p3 .LBB2_24-.Ltmp11, $4  }
0x2c6: {  	_ =	swait.ge [sflag:s25], $0x4000  }
0x2c7: {  	[sflag:s25] =	ssyncset.done $0x0  }
0x2c8: {  	s1 =	simm.s32 $0x3;
	[sflag:s25] =	ssyncadd.s32 $0xFFFFC000  }
0x2c9: {  	_ = 	snop  }
.LBB2_22:
0x2ca: {  	p3 =	slt.u32 s3, $0x2  }
.Ltmp12:
0x2cb: {  	_ = 	snop;
	(pc) =	sbr.rel @p3 .LBB2_24-.Ltmp12, $4  }
0x2cc: {  	_ = 	snop  }
0x2cd: {  	_ =	swait.ge [sflag:s30], $0x4000  }
0x2ce: {  	[sflag:s30] =	ssyncset.done $0x0  }
0x2cf: {  	s1 =	simm.s32 $0x4;
	[sflag:s30] =	ssyncadd.s32 $0xFFFFC000  }
.LBB2_23:
0x2d0: {  	_ =	swait.ge [sflag:s1], $0x4000  }
0x2d1: {  	[sflag:s1] =	ssyncset.done $0x0  }
0x2d2: {  	[sflag:s1] =	ssyncadd.s32 $0xFFFFC000  }
.LBB2_24:
0x2d3: {  	v47 =	vld [tilespmem:$0x1FF50]  }
0x2d4: {  	v19 =	vld [tilespmem:$0x1F990]  }
0x2d5: {  	v50 =	vld [tilespmem:$0x1F950]  }
0x2d6: {  	v25 =	vld [tilespmem:$0x1F940]  }
0x2d7: {  	v61 =	vld [tilespmem:$0x1F930]  }
0x2d8: {  	v16 =	vld [tilespmem:$0x1F920]  }
0x2d9: {  	v7 =	vld [tilespmem:$0x1F900]  }
0x2da: {  	v6 =	vld [tilespmem:$0x1F8F0]  }
0x2db: {  	v8 =	vld [tilespmem:$0x1F8E0]  }
0x2dc: {  	v12 =	vld [tilespmem:$0x1F8C0]  }
0x2dd: {  	s13 =	sshll.u32 s2, $0x6;
	v18 =	vld [tilespmem:$0x1F8B0]  }
0x2de: {  	v24 =	vld [tilespmem:$0x1F8A0];
	v0 =	vmov s13  }
0x2df: {  	v17 =	vld [tilespmem:$0x1F890];
	v1 =	vshll.u32 v0, $0x8  }
0x2e0: {  	v0 =	vor.u32 v47, v1  }
0x2e1: {  	v58 =	vld [tilespmem:$0x1FB30];
	v9 =	vor.u32 v19, v1;
	v2 =	vor.u32 v50, v1;
	v3 =	vor.u32 v25, v1  }
0x2e2: {  	v56 =	vld [tilespmem:$0x1FB70];
	v38 =	vor.u32 v61, v1;
	v40 =	vor.u32 v16, v1;
	v44 =	vor.u32 v7, v1  }
0x2e3: {  	v55 =	vld [tilespmem:$0x1FB50];
	v46 =	vor.u32 v6, v1;
	v49 =	vor.u32 v8, v1;
	v54 =	vor.u32 v12, v1  }
0x2e4: {  	v39 =	vld [tilespmem:$0x1FB90];
	v4 =	vor.u32 v18, v1;
	v60 =	vor.u32 v24, v1;
	v63 =	vor.u32 v17, v1  }
0x2e5: {  	v21 =	vld [tilespmem:$0x1FBD0];
	v0 =	vand.u32 $0x4800, v0;
	v10 =	vand.u32 $0x4800, v2;
	v11 =	vand.u32 $0x4800, v3  }
0x2e6: {  	v42 =	vand.u32 $0x4800, v40;
	v30 =	vor.u32 v58, v0;
	v0 =	vand.u32 $0x4800, v9;
	v9 =	vld [tilespmem:$0x1F910]  }
0x2e7: {  	v2 =	vand.u32 $0x4800, v46;
	v3 =	vand.u32 $0x4800, v49;
	v35 =	vor.u32 v56, v10;
	v10 =	vld [tilespmem:$0x1F8D0]  }
0x2e8: {  	s1 =	sor.u32 $0x10, s13;
	v57 =	vand.u32 $0x4800, v54;
	v37 =	vor.u32 v55, v0;
	v0 =	vand.u32 $0x4800, v38;
	v38 =	vld [tilespmem:$0x1FBB0]  }
0x2e9: {  	v59 =	vand.u32 $0x4800, v4;
	v45 =	vor.u32 v39, v11;
	v11 =	vmov s1  }
0x2ea: {  	s23 =	simm.s32 $0x0;
	v33 =	vor.u32 v21, v42;
	v49 =	vor.u32 v55, v3;
	v3 =	vshll.u32 v11, $0x8  }
0x2eb: {  	v27 =	vld [tilespmem:$0x1FBF0];
	v40 =	vor.u32 v39, v57;
	[tilespmem:$0x1E890] =	vst v49;
	v11 =	vmov s23;
	v46 =	vor.u32 v47, v3  }
0x2ec: {  	v32 =	vld [tilespmem:$0x1FC00];
	[tilespmem:$0x1E8B0] =	vst v40;
	v4 =	vor.u32 v19, v3;
	v54 =	vor.u32 v50, v3;
	v41 =	vor.u32 v9, v1  }
0x2ed: {  	[tilespmem:$0x1E980] =	vst v30;
	v51 =	vor.u32 v10, v1;
	v9 =	vor.u32 v9, v3;
	v34 =	vor.u32 v38, v0  }
0x2ee: {  	[tilespmem:$0x1E9A0] =	vst v35;
	v43 =	vand.u32 $0x4800, v41;
	v0 =	vand.u32 $0x4800, v44;
	v44 =	vor.u32 v58, v2  }
0x2ef: {  	[tilespmem:$0x1E9B0] =	vst v45;
	v2 =	vand.u32 $0x4800, v51;
	v41 =	vor.u32 v38, v59;
	v51 =	vand.u32 $0x7FFFD800, v4  }
0x2f0: {  	[tilespmem:$0x1E9D0] =	vst v33;
	v59 =	vor.u32 v25, v3;
	v4 =	vor.u32 v16, v3;
	v62 =	vor.u32 v27, v43  }
0x2f1: {  	[tilespmem:$0x1E990] =	vst v37;
	v31 =	vor.u32 v32, v0;
	v42 =	vor.u32 v56, v2;
	v2 =	vand.u32 $0x4800, v60  }
0x2f2: {  	[tilespmem:$0x1E880] =	vst v44;
	v43 =	vand.u32 $0x4800, v63;
	v29 =	vor.u32 v55, v51;
	v60 =	vor.u32 v61, v3  }
0x2f3: {  	[tilespmem:$0x1E8C0] =	vst v41;
	v0 =	vld [tilespmem:$0x1F880];
	v51 =	vor.u32 v7, v3;
	v36 =	vor.u32 v21, v2;
	v57 =	vor.u32 v27, v43  }
0x2f4: {  	[tilespmem:$0x1E9C0] =	vst v34;
	v2 =	vand.u32 $0x7FFFD800, v46;
	v63 =	vand.u32 $0x7FFFD800, v60;
	v43 =	vshll.u32 v11, $0x3  }
0x2f5: {  	[tilespmem:$0x1E8A0] =	vst v42;
	v11 =	vor.u32 v6, v3;
	v23 =	vor.u32 v58, v2;
	v2 =	vand.u32 $0x7FFFD800, v59  }
0x2f6: {  	[tilespmem:$0x1EA90] =	vst v29;
	v26 =	vor.u32 v38, v63;
	v63 =	vor.u32 s23, v5;
	v16 =	vand.u32 $0x400, v43  }
0x2f7: {  	[tilespmem:$0x1E8D0] =	vst v36;
	v5 =	vand.u32 $0x7FFFD800, v51;
	v43 =	vlaneseq.u32;
	v25 =	vor.u32 v39, v2  }
0x2f8: {  	[tilespmem:$0x1E8E0] =	vst v57;
	v2 =	vand.u32 $0x7FFFD800, v9;
	v7 =	vor.u32 v30, v16;
	v1 =	vor.u32 v0, v1  }
0x2f9: {  	[tilespmem:$0x1EA80] =	vst v23;
	v51 =	vor.u32 v32, v5;
	v9 =	vor.u32 v37, v16;
	v1 =	vand.u32 $0x4800, v1  }
0x2fa: {  	v22 =	vmovc v21;
	[tilespmem:$0x1EAC0] =	vst v26;
	v28 =	vmul.u32 $0x41, v43;
	v59 =	vor.u32 v27, v2;
	v21 =	vor.u32 v32, v1  }
0x2fb: {  	[tilespmem:$0x1EAB0] =	vst v25;
	v1 =	vand.u32 $0x7FFFD800, v54;
	v54 =	vmovc v39;
	v39 =	vmovc v27;
	v27 =	vand.u32 $0x7F, v63;
	v63 =	vor.u32 v35, v16  }
0x2fc: {  	[tilespmem:$0x1EAF0] =	vst v51;
	v20 =	vor.u32 v56, v1;
	v1 =	vand.u32 $0x7FFFD800, v4;
	v2 =	vor.u32 v27, v9  }
0x2fd: {  	[tilespmem:$0x1EAE0] =	vst v59;
	v4 =	vand.u32 $0x7FFFD800, v11;
	v60 =	vor.u32 v22, v1;
	v1 =	vor.u32 v27, v7  }
0x2fe: {  	[tilespmem:$0x1E8F0] =	vst v21;
	v5 =	vor.u32 v27, v63;
	v9 =	vor.u32 v45, v16;
	v11 =	vor.u32 v34, v16  }
0x2ff: {  	v63 =	vor.u32 v33, v16;
	[tilespmem:$0x1EAA0] =	vst v20;
	v4 =	vor.u32 v58, v4;
	v7 =	vor.u32 v8, v3  }
0x300: {  	v6 =	vor.u32 v27, v11;
	v8 =	vor.u32 v27, v63;
	v63 =	vor.u32 v62, v16;
	[tilespmem:$0x1EAD0] =	vst v60  }
0x301: {  	v11 =	vor.u32 v31, v16;
	[tilespmem:$0x1E780] =	vst v4;
	v4 =	vor.u32 v27, v9;
	v9 =	vor.u32 v10, v3  }
0x302: {  	v10 =	vor.u32 v27, v63;
	v63 =	vor.u32 v12, v3;
	v9 =	vand.u32 $0x7FFFD800, v9;
	v1 =	vld.idx.msk [tilespmem:v1+s4+$0x0], $0xffff;
	[tilespmem:$0x1E9E0] =	vst v62  }
0x303: {  	s1 =	simm.s32 $0x1;
	v7 =	vand.u32 $0x7FFFD800, v7;
	v12 =	vor.u32 v18, v3;
	v9 =	vor.u32 v56, v9;
	v2 =	vld.idx.msk [tilespmem:v2+s4+$0x0], $0xffff;
	[tilespmem:$0x1E9F0] =	vst v31  }
0x304: {  	s1 =	simm.s32 @!p2 $0x0;
	v7 =	vor.u32 v55, v7;
	v12 =	vand.u32 $0x7FFFD800, v12;
	v5 =	vld.idx.msk [tilespmem:v5+s4+$0x0], $0xffff;
	[tilespmem:$0x1E7A0] =	vst v9;
	v9 =	vand.u32 $0x7FFFD800, v63  }
0x305: {  	s1 =	sshll.u32 s1, $0xE;
	v63 =	vor.u32 v54, v9;
	v54 =	vor.u32 v38, v12;
	v12 =	vor.u32 v24, v3;
	v24 =	vld [tilespmem:$0x1FC30]  }
0x306: {  	v43 =	vor.u32 s1, v28;
	v11 =	vor.u32 v27, v11;
	[tilespmem:$0x1E790] =	vst v7  }
0x307: {  	v13 =	vor.u32 s1, v13;
	v4 =	vld.idx.msk [tilespmem:v4+s4+$0x0], $0xffff  }
0x308: {  	v14 =	vor.u32 s1, v14;
	v6 =	vld.idx.msk [tilespmem:v6+s4+$0x0], $0xffff  }
0x309: {  	v8 =	vld.idx.msk [tilespmem:v8+s4+$0x0], $0xffff;
	v9 =	vor.u32 s1, v15  }
0x30a: {  	v10 =	vld.idx.msk [tilespmem:v10+s4+$0x0], $0xffff;
	v15 =	vor.u32 v17, v3;
	v17 =	vor.u32 s1, v24  }
0x30b: {  	v18 =	vor.u32 s1, v48;
	v11 =	vld.idx.msk [tilespmem:v11+s4+$0x0], $0xffff;
	[tilespmem:v43+s26+$0x0] =	vst.idx.msk $0xffff, v1  }
0x30c: {  	v1 =	vor.u32 s1, v52;
	[tilespmem:v13+s26+$0x0] =	vst.idx.msk $0xffff, v2  }
0x30d: {  	v2 =	vor.u32 v0, v3;
	v3 =	vor.u32 s1, v53;
	v0 =	vor.u32 v44, v16;
	[tilespmem:v14+s26+$0x0] =	vst.idx.msk $0xffff, v5  }
0x30e: {  	[tilespmem:v9+s26+$0x0] =	vst.idx.msk $0xffff, v4;
	v4 =	vor.u32 v27, v0;
	v9 =	vor.u32 v49, v16  }
0x30f: {  	v46 =	vmovc v22;
	v12 =	vand.u32 $0x7FFFD800, v12;
	v15 =	vand.u32 $0x7FFFD800, v15;
	v5 =	vor.u32 v27, v9;
	[tilespmem:v17+s26+$0x0] =	vst.idx.msk $0xffff, v6  }
0x310: {  	v43 =	vor.u32 v46, v12;
	v46 =	vor.u32 v39, v15;
	[tilespmem:v18+s26+$0x0] =	vst.idx.msk $0xffff, v8  }
0x311: {  	v38 =	vmov v39;
	v39 =	vor.u32 v42, v16;
	v42 =	vor.u32 v36, v16;
	[tilespmem:v1+s26+$0x0] =	vst.idx.msk $0xffff, v10  }
0x312: {  	v9 =	vor.u32 v27, v42;
	[tilespmem:v3+s26+$0x0] =	vst.idx.msk $0xffff, v11  }
0x313: {  	v4 =	vld.idx.msk [tilespmem:v4+s4+$0x0], $0xffff  }
0x314: {  	s22 =	sor.u32 $0x20, s13;
	v40 =	vor.u32 v40, v16;
	v5 =	vld.idx.msk [tilespmem:v5+s4+$0x0], $0xffff  }
0x315: {  	v41 =	vor.u32 v41, v16;
	v44 =	vmov s22;
	v49 =	vor.u32 v57, v16;
	v42 =	vmovc v24;
	v24 =	vld [tilespmem:$0x1FC40]  }
0x316: {  	s24 =	simm.s32 $0x10;
	v7 =	vshll.u32 v44, $0x8;
	v2 =	vand.u32 $0x7FFFD800, v2;
	v8 =	vor.u32 v27, v49;
	v49 =	vld [tilespmem:$0x1FC50]  }
0x317: {  	v14 =	vmov s24;
	v57 =	vor.u32 v21, v16;
	v6 =	vor.u32 v27, v39;
	v9 =	vld.idx.msk [tilespmem:v9+s4+$0x0], $0xffff  }
0x318: {  	v44 =	vor.u32 v19, v7;
	v1 =	vor.u32 v27, v40;
	v10 =	vor.u32 v27, v57;
	v57 =	vld [tilespmem:$0x1FC60]  }
0x319: {  	v3 =	vor.u32 v27, v41;
	v41 =	vor.u32 v32, v2;
	v2 =	vand.u32 $0x7FFFE800, v44;
	v44 =	vld [tilespmem:$0x1FC70]  }
0x31a: {  	v14 =	vshll.u32 v14, $0x3;
	v15 =	vld [tilespmem:$0x1FC80]  }
0x31b: {  	v21 =	vand.u32 $0x400, v14;
	v14 =	vld [tilespmem:$0x1FC90];
	v11 =	vor.u32 s1, v24  }
0x31c: {  	v6 =	vld.idx.msk [tilespmem:v6+s4+$0x0], $0xffff;
	v12 =	vor.u32 s1, v49  }
0x31d: {  	v39 =	vor.u32 v55, v2;
	v2 =	vld.idx.msk [tilespmem:v8+s4+$0x0], $0xffff  }
0x31e: {  	v1 =	vld.idx.msk [tilespmem:v1+s4+$0x0], $0xffff  }
0x31f: {  	v10 =	vld.idx.msk [tilespmem:v10+s4+$0x0], $0xffff  }
0x320: {  	v22 =	vlaneseq.u32;
	v36 =	vor.u32 v47, v7;
	v3 =	vld.idx.msk [tilespmem:v3+s4+$0x0], $0xffff;
	[tilespmem:v11+s26+$0x0] =	vst.idx.msk $0xffff, v4  }
0x321: {  	v17 =	vor.u32 s24, v22;
	v40 =	vand.u32 $0x7FFFE800, v36;
	v36 =	vld [tilespmem:$0x1FCA0];
	[tilespmem:v12+s26+$0x0] =	vst.idx.msk $0xffff, v5  }
0x322: {  	v22 =	vand.u32 $0x7F, v17;
	v17 =	vor.u32 v37, v21;
	v13 =	vor.u32 s1, v57;
	v37 =	vld [tilespmem:$0x1FCB0]  }
0x323: {  	v8 =	vor.u32 s1, v44  }
0x324: {  	v15 =	vor.u32 s1, v15  }
0x325: {  	v47 =	vor.u32 v58, v40;
	v40 =	vmovc v55;
	v55 =	vor.u32 v30, v21;
	v14 =	vor.u32 s1, v14  }
0x326: {  	v4 =	vor.u32 v22, v55;
	v11 =	vor.u32 s1, v36  }
0x327: {  	v49 =	vor.u32 v23, v16;
	v12 =	vor.u32 v22, v17;
	[tilespmem:v13+s26+$0x0] =	vst.idx.msk $0xffff, v6;
	v5 =	vor.u32 s1, v37  }
0x328: {  	v55 =	vor.u32 v29, v16;
	[tilespmem:v8+s26+$0x0] =	vst.idx.msk $0xffff, v1;
	v1 =	vor.u32 v27, v49  }
0x329: {  	[tilespmem:v15+s26+$0x0] =	vst.idx.msk $0xffff, v3;
	v3 =	vor.u32 v27, v55  }
0x32a: {  	[tilespmem:v14+s26+$0x0] =	vst.idx.msk $0xffff, v9  }
0x32b: {  	v4 =	vld.idx.msk [tilespmem:v4+s4+$0x0], $0xffff;
	[tilespmem:v11+s26+$0x0] =	vst.idx.msk $0xffff, v2  }
0x32c: {  	v9 =	vld.idx.msk [tilespmem:v12+s4+$0x0], $0xffff;
	[tilespmem:v5+s26+$0x0] =	vst.idx.msk $0xffff, v10  }
0x32d: {  	v1 =	vld.idx.msk [tilespmem:v1+s4+$0x0], $0xffff  }
0x32e: {  	v0 =	vor.u32 v20, v16;
	v37 =	vor.u32 v26, v16;
	v3 =	vld.idx.msk [tilespmem:v3+s4+$0x0], $0xffff  }
0x32f: {  	v6 =	vor.u32 v27, v0;
	v49 =	vor.u32 v60, v16;
	v5 =	vor.u32 v27, v37;
	v37 =	vld [tilespmem:$0x1F940]  }
0x330: {  	v8 =	vor.u32 v27, v49;
	v12 =	vor.u32 v51, v16;
	v17 =	vld [tilespmem:$0x1FCC0]  }
0x331: {  	v36 =	vor.u32 v25, v16;
	v60 =	vor.u32 v27, v12;
	v20 =	vld [tilespmem:$0x1FCD0]  }
0x332: {  	v59 =	vor.u32 v59, v16;
	v14 =	vadd.s32 $0x10, v28;
	v2 =	vor.u32 v27, v36;
	v23 =	vld [tilespmem:$0x1FCE0]  }
0x333: {  	v11 =	vor.u32 v27, v59;
	[tilespmem:$0x1EB80] =	vst v14;
	v26 =	vld [tilespmem:$0x1FCF0]  }
0x334: {  	v55 =	vor.u32 v50, v7;
	v14 =	vor.u32 s1, v14;
	v6 =	vld.idx.msk [tilespmem:v6+s4+$0x0], $0xffff  }
0x335: {  	v10 =	vand.u32 $0x7FFFE800, v55;
	v8 =	vld.idx.msk [tilespmem:v8+s4+$0x0], $0xffff;
	v17 =	vor.u32 s1, v17  }
0x336: {  	v0 =	vor.u32 v56, v10;
	v10 =	vld.idx.msk [tilespmem:v60+s4+$0x0], $0xffff;
	v20 =	vor.u32 s1, v20  }
0x337: {  	v2 =	vld.idx.msk [tilespmem:v2+s4+$0x0], $0xffff  }
0x338: {  	v11 =	vld.idx.msk [tilespmem:v11+s4+$0x0], $0xffff  }
0x339: {  	v5 =	vld.idx.msk [tilespmem:v5+s4+$0x0], $0xffff;
	[tilespmem:v14+s26+$0x0] =	vst.idx.msk $0xffff, v1  }
0x33a: {  	v1 =	vld [tilespmem:$0x1FD00];
	[tilespmem:v17+s26+$0x0] =	vst.idx.msk $0xffff, v3  }
0x33b: {  	v17 =	vld [tilespmem:$0x1FD10];
	[tilespmem:v20+s26+$0x0] =	vst.idx.msk $0xffff, v6  }
0x33c: {  	v23 =	vor.u32 s1, v23;
	v20 =	vld [tilespmem:$0x1E780];
	_ =	sdelay $0x4  }
0x33d: {  	v6 =	vld [tilespmem:$0x1FD20];
	[tilespmem:v23+s26+$0x0] =	vst.idx.msk $0xffff, v2;
	v20 =	vor.u32 v20, v16  }
0x33e: {  	v26 =	vor.u32 s1, v26;
	v51 =	vor.u32 v27, v20;
	v20 =	vld [tilespmem:$0x1E790]  }
0x33f: {  	v13 =	vor.u32 v35, v21  }
0x340: {  	v18 =	vor.u32 v45, v21;
	v13 =	vor.u32 v22, v13  }
0x341: {  	v19 =	vor.u32 v34, v21;
	v18 =	vor.u32 v22, v18  }
0x342: {  	v19 =	vor.u32 v22, v19;
	v45 =	vmovc v24;
	v24 =	vor.u32 v33, v21;
	v1 =	vor.u32 s1, v1  }
0x343: {  	v49 =	vor.u32 v22, v24;
	[tilespmem:v26+s26+$0x0] =	vst.idx.msk $0xffff, v5;
	v20 =	vor.u32 v20, v16  }
0x344: {  	v25 =	vor.u32 v62, v21;
	v17 =	vor.u32 s1, v17;
	v55 =	vor.u32 v27, v20;
	v20 =	vld [tilespmem:$0x1E7A0]  }
0x345: {  	v50 =	vor.u32 v31, v21;
	v25 =	vor.u32 v22, v25;
	v13 =	vld.idx.msk [tilespmem:v13+s4+$0x0], $0xffff  }
0x346: {  	v18 =	vld.idx.msk [tilespmem:v18+s4+$0x0], $0xffff;
	v3 =	vor.u32 v22, v50;
	v6 =	vor.u32 s1, v6  }
0x347: {  	v19 =	vld.idx.msk [tilespmem:v19+s4+$0x0], $0xffff;
	[tilespmem:v1+s26+$0x0] =	vst.idx.msk $0xffff, v8  }
0x348: {  	v23 =	vld.idx.msk [tilespmem:v49+s4+$0x0], $0xffff;
	[tilespmem:$0x1E7B0] =	vst v63  }
0x349: {  	[tilespmem:v17+s26+$0x0] =	vst.idx.msk $0xffff, v11;
	v20 =	vor.u32 v20, v16  }
0x34a: {  	v60 =	vor.u32 v27, v20;
	v20 =	vld.idx.msk [tilespmem:v25+s4+$0x0], $0xffff;
	[tilespmem:$0x1E7C0] =	vst v54  }
0x34b: {  	v3 =	vld.idx.msk [tilespmem:v3+s4+$0x0], $0xffff;
	[tilespmem:v6+s26+$0x0] =	vst.idx.msk $0xffff, v10  }
0x34c: {  	v59 =	vld [tilespmem:$0x1FFE0]  }
0x34d: {  	v15 =	vor.u32 v61, v7;
	v61 =	vor.u32 v63, v16;
	v24 =	vld [tilespmem:$0x1FFF0]  }
0x34e: {  	v62 =	vor.u32 v54, v16;
	v8 =	vor.u32 v27, v61;
	[tilespmem:$0x1E7D0] =	vst v43;
	v54 =	vld [tilespmem:$0x1FBB0]  }
0x34f: {  	v35 =	vor.u32 v43, v16;
	v63 =	vor.u32 v27, v62;
	v2 =	vld.idx.msk [tilespmem:v51+s4+$0x0], $0xffff;
	[tilespmem:$0x1E7E0] =	vst v46  }
0x350: {  	v10 =	vor.u32 v27, v35;
	v5 =	vld.idx.msk [tilespmem:v55+s4+$0x0], $0xffff  }
0x351: {  	s24 =	sadd.s32 $0x400, s1;
	v25 =	vor.u32 v41, v16;
	[tilespmem:$0x1E7F0] =	vst v41;
	v55 =	vld [tilespmem:$0x1FB90]  }
0x352: {  	v14 =	vor.u32 s24, v28;
	v25 =	vor.u32 v27, v25;
	v1 =	vld.idx.msk [tilespmem:v60+s4+$0x0], $0xffff  }
0x353: {  	v8 =	vld.idx.msk [tilespmem:v8+s4+$0x0], $0xffff  }
0x354: {  	v12 =	vor.u32 v37, v7;
	v6 =	vld.idx.msk [tilespmem:v63+s4+$0x0], $0xffff;
	v36 =	vor.u32 s24, v59  }
0x355: {  	v12 =	vand.u32 $0x7FFFE800, v12;
	v10 =	vld.idx.msk [tilespmem:v10+s4+$0x0], $0xffff  }
0x356: {  	v15 =	vand.u32 $0x7FFFE800, v15;
	v30 =	vor.u32 v55, v12;
	v12 =	vld [tilespmem:$0x1FD30]  }
0x357: {  	v26 =	vor.u32 s24, v24;
	v29 =	vor.u32 v54, v15;
	v15 =	vld.idx.msk [tilespmem:v25+s4+$0x0], $0xffff;
	[tilespmem:v14+s26+$0x0] =	vst.idx.msk $0xffff, v4  }
0x358: {  	v17 =	vor.u32 v46, v16;
	v14 =	vld [tilespmem:$0x1FD40]  }
0x359: {  	v17 =	vor.u32 v27, v17;
	v35 =	vld [tilespmem:$0x1F920];
	[tilespmem:v36+s26+$0x0] =	vst.idx.msk $0xffff, v9  }
0x35a: {  	v11 =	vld [tilespmem:$0x1FD50]  }
0x35b: {  	v34 =	vld [tilespmem:$0x1F910];
	v12 =	vor.u32 s1, v12  }
0x35c: {  	v33 =	vld [tilespmem:$0x1FBD0];
	[tilespmem:v26+s26+$0x0] =	vst.idx.msk $0xffff, v13  }
0x35d: {  	v50 =	vld [tilespmem:$0x1FD60];
	v14 =	vor.u32 s1, v14  }
0x35e: {  	v13 =	vld.idx.msk [tilespmem:v17+s4+$0x0], $0xffff  }
0x35f: {  	v17 =	vld [tilespmem:$0x1FD70];
	v11 =	vor.u32 s1, v11  }
0x360: {  	v36 =	vld [tilespmem:$0x1F900];
	[tilespmem:v12+s26+$0x0] =	vst.idx.msk $0xffff, v2  }
0x361: {  	v12 =	vld [tilespmem:$0x1FD80]  }
0x362: {  	v9 =	vor.u32 s1, v50;
	v61 =	vld [tilespmem:$0x1F8F0];
	[tilespmem:v14+s26+$0x0] =	vst.idx.msk $0xffff, v5  }
0x363: {  	v63 =	vld [tilespmem:$0x1FD90]  }
0x364: {  	v17 =	vor.u32 s1, v17;
	[tilespmem:v11+s26+$0x0] =	vst.idx.msk $0xffff, v1  }
0x365: {  	v41 =	vor.u32 v35, v7;
	v1 =	vld [tilespmem:$0x1FDA0]  }
0x366: {  	v4 =	vand.u32 $0x7FFFE800, v41;
	[tilespmem:$0x1E800] =	vst v47;
	v12 =	vor.u32 s1, v12  }
0x367: {  	v31 =	vor.u32 v33, v4;
	v4 =	vor.u32 v61, v7;
	[tilespmem:v9+s26+$0x0] =	vst.idx.msk $0xffff, v8  }
0x368: {  	v62 =	vand.u32 $0x7FFFE800, v4;
	v4 =	vor.u32 s1, v63;
	[tilespmem:$0x1E810] =	vst v39  }
0x369: {  	v43 =	vor.u32 v34, v7;
	v51 =	vor.u32 v36, v7;
	[tilespmem:v17+s26+$0x0] =	vst.idx.msk $0xffff, v6  }
0x36a: {  	v50 =	vor.u32 v29, v16;
	v60 =	vand.u32 $0x7FFFE800, v51;
	[tilespmem:$0x1E820] =	vst v0;
	v41 =	vld [tilespmem:$0x1FF60];
	v1 =	vor.u32 s1, v1  }
0x36b: {  	v25 =	vor.u32 v32, v60;
	v11 =	vor.u32 v47, v16;
	[tilespmem:v12+s26+$0x0] =	vst.idx.msk $0xffff, v10  }
0x36c: {  	v51 =	vmov v32;
	v32 =	vor.u32 v39, v16;
	v2 =	vor.u32 v27, v11;
	[tilespmem:$0x1E830] =	vst v30  }
0x36d: {  	v5 =	vor.u32 v27, v32;
	v39 =	vor.u32 v0, v16;
	[tilespmem:v4+s26+$0x0] =	vst.idx.msk $0xffff, v13  }
0x36e: {  	v46 =	vand.u32 $0x7FFFE800, v43;
	v9 =	vor.u32 v27, v50;
	v6 =	vor.u32 v27, v39;
	[tilespmem:$0x1E840] =	vst v29  }
0x36f: {  	v24 =	vor.u32 v58, v62;
	v62 =	vor.u32 v31, v16;
	v8 =	vor.u32 s24, v41;
	[tilespmem:v1+s26+$0x0] =	vst.idx.msk $0xffff, v15  }
0x370: {  	v26 =	vor.u32 v38, v46;
	v46 =	vor.u32 s24, v42;
	v14 =	vor.u32 v27, v62;
	[tilespmem:$0x1E850] =	vst v31;
	v63 =	vld [tilespmem:$0x1F8E0]  }
0x371: {  	v11 =	vor.u32 s24, v48;
	v13 =	vld.idx.msk [tilespmem:v2+s4+$0x0], $0xffff;
	[tilespmem:$0x1E860] =	vst v26  }
0x372: {  	v43 =	vor.u32 v30, v16;
	v41 =	vor.u32 v25, v16;
	v15 =	vld.idx.msk [tilespmem:v5+s4+$0x0], $0xffff;
	[tilespmem:$0x1E870] =	vst v25  }
0x373: {  	v47 =	vor.u32 v27, v43;
	v43 =	vor.u32 v27, v41;
	v6 =	vld.idx.msk [tilespmem:v6+s4+$0x0], $0xffff  }
0x374: {  	[tilespmem:v8+s26+$0x0] =	vst.idx.msk $0xffff, v18;
	v9 =	vld.idx.msk [tilespmem:v9+s4+$0x0], $0xffff  }
0x375: {  	v14 =	vld.idx.msk [tilespmem:v14+s4+$0x0], $0xffff;
	[tilespmem:v46+s26+$0x0] =	vst.idx.msk $0xffff, v19  }
0x376: {  	v32 =	vor.u32 v26, v16;
	v46 =	vld [tilespmem:$0x1F8D0];
	[tilespmem:v11+s26+$0x0] =	vst.idx.msk $0xffff, v23  }
0x377: {  	v39 =	vor.u32 v27, v32;
	v17 =	vor.u32 s24, v52;
	v31 =	vld [tilespmem:$0x1FFD0]  }
0x378: {  	v8 =	vld.idx.msk [tilespmem:v43+s4+$0x0], $0xffff  }
0x379: {  	v18 =	vor.u32 s24, v53;
	v12 =	vor.u32 v63, v7;
	v2 =	vld [tilespmem:$0x1FFC0]  }
0x37a: {  	v61 =	vmov v48;
	v48 =	vadd.s32 $0x20, v28;
	v50 =	vand.u32 $0x7FFFE800, v12;
	v12 =	vld.idx.msk [tilespmem:v47+s4+$0x0], $0xffff  }
0x37b: {  	v62 =	vmov v53;
	v63 =	vmov v52;
	v52 =	vor.u32 s1, v48;
	v53 =	vld [tilespmem:$0x1F8C0]  }
0x37c: {  	[tilespmem:v17+s26+$0x0] =	vst.idx.msk $0xffff, v20;
	v17 =	vld.idx.msk [tilespmem:v39+s4+$0x0], $0xffff;
	v0 =	vor.u32 v40, v50;
	v50 =	vor.u32 s1, v31  }
0x37d: {  	v39 =	vld [tilespmem:$0x1FDB0];
	v47 =	vor.u32 v46, v7  }
0x37e: {  	v48 =	vand.u32 $0x7FFFE800, v47;
	v19 =	vor.u32 s1, v2;
	v47 =	vld [tilespmem:$0x1F8B0];
	[tilespmem:v18+s26+$0x0] =	vst.idx.msk $0xffff, v3  }
0x37f: {  	v43 =	vld [tilespmem:$0x1F8A0]  }
0x380: {  	v30 =	vld [tilespmem:$0x1FFB0];
	[tilespmem:v52+s26+$0x0] =	vst.idx.msk $0xffff, v13  }
0x381: {  	[tilespmem:v50+s26+$0x0] =	vst.idx.msk $0xffff, v15  }
0x382: {  	v20 =	vor.u32 s1, v39;
	v50 =	vld [tilespmem:$0x1E880]  }
0x383: {  	v29 =	vld [tilespmem:$0x1FFA0];
	[tilespmem:v19+s26+$0x0] =	vst.idx.msk $0xffff, v6  }
0x384: {  	v6 =	vld [tilespmem:$0x1FDC0]  }
0x385: {  	v60 =	vor.u32 v53, v7;
	v23 =	vor.u32 s1, v30  }
0x386: {  	v1 =	vor.u32 v56, v48;
	v32 =	vor.u32 v47, v7;
	v18 =	vor.u32 v43, v7  }
0x387: {  	v4 =	vand.u32 $0x7FFFE800, v60;
	v41 =	vand.u32 $0x7FFFE800, v32;
	v48 =	vand.u32 $0x7FFFE800, v18;
	v32 =	vld [tilespmem:$0x1E890];
	[tilespmem:v20+s26+$0x0] =	vst.idx.msk $0xffff, v12  }
0x388: {  	v53 =	vmovc v33;
	v25 =	vor.u32 v55, v4;
	v4 =	vor.u32 v33, v48;
	v33 =	vld [tilespmem:$0x1E8A0];
	v60 =	vor.u32 s1, v29  }
0x389: {  	v39 =	vld [tilespmem:$0x1FDD0];
	v6 =	vor.u32 s1, v6  }
0x38a: {  	[tilespmem:v23+s26+$0x0] =	vst.idx.msk $0xffff, v9  }
0x38b: {  	v2 =	vor.u32 v54, v41;
	v52 =	vor.u32 v50, v21;
	v41 =	vld [tilespmem:$0x1E8B0]  }
0x38c: {  	v10 =	vor.u32 v22, v52;
	v13 =	vor.u32 v32, v21;
	v48 =	vld [tilespmem:$0x1F890]  }
0x38d: {  	v50 =	vld [tilespmem:$0x1E8C0];
	v13 =	vor.u32 v22, v13;
	v12 =	vor.u32 v33, v21;
	[tilespmem:v60+s26+$0x0] =	vst.idx.msk $0xffff, v14  }
0x38e: {  	v15 =	vor.u32 s1, v39;
	v12 =	vor.u32 v22, v12;
	v60 =	vld [tilespmem:$0x1E8D0];
	[tilespmem:v6+s26+$0x0] =	vst.idx.msk $0xffff, v17  }
0x38f: {  	v32 =	vld [tilespmem:$0x1E8E0]  }
0x390: {  	v43 =	vor.u32 v41, v21;
	v41 =	vld [tilespmem:$0x1E8F0]  }
0x391: {  	v18 =	vor.u32 v48, v7;
	v10 =	vld.idx.msk [tilespmem:v10+s4+$0x0], $0xffff  }
0x392: {  	v19 =	vor.u32 v50, v21;
	v9 =	vor.u32 v22, v43;
	v52 =	vand.u32 $0x7FFFE800, v18;
	v11 =	vld.idx.msk [tilespmem:v13+s4+$0x0], $0xffff  }
0x393: {  	v14 =	vor.u32 v22, v19;
	[tilespmem:v15+s26+$0x0] =	vst.idx.msk $0xffff, v8;
	v12 =	vld.idx.msk [tilespmem:v12+s4+$0x0], $0xffff;
	v18 =	vor.u32 v60, v21  }
0x394: {  	v48 =	vld [tilespmem:$0x1F880];
	v18 =	vor.u32 v22, v18;
	v17 =	vor.u32 v32, v21  }
0x395: {  	v39 =	vld [tilespmem:$0x1FC50];
	v13 =	vor.u32 v22, v17;
	v17 =	vor.u32 v41, v21  }
0x396: {  	v29 =	vor.u32 s24, v57;
	v43 =	vor.u32 v24, v16;
	[tilespmem:$0x1E900] =	vst v24;
	v57 =	vld [tilespmem:$0x1FC80];
	v17 =	vor.u32 v22, v17  }
0x397: {  	v50 =	vor.u32 v0, v16;
	v19 =	vor.u32 v27, v43;
	v9 =	vld.idx.msk [tilespmem:v9+s4+$0x0], $0xffff;
	[tilespmem:$0x1E910] =	vst v0  }
0x398: {  	v20 =	vor.u32 v27, v50;
	v15 =	vor.u32 v1, v16;
	v14 =	vld.idx.msk [tilespmem:v14+s4+$0x0], $0xffff;
	[tilespmem:$0x1E920] =	vst v1  }
0x399: {  	v3 =	vor.u32 s24, v45;
	v60 =	vor.u32 v27, v15;
	v5 =	vld.idx.msk [tilespmem:v18+s4+$0x0], $0xffff;
	[tilespmem:$0x1E930] =	vst v25  }
0x39a: {  	v7 =	vor.u32 v48, v7;
	v41 =	vor.u32 s24, v39;
	v18 =	vor.u32 v25, v16;
	v15 =	vld.idx.msk [tilespmem:v13+s4+$0x0], $0xffff;
	[tilespmem:$0x1E940] =	vst v2  }
0x39b: {  	v33 =	vor.u32 v38, v52;
	v7 =	vand.u32 $0x7FFFE800, v7;
	v13 =	vor.u32 v27, v18;
	v18 =	vld.idx.msk [tilespmem:v17+s4+$0x0], $0xffff;
	[tilespmem:$0x1E950] =	vst v4  }
0x39c: {  	v31 =	vor.u32 s24, v44;
	v52 =	vor.u32 v51, v7;
	v19 =	vld.idx.msk [tilespmem:v19+s4+$0x0], $0xffff;
	[tilespmem:$0x1E960] =	vst v33  }
0x39d: {  	v20 =	vld.idx.msk [tilespmem:v20+s4+$0x0], $0xffff;
	[tilespmem:$0x1E970] =	vst v52  }
0x39e: {  	v30 =	vor.u32 v33, v16;
	v33 =	vld.idx.msk [tilespmem:v60+s4+$0x0], $0xffff;
	[tilespmem:v3+s26+$0x0] =	vst.idx.msk $0xffff, v10  }
0x39f: {  	v26 =	vor.u32 v4, v16;
	v60 =	vor.u32 s24, v57;
	v4 =	vld [tilespmem:$0x1FDE0];
	[tilespmem:v41+s26+$0x0] =	vst.idx.msk $0xffff, v11  }
0x3a0: {  	v8 =	vld [tilespmem:$0x1FDF0];
	[tilespmem:v29+s26+$0x0] =	vst.idx.msk $0xffff, v12  }
0x3a1: {  	v30 =	vor.u32 v27, v30;
	v41 =	vld [tilespmem:$0x1FE00];
	[tilespmem:v31+s26+$0x0] =	vst.idx.msk $0xffff, v9  }
0x3a2: {  	v50 =	vor.u32 v27, v26;
	v25 =	vor.u32 v2, v16;
	v45 =	vld [tilespmem:$0x1FF50]  }
0x3a3: {  	v17 =	vor.u32 v27, v25;
	v52 =	vor.u32 v52, v16;
	v10 =	vld.idx.msk [tilespmem:v13+s4+$0x0], $0xffff  }
0x3a4: {  	s13 =	sor.u32 $0x30, s13;
	v7 =	vor.u32 v27, v52;
	v52 =	vld [tilespmem:$0x1FE10];
	[tilespmem:v60+s26+$0x0] =	vst.idx.msk $0xffff, v14;
	v13 =	vor.u32 s1, v4  }
0x3a5: {  	v6 =	vmov s13;
	v57 =	vld [tilespmem:$0x1FE20]  }
0x3a6: {  	v3 =	vshll.u32 v6, $0x8;
	v44 =	vld.idx.msk [tilespmem:v30+s4+$0x0], $0xffff;
	v39 =	vor.u32 s1, v8  }
0x3a7: {  	v12 =	vld.idx.msk [tilespmem:v50+s4+$0x0], $0xffff;
	v50 =	vor.u32 v45, v3  }
0x3a8: {  	v17 =	vld.idx.msk [tilespmem:v17+s4+$0x0], $0xffff;
	v43 =	vor.u32 s1, v41  }
0x3a9: {  	v14 =	vld.idx.msk [tilespmem:v7+s4+$0x0], $0xffff;
	v29 =	vor.u32 s1, v52;
	v9 =	vand.u32 $0x7FFFF800, v50;
	[tilespmem:v13+s26+$0x0] =	vst.idx.msk $0xffff, v19  }
0x3aa: {  	v30 =	vor.u32 s1, v57;
	v0 =	vor.u32 v58, v9;
	v50 =	vmov v58;
	v58 =	vld [tilespmem:$0x1F990]  }
0x3ab: {  	v8 =	vld [tilespmem:$0x1FE30];
	[tilespmem:v39+s26+$0x0] =	vst.idx.msk $0xffff, v20  }
0x3ac: {  	v2 =	vld [tilespmem:$0x1F950]  }
0x3ad: {  	v32 =	vld [tilespmem:$0x1FE40];
	[tilespmem:v43+s26+$0x0] =	vst.idx.msk $0xffff, v33  }
0x3ae: {  	[tilespmem:v29+s26+$0x0] =	vst.idx.msk $0xffff, v10  }
0x3af: {  	[tilespmem:v30+s26+$0x0] =	vst.idx.msk $0xffff, v17  }
0x3b0: {  	v39 =	vld [tilespmem:$0x1FE50]  }
0x3b1: {  	v13 =	vor.u32 s1, v8  }
0x3b2: {  	v19 =	vor.u32 v2, v3;
	v20 =	vor.u32 s1, v32  }
0x3b3: {  	s22 =	simm.s32 $0x20;
	v33 =	vand.u32 $0x7FFFF800, v19;
	v19 =	vor.u32 v37, v3  }
0x3b4: {  	v37 =	vand.u32 $0x7FFFF800, v19;
	v19 =	vmov s22  }
0x3b5: {  	v60 =	vor.u32 v58, v3;
	v17 =	vshll.u32 v19, $0x3;
	v19 =	vor.u32 s1, v39  }
0x3b6: {  	v9 =	vand.u32 $0x7FFFF800, v60;
	[tilespmem:v13+s26+$0x0] =	vst.idx.msk $0xffff, v12  }
0x3b7: {  	v58 =	vmov v40;
	v6 =	vor.u32 v40, v9;
	v40 =	vld [tilespmem:$0x1F930];
	[tilespmem:v20+s26+$0x0] =	vst.idx.msk $0xffff, v44  }
0x3b8: {  	v1 =	vld [tilespmem:$0x1E980]  }
0x3b9: {  	v44 =	vld [tilespmem:$0x1E9A0]  }
0x3ba: {  	v43 =	vld [tilespmem:$0x1E990];
	[tilespmem:v19+s26+$0x0] =	vst.idx.msk $0xffff, v14  }
0x3bb: {  	v41 =	vlaneseq.u32;
	v45 =	vld [tilespmem:$0x1E9B0]  }
0x3bc: {  	v60 =	vand.u32 $0x400, v17;
	v13 =	vor.u32 s22, v41  }
0x3bd: {  	v57 =	vand.u32 $0x7F, v13;
	v13 =	vor.u32 v1, v60  }
0x3be: {  	v1 =	vor.u32 v44, v60;
	v17 =	vor.u32 v57, v13  }
0x3bf: {  	v7 =	vor.u32 v55, v37;
	v37 =	vld [tilespmem:$0x1E9C0];
	v13 =	vor.u32 v43, v60;
	v19 =	vor.u32 v57, v1  }
0x3c0: {  	v39 =	vld [tilespmem:$0x1E9D0];
	v20 =	vor.u32 v57, v13;
	v14 =	vor.u32 v45, v60  }
0x3c1: {  	v12 =	vor.u32 v40, v3;
	v40 =	vld [tilespmem:$0x1E9E0];
	v52 =	vor.u32 v57, v14  }
0x3c2: {  	v41 =	vld [tilespmem:$0x1E9F0]  }
0x3c3: {  	v30 =	vld.idx.msk [tilespmem:v17+s4+$0x0], $0xffff  }
0x3c4: {  	v19 =	vld.idx.msk [tilespmem:v19+s4+$0x0], $0xffff  }
0x3c5: {  	v14 =	vor.u32 v37, v60;
	v20 =	vld.idx.msk [tilespmem:v20+s4+$0x0], $0xffff;
	[tilespmem:$0x1EA00] =	vst v0  }
0x3c6: {  	v1 =	vor.u32 v57, v14;
	v4 =	vld.idx.msk [tilespmem:v52+s4+$0x0], $0xffff  }
0x3c7: {  	v8 =	vor.u32 v56, v33;
	v52 =	vld [tilespmem:$0x1FC90]  }
0x3c8: {  	v12 =	vand.u32 $0x7FFFF800, v12;
	v44 =	vor.u32 v6, v16;
	v29 =	vor.u32 v39, v60  }
0x3c9: {  	v29 =	vor.u32 v57, v29;
	v14 =	vor.u32 v34, v3;
	v17 =	vor.u32 v40, v60  }
0x3ca: {  	v34 =	vor.u32 v27, v44;
	v44 =	vld [tilespmem:$0x1FCA0];
	v31 =	vor.u32 v57, v17;
	v17 =	vor.u32 v41, v60;
	[tilespmem:$0x1EA10] =	vst v6  }
0x3cb: {  	v43 =	vor.u32 v0, v16;
	v13 =	vor.u32 v35, v3;
	v32 =	vor.u32 v57, v17;
	v2 =	vld.idx.msk [tilespmem:v1+s4+$0x0], $0xffff  }
0x3cc: {  	v33 =	vor.u32 v27, v43;
	v45 =	vor.u32 v8, v16;
	[tilespmem:$0x1EA20] =	vst v8;
	v8 =	vor.u32 s24, v52;
	v52 =	vld [tilespmem:$0x1FCB0]  }
0x3cd: {  	v9 =	vor.u32 v54, v12;
	v13 =	vand.u32 $0x7FFFF800, v13  }
0x3ce: {  	v10 =	vor.u32 v53, v13;
	v24 =	vmov v37;
	v14 =	vand.u32 $0x7FFFF800, v14;
	v37 =	vld.idx.msk [tilespmem:v29+s4+$0x0], $0xffff;
	[tilespmem:$0x1EA30] =	vst v7  }
0x3cf: {  	v49 =	vmov v38;
	v11 =	vor.u32 v38, v14;
	v17 =	vor.u32 v36, v3;
	v38 =	vld.idx.msk [tilespmem:v31+s4+$0x0], $0xffff;
	[tilespmem:$0x1EA40] =	vst v9  }
0x3d0: {  	v43 =	vor.u32 v7, v16;
	v25 =	vmovc v41;
	v17 =	vand.u32 $0x7FFFF800, v17;
	v36 =	vor.u32 s24, v44;
	v41 =	vld.idx.msk [tilespmem:v32+s4+$0x0], $0xffff;
	[tilespmem:$0x1EA50] =	vst v10  }
0x3d1: {  	v6 =	vor.u32 v51, v17;
	v29 =	vor.u32 v27, v45;
	v33 =	vld.idx.msk [tilespmem:v33+s4+$0x0], $0xffff;
	[tilespmem:$0x1EA60] =	vst v11;
	v7 =	vor.u32 s24, v52  }
0x3d2: {  	v34 =	vld.idx.msk [tilespmem:v34+s4+$0x0], $0xffff;
	[tilespmem:$0x1EA70] =	vst v6  }
0x3d3: {  	v45 =	vor.u32 v9, v16;
	v31 =	vor.u32 v27, v43;
	[tilespmem:v8+s26+$0x0] =	vst.idx.msk $0xffff, v5  }
0x3d4: {  	v9 =	vor.u32 v10, v16;
	v32 =	vor.u32 v27, v45;
	v10 =	vor.u32 v11, v16;
	v52 =	vld [tilespmem:$0x1FFF0]  }
0x3d5: {  	v43 =	vor.u32 v27, v10;
	v11 =	vor.u32 v6, v16;
	[tilespmem:v36+s26+$0x0] =	vst.idx.msk $0xffff, v15  }
0x3d6: {  	s13 =	sadd.s32 $0x400, s24;
	v1 =	vld.idx.msk [tilespmem:v29+s4+$0x0], $0xffff;
	v29 =	vor.u32 v27, v11;
	[tilespmem:v7+s26+$0x0] =	vst.idx.msk $0xffff, v18  }
0x3d7: {  	v23 =	vmovc v40;
	v0 =	vmov v42;
	v42 =	vor.u32 s13, v28;
	v40 =	vor.u32 v27, v9;
	v5 =	vld [tilespmem:$0x1FE60]  }
0x3d8: {  	v44 =	vor.u32 s13, v59;
	v31 =	vld.idx.msk [tilespmem:v31+s4+$0x0], $0xffff  }
0x3d9: {  	v32 =	vld.idx.msk [tilespmem:v32+s4+$0x0], $0xffff;
	v8 =	vadd.s32 $0x30, v28;
	v59 =	vor.u32 s13, v52  }
0x3da: {  	v26 =	vmov v39;
	v39 =	vld.idx.msk [tilespmem:v43+s4+$0x0], $0xffff;
	v15 =	vor.u32 s1, v8  }
0x3db: {  	v29 =	vld.idx.msk [tilespmem:v29+s4+$0x0], $0xffff  }
0x3dc: {  	[tilespmem:v42+s26+$0x0] =	vst.idx.msk $0xffff, v30;
	v30 =	vld.idx.msk [tilespmem:v40+s4+$0x0], $0xffff;
	v18 =	vor.u32 s1, v5  }
0x3dd: {  	v9 =	vld [tilespmem:$0x1FE70];
	[tilespmem:v44+s26+$0x0] =	vst.idx.msk $0xffff, v20  }
0x3de: {  	v11 =	vld [tilespmem:$0x1FE80];
	[tilespmem:v59+s26+$0x0] =	vst.idx.msk $0xffff, v19  }
0x3df: {  	v40 =	vld [tilespmem:$0x1FE90];
	[tilespmem:v15+s26+$0x0] =	vst.idx.msk $0xffff, v33  }
0x3e0: {  	v42 =	vld [tilespmem:$0x1F8F0]  }
0x3e1: {  	v52 =	vld [tilespmem:$0x1FEA0];
	[tilespmem:v18+s26+$0x0] =	vst.idx.msk $0xffff, v34  }
0x3e2: {  	v10 =	vor.u32 s1, v9;
	v44 =	vld [tilespmem:$0x1FEB0]  }
0x3e3: {  	v20 =	vor.u32 s1, v11;
	_ =	sdelay $0x1  }
0x3e4: {  	v19 =	vor.u32 s1, v40  }
0x3e5: {  	v43 =	vor.u32 s1, v52  }
0x3e6: {  	[tilespmem:v10+s26+$0x0] =	vst.idx.msk $0xffff, v1;
	v15 =	vor.u32 v42, v3;
	v45 =	vor.u32 s1, v44  }
0x3e7: {  	[tilespmem:v20+s26+$0x0] =	vst.idx.msk $0xffff, v31;
	v15 =	vand.u32 $0x7FFFF800, v15  }
0x3e8: {  	v5 =	vor.u32 v50, v15;
	v50 =	vld [tilespmem:$0x1FEC0]  }
0x3e9: {  	v1 =	vld [tilespmem:$0x1F8E0];
	[tilespmem:v19+s26+$0x0] =	vst.idx.msk $0xffff, v32  }
0x3ea: {  	v59 =	vld [tilespmem:$0x1F8C0];
	[tilespmem:v43+s26+$0x0] =	vst.idx.msk $0xffff, v30  }
0x3eb: {  	[tilespmem:v45+s26+$0x0] =	vst.idx.msk $0xffff, v39  }
0x3ec: {  	v34 =	vld [tilespmem:$0x1FF60]  }
0x3ed: {  	v31 =	vor.u32 s1, v50  }
0x3ee: {  	v35 =	vld [tilespmem:$0x1EA80];
	_ =	sdelay $0x1  }
0x3ef: {  	v15 =	vor.u32 v1, v3  }
0x3f0: {  	v15 =	vand.u32 $0x7FFFF800, v15;
	v1 =	vor.u32 v59, v3;
	v30 =	vor.u32 s13, v34  }
0x3f1: {  	v8 =	vor.u32 v58, v15;
	v39 =	vld [tilespmem:$0x1EA90];
	v15 =	vand.u32 $0x7FFFF800, v1;
	[tilespmem:v31+s26+$0x0] =	vst.idx.msk $0xffff, v29  }
0x3f2: {  	v6 =	vor.u32 v55, v15;
	v43 =	vld [tilespmem:$0x1EAA0];
	v15 =	vor.u32 v35, v21  }
0x3f3: {  	v44 =	vld [tilespmem:$0x1EAB0];
	v36 =	vor.u32 v22, v15;
	v15 =	vor.u32 v47, v3  }
0x3f4: {  	v20 =	vor.u32 v46, v3;
	v46 =	vld [tilespmem:$0x1F8A0];
	v42 =	vand.u32 $0x7FFFF800, v15  }
0x3f5: {  	v9 =	vor.u32 v54, v42;
	v54 =	vld [tilespmem:$0x1EAC0];
	[tilespmem:v30+s26+$0x0] =	vst.idx.msk $0xffff, v4  }
0x3f6: {  	v4 =	vld [tilespmem:$0x1EAD0]  }
0x3f7: {  	v40 =	vor.u32 v39, v21;
	v59 =	vld [tilespmem:$0x1EAE0]  }
0x3f8: {  	v29 =	vor.u32 v22, v40;
	v31 =	vor.u32 v43, v21;
	v39 =	vld [tilespmem:$0x1EAF0]  }
0x3f9: {  	v19 =	vand.u32 $0x7FFFF800, v20;
	v45 =	vor.u32 v44, v21;
	v31 =	vor.u32 v22, v31  }
0x3fa: {  	v7 =	vor.u32 v56, v19;
	v33 =	vor.u32 v22, v45;
	v55 =	vor.u32 v54, v21  }
0x3fb: {  	v47 =	vor.u32 v46, v3;
	v42 =	vld [tilespmem:$0x1F890];
	v30 =	vor.u32 v22, v55;
	v58 =	vor.u32 v4, v21  }
0x3fc: {  	v11 =	vor.u32 s13, v0;
	v15 =	vmovc v43;
	v43 =	vld.idx.msk [tilespmem:v36+s4+$0x0], $0xffff;
	v10 =	vor.u32 v59, v21;
	v32 =	vor.u32 v22, v58  }
0x3fd: {  	v46 =	vor.u32 v5, v16;
	v44 =	vld.idx.msk [tilespmem:v29+s4+$0x0], $0xffff;
	v40 =	vor.u32 v39, v21;
	v29 =	vor.u32 v22, v10  }
0x3fe: {  	v56 =	vand.u32 $0x7FFFF800, v47;
	v47 =	vor.u32 v8, v16;
	v54 =	vld.idx.msk [tilespmem:v31+s4+$0x0], $0xffff;
	[tilespmem:$0x1EB00] =	vst v5;
	v31 =	vor.u32 v22, v40  }
0x3ff: {  	v5 =	vor.u32 v27, v47;
	v55 =	vld.idx.msk [tilespmem:v33+s4+$0x0], $0xffff;
	v33 =	vor.u32 v27, v46;
	[tilespmem:$0x1EB10] =	vst v8  }
0x400: {  	v4 =	vor.u32 v53, v56;
	v45 =	vor.u32 v42, v3;
	v56 =	vld.idx.msk [tilespmem:v30+s4+$0x0], $0xffff;
	[tilespmem:$0x1EB20] =	vst v7  }
0x401: {  	v8 =	vor.u32 s13, v61;
	v53 =	vor.u32 v48, v3;
	v35 =	vand.u32 $0x7FFFF800, v45;
	v58 =	vld.idx.msk [tilespmem:v32+s4+$0x0], $0xffff;
	[tilespmem:$0x1EB30] =	vst v6  }
0x402: {  	v49 =	vor.u32 v49, v35;
	v30 =	vor.u32 v7, v16;
	[tilespmem:v11+s26+$0x0] =	vst.idx.msk $0xffff, v2;
	v59 =	vld.idx.msk [tilespmem:v29+s4+$0x0], $0xffff  }
0x403: {  	v48 =	vor.u32 s13, v63;
	v7 =	vor.u32 v27, v30;
	v30 =	vor.u32 v6, v16;
	v61 =	vld.idx.msk [tilespmem:v31+s4+$0x0], $0xffff;
	[tilespmem:$0x1EB40] =	vst v9  }
0x404: {  	v10 =	vand.u32 $0x7FFFF800, v53;
	v11 =	vor.u32 v27, v30;
	v29 =	vor.u32 v9, v16;
	v30 =	vld.idx.msk [tilespmem:v33+s4+$0x0], $0xffff;
	[tilespmem:$0x1EB50] =	vst v4  }
0x405: {  	v0 =	vor.u32 v51, v10;
	v35 =	vor.u32 v27, v29;
	v29 =	vor.u32 v4, v16;
	[tilespmem:$0x1EB60] =	vst v49  }
0x406: {  	v36 =	vor.u32 v27, v29;
	v29 =	vld.idx.msk [tilespmem:v5+s4+$0x0], $0xffff;
	[tilespmem:$0x1EB70] =	vst v0  }
0x407: {  	[tilespmem:v8+s26+$0x0] =	vst.idx.msk $0xffff, v37  }
0x408: {  	v51 =	vld [tilespmem:$0x1EB80]  }
0x409: {  	v53 =	vld [tilespmem:$0x1FCC0];
	[tilespmem:v48+s26+$0x0] =	vst.idx.msk $0xffff, v38  }
0x40a: {  	v46 =	vor.u32 s13, v62;
	v62 =	vld [tilespmem:$0x1FED0]  }
0x40b: {  	v63 =	vld [tilespmem:$0x1FEE0];
	_ =	sdelay $0x1  }
0x40c: {  	v31 =	vor.u32 v49, v16;
	v16 =	vor.u32 v0, v16;
	_ =	sdelay $0x1  }
0x40d: {  	v33 =	vor.u32 v27, v31;
	v42 =	vor.u32 v27, v16;
	v31 =	vld.idx.msk [tilespmem:v7+s4+$0x0], $0xffff;
	v45 =	vor.u32 s24, v51  }
0x40e: {  	v27 =	vmovc v28;
	v16 =	vmovc v28;
	v32 =	vld.idx.msk [tilespmem:v11+s4+$0x0], $0xffff;
	v40 =	vor.u32 s24, v53;
	v34 =	vor.u32 s1, v62;
	v39 =	vor.u32 s1, v63  }
.LBB2_25:
0x40f: {  	v0 =	vld [tilespmem:$0x1FEF0]  }
0x410: {  	v6 =	vld [tilespmem:$0x1FF00]  }
0x411: {  	v7 =	vld [tilespmem:$0x1FF10]  }
0x412: {  	v8 =	vld [tilespmem:$0x1FF20]  }
0x413: {  	v9 =	vld [tilespmem:$0x1FF30]  }
0x414: {  	v10 =	vld [tilespmem:$0x1FE60]  }
0x415: {  	v11 =	vld [tilespmem:$0x1FE70]  }
0x416: {  	v37 =	vld [tilespmem:$0x1FE80]  }
0x417: {  	v4 =	vld [tilespmem:$0x1FE00]  }
0x418: {  	v5 =	vld [tilespmem:$0x1FE10]  }
0x419: {  	v1 =	vld [tilespmem:$0x1FE20]  }
0x41a: {  	v2 =	vld [tilespmem:$0x1E890]  }
0x41b: {  	v3 =	vld [tilespmem:$0x1FD70]  }
0x41c: {  	v12 =	vld [tilespmem:$0x1FCC0]  }
0x41d: {  	v13 =	vld [tilespmem:$0x1E8F0]  }
0x41e: {  	v14 =	vld [tilespmem:$0x1FC80]  }
0x41f: {  	v17 =	vld [tilespmem:$0x1FC90]  }
0x420: {  	v18 =	vld [tilespmem:$0x1FCA0]  }
0x421: {  	[tilespmem:v46+s26+$0x0] =	vst.idx.msk $0xffff, v41;
	v19 =	vld [tilespmem:$0x1FFE0]  }
0x422: {  	v46 =	vld.idx.msk [tilespmem:v35+s4+$0x0], $0xffff  }
0x423: {  	v35 =	vld [tilespmem:$0x1FF40]  }
0x424: {  	[tilespmem:v45+s26+$0x0] =	vst.idx.msk $0xffff, v43;
	v43 =	vld [tilespmem:$0x1FE90]  }
0x425: {  	v45 =	vld [tilespmem:$0x1FEB0]  }
0x426: {  	v48 =	vld.idx.msk [tilespmem:v36+s4+$0x0], $0xffff  }
0x427: {  	[tilespmem:v40+s26+$0x0] =	vst.idx.msk $0xffff, v44;
	v44 =	vld [tilespmem:$0x1FDE0]  }
0x428: {  	v40 =	vld.idx.msk [tilespmem:v33+s4+$0x0], $0xffff  }
0x429: {  	v63 =	vld.idx.msk [tilespmem:v42+s4+$0x0], $0xffff  }
0x42a: {  	v47 =	vor.u32 s1, v6;
	v6 =	vld [tilespmem:$0x1FCD0]  }
0x42b: {  	v49 =	vor.u32 s1, v7;
	v7 =	vld [tilespmem:$0x1FE30]  }
0x42c: {  	v51 =	vor.u32 s1, v8;
	v8 =	vld [tilespmem:$0x1FCE0]  }
0x42d: {  	v53 =	vor.u32 s1, v9;
	v9 =	vld [tilespmem:$0x1FE40]  }
0x42e: {  	v38 =	vor.u32 s24, v10;
	v10 =	vld [tilespmem:$0x1FE50]  }
0x42f: {  	v41 =	vor.u32 s1, v0;
	v36 =	vor.u32 s24, v11;
	v11 =	vld [tilespmem:$0x1FCF0];
	v62 =	vor.u32 s1, v35;
	s1 =	smov.u32 s24  }
0x430: {  	v33 =	vor.u32 s1, v52;
	v52 =	vld [tilespmem:$0x1FDF0]  }
0x431: {  	v35 =	vor.u32 s1, v43;
	v43 =	vor.u32 s1, v4;
	v4 =	vld [tilespmem:$0x1FFB0]  }
0x432: {  	[tilespmem:v34+s26+$0x0] =	vst.idx.msk $0xffff, v30;
	v42 =	vor.u32 s1, v5;
	v5 =	vld [tilespmem:$0x1E880]  }
0x433: {  	[tilespmem:v39+s26+$0x0] =	vst.idx.msk $0xffff, v29;
	v39 =	vor.u32 s1, v7;
	v7 =	vld [tilespmem:$0x1FD10]  }
0x434: {  	[tilespmem:v41+s26+$0x0] =	vst.idx.msk $0xffff, v31;
	v31 =	vor.u32 s1, v9;
	v9 =	vld [tilespmem:$0x1FD20]  }
0x435: {  	v29 =	vor.u32 s1, v10;
	v10 =	vld [tilespmem:$0x1E780]  }
0x436: {  	[tilespmem:v47+s26+$0x0] =	vst.idx.msk $0xffff, v32;
	v32 =	vld [tilespmem:$0x1FFD0]  }
0x437: {  	v47 =	vor.u32 s1, v8;
	v8 =	vld [tilespmem:$0x1FFA0]  }
0x438: {  	v0 =	vor.u32 s1, v6;
	[tilespmem:v49+s26+$0x0] =	vst.idx.msk $0xffff, v46;
	v46 =	vld [tilespmem:$0x1FFC0]  }
0x439: {  	v34 =	vor.u32 s1, v45;
	v45 =	vor.u32 s1, v52;
	v52 =	vld [tilespmem:$0x1FDB0]  }
0x43a: {  	v6 =	vor.u32 v5, v60;
	[tilespmem:v51+s26+$0x0] =	vst.idx.msk $0xffff, v48;
	v51 =	vld [tilespmem:$0x1FD00]  }
0x43b: {  	[tilespmem:v53+s26+$0x0] =	vst.idx.msk $0xffff, v40;
	v40 =	vor.u32 v57, v6;
	v6 =	vld [tilespmem:$0x1FDD0]  }
0x43c: {  	[tilespmem:v62+s26+$0x0] =	vst.idx.msk $0xffff, v63;
	v63 =	vld [tilespmem:$0x1FDC0]  }
0x43d: {  	v30 =	vor.u32 s1, v50;
	v50 =	vor.u32 s1, v32;
	[tilespmem:v0+s26+$0x0] =	vst.idx.msk $0xffff, v54;
	v0 =	vor.u32 s1, v9;
	v9 =	vld [tilespmem:$0x1FD30]  }
0x43e: {  	v32 =	vor.u32 s1, v46;
	v46 =	vor.u32 s1, v52;
	v52 =	vor.u32 s1, v4;
	v4 =	vld [tilespmem:$0x1E7A0]  }
0x43f: {  	v49 =	vor.u32 s1, v11;
	[tilespmem:v47+s26+$0x0] =	vst.idx.msk $0xffff, v55;
	v55 =	vld [tilespmem:$0x1E790]  }
0x440: {  	v48 =	vor.u32 s1, v51;
	v51 =	vor.u32 s1, v7;
	v7 =	vld [tilespmem:$0x1E7B0]  }
0x441: {  	v11 =	vor.u32 v10, v21;
	v10 =	vld [tilespmem:$0x1E7C0]  }
0x442: {  	v54 =	vor.u32 s1, v63;
	v63 =	vld [tilespmem:$0x1FD40]  }
0x443: {  	v5 =	vor.u32 v4, v21;
	v4 =	vld [tilespmem:$0x1E7D0]  }
0x444: {  	v47 =	vor.u32 v22, v11;
	[tilespmem:v49+s26+$0x0] =	vst.idx.msk $0xffff, v56;
	v62 =	vor.u32 v55, v21;
	v55 =	vor.u32 s1, v6;
	v6 =	vld [tilespmem:$0x1E7E0]  }
0x445: {  	v53 =	vor.u32 s1, v8;
	[tilespmem:v48+s26+$0x0] =	vst.idx.msk $0xffff, v58;
	v8 =	vor.u32 v7, v21;
	v58 =	vor.u32 s1, v9;
	v9 =	vld [tilespmem:$0x1E7F0]  }
0x446: {  	[tilespmem:v51+s26+$0x0] =	vst.idx.msk $0xffff, v59;
	v51 =	vor.u32 v22, v8;
	v8 =	vld [tilespmem:$0x1FD50]  }
0x447: {  	v11 =	vor.u32 v10, v21;
	v49 =	vor.u32 v22, v62;
	v62 =	vld.idx.msk [tilespmem:v40+s4+$0x0], $0xffff  }
0x448: {  	v48 =	vor.u32 v22, v5;
	[tilespmem:v0+s26+$0x0] =	vst.idx.msk $0xffff, v61;
	v0 =	vor.u32 v22, v11;
	v11 =	vld [tilespmem:$0x1FD60]  }
0x449: {  	v47 =	vld.idx.msk [tilespmem:v47+s4+$0x0], $0xffff  }
0x44a: {  	v5 =	vor.u32 v4, v21;
	v4 =	vld [tilespmem:$0x1E8A0]  }
0x44b: {  	v7 =	vor.u32 v6, v21;
	v6 =	vld [tilespmem:$0x1E8B0]  }
0x44c: {  	v49 =	vld.idx.msk [tilespmem:v49+s4+$0x0], $0xffff  }
0x44d: {  	v48 =	vld.idx.msk [tilespmem:v48+s4+$0x0], $0xffff  }
0x44e: {  	v40 =	vor.u32 v22, v5;
	v5 =	vld [tilespmem:$0x1FD80]  }
0x44f: {  	v56 =	vor.u32 v22, v7;
	v10 =	vor.u32 v9, v21;
	v7 =	vld [tilespmem:$0x1FD90]  }
0x450: {  	v59 =	vor.u32 s1, v63;
	v63 =	vor.u32 v22, v10;
	v51 =	vld.idx.msk [tilespmem:v51+s4+$0x0], $0xffff  }
0x451: {  	v61 =	vor.u32 s1, v8;
	v8 =	vld [tilespmem:$0x1E8C0]  }
0x452: {  	v0 =	vld.idx.msk [tilespmem:v0+s4+$0x0], $0xffff  }
0x453: {  	v9 =	vld.idx.msk [tilespmem:v40+s4+$0x0], $0xffff  }
0x454: {  	v2 =	vor.u32 v2, v60;
	v56 =	vld.idx.msk [tilespmem:v56+s4+$0x0], $0xffff  }
0x455: {  	v2 =	vor.u32 v57, v2;
	v63 =	vld.idx.msk [tilespmem:v63+s4+$0x0], $0xffff  }
0x456: {  	[tilespmem:v58+s26+$0x0] =	vst.idx.msk $0xffff, v47;
	v58 =	vor.u32 v13, v60;
	v13 =	vld [tilespmem:$0x1E800]  }
0x457: {  	v10 =	vld [tilespmem:$0x1FDA0]  }
0x458: {  	v41 =	vor.u32 s1, v1;
	v1 =	vor.u32 s1, v11;
	v11 =	vld [tilespmem:$0x1E8D0];
	v4 =	vor.u32 v4, v60  }
0x459: {  	v6 =	vor.u32 v6, v60;
	v4 =	vor.u32 v57, v4;
	v40 =	vor.u32 s13, v12;
	v12 =	vld [tilespmem:$0x1E8E0]  }
0x45a: {  	v6 =	vor.u32 v57, v6;
	v2 =	vld.idx.msk [tilespmem:v2+s4+$0x0], $0xffff  }
0x45b: {  	[tilespmem:v59+s26+$0x0] =	vst.idx.msk $0xffff, v49;
	v59 =	vor.u32 v13, v21;
	v13 =	vld [tilespmem:$0x1E810]  }
0x45c: {  	v8 =	vor.u32 v8, v60;
	v49 =	vld [tilespmem:$0x1E820]  }
0x45d: {  	v8 =	vor.u32 v57, v8;
	v47 =	vor.u32 v57, v58;
	v58 =	vld [tilespmem:$0x1E840]  }
0x45e: {  	v3 =	vor.u32 s1, v3;
	v11 =	vor.u32 v11, v60;
	v4 =	vld.idx.msk [tilespmem:v4+s4+$0x0], $0xffff;
	[tilespmem:v61+s26+$0x0] =	vst.idx.msk $0xffff, v48  }
0x45f: {  	v11 =	vor.u32 v57, v11;
	v6 =	vld.idx.msk [tilespmem:v6+s4+$0x0], $0xffff  }
0x460: {  	v5 =	vor.u32 s1, v5;
	v12 =	vor.u32 v12, v60;
	v61 =	vor.u32 v13, v21;
	v13 =	vld [tilespmem:$0x1FC40]  }
0x461: {  	v7 =	vor.u32 s1, v7;
	v12 =	vor.u32 v57, v12;
	[tilespmem:v1+s26+$0x0] =	vst.idx.msk $0xffff, v51;
	v51 =	vld [tilespmem:$0x1E830]  }
0x462: {  	v10 =	vor.u32 s1, v10;
	v8 =	vld.idx.msk [tilespmem:v8+s4+$0x0], $0xffff  }
0x463: {  	v1 =	vor.u32 v22, v59;
	[tilespmem:v3+s26+$0x0] =	vst.idx.msk $0xffff, v0;
	v3 =	vor.u32 v49, v21;
	v59 =	vld [tilespmem:$0x1E850]  }
0x464: {  	v11 =	vld.idx.msk [tilespmem:v11+s4+$0x0], $0xffff;
	v3 =	vor.u32 v22, v3  }
0x465: {  	[tilespmem:v5+s26+$0x0] =	vst.idx.msk $0xffff, v9;
	v48 =	vor.u32 s13, v13;
	v13 =	vld [tilespmem:$0x1E860]  }
0x466: {  	v5 =	vor.u32 v51, v21;
	v9 =	vld.idx.msk [tilespmem:v12+s4+$0x0], $0xffff;
	[tilespmem:v7+s26+$0x0] =	vst.idx.msk $0xffff, v56;
	v0 =	vor.u32 v22, v61  }
0x467: {  	v7 =	vor.u32 v58, v21;
	v5 =	vor.u32 v22, v5;
	v12 =	vld.idx.msk [tilespmem:v47+s4+$0x0], $0xffff;
	[tilespmem:v10+s26+$0x0] =	vst.idx.msk $0xffff, v63  }
0x468: {  	v7 =	vor.u32 v22, v7;
	v10 =	vor.u32 v59, v21;
	v1 =	vld.idx.msk [tilespmem:v1+s4+$0x0], $0xffff  }
0x469: {  	v10 =	vor.u32 v22, v10;
	v3 =	vld.idx.msk [tilespmem:v3+s4+$0x0], $0xffff  }
0x46a: {  	v61 =	vor.u32 v13, v21;
	v13 =	vld [tilespmem:$0x1E870]  }
0x46b: {  	v0 =	vld.idx.msk [tilespmem:v0+s4+$0x0], $0xffff  }
0x46c: {  	v5 =	vld.idx.msk [tilespmem:v5+s4+$0x0], $0xffff  }
0x46d: {  	v7 =	vld.idx.msk [tilespmem:v7+s4+$0x0], $0xffff;
	v49 =	vor.u32 v22, v61  }
0x46e: {  	s22 =	sadd.s32 $0x10, s22;
	v20 =	vlaneseq.u32;
	v10 =	vld.idx.msk [tilespmem:v10+s4+$0x0], $0xffff  }
0x46f: {  	v20 =	vor.u32 s22, v20;
	v51 =	vadd.s32 $0x20, v27;
	v63 =	vor.u32 v13, v21;
	v13 =	vld [tilespmem:$0x1FC50]  }
0x470: {  	v58 =	vmov s22;
	[tilespmem:v48+s26+$0x0] =	vst.idx.msk $0xffff, v62;
	v48 =	vand.u32 $0x7F, v20;
	v20 =	vld [tilespmem:$0x1E980];
	v61 =	vor.u32 v22, v63  }
0x471: {  	v51 =	vor.u32 s1, v51;
	v47 =	vshll.u32 v58, $0x3;
	v58 =	vld [tilespmem:$0x1FFF0]  }
0x472: {  	v62 =	vld.idx.msk [tilespmem:v49+s4+$0x0], $0xffff  }
0x473: {  	v49 =	vld [tilespmem:$0x1FF60]  }
0x474: {  	v47 =	vand.u32 $0x400, v47;
	v59 =	vor.u32 s13, v13;
	v13 =	vld [tilespmem:$0x1FC60]  }
0x475: {  	v20 =	vor.u32 v20, v47;
	v61 =	vld.idx.msk [tilespmem:v61+s4+$0x0], $0xffff  }
0x476: {  	[tilespmem:v51+s26+$0x0] =	vst.idx.msk $0xffff, v1;
	v1 =	vor.u32 v48, v20;
	v20 =	vld [tilespmem:$0x1E990]  }
0x477: {  	v51 =	vld [tilespmem:$0x1FC30];
	[tilespmem:v50+s26+$0x0] =	vst.idx.msk $0xffff, v0  }
0x478: {  	[tilespmem:v32+s26+$0x0] =	vst.idx.msk $0xffff, v3;
	v32 =	vld [tilespmem:$0x1E900]  }
0x479: {  	[tilespmem:v46+s26+$0x0] =	vst.idx.msk $0xffff, v5;
	v46 =	vld [tilespmem:$0x1E910]  }
0x47a: {  	v63 =	vor.u32 s13, v13;
	v13 =	vld [tilespmem:$0x1FC70]  }
0x47b: {  	[tilespmem:v52+s26+$0x0] =	vst.idx.msk $0xffff, v7;
	v52 =	vld [tilespmem:$0x1E920];
	v20 =	vor.u32 v20, v47  }
0x47c: {  	[tilespmem:v53+s26+$0x0] =	vst.idx.msk $0xffff, v10;
	v0 =	vor.u32 v48, v20;
	v20 =	vld [tilespmem:$0x1FF80]  }
0x47d: {  	v1 =	vld.idx.msk [tilespmem:v1+s4+$0x0], $0xffff  }
0x47e: {  	[tilespmem:v54+s26+$0x0] =	vst.idx.msk $0xffff, v62;
	v62 =	vld [tilespmem:$0x1E940]  }
0x47f: {  	v14 =	vor.u32 s13, v14;
	s24 =	smov.u32 s13;
	v53 =	vld [tilespmem:$0x1E930];
	v13 =	vor.u32 s13, v13;
	s13 =	sadd.s32 $0x400, s13  }
0x480: {  	v3 =	vor.u32 v32, v21;
	v56 =	vor.u32 s13, v19;
	v19 =	vld [tilespmem:$0x1FCB0]  }
0x481: {  	v3 =	vor.u32 v22, v3;
	v50 =	vor.u32 s13, v20;
	v20 =	vld [tilespmem:$0x1FF70]  }
0x482: {  	v5 =	vor.u32 v46, v21;
	v0 =	vld.idx.msk [tilespmem:v0+s4+$0x0], $0xffff  }
0x483: {  	v5 =	vor.u32 v22, v5;
	v7 =	vor.u32 v52, v21;
	v52 =	vor.u32 v62, v21;
	v62 =	vld [tilespmem:$0x1E950]  }
0x484: {  	[tilespmem:v55+s26+$0x0] =	vst.idx.msk $0xffff, v61;
	v61 =	vld [tilespmem:$0x1E960]  }
0x485: {  	v7 =	vor.u32 v22, v7;
	v55 =	vld [tilespmem:$0x1EA10];
	[tilespmem:v59+s26+$0x0] =	vst.idx.msk $0xffff, v2  }
0x486: {  	v10 =	vor.u32 v53, v21;
	v2 =	vld.idx.msk [tilespmem:v3+s4+$0x0], $0xffff  }
0x487: {  	v10 =	vor.u32 v22, v10;
	[tilespmem:v63+s26+$0x0] =	vst.idx.msk $0xffff, v4;
	v63 =	vld [tilespmem:$0x1E9A0]  }
0x488: {  	v17 =	vor.u32 s24, v17;
	v4 =	vld.idx.msk [tilespmem:v5+s4+$0x0], $0xffff  }
0x489: {  	v52 =	vor.u32 v22, v52;
	[tilespmem:v13+s26+$0x0] =	vst.idx.msk $0xffff, v6;
	v53 =	vor.u32 v62, v21;
	v62 =	vld [tilespmem:$0x1E970]  }
0x48a: {  	v6 =	vld.idx.msk [tilespmem:v7+s4+$0x0], $0xffff  }
0x48b: {  	v18 =	vor.u32 s24, v18;
	[tilespmem:v14+s26+$0x0] =	vst.idx.msk $0xffff, v8;
	v32 =	vor.u32 s13, v20;
	v20 =	vld [tilespmem:$0x1FF90]  }
0x48c: {  	v8 =	vld.idx.msk [tilespmem:v10+s4+$0x0], $0xffff;
	v3 =	vor.u32 v22, v53  }
0x48d: {  	v19 =	vor.u32 s24, v19;
	[tilespmem:v17+s26+$0x0] =	vst.idx.msk $0xffff, v11;
	v53 =	vor.u32 v61, v21;
	v61 =	vld [tilespmem:$0x1E9B0]  }
0x48e: {  	v11 =	vld.idx.msk [tilespmem:v52+s4+$0x0], $0xffff;
	v5 =	vor.u32 v22, v53;
	v53 =	vor.u32 v62, v21  }
0x48f: {  	v52 =	vld [tilespmem:$0x1FEA0];
	v54 =	vor.u32 v63, v47;
	v59 =	vor.u32 v22, v53  }
0x490: {  	v44 =	vor.u32 s1, v44;
	[tilespmem:v18+s26+$0x0] =	vst.idx.msk $0xffff, v9;
	v13 =	vor.u32 v48, v54;
	v54 =	vld [tilespmem:$0x1EA00]  }
0x491: {  	v3 =	vld.idx.msk [tilespmem:v3+s4+$0x0], $0xffff  }
0x492: {  	v53 =	vor.u32 v61, v47;
	[tilespmem:v19+s26+$0x0] =	vst.idx.msk $0xffff, v12;
	v19 =	vld [tilespmem:$0x1EA90]  }
0x493: {  	v14 =	vor.u32 v24, v47;
	v62 =	vor.u32 v48, v53;
	v5 =	vld.idx.msk [tilespmem:v5+s4+$0x0], $0xffff  }
0x494: {  	v14 =	vor.u32 v48, v14;
	v17 =	vor.u32 v26, v47;
	v7 =	vld.idx.msk [tilespmem:v59+s4+$0x0], $0xffff  }
0x495: {  	v63 =	vor.u32 v48, v17;
	v17 =	vor.u32 v23, v47;
	[tilespmem:v44+s26+$0x0] =	vst.idx.msk $0xffff, v2;
	v59 =	vld [tilespmem:$0x1EA20]  }
0x496: {  	v12 =	vor.u32 v48, v17;
	v17 =	vor.u32 v25, v47;
	v2 =	vld.idx.msk [tilespmem:v13+s4+$0x0], $0xffff  }
0x497: {  	v13 =	vor.u32 v48, v17;
	v17 =	vld [tilespmem:$0x1EA80];
	[tilespmem:v45+s26+$0x0] =	vst.idx.msk $0xffff, v4  }
0x498: {  	v4 =	vld.idx.msk [tilespmem:v62+s4+$0x0], $0xffff  }
0x499: {  	[tilespmem:v43+s26+$0x0] =	vst.idx.msk $0xffff, v6;
	v62 =	vld [tilespmem:$0x1EA30]  }
0x49a: {  	v14 =	vld.idx.msk [tilespmem:v14+s4+$0x0], $0xffff;
	[tilespmem:v42+s26+$0x0] =	vst.idx.msk $0xffff, v8  }
0x49b: {  	v9 =	vld.idx.msk [tilespmem:v63+s4+$0x0], $0xffff;
	[tilespmem:v41+s26+$0x0] =	vst.idx.msk $0xffff, v11  }
0x49c: {  	v12 =	vld.idx.msk [tilespmem:v12+s4+$0x0], $0xffff  }
0x49d: {  	[tilespmem:v39+s26+$0x0] =	vst.idx.msk $0xffff, v3;
	v39 =	vld [tilespmem:$0x1EA40];
	v17 =	vor.u32 v17, v60  }
0x49e: {  	v6 =	vor.u32 v54, v21;
	v54 =	vld [tilespmem:$0x1EA60];
	v53 =	vor.u32 v57, v17  }
0x49f: {  	v6 =	vor.u32 v22, v6;
	v8 =	vor.u32 v55, v21;
	v41 =	vld.idx.msk [tilespmem:v13+s4+$0x0], $0xffff;
	v13 =	vadd.s32 $0x30, v27;
	v27 =	vmovc v16  }
0x4a0: {  	v8 =	vor.u32 v22, v8;
	v11 =	vor.u32 v59, v21;
	v16 =	vld [tilespmem:$0x1EA70];
	v17 =	vadd.s32 $0x10, v27  }
0x4a1: {  	v61 =	vor.u32 v22, v11;
	v11 =	vor.u32 v62, v21;
	v45 =	vor.u32 s24, v17;
	v17 =	vld [tilespmem:$0x1EAB0]  }
0x4a2: {  	[tilespmem:v31+s26+$0x0] =	vst.idx.msk $0xffff, v5;
	v63 =	vor.u32 v22, v11;
	v11 =	vor.u32 v39, v21;
	v39 =	vld [tilespmem:$0x1EB30]  }
0x4a3: {  	v43 =	vld.idx.msk [tilespmem:v53+s4+$0x0], $0xffff  }
0x4a4: {  	[tilespmem:v29+s26+$0x0] =	vst.idx.msk $0xffff, v7;
	v53 =	vld [tilespmem:$0x1EA50]  }
0x4a5: {  	v46 =	vor.u32 s13, v20;
	v20 =	vor.u32 s13, v28;
	v6 =	vld.idx.msk [tilespmem:v6+s4+$0x0], $0xffff  }
0x4a6: {  	v42 =	vor.u32 v22, v11;
	v8 =	vld.idx.msk [tilespmem:v8+s4+$0x0], $0xffff  }
0x4a7: {  	v3 =	vld.idx.msk [tilespmem:v61+s4+$0x0], $0xffff;
	v17 =	vor.u32 v17, v60  }
0x4a8: {  	v59 =	vor.u32 v57, v17;
	v17 =	vld [tilespmem:$0x1EAC0]  }
0x4a9: {  	v5 =	vld.idx.msk [tilespmem:v63+s4+$0x0], $0xffff;
	v10 =	vor.u32 v53, v21  }
0x4aa: {  	v58 =	vor.u32 s13, v58;
	v11 =	vor.u32 v54, v21;
	[tilespmem:v20+s26+$0x0] =	vst.idx.msk $0xffff, v1;
	v20 =	vld [tilespmem:$0x1EAE0];
	v10 =	vor.u32 v22, v10  }
0x4ab: {  	v18 =	vor.u32 v16, v21;
	v11 =	vor.u32 v22, v11;
	v7 =	vld.idx.msk [tilespmem:v42+s4+$0x0], $0xffff  }
0x4ac: {  	v18 =	vor.u32 v22, v18;
	v42 =	vld [tilespmem:$0x1EB40]  }
0x4ad: {  	v19 =	vor.u32 v19, v60;
	v13 =	vor.u32 s1, v13;
	v53 =	vld [tilespmem:$0x1EB50];
	v17 =	vor.u32 v17, v60  }
0x4ae: {  	v19 =	vor.u32 v57, v19;
	[tilespmem:v56+s26+$0x0] =	vst.idx.msk $0xffff, v0;
	v61 =	vor.u32 v57, v17;
	v17 =	vld [tilespmem:$0x1EAD0]  }
0x4af: {  	v10 =	vld.idx.msk [tilespmem:v10+s4+$0x0], $0xffff;
	[tilespmem:v58+s26+$0x0] =	vst.idx.msk $0xffff, v2  }
0x4b0: {  	v29 =	vor.u32 v15, v60;
	v11 =	vld.idx.msk [tilespmem:v11+s4+$0x0], $0xffff  }
0x4b1: {  	v55 =	vor.u32 v57, v29;
	v18 =	vld.idx.msk [tilespmem:v18+s4+$0x0], $0xffff  }
0x4b2: {  	[tilespmem:v13+s26+$0x0] =	vst.idx.msk $0xffff, v6;
	v13 =	vld [tilespmem:$0x1EAF0]  }
0x4b3: {  	v44 =	vld.idx.msk [tilespmem:v19+s4+$0x0], $0xffff  }
0x4b4: {  	v37 =	vor.u32 s1, v37;
	[tilespmem:v38+s26+$0x0] =	vst.idx.msk $0xffff, v8;
	v38 =	vld [tilespmem:$0x1FED0]  }
0x4b5: {  	v17 =	vor.u32 v17, v60;
	v8 =	vld [tilespmem:$0x1EB00]  }
0x4b6: {  	v20 =	vor.u32 v20, v60;
	v17 =	vor.u32 v57, v17;
	v54 =	vld.idx.msk [tilespmem:v55+s4+$0x0], $0xffff  }
0x4b7: {  	v62 =	vor.u32 v57, v20;
	[tilespmem:v36+s26+$0x0] =	vst.idx.msk $0xffff, v3;
	v36 =	vld [tilespmem:$0x1EB10]  }
0x4b8: {  	v55 =	vld.idx.msk [tilespmem:v59+s4+$0x0], $0xffff;
	v13 =	vor.u32 v13, v60  }
0x4b9: {  	[tilespmem:v37+s26+$0x0] =	vst.idx.msk $0xffff, v5;
	v37 =	vld [tilespmem:$0x1EB20];
	v63 =	vor.u32 v57, v13  }
0x4ba: {  	v56 =	vld.idx.msk [tilespmem:v61+s4+$0x0], $0xffff;
	[tilespmem:v35+s26+$0x0] =	vst.idx.msk $0xffff, v7  }
0x4bb: {  	v49 =	vor.u32 s13, v49;
	v3 =	vor.u32 v8, v21;
	v58 =	vld.idx.msk [tilespmem:v17+s4+$0x0], $0xffff;
	[tilespmem:v33+s26+$0x0] =	vst.idx.msk $0xffff, v10  }
0x4bc: {  	v51 =	vor.u32 s13, v51;
	v0 =	vor.u32 v22, v3;
	v3 =	vor.u32 v36, v21;
	v59 =	vld.idx.msk [tilespmem:v62+s4+$0x0], $0xffff  }
0x4bd: {  	v2 =	vor.u32 v22, v3;
	[tilespmem:v34+s26+$0x0] =	vst.idx.msk $0xffff, v11;
	v62 =	vld [tilespmem:$0x1EB60]  }
0x4be: {  	v3 =	vor.u32 v37, v21;
	v61 =	vld.idx.msk [tilespmem:v63+s4+$0x0], $0xffff  }
0x4bf: {  	v5 =	vor.u32 v39, v21;
	v3 =	vor.u32 v22, v3;
	[tilespmem:v30+s26+$0x0] =	vst.idx.msk $0xffff, v18;
	v63 =	vld [tilespmem:$0x1EB70]  }
0x4c0: {  	p3 =	slt.u32 s22, $0xF0;
	v5 =	vor.u32 v22, v5;
	[tilespmem:v49+s26+$0x0] =	vst.idx.msk $0xffff, v4;
	v49 =	vld [tilespmem:$0x1FEE0]  }
.Ltmp13:
0x4c1: {  	v6 =	vor.u32 v42, v21;
	v30 =	vld.idx.msk [tilespmem:v0+s4+$0x0], $0xffff;
	[tilespmem:v51+s26+$0x0] =	vst.idx.msk $0xffff, v14;
	(pc) =	sbr.rel @p3 .LBB2_25-.Ltmp13, $4  }
0x4c2: {  	v1 =	vor.u32 v53, v21;
	v35 =	vor.u32 v22, v6;
	v0 =	vor.u32 v62, v21;
	v29 =	vld.idx.msk [tilespmem:v2+s4+$0x0], $0xffff  }
0x4c3: {  	v16 =	vmov v28;
	v36 =	vor.u32 v22, v1;
	v33 =	vor.u32 v22, v0;
	[tilespmem:v50+s26+$0x0] =	vst.idx.msk $0xffff, v9;
	v50 =	vld [tilespmem:$0x1FEC0]  }
0x4c4: {  	v34 =	vor.u32 s1, v38;
	v31 =	vld.idx.msk [tilespmem:v3+s4+$0x0], $0xffff;
	[tilespmem:v32+s26+$0x0] =	vst.idx.msk $0xffff, v12;
	v0 =	vor.u32 v63, v21;
	v21 =	vmov v60  }
0x4c5: {  	v32 =	vld.idx.msk [tilespmem:v5+s4+$0x0], $0xffff;
	v60 =	vmovc v47;
	v42 =	vor.u32 v22, v0;
	v39 =	vor.u32 s1, v49;
	v22 =	vmovc v57;
	v57 =	vmov v48  }
0x4c6: {  	v23 =	vld [tilespmem:$0x1FCD0];
	_ =	sdelay $0x4  }
0x4c7: {  	v0 =	vor.u32 s24, v23;
	_ =	sdelay $0x1  }
0x4c8: {  	v24 =	vld [tilespmem:$0x1FCE0]  }
0x4c9: {  	v25 =	vld [tilespmem:$0x1FCF0];
	[tilespmem:v45+s26+$0x0] =	vst.idx.msk $0xffff, v43  }
0x4ca: {  	v26 =	vld [tilespmem:$0x1FD00];
	[tilespmem:v40+s26+$0x0] =	vst.idx.msk $0xffff, v44  }
0x4cb: {  	v40 =	vld [tilespmem:$0x1FD10];
	[tilespmem:v0+s26+$0x0] =	vst.idx.msk $0xffff, v54  }
0x4cc: {  	v43 =	vld [tilespmem:$0x1FD20]  }
0x4cd: {  	v1 =	vor.u32 s24, v24;
	v44 =	vld [tilespmem:$0x1E780]  }
0x4ce: {  	v2 =	vor.u32 s24, v25  }
0x4cf: {  	v3 =	vor.u32 s24, v26  }
0x4d0: {  	v4 =	vor.u32 s24, v40  }
0x4d1: {  	v9 =	vor.u32 s24, v43  }
0x4d2: {  	[tilespmem:v1+s26+$0x0] =	vst.idx.msk $0xffff, v55;
	v5 =	vor.u32 v44, v21  }
0x4d3: {  	v51 =	vld [tilespmem:$0x1E790];
	[tilespmem:v2+s26+$0x0] =	vst.idx.msk $0xffff, v56;
	v10 =	vor.u32 v22, v5  }
0x4d4: {  	v47 =	vld [tilespmem:$0x1E7A0];
	[tilespmem:v3+s26+$0x0] =	vst.idx.msk $0xffff, v58  }
0x4d5: {  	v54 =	vld [tilespmem:$0x1E7B0];
	[tilespmem:v4+s26+$0x0] =	vst.idx.msk $0xffff, v59  }
0x4d6: {  	v53 =	vld [tilespmem:$0x1E7C0];
	[tilespmem:v9+s26+$0x0] =	vst.idx.msk $0xffff, v61  }
0x4d7: {  	v56 =	vld [tilespmem:$0x1E7D0]  }
0x4d8: {  	v1 =	vld.idx.msk [tilespmem:v10+s4+$0x0], $0xffff  }
0x4d9: {  	v5 =	vor.u32 v51, v21;
	v55 =	vld [tilespmem:$0x1E7E0]  }
0x4da: {  	v11 =	vor.u32 v22, v5;
	v58 =	vld [tilespmem:$0x1E7F0]  }
0x4db: {  	v5 =	vor.u32 v47, v21;
	v63 =	vld [tilespmem:$0x1FD30]  }
0x4dc: {  	v3 =	vor.u32 v22, v5;
	v9 =	vld [tilespmem:$0x1FD40]  }
0x4dd: {  	v5 =	vor.u32 v54, v21;
	v10 =	vld [tilespmem:$0x1E880]  }
0x4de: {  	v4 =	vor.u32 v22, v5;
	v5 =	vor.u32 v53, v21;
	v12 =	vld [tilespmem:$0x1E890]  }
0x4df: {  	v20 =	vor.u32 v22, v5;
	v2 =	vld.idx.msk [tilespmem:v11+s4+$0x0], $0xffff;
	v5 =	vor.u32 v56, v21  }
0x4e0: {  	v11 =	vld [tilespmem:$0x1FD50];
	v6 =	vor.u32 v55, v21;
	v5 =	vor.u32 v22, v5  }
0x4e1: {  	[tilespmem:v46+s26+$0x0] =	vst.idx.msk $0xffff, v41;
	v3 =	vld.idx.msk [tilespmem:v3+s4+$0x0], $0xffff;
	v7 =	vor.u32 v58, v21;
	v6 =	vor.u32 v22, v6  }
0x4e2: {  	v13 =	vld [tilespmem:$0x1E8A0];
	v10 =	vor.u32 v10, v60;
	v7 =	vor.u32 v22, v7  }
0x4e3: {  	v4 =	vld.idx.msk [tilespmem:v4+s4+$0x0], $0xffff;
	v12 =	vor.u32 v12, v60;
	v10 =	vor.u32 v57, v10  }
0x4e4: {  	v0 =	vld.idx.msk [tilespmem:v20+s4+$0x0], $0xffff;
	v8 =	vor.u32 s24, v63;
	v12 =	vor.u32 v57, v12  }
0x4e5: {  	v9 =	vor.u32 s24, v9;
	v5 =	vld.idx.msk [tilespmem:v5+s4+$0x0], $0xffff  }
0x4e6: {  	v6 =	vld.idx.msk [tilespmem:v6+s4+$0x0], $0xffff  }
0x4e7: {  	v11 =	vor.u32 s24, v11;
	v7 =	vld.idx.msk [tilespmem:v7+s4+$0x0], $0xffff  }
0x4e8: {  	v10 =	vld.idx.msk [tilespmem:v10+s4+$0x0], $0xffff  }
0x4e9: {  	[tilespmem:v8+s26+$0x0] =	vst.idx.msk $0xffff, v1;
	v12 =	vld.idx.msk [tilespmem:v12+s4+$0x0], $0xffff  }
0x4ea: {  	v8 =	vld [tilespmem:$0x1E8B0];
	[tilespmem:v9+s26+$0x0] =	vst.idx.msk $0xffff, v2  }
0x4eb: {  	v28 =	vld [tilespmem:$0x1E8C0]  }
0x4ec: {  	v46 =	vld [tilespmem:$0x1FD60];
	[tilespmem:v11+s26+$0x0] =	vst.idx.msk $0xffff, v3  }
0x4ed: {  	v41 =	vld [tilespmem:$0x1E8D0]  }
0x4ee: {  	v13 =	vor.u32 v13, v60;
	v61 =	vld [tilespmem:$0x1FD70]  }
0x4ef: {  	v1 =	vor.u32 v57, v13;
	v13 =	vld [tilespmem:$0x1E8E0]  }
0x4f0: {  	v48 =	vld [tilespmem:$0x1FD80];
	v8 =	vor.u32 v8, v60  }
0x4f1: {  	v17 =	vld [tilespmem:$0x1E8F0];
	v2 =	vor.u32 v57, v8;
	v37 =	vor.u32 s24, v46  }
0x4f2: {  	v59 =	vld [tilespmem:$0x1FD90];
	v8 =	vor.u32 v28, v60  }
0x4f3: {  	v20 =	vld [tilespmem:$0x1E800];
	v3 =	vor.u32 v57, v8;
	v45 =	vor.u32 s24, v61  }
0x4f4: {  	v62 =	vld [tilespmem:$0x1FDA0];
	v8 =	vor.u32 v41, v60  }
0x4f5: {  	v1 =	vld.idx.msk [tilespmem:v1+s4+$0x0], $0xffff;
	v14 =	vor.u32 s24, v48;
	v8 =	vor.u32 v57, v8  }
0x4f6: {  	v13 =	vor.u32 v13, v60;
	[tilespmem:v37+s26+$0x0] =	vst.idx.msk $0xffff, v4;
	v2 =	vld.idx.msk [tilespmem:v2+s4+$0x0], $0xffff  }
0x4f7: {  	v18 =	vor.u32 s24, v59;
	v13 =	vor.u32 v57, v13;
	v9 =	vld [tilespmem:$0x1E810]  }
0x4f8: {  	v17 =	vor.u32 v17, v60;
	v20 =	vor.u32 v20, v21;
	[tilespmem:v45+s26+$0x0] =	vst.idx.msk $0xffff, v0;
	v0 =	vld.idx.msk [tilespmem:v3+s4+$0x0], $0xffff  }
0x4f9: {  	v19 =	vor.u32 s24, v62;
	v17 =	vor.u32 v57, v17;
	v4 =	vor.u32 v22, v20;
	v20 =	vld [tilespmem:$0x1E820]  }
0x4fa: {  	[tilespmem:v14+s26+$0x0] =	vst.idx.msk $0xffff, v5;
	v5 =	vld.idx.msk [tilespmem:v8+s4+$0x0], $0xffff  }
0x4fb: {  	v37 =	vld [tilespmem:$0x1E830]  }
0x4fc: {  	[tilespmem:v18+s26+$0x0] =	vst.idx.msk $0xffff, v6;
	v6 =	vld.idx.msk [tilespmem:v13+s4+$0x0], $0xffff  }
0x4fd: {  	v11 =	vld [tilespmem:$0x1E840]  }
0x4fe: {  	[tilespmem:v19+s26+$0x0] =	vst.idx.msk $0xffff, v7;
	v7 =	vld.idx.msk [tilespmem:v17+s4+$0x0], $0xffff  }
0x4ff: {  	v13 =	vld [tilespmem:$0x1E850]  }
0x500: {  	v4 =	vld.idx.msk [tilespmem:v4+s4+$0x0], $0xffff;
	v9 =	vor.u32 v9, v21  }
0x501: {  	v17 =	vld [tilespmem:$0x1E870];
	v3 =	vor.u32 v22, v9;
	v9 =	vor.u32 v20, v21  }
0x502: {  	v18 =	vld [tilespmem:$0x1FC40];
	v28 =	vor.u32 v22, v9  }
0x503: {  	v14 =	vld [tilespmem:$0x1E860];
	v9 =	vor.u32 v37, v21  }
0x504: {  	v41 =	vld [tilespmem:$0x1FFD0];
	v9 =	vor.u32 v22, v9;
	v11 =	vor.u32 v11, v21  }
0x505: {  	v37 =	vld [tilespmem:$0x1FDB0];
	v11 =	vor.u32 v22, v11;
	v13 =	vor.u32 v13, v21  }
0x506: {  	v17 =	vor.u32 v17, v21;
	v13 =	vor.u32 v22, v13;
	v3 =	vld.idx.msk [tilespmem:v3+s4+$0x0], $0xffff  }
0x507: {  	v18 =	vor.u32 s13, v18;
	v17 =	vor.u32 v22, v17;
	v8 =	vld.idx.msk [tilespmem:v28+s4+$0x0], $0xffff  }
0x508: {  	v19 =	vadd.s32 $0x20, v27;
	v14 =	vor.u32 v14, v21;
	v28 =	vld [tilespmem:$0x1FFC0]  }
0x509: {  	v19 =	vor.u32 s24, v19;
	v14 =	vor.u32 v22, v14;
	v9 =	vld.idx.msk [tilespmem:v9+s4+$0x0], $0xffff  }
0x50a: {  	v11 =	vld.idx.msk [tilespmem:v11+s4+$0x0], $0xffff  }
0x50b: {  	v13 =	vld.idx.msk [tilespmem:v13+s4+$0x0], $0xffff  }
0x50c: {  	[tilespmem:v18+s26+$0x0] =	vst.idx.msk $0xffff, v10;
	v45 =	vld.idx.msk [tilespmem:v17+s4+$0x0], $0xffff  }
0x50d: {  	v17 =	vld [tilespmem:$0x1FFB0]  }
0x50e: {  	v14 =	vld.idx.msk [tilespmem:v14+s4+$0x0], $0xffff;
	[tilespmem:v19+s26+$0x0] =	vst.idx.msk $0xffff, v4  }
0x50f: {  	v20 =	vor.u32 s24, v41;
	v4 =	vld [tilespmem:$0x1FFA0]  }
0x510: {  	v28 =	vor.u32 s24, v28  }
0x511: {  	v37 =	vor.u32 s24, v37  }
0x512: {  	v17 =	vor.u32 s24, v17;
	_ =	sdelay $0x1  }
0x513: {  	[tilespmem:v20+s26+$0x0] =	vst.idx.msk $0xffff, v3;
	v4 =	vor.u32 s24, v4  }
0x514: {  	v3 =	vld [tilespmem:$0x1FDC0];
	[tilespmem:v28+s26+$0x0] =	vst.idx.msk $0xffff, v8  }
0x515: {  	v8 =	vld [tilespmem:$0x1FDD0];
	[tilespmem:v37+s26+$0x0] =	vst.idx.msk $0xffff, v9  }
0x516: {  	v9 =	vld [tilespmem:$0x1FC50];
	[tilespmem:v17+s26+$0x0] =	vst.idx.msk $0xffff, v11  }
0x517: {  	v11 =	vld [tilespmem:$0x1FC60]  }
0x518: {  	v17 =	vld [tilespmem:$0x1E900];
	[tilespmem:v4+s26+$0x0] =	vst.idx.msk $0xffff, v13  }
0x519: {  	v3 =	vor.u32 s24, v3;
	v13 =	vld [tilespmem:$0x1E910]  }
0x51a: {  	v8 =	vor.u32 s24, v8  }
0x51b: {  	v9 =	vor.u32 s13, v9;
	_ =	sdelay $0x1  }
0x51c: {  	v11 =	vor.u32 s13, v11  }
0x51d: {  	[tilespmem:v3+s26+$0x0] =	vst.idx.msk $0xffff, v14;
	v13 =	vor.u32 v13, v21  }
0x51e: {  	v3 =	vor.u32 v22, v13;
	v13 =	vld [tilespmem:$0x1E920];
	[tilespmem:v8+s26+$0x0] =	vst.idx.msk $0xffff, v45  }
0x51f: {  	v10 =	vld [tilespmem:$0x1E930];
	[tilespmem:v9+s26+$0x0] =	vst.idx.msk $0xffff, v12  }
0x520: {  	v12 =	vld [tilespmem:$0x1E940]  }
0x521: {  	v28 =	vld [tilespmem:$0x1FC70];
	[tilespmem:v11+s26+$0x0] =	vst.idx.msk $0xffff, v1  }
0x522: {  	v11 =	vld [tilespmem:$0x1FC80]  }
0x523: {  	v14 =	vld [tilespmem:$0x1E960];
	v13 =	vor.u32 v13, v21  }
0x524: {  	v17 =	vor.u32 v17, v21;
	v41 =	vor.u32 v22, v13;
	v13 =	vld [tilespmem:$0x1FC90]  }
0x525: {  	v4 =	vor.u32 v22, v17;
	v17 =	vld [tilespmem:$0x1FCA0];
	v12 =	vor.u32 v12, v21  }
0x526: {  	v10 =	vor.u32 v10, v21;
	v37 =	vor.u32 v22, v12;
	v12 =	vld [tilespmem:$0x1E950]  }
0x527: {  	v45 =	vor.u32 v22, v10;
	v10 =	vor.u32 s13, v28  }
0x528: {  	v20 =	vld [tilespmem:$0x1FCB0];
	v11 =	vor.u32 s13, v11  }
0x529: {  	v19 =	vld [tilespmem:$0x1EA80];
	v13 =	vor.u32 s13, v13  }
0x52a: {  	v14 =	vor.u32 v14, v21  }
0x52b: {  	v18 =	vld [tilespmem:$0x1E970];
	v17 =	vor.u32 s13, v17;
	v14 =	vor.u32 v22, v14;
	v12 =	vor.u32 v12, v21  }
0x52c: {  	v8 =	vld.idx.msk [tilespmem:v41+s4+$0x0], $0xffff;
	[tilespmem:v10+s26+$0x0] =	vst.idx.msk $0xffff, v2;
	v12 =	vor.u32 v22, v12  }
0x52d: {  	v20 =	vor.u32 s13, v20;
	v10 =	vld [tilespmem:$0x1EA90];
	[tilespmem:v11+s26+$0x0] =	vst.idx.msk $0xffff, v0  }
0x52e: {  	v19 =	vor.u32 v19, v60;
	v2 =	vld.idx.msk [tilespmem:v45+s4+$0x0], $0xffff;
	[tilespmem:v13+s26+$0x0] =	vst.idx.msk $0xffff, v5  }
0x52f: {  	v41 =	vor.u32 v57, v19;
	v11 =	vld [tilespmem:$0x1EAB0]  }
0x530: {  	[tilespmem:v17+s26+$0x0] =	vst.idx.msk $0xffff, v6;
	v6 =	vld.idx.msk [tilespmem:v14+s4+$0x0], $0xffff  }
0x531: {  	v5 =	vld.idx.msk [tilespmem:v12+s4+$0x0], $0xffff  }
0x532: {  	v10 =	vor.u32 v10, v60;
	v12 =	vld [tilespmem:$0x1EAC0];
	[tilespmem:v20+s26+$0x0] =	vst.idx.msk $0xffff, v7  }
0x533: {  	v45 =	vor.u32 v57, v10;
	v13 =	vld [tilespmem:$0x1EAD0]  }
0x534: {  	v9 =	vld.idx.msk [tilespmem:v41+s4+$0x0], $0xffff  }
0x535: {  	v14 =	vld [tilespmem:$0x1EAE0]  }
0x536: {  	v28 =	vor.u32 v15, v60;
	v15 =	vld [tilespmem:$0x1EAF0]  }
0x537: {  	v18 =	vor.u32 v18, v21;
	v41 =	vld [tilespmem:$0x1FDE0]  }
0x538: {  	v18 =	vor.u32 v22, v18;
	v0 =	vld.idx.msk [tilespmem:v45+s4+$0x0], $0xffff  }
0x539: {  	v45 =	vld [tilespmem:$0x1FDF0]  }
0x53a: {  	v4 =	vld.idx.msk [tilespmem:v4+s4+$0x0], $0xffff;
	v10 =	vor.u32 v57, v28;
	v11 =	vor.u32 v11, v60  }
0x53b: {  	v11 =	vor.u32 v57, v11;
	v12 =	vor.u32 v12, v60;
	v17 =	vor.u32 v15, v60;
	v15 =	vld [tilespmem:$0x1FCC0]  }
0x53c: {  	v1 =	vld.idx.msk [tilespmem:v37+s4+$0x0], $0xffff;
	v12 =	vor.u32 v57, v12;
	v14 =	vor.u32 v14, v60  }
0x53d: {  	v37 =	vadd.s32 $0x10, v16;
	v7 =	vld.idx.msk [tilespmem:v18+s4+$0x0], $0xffff;
	v18 =	vor.u32 s24, v41;
	v14 =	vor.u32 v57, v14  }
0x53e: {  	v3 =	vld.idx.msk [tilespmem:v3+s4+$0x0], $0xffff;
	v13 =	vor.u32 v13, v60;
	v17 =	vor.u32 v57, v17;
	v19 =	vor.u32 s24, v45  }
0x53f: {  	v20 =	vor.u32 s13, v37;
	v10 =	vld.idx.msk [tilespmem:v10+s4+$0x0], $0xffff;
	v13 =	vor.u32 v57, v13  }
0x540: {  	v11 =	vld.idx.msk [tilespmem:v11+s4+$0x0], $0xffff;
	v28 =	vor.u32 s13, v15  }
0x541: {  	v23 =	vor.u32 s13, v23;
	v12 =	vld.idx.msk [tilespmem:v12+s4+$0x0], $0xffff  }
0x542: {  	[tilespmem:v18+s26+$0x0] =	vst.idx.msk $0xffff, v4;
	v4 =	vld.idx.msk [tilespmem:v14+s4+$0x0], $0xffff;
	v14 =	vor.u32 s13, v24  }
0x543: {  	[tilespmem:v19+s26+$0x0] =	vst.idx.msk $0xffff, v3;
	v3 =	vld.idx.msk [tilespmem:v17+s4+$0x0], $0xffff;
	v17 =	vor.u32 s13, v25  }
0x544: {  	v26 =	vor.u32 s13, v26;
	v13 =	vld.idx.msk [tilespmem:v13+s4+$0x0], $0xffff;
	[tilespmem:v20+s26+$0x0] =	vst.idx.msk $0xffff, v9  }
0x545: {  	v40 =	vor.u32 s13, v40;
	[tilespmem:v28+s26+$0x0] =	vst.idx.msk $0xffff, v0  }
0x546: {  	[tilespmem:v23+s26+$0x0] =	vst.idx.msk $0xffff, v10  }
0x547: {  	v43 =	vor.u32 s13, v43;
	[tilespmem:v14+s26+$0x0] =	vst.idx.msk $0xffff, v11  }
0x548: {  	[tilespmem:v17+s26+$0x0] =	vst.idx.msk $0xffff, v12  }
0x549: {  	v0 =	vld.idx.msk [tilespmem:v36+s4+$0x0], $0xffff;
	[tilespmem:v26+s26+$0x0] =	vst.idx.msk $0xffff, v13  }
0x54a: {  	v28 =	vld.idx.msk [tilespmem:v33+s4+$0x0], $0xffff;
	[tilespmem:v40+s26+$0x0] =	vst.idx.msk $0xffff, v4  }
0x54b: {  	v20 =	vor.u32 v51, v60;
	v51 =	vld [tilespmem:$0x1FE00]  }
0x54c: {  	v33 =	vld.idx.msk [tilespmem:v42+s4+$0x0], $0xffff;
	[tilespmem:v43+s26+$0x0] =	vst.idx.msk $0xffff, v3  }
0x54d: {  	v24 =	vor.u32 v47, v60;
	v47 =	vld [tilespmem:$0x1FE10]  }
0x54e: {  	v43 =	vld [tilespmem:$0x1FE20]  }
0x54f: {  	v36 =	vor.u32 v55, v60;
	v10 =	vor.u32 v57, v24;
	v42 =	vld [tilespmem:$0x1FE30]  }
0x550: {  	v9 =	vor.u32 v57, v36;
	v23 =	vor.u32 s24, v51  }
0x551: {  	v12 =	vor.u32 v54, v60  }
0x552: {  	v12 =	vor.u32 v57, v12;
	v25 =	vor.u32 s24, v47  }
0x553: {  	v35 =	vld.idx.msk [tilespmem:v35+s4+$0x0], $0xffff;
	v44 =	vor.u32 v44, v60;
	v14 =	vor.u32 s24, v43  }
0x554: {  	v4 =	vor.u32 v57, v44;
	v10 =	vld.idx.msk [tilespmem:v10+s4+$0x0], $0xffff;
	v18 =	vor.u32 s24, v42  }
0x555: {  	v9 =	vld.idx.msk [tilespmem:v9+s4+$0x0], $0xffff;
	[tilespmem:v23+s26+$0x0] =	vst.idx.msk $0xffff, v8  }
0x556: {  	v36 =	vld [tilespmem:$0x1FE40]  }
0x557: {  	v13 =	vor.u32 v53, v60;
	v12 =	vld.idx.msk [tilespmem:v12+s4+$0x0], $0xffff;
	[tilespmem:v25+s26+$0x0] =	vst.idx.msk $0xffff, v2  }
0x558: {  	v13 =	vor.u32 v57, v13;
	v40 =	vld [tilespmem:$0x1FE50];
	[tilespmem:v14+s26+$0x0] =	vst.idx.msk $0xffff, v1  }
0x559: {  	v3 =	vor.u32 v57, v20;
	v4 =	vld.idx.msk [tilespmem:v4+s4+$0x0], $0xffff;
	[tilespmem:v18+s26+$0x0] =	vst.idx.msk $0xffff, v5  }
0x55a: {  	v17 =	vor.u32 v56, v60;
	v5 =	vld [tilespmem:$0x1FD40]  }
0x55b: {  	v26 =	vor.u32 v57, v17;
	v15 =	vld [tilespmem:$0x1EA00];
	v19 =	vor.u32 s24, v36  }
0x55c: {  	v17 =	vor.u32 v58, v60;
	v18 =	vld [tilespmem:$0x1FD50]  }
0x55d: {  	v44 =	vor.u32 v57, v17;
	v13 =	vld.idx.msk [tilespmem:v13+s4+$0x0], $0xffff;
	v37 =	vor.u32 s24, v40  }
0x55e: {  	v53 =	vor.u32 s13, v63;
	v3 =	vld.idx.msk [tilespmem:v3+s4+$0x0], $0xffff  }
0x55f: {  	v23 =	vld [tilespmem:$0x1EA10];
	v5 =	vor.u32 s13, v5  }
0x560: {  	v8 =	vld.idx.msk [tilespmem:v26+s4+$0x0], $0xffff;
	v14 =	vor.u32 v15, v21;
	[tilespmem:v19+s26+$0x0] =	vst.idx.msk $0xffff, v6  }
0x561: {  	v18 =	vor.u32 s13, v18;
	v6 =	vor.u32 v22, v14;
	v25 =	vld [tilespmem:$0x1EA20]  }
0x562: {  	v54 =	vor.u32 s13, v46;
	[tilespmem:v37+s26+$0x0] =	vst.idx.msk $0xffff, v7;
	v7 =	vld.idx.msk [tilespmem:v44+s4+$0x0], $0xffff  }
0x563: {  	v56 =	vor.u32 s13, v61;
	v24 =	vld [tilespmem:$0x1EA30];
	[tilespmem:v53+s26+$0x0] =	vst.idx.msk $0xffff, v4  }
0x564: {  	v17 =	vor.u32 v23, v21;
	v26 =	vld [tilespmem:$0x1EA40];
	[tilespmem:v5+s26+$0x0] =	vst.idx.msk $0xffff, v3  }
0x565: {  	v14 =	vor.u32 v22, v17;
	v3 =	vor.u32 s13, v48;
	v37 =	vld [tilespmem:$0x1EA50]  }
0x566: {  	v58 =	vor.u32 s13, v59;
	[tilespmem:v18+s26+$0x0] =	vst.idx.msk $0xffff, v10;
	v6 =	vld.idx.msk [tilespmem:v6+s4+$0x0], $0xffff  }
0x567: {  	v44 =	vld [tilespmem:$0x1EA60];
	[tilespmem:v54+s26+$0x0] =	vst.idx.msk $0xffff, v12;
	v17 =	vor.u32 v25, v21  }
0x568: {  	v46 =	vld [tilespmem:$0x1EA70];
	[tilespmem:v56+s26+$0x0] =	vst.idx.msk $0xffff, v13;
	v55 =	vor.u32 v22, v17;
	v17 =	vor.u32 v24, v21  }
0x569: {  	v13 =	vld [tilespmem:$0x1E800];
	v4 =	vor.u32 v22, v17  }
0x56a: {  	v2 =	vld.idx.msk [tilespmem:v14+s4+$0x0], $0xffff;
	v17 =	vor.u32 v26, v21;
	[tilespmem:v3+s26+$0x0] =	vst.idx.msk $0xffff, v8  }
0x56b: {  	v19 =	vor.u32 s13, v62;
	v5 =	vor.u32 v22, v17;
	v8 =	vld [tilespmem:$0x1E810];
	[tilespmem:v58+s26+$0x0] =	vst.idx.msk $0xffff, v9  }
0x56c: {  	v9 =	vld [tilespmem:$0x1E820]  }
0x56d: {  	v1 =	vld.idx.msk [tilespmem:v55+s4+$0x0], $0xffff  }
0x56e: {  	v13 =	vor.u32 v13, v60;
	v3 =	vld.idx.msk [tilespmem:v4+s4+$0x0], $0xffff  }
0x56f: {  	v4 =	vor.u32 v57, v13;
	v13 =	vld [tilespmem:$0x1E830]  }
0x570: {  	[tilespmem:v19+s26+$0x0] =	vst.idx.msk $0xffff, v7;
	v5 =	vld.idx.msk [tilespmem:v5+s4+$0x0], $0xffff  }
0x571: {  	v17 =	vor.u32 v37, v21;
	v14 =	vor.u32 v46, v21;
	v54 =	vld [tilespmem:$0x1FEF0]  }
0x572: {  	v17 =	vor.u32 v22, v17;
	v59 =	vor.u32 v22, v14;
	v14 =	vld [tilespmem:$0x1E840]  }
0x573: {  	v18 =	vor.u32 v44, v21;
	v53 =	vld [tilespmem:$0x1FF00]  }
0x574: {  	v12 =	vor.u32 v22, v18;
	v18 =	vld [tilespmem:$0x1E850]  }
0x575: {  	v20 =	vld [tilespmem:$0x1E860]  }
0x576: {  	v8 =	vor.u32 v8, v60;
	v61 =	vld [tilespmem:$0x1E870]  }
0x577: {  	[tilespmem:v34+s26+$0x0] =	vst.idx.msk $0xffff, v30;
	v8 =	vor.u32 v57, v8;
	v9 =	vor.u32 v9, v60;
	v10 =	vld.idx.msk [tilespmem:v17+s4+$0x0], $0xffff  }
0x578: {  	v48 =	vld [tilespmem:$0x1FE60];
	v9 =	vor.u32 v57, v9;
	v7 =	vor.u32 s1, v54  }
0x579: {  	v12 =	vld.idx.msk [tilespmem:v12+s4+$0x0], $0xffff;
	v13 =	vor.u32 v13, v60  }
0x57a: {  	v11 =	vld.idx.msk [tilespmem:v59+s4+$0x0], $0xffff;
	v13 =	vor.u32 v57, v13;
	v14 =	vor.u32 v14, v60  }
0x57b: {  	v4 =	vld.idx.msk [tilespmem:v4+s4+$0x0], $0xffff;
	v17 =	vor.u32 s1, v53;
	v14 =	vor.u32 v57, v14  }
0x57c: {  	v19 =	vadd.s32 $0x30, v27;
	[tilespmem:v39+s26+$0x0] =	vst.idx.msk $0xffff, v29;
	v18 =	vor.u32 v18, v60;
	v8 =	vld.idx.msk [tilespmem:v8+s4+$0x0], $0xffff  }
0x57d: {  	v27 =	vor.u32 v61, v60;
	v18 =	vor.u32 v57, v18;
	v9 =	vld.idx.msk [tilespmem:v9+s4+$0x0], $0xffff;
	[tilespmem:v7+s26+$0x0] =	vst.idx.msk $0xffff, v31  }
0x57e: {  	v20 =	vor.u32 v20, v60;
	v27 =	vor.u32 v57, v27;
	v34 =	vld [tilespmem:$0x1FFD0]  }
0x57f: {  	v19 =	vor.u32 s24, v19;
	v20 =	vor.u32 v57, v20;
	v13 =	vld.idx.msk [tilespmem:v13+s4+$0x0], $0xffff  }
0x580: {  	v63 =	vadd.s32 $0x20, v16;
	v62 =	vor.u32 s24, v48;
	v14 =	vld.idx.msk [tilespmem:v14+s4+$0x0], $0xffff;
	[tilespmem:v17+s26+$0x0] =	vst.idx.msk $0xffff, v32  }
0x581: {  	v29 =	vor.u32 s13, v63;
	v39 =	vld [tilespmem:$0x1FFC0]  }
0x582: {  	v18 =	vld.idx.msk [tilespmem:v18+s4+$0x0], $0xffff  }
0x583: {  	v63 =	vld.idx.msk [tilespmem:v27+s4+$0x0], $0xffff;
	v7 =	vor.u32 s13, v34  }
0x584: {  	[tilespmem:v19+s26+$0x0] =	vst.idx.msk $0xffff, v6;
	v19 =	vld.idx.msk [tilespmem:v20+s4+$0x0], $0xffff  }
0x585: {  	v6 =	vld [tilespmem:$0x1FDB0];
	[tilespmem:v62+s26+$0x0] =	vst.idx.msk $0xffff, v2  }
0x586: {  	v61 =	vld [tilespmem:$0x1FFB0];
	[tilespmem:v29+s26+$0x0] =	vst.idx.msk $0xffff, v4;
	v17 =	vor.u32 s13, v39  }
0x587: {  	v32 =	vld [tilespmem:$0x1FFA0]  }
0x588: {  	[tilespmem:v7+s26+$0x0] =	vst.idx.msk $0xffff, v8  }
0x589: {  	v7 =	vld [tilespmem:$0x1FDC0]  }
0x58a: {  	v6 =	vor.u32 s13, v6  }
0x58b: {  	v62 =	vor.u32 s13, v61;
	[tilespmem:v17+s26+$0x0] =	vst.idx.msk $0xffff, v9  }
0x58c: {  	v4 =	vor.u32 s13, v32;
	v8 =	vld [tilespmem:$0x1FDD0];
	_ =	sdelay $0x1  }
0x58d: {  	v7 =	vor.u32 s13, v7  }
0x58e: {  	v9 =	vld [tilespmem:$0x1E900];
	[tilespmem:v6+s26+$0x0] =	vst.idx.msk $0xffff, v13  }
0x58f: {  	v34 =	vld [tilespmem:$0x1E910];
	[tilespmem:v62+s26+$0x0] =	vst.idx.msk $0xffff, v14  }
0x590: {  	v55 =	vld [tilespmem:$0x1E920];
	[tilespmem:v4+s26+$0x0] =	vst.idx.msk $0xffff, v18;
	v8 =	vor.u32 s13, v8  }
0x591: {  	v29 =	vld [tilespmem:$0x1FE70]  }
0x592: {  	v13 =	vld [tilespmem:$0x1E930];
	[tilespmem:v7+s26+$0x0] =	vst.idx.msk $0xffff, v19  }
0x593: {  	v30 =	vld [tilespmem:$0x1FE80]  }
0x594: {  	v31 =	vld [tilespmem:$0x1FE90]  }
0x595: {  	v9 =	vor.u32 v9, v60;
	v14 =	vld [tilespmem:$0x1E940];
	[tilespmem:v8+s26+$0x0] =	vst.idx.msk $0xffff, v63  }
0x596: {  	v6 =	vor.u32 v57, v9;
	v9 =	vor.u32 v34, v60;
	v34 =	vld [tilespmem:$0x1FEB0]  }
0x597: {  	v4 =	vor.u32 s24, v29  }
0x598: {  	v7 =	vor.u32 s24, v30  }
0x599: {  	v17 =	vor.u32 s24, v31  }
0x59a: {  	v18 =	vor.u32 s24, v52;
	v39 =	vor.u32 v57, v9;
	v9 =	vor.u32 v55, v60;
	v19 =	vld [tilespmem:$0x1E960]  }
0x59b: {  	v9 =	vor.u32 v57, v9;
	v59 =	vld [tilespmem:$0x1E970];
	v14 =	vor.u32 v14, v60;
	v58 =	vor.u32 s24, v34  }
0x59c: {  	v61 =	vor.u32 s24, v50;
	v56 =	vor.u32 v57, v14;
	v14 =	vld [tilespmem:$0x1E950];
	[tilespmem:v4+s26+$0x0] =	vst.idx.msk $0xffff, v1  }
0x59d: {  	v13 =	vor.u32 v13, v60;
	[tilespmem:v7+s26+$0x0] =	vst.idx.msk $0xffff, v3  }
0x59e: {  	v13 =	vor.u32 v57, v13;
	v6 =	vld.idx.msk [tilespmem:v6+s4+$0x0], $0xffff;
	[tilespmem:v17+s26+$0x0] =	vst.idx.msk $0xffff, v5  }
0x59f: {  	v2 =	vld.idx.msk [tilespmem:v39+s4+$0x0], $0xffff;
	v19 =	vor.u32 v19, v60;
	[tilespmem:v18+s26+$0x0] =	vst.idx.msk $0xffff, v10  }
0x5a0: {  	v27 =	vor.u32 v59, v60;
	v4 =	vld.idx.msk [tilespmem:v9+s4+$0x0], $0xffff;
	v19 =	vor.u32 v57, v19;
	[tilespmem:v58+s26+$0x0] =	vst.idx.msk $0xffff, v12  }
0x5a1: {  	v62 =	vor.u32 v57, v27;
	v14 =	vor.u32 v14, v60;
	v32 =	vld [tilespmem:$0x1EB00];
	[tilespmem:v61+s26+$0x0] =	vst.idx.msk $0xffff, v11  }
0x5a2: {  	v3 =	vor.u32 s13, v41;
	v5 =	vor.u32 s13, v45;
	v14 =	vor.u32 v57, v14;
	v45 =	vld [tilespmem:$0x1EB10]  }
0x5a3: {  	v7 =	vld.idx.msk [tilespmem:v13+s4+$0x0], $0xffff  }
0x5a4: {  	v8 =	vld.idx.msk [tilespmem:v56+s4+$0x0], $0xffff  }
0x5a5: {  	v63 =	vor.u32 s13, v51;
	v17 =	vld.idx.msk [tilespmem:v19+s4+$0x0], $0xffff  }
0x5a6: {  	v9 =	vld.idx.msk [tilespmem:v62+s4+$0x0], $0xffff  }
0x5a7: {  	v13 =	vld.idx.msk [tilespmem:v14+s4+$0x0], $0xffff;
	v14 =	vor.u32 s13, v47;
	[tilespmem:v3+s26+$0x0] =	vst.idx.msk $0xffff, v6;
	v41 =	vor.u32 v45, v21  }
0x5a8: {  	v12 =	vor.u32 v32, v21;
	v11 =	vor.u32 v22, v41;
	v41 =	vld [tilespmem:$0x1EB20];
	[tilespmem:v5+s26+$0x0] =	vst.idx.msk $0xffff, v2  }
0x5a9: {  	v27 =	vor.u32 v22, v12;
	v39 =	vld [tilespmem:$0x1EB30]  }
0x5aa: {  	v6 =	vor.u32 s13, v43;
	[tilespmem:v63+s26+$0x0] =	vst.idx.msk $0xffff, v4  }
0x5ab: {  	v5 =	vor.u32 s13, v42;
	v42 =	vld [tilespmem:$0x1EB40]  }
0x5ac: {  	v43 =	vld [tilespmem:$0x1EB50];
	[tilespmem:v14+s26+$0x0] =	vst.idx.msk $0xffff, v7;
	v7 =	vor.u32 s13, v36  }
0x5ad: {  	v36 =	vld [tilespmem:$0x1EB60];
	v3 =	vor.u32 v41, v21  }
0x5ae: {  	v1 =	vld.idx.msk [tilespmem:v27+s4+$0x0], $0xffff;
	v3 =	vor.u32 v22, v3;
	v47 =	vor.u32 v39, v21  }
0x5af: {  	v2 =	vor.u32 v22, v47;
	v47 =	vld [tilespmem:$0x1EB70];
	[tilespmem:v6+s26+$0x0] =	vst.idx.msk $0xffff, v8  }
0x5b0: {  	v11 =	vld.idx.msk [tilespmem:v11+s4+$0x0], $0xffff;
	[tilespmem:v5+s26+$0x0] =	vst.idx.msk $0xffff, v13;
	v5 =	vor.u32 s13, v40  }
0x5b1: {  	v18 =	vor.u32 v25, v60;
	v4 =	vor.u32 v42, v21;
	v40 =	vld [tilespmem:$0x1FF10];
	[tilespmem:v7+s26+$0x0] =	vst.idx.msk $0xffff, v17  }
0x5b2: {  	v51 =	vor.u32 v43, v21;
	v4 =	vor.u32 v22, v4;
	v12 =	vor.u32 v36, v21;
	v25 =	vld [tilespmem:$0x1FF20]  }
0x5b3: {  	v10 =	vor.u32 v22, v51;
	v6 =	vor.u32 v22, v12;
	v3 =	vld.idx.msk [tilespmem:v3+s4+$0x0], $0xffff  }
0x5b4: {  	v12 =	vor.u32 v15, v60;
	v17 =	vor.u32 v57, v18;
	v14 =	vor.u32 v47, v21;
	v2 =	vld.idx.msk [tilespmem:v2+s4+$0x0], $0xffff  }
0x5b5: {  	v55 =	vor.u32 v22, v14;
	v14 =	vor.u32 v23, v60;
	v23 =	vld [tilespmem:$0x1FF30];
	[tilespmem:v5+s26+$0x0] =	vst.idx.msk $0xffff, v9  }
0x5b6: {  	v12 =	vor.u32 v57, v12;
	v15 =	vld [tilespmem:$0x1FF40]  }
0x5b7: {  	v56 =	vor.u32 v26, v60;
	v4 =	vld.idx.msk [tilespmem:v4+s4+$0x0], $0xffff;
	v13 =	vor.u32 s1, v40  }
0x5b8: {  	v62 =	vor.u32 s24, v38;
	v58 =	vor.u32 v37, v60;
	v10 =	vld.idx.msk [tilespmem:v10+s4+$0x0], $0xffff;
	v5 =	vor.u32 v57, v56  }
0x5b9: {  	v18 =	vor.u32 v24, v60;
	v14 =	vor.u32 v57, v14;
	v6 =	vld.idx.msk [tilespmem:v6+s4+$0x0], $0xffff;
	v7 =	vor.u32 s1, v25  }
0x5ba: {  	v61 =	vor.u32 v44, v60;
	v18 =	vor.u32 v57, v18;
	v17 =	vld.idx.msk [tilespmem:v17+s4+$0x0], $0xffff;
	v19 =	vor.u32 s1, v23  }
0x5bb: {  	v63 =	vor.u32 v46, v60;
	v9 =	vor.u32 v57, v58;
	v12 =	vld.idx.msk [tilespmem:v12+s4+$0x0], $0xffff;
	v59 =	vor.u32 s1, v15  }
0x5bc: {  	v16 =	vadd.s32 $0x30, v16;
	v21 =	vor.u32 v57, v61;
	v8 =	vld.idx.msk [tilespmem:v55+s4+$0x0], $0xffff;
	[tilespmem:v13+s26+$0x0] =	vst.idx.msk $0xffff, v35;
	v13 =	vor.u32 s24, v49  }
0x5bd: {  	v37 =	vor.u32 s13, v16;
	v27 =	vor.u32 v57, v63;
	v5 =	vld.idx.msk [tilespmem:v5+s4+$0x0], $0xffff;
	[tilespmem:v62+s26+$0x0] =	vst.idx.msk $0xffff, v1  }
0x5be: {  	v16 =	vor.u32 s13, v48;
	v14 =	vld.idx.msk [tilespmem:v14+s4+$0x0], $0xffff;
	[tilespmem:v7+s26+$0x0] =	vst.idx.msk $0xffff, v0  }
0x5bf: {  	v7 =	vld.idx.msk [tilespmem:v18+s4+$0x0], $0xffff;
	v18 =	vor.u32 s13, v29;
	[tilespmem:v19+s26+$0x0] =	vst.idx.msk $0xffff, v28  }
0x5c0: {  	v44 =	vor.u32 s13, v30;
	v9 =	vld.idx.msk [tilespmem:v9+s4+$0x0], $0xffff;
	[tilespmem:v59+s26+$0x0] =	vst.idx.msk $0xffff, v33  }
0x5c1: {  	v46 =	vor.u32 s13, v31;
	v19 =	vld.idx.msk [tilespmem:v21+s4+$0x0], $0xffff;
	[tilespmem:v13+s26+$0x0] =	vst.idx.msk $0xffff, v11  }
0x5c2: {  	v48 =	vor.u32 s13, v52;
	v13 =	vld.idx.msk [tilespmem:v27+s4+$0x0], $0xffff;
	[tilespmem:v37+s26+$0x0] =	vst.idx.msk $0xffff, v12  }
0x5c3: {  	v12 =	vor.u32 s13, v34;
	[tilespmem:v16+s26+$0x0] =	vst.idx.msk $0xffff, v14  }
0x5c4: {  	v14 =	vor.u32 s13, v50;
	[tilespmem:v18+s26+$0x0] =	vst.idx.msk $0xffff, v17  }
0x5c5: {  	v52 =	vor.u32 s24, v54;
	v16 =	vor.u32 v32, v60;
	[tilespmem:v44+s26+$0x0] =	vst.idx.msk $0xffff, v7  }
0x5c6: {  	v51 =	vor.u32 v57, v16;
	v17 =	vor.u32 v47, v60;
	[tilespmem:v46+s26+$0x0] =	vst.idx.msk $0xffff, v5  }
0x5c7: {  	v7 =	vor.u32 v45, v60;
	v58 =	vor.u32 v57, v17;
	[tilespmem:v48+s26+$0x0] =	vst.idx.msk $0xffff, v9  }
0x5c8: {  	v56 =	vor.u32 s24, v53;
	v5 =	vor.u32 v57, v7;
	v7 =	vor.u32 v41, v60;
	[tilespmem:v12+s26+$0x0] =	vst.idx.msk $0xffff, v19  }
0x5c9: {  	v55 =	vor.u32 v39, v60;
	v7 =	vor.u32 v57, v7;
	[tilespmem:v14+s26+$0x0] =	vst.idx.msk $0xffff, v13;
	v13 =	vor.u32 s24, v40  }
0x5ca: {  	[tilespmem:v52+s26+$0x0] =	vst.idx.msk $0xffff, v3;
	v9 =	vor.u32 v57, v55;
	v12 =	vor.u32 v42, v60;
	v19 =	vor.u32 s24, v25  }
0x5cb: {  	v16 =	vor.u32 v36, v60;
	v18 =	vor.u32 s24, v23;
	v12 =	vor.u32 v57, v12;
	v1 =	vld.idx.msk [tilespmem:v51+s4+$0x0], $0xffff  }
0x5cc: {  	v3 =	vor.u32 s24, v15;
	v16 =	vor.u32 v57, v16;
	v14 =	vor.u32 v43, v60;
	v0 =	vld.idx.msk [tilespmem:v58+s4+$0x0], $0xffff  }
0x5cd: {  	v59 =	vor.u32 s13, v38;
	[tilespmem:v56+s26+$0x0] =	vst.idx.msk $0xffff, v2;
	v14 =	vor.u32 v57, v14;
	v5 =	vld.idx.msk [tilespmem:v5+s4+$0x0], $0xffff  }
0x5ce: {  	v7 =	vld.idx.msk [tilespmem:v7+s4+$0x0], $0xffff;
	[tilespmem:v13+s26+$0x0] =	vst.idx.msk $0xffff, v4;
	v4 =	vor.u32 s13, v49  }
0x5cf: {  	v61 =	vor.u32 s13, v54;
	v9 =	vld.idx.msk [tilespmem:v9+s4+$0x0], $0xffff;
	[tilespmem:v19+s26+$0x0] =	vst.idx.msk $0xffff, v10  }
0x5d0: {  	v60 =	vld.idx.msk [tilespmem:v12+s4+$0x0], $0xffff;
	[tilespmem:v18+s26+$0x0] =	vst.idx.msk $0xffff, v6;
	v6 =	vor.u32 s13, v53  }
0x5d1: {  	v13 =	vld.idx.msk [tilespmem:v16+s4+$0x0], $0xffff;
	[tilespmem:v3+s26+$0x0] =	vst.idx.msk $0xffff, v8;
	v3 =	vor.u32 s13, v40  }
0x5d2: {  	v62 =	vor.u32 s13, v25;
	v12 =	vld.idx.msk [tilespmem:v14+s4+$0x0], $0xffff;
	[tilespmem:v59+s26+$0x0] =	vst.idx.msk $0xffff, v1  }
0x5d3: {  	v63 =	vor.u32 s13, v23;
	[tilespmem:v4+s26+$0x0] =	vst.idx.msk $0xffff, v5  }
0x5d4: {  	v4 =	vor.u32 s13, v15;
	[tilespmem:v61+s26+$0x0] =	vst.idx.msk $0xffff, v7  }
0x5d5: {  	[tilespmem:v6+s26+$0x0] =	vst.idx.msk $0xffff, v9  }
0x5d6: {  	s24 =	sadd.s32 s11, s3;
	[tilespmem:v3+s26+$0x0] =	vst.idx.msk $0xffff, v60  }
0x5d7: {  	p3 =	sne.s32 s2, $0x0;
	s2 =	sadd.s32 $0x2, s3;
	s1 =	sshll.u32 s24, $0xB;
	[tilespmem:v62+s26+$0x0] =	vst.idx.msk $0xffff, v12  }
0x5d8: {  	p4 =	slt.u32 @p3 s2, s9;
	s22 =	simm.s32 @p3 $0xC000;
	s1 =	sand.u32 $0x1FFFF800, s1;
	[tilespmem:v63+s26+$0x0] =	vst.idx.msk $0xffff, v13  }
0x5d9: {  	p4 =	por !p4, !p3;
	s1 =	sadd.s32 s6, s1;
	s13 =	simm.s32 @p3 $0x0;
	[tilespmem:v4+s26+$0x0] =	vst.idx.msk $0xffff, v0  }
0x5da: {  	[hbm4b:s1+s13] =	stream.linear.scatter @p3 [tilespmem:s22], [sflag:$0x4], $0x4000, $0x38;
	[tilespmem:$0x19000] =	vst v63  }
0x5db: {  	s13 =	sadd.s32 @!p4 s11, s2  }
0x5dc: {  	s13 =	sshll.u32 @!p4 s13, $0x8  }
0x5dd: {  	s23 =	simm.s32 @!p4 $0x4000;
	s13 =	sand.u32 @!p4 $0x1FFFFF00, s13  }
0x5de: {  	s24 =	simm.s32 @!p4 $0x7A1400;
	s22 =	simm.s32 @!p4 $0x800;
	s13 =	sadd.s32 @!p4 s0, s13  }
0x5df: {  	[tilespmem:s23], [sflag:$0x2] =	stream.strided.gather @!p4 [hbm4b:s13+s22], $0x4000, s24, s22, $0x38;
	[tilespmem:$0x19000] =	vst v63  }
0x5e0: {  	p4 =	slt.u32 @!p3 s2, s9;
	s13 =	simm.s32 @!p3 $0x0;
	s22 =	simm.s32 @!p3 $0x8000  }
0x5e1: {  	[hbm4b:s1+s13] =	stream.linear.scatter @!p3 [tilespmem:s22], [sflag:$0x3], $0x4000, $0x38;
	[tilespmem:$0x19000] =	vst v63  }
0x5e2: {  	p3 =	por !p4, p3  }
0x5e3: {  	s1 =	sadd.s32 @!p3 s11, s2  }
0x5e4: {  	s1 =	sshll.u32 @!p3 s1, $0x8  }
0x5e5: {  	s3 =	sadd.s32 $0x1, s3;
	s2 =	simm.s32 @!p3 $0x800;
	s1 =	sand.u32 @!p3 $0x1FFFFF00, s1  }
0x5e6: {  	s13 =	simm.s32 @!p3 $0x7A1400;
	s22 =	simm.s32 @!p3 $0x0;
	s1 =	sadd.s32 @!p3 s0, s1  }
0x5e7: {  	[tilespmem:s22], [sflag:$0x1] =	stream.strided.gather @!p3 [hbm4b:s1+s2], $0x4000, s13, s2, $0x38;
	[tilespmem:$0x19000] =	vst v63  }
0x5e8: {  	v13 =	vld [tilespmem:$0x1FFE0];
	p3 =	sne.s32 s3, s9  }
.Ltmp14:
0x5e9: {  	v14 =	vld [tilespmem:$0x1FFF0];
	(pc) =	sbr.rel @p3 .LBB2_20-.Ltmp14, $4  }
0x5ea: {  	v15 =	vld [tilespmem:$0x1FF60]  }
0x5eb: {  	v48 =	vld [tilespmem:$0x1FF80]  }
0x5ec: {  	v52 =	vld [tilespmem:$0x1FF70]  }
0x5ed: {  	p2 =	por !p2, !p2;
	v5 =	vlaneseq.u32;
	v16 =	vld [tilespmem:$0x1FF90]  }
0x5ee: {  	_ =	swait.ge [sflag:s28], $0x4000  }
0x5ef: {  	[sflag:s28] =	ssyncset.done $0x0  }
0x5f0: {  	[sflag:s28] =	ssyncadd.s32 $0xFFFFC000  }
0x5f1: {  	_ =	swait.ge [sflag:s29], $0x4000  }
0x5f2: {  	[sflag:s29] =	ssyncset.done $0x0  }
0x5f3: {  	[sflag:s29] =	ssyncadd.s32 $0xFFFFC000  }
0x5f4: {  	s1 =	simm.s32 @!p1 $0x0;
	s2 =	simm.s32 @!p1 $0x18000;
	s3 =	rddreg [dreg:$0x2]  }
0x5f5: {  	[tilespmem:s2], [sflag:$0x5] =	stream.linear.gather @!p1 [hbm4b:s3+s1], $0x1000, $0x38;
	[tilespmem:$0x19000] =	vst v63  }
0x5f6: {  	s3 =	simm.s32 @!p1 $0x5  }
0x5f7: {  	s31 =	sadd.s32 $0x1, s31;
	_ =	swait.ge @!p1 [sflag:s3], $0x1000  }
0x5f8: {  	p2 =	sne.s32 s31, s20;
	[sflag:s3] =	ssyncset.done @!p1 $0x0  }
.Ltmp15:
0x5f9: {  	[sflag:s3] =	ssyncadd.s32 @!p1 $0xFFFFF000;
	(pc) =	sbr.rel @p2 .LBB2_1-.Ltmp15, $4  }
0x5fa: {  	[hbm4b:s19+s1] =	stream.linear.scatter @!p1 [tilespmem:s2], [sflag:$0x5], $0x1000, $0x38;
	[tilespmem:$0x19000] =	vst v63  }
0x5fb: {  	_ =	swait.ge @!p1 [sflag:s3], $0x1000  }
0x5fc: {  	[sflag:s3] =	ssyncset.done @!p1 $0x0  }
0x5fd: {  	[sflag:s3] =	ssyncadd.s32 @!p1 $0xFFFFF000  }
0x5fe: {  	_ =	sfence.sel $0x180000  }
0x5ff: {  	[bflag:$0x0] =	sbarrier.arrive $0xFFFF  }
0x600: {  	_ =	strace $0x90000047  }
0x601: {  	s0 =	stileid.u32;
	[bflag:$0x2] =	sbarrier.arrive $0xFFFF  }
0x602: {  	p0 =	sne.s32 s0, $0x0;
	s0 =	rddreg [dreg:$0x4]  }
0x603: {  	s0 =	sadd.s32 @!p0 $0x100000, s0  }
0x604: {  	[sflag:s0] =	ssyncadd.tile.s32 @!p0 $0x1;
	_ =	shalt  }
.Lfunc_end2:
_tile_overlayer_lowered:
.L_overlay_start_2:
0x605: {  	(tag) =	ssettag $0x2  }
0x606: {  	s0 =	rddreg [dreg:$0x0];
	s2 =	stileid.u32  }
0x607: {  	s1 =	rddreg [dreg:$0x1];
	p0 =	sne.s32 s2, $0x0  }
0x608: {  	s3 =	rddreg [dreg:$0x2];
	[bflag:$0x3] =	sbarrier.arrive $0xFFFF;
	s2 =	simm.s32 @!p0 $0x1C05  }
0x609: {  	[timem:s3], [sflag:s2] =	dma.local @!p0 [hbm:s0], s1  }
0x60a: {  	s0 =	simm.s32 @!p0 $0x5  }
0x60b: {  	_ =	swait.ge @!p0 [sflag:s0], s1  }
0x60c: {  	s1 =	ssub.s32 @!p0 $0x0, s1;
	[sflag:s0] =	ssyncset.done @!p0 $0x0  }
0x60d: {  	[sflag:s0] =	ssyncadd.s32 @!p0 s1  }
0x60e: {  	[bflag:$0x3] =	sbarrier.arrive $0xFFFF  }
0x60f: {  	_ =	shalt  }

// kernel: kernel.7.cloned.1.call-start
scs
__scs_entry_jumppad:
0x0: {  	(pc) =	sbr.rel $0x88, $3  }
0x1: {  	(tag) =	ssettag $0x0;
	lr =	simm.s32 $0x1  }
0x2: {  	[smem:$0x3F9F] =	sst lr;
	_ =	strace $0xD0000000  }
0x3: {  	_ = 	snop  }
0x4: {  	_ = 	snop  }
0x5: {  	_ = 	snop  }
0x6: {  	_ = 	snop  }
0x7: {  	_ = 	snop  }
__scs_overlays_trampoline_lowered:
0x8: {  	[smem:$0x3FAE] =	sst s0  }
0x9: {  	[smem:$0x3FAF] =	sst s1  }
0xa: {  	[smem:$0x3FB0] =	sst s2  }
0xb: {  	[smem:$0x3FB1] =	sst s3  }
0xc: {  	[smem:$0x3FB2] =	sst s4  }
0xd: {  	[smem:$0x3FB3] =	sst s5  }
0xe: {  	[smem:$0x3FB4] =	sst s6  }
0xf: {  	[smem:$0x3FB5] =	sst s7  }
0x10: {  	[smem:$0x3FB6] =	sst s8  }
0x11: {  	[smem:$0x3FB7] =	sst s9;
	s0 =	simm.s32 @!p0 $0x0  }
0x12: {  	s1 =	sld [smem:$0x3F9D];
	s0 =	simm.s32 @p0 $0x1  }
0x13: {  	[smem:$0x3FB8] =	sst s0;
	s0 =	simm.s32 @!p1 $0x0  }
0x14: {  	s2 =	sld [smem:$0x3F9C];
	s0 =	simm.s32 @p1 $0x1  }
0x15: {  	[smem:$0x3FB9] =	sst s0;
	s0 =	simm.s32 @!p2 $0x0  }
0x16: {  	s3 =	sld [smem:$0x3FDB];
	s0 =	simm.s32 @p2 $0x1  }
0x17: {  	s4 =	simm.s32 $0x1BF5;
	[smem:$0x3FBB] =	sst s0  }
0x18: {  	s0 =	sld [smem:$0x3F9E];
	_ =	swait.ge [sflag:s4], $0x0  }
0x19: {  	s7 =	sld [smem:$0x3F9F]  }
0x1a: {  	s8 =	sadd.s32 $0xFFFFE003, lr  }
0x1b: {  	s9 =	sadd.s32 $0xFFFFFEF7, lr;
	s5 =	simm.s32 $0xFFFFFFFF;
	p2 =	slt.u32 s8, $0xFFFFF086  }
0x1c: {  	p1 =	slt.u32 s9, $0xF7A;
	s5 =	simm.s32 @!p2 $0x0  }
0x1d: {  	s5 =	simm.s32 @p1 $0x1;
	p0 =	seq.s32 s7, s2  }
0x1e: {  	s7 =	smul.u32 @!p0 $0xF7A, s2;
	p2 =	seq.s32 @!p0 s5, $0x0  }
0x1f: {  	s9 =	smul.u32 $0xF7A, s1;
	s8 =	simm.s32 @!p0 $0x1BF5;
	p2 =	por !p2, p0  }
0x20: {  	[sflag:s8] =	ssyncset.s32 @!p0 $0xFFFFF086;
	s6 =	sadd.s32 @!p0 s3, s7;
	s7 =	simm.s32 @!p0 $0x108  }
0x21: {  	s3 =	sadd.s32 s3, s9;
	s6 =	sadd.s32 @!p0 $0x88, s6;
	s7 =	simm.s32 @p2 $0x1082  }
0x22: {  	[simem:s7], [sflag:s8] =	dma.local @!p0 [hbm:s6], $0xF7A  }
0x23: {  	s9 =	sor.u32 $0xD0000000, s2;
	s6 =	simm.s32 $0x108;
	_ =	swait.ge @!p0 [sflag:s8], $0x0  }
0x24: {  	s3 =	sadd.s32 $0x88, s3;
	s6 =	simm.s32 @!p1 $0x1082;
	[sflag:s4] =	ssyncset.s32 $0xFFFFF086  }
0x25: {  	[simem:s6], [sflag:s4] =	dma.local [hbm:s3], $0xF7A  }
0x26: {  	[smem:$0x3F9F] =	sst s1;
	(tag) =	ssettag s2;
	_ =	strace s9  }
0x27: {  	s1 =	sld [smem:$0x3FAF]  }
0x28: {  	s2 =	sld [smem:$0x3FB0]  }
0x29: {  	s4 =	sld [smem:$0x3FB2]  }
0x2a: {  	p0 =	seq.s32 s5, $0x0;
	s5 =	sld [smem:$0x3FB3]  }
0x2b: {  	s6 =	sld [smem:$0x3FB4]  }
0x2c: {  	s7 =	sld [smem:$0x3FB5]  }
0x2d: {  	s3 =	simm.s32 $0x108;
	s8 =	sld [smem:$0x3FB6]  }
0x2e: {  	s3 =	simm.s32 @!p0 $0x1082;
	s9 =	sld [smem:$0x3FB7]  }
0x2f: {  	lr =	sadd.s32 s0, s3;
	s0 =	sld [smem:$0x3FAE]  }
0x30: {  	s3 =	sld [smem:$0x3FB1]  }
0x31: {  	[smem:$0x3FBA] =	sst s10  }
0x32: {  	s10 =	sld [smem:$0x3FB8];
	_ =	sdelay $0x3  }
0x33: {  	p0 =	seq.s32 s10, $0x1;
	s10 =	sld [smem:$0x3FBA];
	_ =	sdelay $0x3  }
0x34: {  	[smem:$0x3FBA] =	sst s10  }
0x35: {  	s10 =	sld [smem:$0x3FB9];
	_ =	sdelay $0x3  }
0x36: {  	p1 =	seq.s32 s10, $0x1;
	s10 =	sld [smem:$0x3FBA];
	_ =	sdelay $0x3  }
0x37: {  	[smem:$0x3FBA] =	sst s10  }
0x38: {  	s10 =	sld [smem:$0x3FBB]  }
0x39: {  	_ = 	snop;
	(pc) =	sbr.ind lr, $3  }
0x3a: {  	_ = 	snop  }
0x3b: {  	_ = 	snop  }
0x3c: {  	p2 =	seq.s32 s10, $0x1;
	s10 =	sld [smem:$0x3FBA]  }
0x3d: {  	_ =	shalt  }
0x3e: {  	_ =	shalt  }
0x3f: {  	_ =	shalt  }
0x40: {  	_ =	shalt  }
0x41: {  	_ =	shalt  }
0x42: {  	_ =	shalt  }
0x43: {  	_ =	shalt  }
0x44: {  	_ =	shalt  }
0x45: {  	_ =	shalt  }
0x46: {  	_ =	shalt  }
0x47: {  	_ =	shalt  }
0x48: {  	_ =	shalt  }
0x49: {  	_ =	shalt  }
0x4a: {  	_ =	shalt  }
0x4b: {  	_ =	shalt  }
0x4c: {  	_ =	shalt  }
0x4d: {  	_ =	shalt  }
0x4e: {  	_ =	shalt  }
0x4f: {  	_ =	shalt  }
0x50: {  	_ =	shalt  }
0x51: {  	_ =	shalt  }
0x52: {  	_ =	shalt  }
0x53: {  	_ =	shalt  }
0x54: {  	_ =	shalt  }
0x55: {  	_ =	shalt  }
0x56: {  	_ =	shalt  }
0x57: {  	_ =	shalt  }
0x58: {  	_ =	shalt  }
0x59: {  	_ =	shalt  }
0x5a: {  	_ =	shalt  }
0x5b: {  	_ =	shalt  }
0x5c: {  	_ =	shalt  }
0x5d: {  	_ =	shalt  }
0x5e: {  	_ =	shalt  }
0x5f: {  	_ =	shalt  }
0x60: {  	_ =	shalt  }
0x61: {  	_ =	shalt  }
0x62: {  	_ =	shalt  }
0x63: {  	_ =	shalt  }
0x64: {  	_ =	shalt  }
0x65: {  	_ =	shalt  }
0x66: {  	_ =	shalt  }
0x67: {  	_ =	shalt  }
0x68: {  	_ =	shalt  }
0x69: {  	_ =	shalt  }
0x6a: {  	_ =	shalt  }
0x6b: {  	_ =	shalt  }
0x6c: {  	_ =	shalt  }
0x6d: {  	_ =	shalt  }
0x6e: {  	_ =	shalt  }
0x6f: {  	_ =	shalt  }
0x70: {  	_ =	shalt  }
0x71: {  	_ =	shalt  }
0x72: {  	_ =	shalt  }
0x73: {  	_ =	shalt  }
0x74: {  	_ =	shalt  }
0x75: {  	_ =	shalt  }
0x76: {  	_ =	shalt  }
0x77: {  	_ =	shalt  }
0x78: {  	_ =	shalt  }
0x79: {  	_ =	shalt  }
0x7a: {  	_ =	shalt  }
0x7b: {  	_ =	shalt  }
0x7c: {  	_ =	shalt  }
0x7d: {  	_ =	shalt  }
0x7e: {  	_ =	shalt  }
0x7f: {  	_ =	shalt  }
0x80: {  	_ =	shalt  }
0x81: {  	_ =	shalt  }
0x82: {  	_ =	shalt  }
0x83: {  	_ =	shalt  }
0x84: {  	_ =	shalt  }
0x85: {  	_ =	shalt  }
0x86: {  	_ =	shalt  }
0x87: {  	_ =	shalt  }
.Lfunc_end0:
.L_simem_size_0:
called_computation.1_lowered:
.L_overlay_start_0:
0x88: {  	s2 =	sld [smem:$0x3FD9]  }
0x89: {  	s3 =	sld [smem:$0x3FFE];
	_ =	sdelay $0x1  }
0x8a: {  	s1 =	srdreg.scid  }
0x8b: {  	s0 =	sand.u32 $0x1, s1  }
0x8c: {  	s17 =	sshll.u32 s0, $0xA;
	s2 =	sadd.s32 s3, s2  }
0x8d: {  	s2 =	sadd.s32 s2, s17  }
0x8e: {  	[smem:$0x3FC6] =	sst s2  }
0x8f: {  	_ = 	snop  }
0x90: {  	s2 =	sld [smem:$0x3FD0];
	(tm) =	ssettm $0x1  }
0x91: {  	s18 =	sld [smem:$0x3FFB];
	_ =	sdelay $0x3  }
0x92: {  	_ =	strace s18  }
0x93: {  	s3 =	sld [smem:$0x3FFC];
	_ =	sdelay $0x3  }
0x94: {  	_ =	strace s3  }
0x95: {  	s3 =	sld [smem:$0x3FFD];
	_ =	sdelay $0x3  }
0x96: {  	_ =	strace s3  }
0x97: {  	_ =	strace $0x8FFFFFFF  }
0x98: {  	s19 =	sld [smem:$0x3FDB];
	_ =	sdelay $0x1  }
0x99: {  	s4 =	simm.s32 $_scs_section_size  }
0x9a: {  	s5 =	simm.s32 $_size__tile_overlayer_lowered;
	s6 =	simm.s32 $_tile_overlayer_lowered  }
0x9b: {  	s22 =	simm.s32 $0x1BFF;
	s21 =	sshll.u32 s6, $0x1;
	s3 =	sadd.s32 s4, s19  }
0x9c: {  	s7 =	simm.s32 $0x0;
	s20 =	sshll.u32 s5, $0x1;
	s5 =	sadd.s32 s21, s3  }
0x9d: {  	[timem:s7], [sflag:s22] =	dma.local [hbm:s5], s20  }
0x9e: {  	_ =	swait.ge [sflag:s22], s20  }
0x9f: {  	s4 =	ssub.s32 $0x0, s20;
	[sflag:s22] =	ssyncset.done $0x0  }
0xa0: {  	[sflag:s22] =	ssyncadd.s32 s4;
	_ =	sdelay $0x1  }
0xa1: {  	s23 =	simm.s32 $0x1B8B  }
0xa2: {  	_ =	swait.ge [sflag:s23], $0x1  }
0xa3: {  	[sflag:s23] =	ssyncset.done $0x0  }
0xa4: {  	s25 =	simm.s32 $0x1B8E;
	s24 =	sld [smem:$0x3FFE];
	[sflag:s23] =	ssyncadd.s32 $0xFFFFFFFF  }
0xa5: {  	s26 =	simm.s32 $execute0_lowered;
	[smem:$0x3FD2] =	sst s25  }
0xa6: {  	s5 =	sshll.u32 s26, $0x1;
	_ =	strace $0x80000049;
	[dreg:$0x1] =	wrdreg $0xFFFFFFFF  }
0xa7: {  	s28 =	simm.s32 $_size_execute0_lowered;
	s3 =	sadd.s32 s3, s5;
	[dreg:$0x0] =	wrdreg $0x0  }
0xa8: {  	s5 =	sshll.u32 s28, $0x1;
	[dreg:$0x2] =	wrdreg s3  }
0xa9: {  	[dreg:$0x3] =	wrdreg s5  }
0xaa: {  	[dreg:$0x4] =	wrdreg $0xC0  }
0xab: {  	_ =	task [dreg:s7], $0x5FFFF  }
0xac: {  	[dreg:$0x1] =	wrdreg $0xFFFFFFFF  }
0xad: {  	[dreg:$0x0] =	wrdreg $0x60  }
0xae: {  	[dreg:$0x2] =	wrdreg s24  }
0xaf: {  	[dreg:$0x3] =	wrdreg s2  }
0xb0: {  	[dreg:$0x4] =	wrdreg $0x9  }
0xb1: {  	_ =	task.clear_ibuf [dreg:s7], $0x5FFFF;
	_ =	strace $0x90000049  }
0xb2: {  	s29 =	simm.s32 $0x9;
	_ =	strace $0x8000004B  }
0xb3: {  	_ =	swait.ge [sflag:s29], $0x1  }
0xb4: {  	[sflag:s29] =	ssyncadd.s32 $0xFFFFFFFF  }
0xb5: {  	_ =	strace $0x9000004B  }
0xb6: {  	_ =	sfence  }
0xb7: {  	s30 =	sld [smem:$0x0];
	_ =	sdelay $0x2  }
0xb8: {  	s31 =	sshll.u32 s1, $0xD;
	s1 =	sshrl.u32 s1, $0x2  }
0xb9: {  	s3 =	sand.u32 $0x4000, s31;
	s1 =	sadd.s32 s1, s30  }
0xba: {  	s0 =	sor.u32 s3, s0;
	s1 =	sshll.u32 s1, $0x11  }
0xbb: {  	s0 =	sor.u32 s1, s0  }
0xbc: {  	s0 =	sadd.s32 $0x8F2B, s0  }
0xbd: {  	[sflag:s0] =	ssyncadd.remote.s32 $0x1  }
0xbe: {  	_ =	sfence.sel $0xFFFF  }
0xbf: {  	[dreg:$0x0] =	wrdreg $0xFFFFFFFF;
	(pc) =	sbr.abs _section_cstart, $3  }
0xc0: {  	[dreg:$0x1] =	wrdreg $0xFFFFFFFF  }
0xc1: {  	_ =	task.clear_ibuf [dreg:s7], $0x2FFFF;
	_ =	strace $0x9FFFFFFF  }
0xc2: {  	(tm) =	ssettm $0x7FFFFFFF  }
0xc3: {  	_ =	shalt  }
tec
execute0_lowered:
.L_overlay_start_1:
0x0: {  	(tag) =	ssettag $0x1  }
0x1: {  	s0 =	srdreg.scid  }
0x2: {  	s1 =	stileid.u32;
	s6 =	rddreg [dreg:$0x0]  }
0x3: {  	s2 =	rddreg [dreg:$0x1];
	s3 =	simm.s32 $0x0;
	s11 =	simm.s32 $0x80  }
0x4: {  	s12 =	simm.s32 $0x1;
	s0 =	sand.u32 $0x1, s0;
	s1 =	sshll.u32 s1, $0x1  }
0x5: {  	s14 =	simm.s32 $0x2;
	s16 =	simm.s32 $0x3;
	s1 =	sor.u32 s0, s1  }
0x6: {  	s17 =	simm.s32 $0x5;
	s18 =	simm.s32 $0x4100;
	s4 =	smul.u32 $0x6400, s1  }
0x7: {  	s19 =	simm.s32 $0x6;
	s20 =	simm.s32 $0x4;
	s5 =	sshll.u32 s1, $0xA  }
0x8: {  	v0 =	vlaneseq.u32;
	[smem:$0x7FF] =	sst s3;
	s5 =	sand.u32 $0xC00, s5;
	s7 =	sand.u32 $0xFF000, s4  }
0x9: {  	s21 =	simm.s32 $0x0;
	v0 =	vmul.u32 $0x48, v0;
	_ =	strace $0x8000004A;
	s7 =	sor.u32 s5, s7  }
0xa: {  	s0 =	ssub.s32 $0x2, s0;
	s4 =	sadd.s32 $0x7A1E00, s6;
	s31 =	sshrl.u32 s7, $0x3  }
0xb: {  	s8 =	sshrl.u32 s0, $0x1;
	v1 =	vadd.s32 $0x480, v0;
	s5 =	smul.u32 $0xC8, s1;
	s7 =	sadd.s32 s4, s31  }
0xc: {  	v2 =	vadd.s32 $0x900, v0;
	v3 =	vadd.s32 $0xD80, v0;
	v4 =	vadd.s32 $0x1200, v0;
	s0 =	ssub.s32 s0, s8;
	s6 =	sadd.s32 $0xC00, s6;
	s1 =	sadd.s32 $0x10, s7  }
0xd: {  	v5 =	vadd.s32 $0x1680, v0;
	v6 =	vadd.s32 $0x1B00, v0;
	v7 =	vadd.s32 $0x1F80, v0;
	s10 =	smax.u32 s0, $0x1;
	s9 =	sor.u32 $0x2, s5;
	[dreg:$0x3] =	wrdreg s1  }
.LBB2_1:
0xe: {  	[tilespmem:s3], [sflag:$0x1] =	stream.linear.gather [hbm4b:s7+s3], $0x80, $0x38;
	[tilespmem:$0xA500] =	vst v63  }
0xf: {  	s0 =	rddreg [dreg:$0x3]  }
0x10: {  	[tilespmem:s11], [sflag:$0x2] =	stream.linear.gather [hbm4b:s0+s3], $0x80, $0x38;
	[tilespmem:$0xA500] =	vst v63  }
0x11: {  	_ =	swait.ge [sflag:s12], $0x80  }
0x12: {  	[sflag:s12] =	ssyncset.done $0x0  }
0x13: {  	s30 =	simm.s32 $0x100;
	[sflag:s12] =	ssyncadd.s32 $0xFFFFFF80  }
0x14: {  	[tilespmem:s30], [sflag:$0x3] =	stream.indirect.gather [hbm4b:s6+s11], $0x40, s3, s11, $0xb8;
	[tilespmem:$0xA500] =	vst v63  }
0x15: {  	_ =	swait.ge [sflag:s14], $0x80  }
0x16: {  	s31 =	simm.s32 $0x2100;
	[sflag:s14] =	ssyncset.done $0x0  }
0x17: {  	p0 =	por $0x0, $0x0;
	s22 =	simm.s32 $0x0;
	[sflag:s14] =	ssyncadd.s32 $0xFFFFFF80  }
0x18: {  	[tilespmem:s31], [sflag:$0x4] =	stream.indirect.gather [hbm4b:s6+s11], $0x40, s11, s11, $0xb8;
	[tilespmem:$0xA500] =	vst v63  }
.LBB2_2:
0x19: {  	s23 =	sand.u32 $0x1, s22  }
0x1a: {  	p1 =	seq.s32 s23, $0x1  }
.Ltmp0:
0x1b: {  	_ = 	snop;
	(pc) =	sbr.rel @p1 .LBB2_5-.Ltmp0, $2  }
0x1c: {  	_ =	sdelay $0x2  }
0x1d: {  	p2 =	slt.u32 s22, $0xC6  }
0x1e: {  	p3 =	slt.u32 s22, $0xC6  }
0x1f: {  	p1 =	sgt.u32 @p3 s22, $0x1  }
0x20: {  	p4 =	por !p3, p1  }
.Ltmp1:
0x21: {  	s0 =	sadd.s32 @p3 s22, s9;
	(pc) =	sbr.rel @!p4 .LBB2_8-.Ltmp1, $4  }
0x22: {  	_ =	swait.ge [sflag:s16], $0x2000;
	s0 =	sshll.u32 @p3 s0, $0x4  }
0x23: {  	[sflag:s16] =	ssyncset.done $0x0;
	s1 =	simm.s32 @p3 $0x0;
	s0 =	sand.u32 @p3 $0xFFFFFE0, s0  }
0x24: {  	[sflag:s16] =	ssyncadd.s32 $0xFFFFE000;
	p1 =	por @p3 $0x1, $0x1;
	s0 =	sadd.s32 @p3 s4, s0  }
0x25: {  	[tilespmem:s1], [sflag:$0x1] =	stream.linear.gather @p3 [hbm4b:s0+s1], $0x80, $0x38;
	[tilespmem:$0xA500] =	vst v63  }
.Ltmp2:
0x26: {  	(pc) =	sbr.rel .LBB2_7-.Ltmp2, $3  }
0x27: {  	_ =	sdelay $0x1  }
0x28: {  	s0 =	simm.s32 $0x5  }
0x29: {  	s0 =	simm.s32 @p3 $0x5  }
.LBB2_5:
0x2a: {  	p1 =	slt.u32 @p2 s22, $0x2  }
0x2b: {  	p3 =	por !p2, !p1  }
.Ltmp3:
0x2c: {  	s0 =	sadd.s32 @p2 s22, s9;
	(pc) =	sbr.rel @!p3 .LBB2_8-.Ltmp3, $4  }
0x2d: {  	_ =	swait.ge [sflag:s20], $0x2000;
	s1 =	simm.s32 @p2 $0x0;
	s0 =	sshll.u32 @p2 s0, $0x4  }
0x2e: {  	s13 =	simm.s32 @p2 $0x80;
	[sflag:s20] =	ssyncset.done $0x0;
	s0 =	sand.u32 @p2 $0xFFFFFF0, s0  }
0x2f: {  	p1 =	por @p2 $0x1, $0x1;
	[sflag:s20] =	ssyncadd.s32 $0xFFFFE000;
	s0 =	sadd.s32 @p2 s4, s0  }
0x30: {  	[tilespmem:s13], [sflag:$0x2] =	stream.linear.gather @p2 [hbm4b:s0+s1], $0x80, $0x38;
	[tilespmem:$0xA500] =	vst v63  }
0x31: {  	s0 =	simm.s32 $0x6  }
0x32: {  	s0 =	simm.s32 @p2 $0x6  }
.LBB2_7:
0x33: {  	_ =	swait.ge [sflag:s0], $0x2000  }
0x34: {  	[sflag:s0] =	ssyncset.done $0x0  }
0x35: {  	p1 =	por p2, p2;
	[sflag:s0] =	ssyncadd.s32 $0xFFFFE000  }
.LBB2_8:
0x36: {  	s0 =	simm.s32 $0x1  }
0x37: {  	s0 =	simm.s32 @!p0 $0x0  }
0x38: {  	s0 =	sshll.u32 s0, $0xD  }
0x39: {  	s28 =	sor.u32 $0x180, s0  }
0x3a: {  	v8 =	vld [tilespmem:s28+$0x0]  }
0x3b: {  	v9 =	vld [tilespmem:s28+$0xFFFFFF80];
	_ =	sdelay $0x2  }
0x3c: {  	s24 =	sadd.s32 $0x6540, s0;
	s0 =	simm.s32 $0x4190  }
0x3d: {  	[tilespmem:s0+$0x0] =	vst v8  }
0x3e: {  	[tilespmem:s0+$0xFFFFFF70] =	vst v9;
	v8 =	vld [tilespmem:s28+$0x10]  }
0x3f: {  	v9 =	vld [tilespmem:s28+$0xFFFFFF90];
	_ =	sdelay $0x3  }
0x40: {  	[tilespmem:s0+$0x10] =	vst v8  }
0x41: {  	[tilespmem:s0+$0xFFFFFF80] =	vst v9;
	v8 =	vld [tilespmem:s28+$0x20]  }
0x42: {  	v9 =	vld [tilespmem:s28+$0xFFFFFFA0];
	_ =	sdelay $0x1  }
0x43: {  	s13 =	sadd.s32 $0x100, s28  }
0x44: {  	v10 =	vld [tilespmem:s13+$0x0]  }
0x45: {  	v11 =	vld [tilespmem:s13+$0xFFFFFF80];
	[tilespmem:s0+$0x20] =	vst v8  }
0x46: {  	[tilespmem:s0+$0xFFFFFF90] =	vst v9;
	v8 =	vld [tilespmem:s28+$0x30]  }
0x47: {  	v9 =	vld [tilespmem:s28+$0xFFFFFFB0]  }
0x48: {  	s1 =	simm.s32 $0x42B0  }
0x49: {  	[tilespmem:s1+$0x0] =	vst v10  }
0x4a: {  	[tilespmem:s1+$0xFFFFFF70] =	vst v11;
	v10 =	vld [tilespmem:s13+$0x10]  }
0x4b: {  	v11 =	vld [tilespmem:s13+$0xFFFFFF90];
	[tilespmem:s0+$0x30] =	vst v8  }
0x4c: {  	[tilespmem:s0+$0xFFFFFFA0] =	vst v9;
	v8 =	vld [tilespmem:s28+$0x40]  }
0x4d: {  	v9 =	vld [tilespmem:s28+$0xFFFFFFC0];
	_ =	sdelay $0x1  }
0x4e: {  	[tilespmem:s1+$0x10] =	vst v10  }
0x4f: {  	[tilespmem:s1+$0xFFFFFF80] =	vst v11;
	v10 =	vld [tilespmem:s13+$0x20]  }
0x50: {  	v11 =	vld [tilespmem:s13+$0xFFFFFFA0];
	[tilespmem:s0+$0x48] =	vst v8  }
0x51: {  	[tilespmem:s0+$0xFFFFFFB8] =	vst v9;
	v8 =	vld [tilespmem:s28+$0x50]  }
0x52: {  	s25 =	sadd.s32 $0x100, s13;
	v9 =	vld [tilespmem:s28+$0xFFFFFFD0]  }
0x53: {  	v12 =	vld [tilespmem:s25+$0x0]  }
0x54: {  	v13 =	vld [tilespmem:s25+$0xFFFFFF80];
	[tilespmem:s1+$0x20] =	vst v10  }
0x55: {  	[tilespmem:s1+$0xFFFFFF90] =	vst v11;
	v10 =	vld [tilespmem:s13+$0x30]  }
0x56: {  	v11 =	vld [tilespmem:s13+$0xFFFFFFB0];
	[tilespmem:s0+$0x58] =	vst v8  }
0x57: {  	s26 =	simm.s32 $0x43D0;
	[tilespmem:s0+$0xFFFFFFC8] =	vst v9;
	v8 =	vld [tilespmem:s28+$0x60]  }
0x58: {  	[tilespmem:s26+$0x0] =	vst v12;
	v9 =	vld [tilespmem:s28+$0xFFFFFFE0]  }
0x59: {  	[tilespmem:s26+$0xFFFFFF70] =	vst v13;
	v12 =	vld [tilespmem:s25+$0x10]  }
0x5a: {  	v13 =	vld [tilespmem:s25+$0xFFFFFF90];
	[tilespmem:s1+$0x30] =	vst v10  }
0x5b: {  	[tilespmem:s1+$0xFFFFFFA0] =	vst v11;
	v10 =	vld [tilespmem:s13+$0x40]  }
0x5c: {  	v14 =	vld [tilespmem:s13+$0xFFFFFFC0];
	[tilespmem:s0+$0x68] =	vst v8  }
0x5d: {  	[tilespmem:s0+$0xFFFFFFD8] =	vst v9;
	v15 =	vld [tilespmem:s28+$0x70]  }
0x5e: {  	[tilespmem:s26+$0x10] =	vst v12;
	v8 =	vld [tilespmem:s28+$0xFFFFFFF0]  }
0x5f: {  	[tilespmem:s26+$0xFFFFFF80] =	vst v13;
	v11 =	vld [tilespmem:s25+$0x20]  }
0x60: {  	v12 =	vld [tilespmem:s25+$0xFFFFFFA0];
	[tilespmem:s1+$0x48] =	vst v10  }
0x61: {  	[tilespmem:s1+$0xFFFFFFB8] =	vst v14;
	v9 =	vld [tilespmem:s13+$0x50]  }
0x62: {  	s29 =	sadd.s32 $0x100, s25;
	v10 =	vld [tilespmem:s13+$0xFFFFFFD0];
	s28 =	simm.s32 $0x8;
	[tilespmem:s0+$0x78] =	vst v15  }
.LBB2_9:
0x63: {  	v13 =	vld [tilespmem:s29+$0x0];
	s28 =	sadd.s32 $0x4, s28;
	[tilespmem:s0+$0xFFFFFFE8] =	vst v8;
	s0 =	smov.u32 s1;
	s1 =	smov.u32 s26  }
0x64: {  	v8 =	vld [tilespmem:s29+$0xFFFFFF80];
	p2 =	slt.u32 s28, $0x7C;
	[tilespmem:s26+$0x20] =	vst v11  }
0x65: {  	[tilespmem:s26+$0xFFFFFF90] =	vst v12;
	v11 =	vld [tilespmem:s25+$0x30]  }
0x66: {  	v12 =	vld [tilespmem:s25+$0xFFFFFFB0];
	[tilespmem:s0+$0x58] =	vst v9  }
0x67: {  	s26 =	sadd.s32 $0x120, s26;
	[tilespmem:s0+$0xFFFFFFC8] =	vst v10;
	v9 =	vld [tilespmem:s13+$0x60]  }
0x68: {  	[tilespmem:s26+$0x0] =	vst v13;
	v10 =	vld [tilespmem:s13+$0xFFFFFFE0]  }
0x69: {  	[tilespmem:s26+$0xFFFFFF70] =	vst v8;
	v8 =	vld [tilespmem:s29+$0x10]  }
0x6a: {  	v13 =	vld [tilespmem:s29+$0xFFFFFF90];
	[tilespmem:s1+$0x30] =	vst v11  }
0x6b: {  	[tilespmem:s1+$0xFFFFFFA0] =	vst v12;
	v14 =	vld [tilespmem:s25+$0x40]  }
0x6c: {  	v15 =	vld [tilespmem:s25+$0xFFFFFFC0];
	[tilespmem:s0+$0x68] =	vst v9  }
0x6d: {  	[tilespmem:s0+$0xFFFFFFD8] =	vst v10;
	v16 =	vld [tilespmem:s13+$0x70]  }
.Ltmp4:
0x6e: {  	[tilespmem:s26+$0x10] =	vst v8;
	v8 =	vld [tilespmem:s13+$0xFFFFFFF0];
	s13 =	smov.u32 s25;
	s25 =	smov.u32 s29;
	(pc) =	sbr.rel @p2 .LBB2_9-.Ltmp4, $4  }
0x6f: {  	[tilespmem:s26+$0xFFFFFF80] =	vst v13;
	v11 =	vld [tilespmem:s29+$0x20]  }
0x70: {  	v12 =	vld [tilespmem:s29+$0xFFFFFFA0];
	[tilespmem:s1+$0x48] =	vst v14  }
0x71: {  	[tilespmem:s1+$0xFFFFFFB8] =	vst v15;
	v9 =	vld [tilespmem:s13+$0x50]  }
0x72: {  	s29 =	sadd.s32 $0x100, s29;
	v10 =	vld [tilespmem:s13+$0xFFFFFFD0];
	[tilespmem:s0+$0x78] =	vst v16  }
0x73: {  	_ = 	snop  }
0x74: {  	[tilespmem:s26+$0x20] =	vst v11  }
0x75: {  	[tilespmem:s26+$0xFFFFFF90] =	vst v12;
	v11 =	vld [tilespmem:s25+$0x30]  }
0x76: {  	v12 =	vld [tilespmem:s25+$0xFFFFFFB0];
	_ =	sdelay $0x3  }
0x77: {  	[tilespmem:s26+$0x30] =	vst v11  }
0x78: {  	[tilespmem:s26+$0xFFFFFFA0] =	vst v12;
	v11 =	vld [tilespmem:s25+$0x40]  }
0x79: {  	v12 =	vld [tilespmem:s25+$0xFFFFFFC0];
	_ =	sdelay $0x2  }
0x7a: {  	[tilespmem:s1+$0x58] =	vst v9  }
0x7b: {  	v9 =	vld [tilespmem:s13+$0x60];
	[tilespmem:s26+$0x48] =	vst v11  }
0x7c: {  	[tilespmem:s26+$0xFFFFFFB8] =	vst v12;
	v11 =	vld [tilespmem:s25+$0x50]  }
0x7d: {  	v12 =	vld [tilespmem:s25+$0xFFFFFFD0]  }
0x7e: {  	[tilespmem:s1+$0xFFFFFFC8] =	vst v10  }
0x7f: {  	v10 =	vld [tilespmem:s13+$0xFFFFFFE0]  }
0x80: {  	[tilespmem:s1+$0x68] =	vst v9  }
0x81: {  	v9 =	vld [tilespmem:s13+$0x70];
	[tilespmem:s26+$0x58] =	vst v11  }
0x82: {  	[tilespmem:s26+$0xFFFFFFC8] =	vst v12;
	v11 =	vld [tilespmem:s25+$0x60]  }
0x83: {  	v12 =	vld [tilespmem:s25+$0xFFFFFFE0]  }
0x84: {  	[tilespmem:s1+$0xFFFFFFD8] =	vst v10  }
0x85: {  	v10 =	vld [tilespmem:s13+$0xFFFFFFF0]  }
0x86: {  	[tilespmem:s1+$0x78] =	vst v9  }
0x87: {  	s8 =	simm.s32 $0x1;
	[tilespmem:s26+$0x68] =	vst v11  }
0x88: {  	s15 =	simm.s32 $0x2;
	v9 =	vmov s8;
	[tilespmem:s26+$0xFFFFFFD8] =	vst v12;
	v11 =	vld [tilespmem:s25+$0x70]  }
0x89: {  	v13 =	vand.u32 $0x3D, v9;
	v9 =	vmov s15;
	v12 =	vld [tilespmem:s25+$0xFFFFFFF0]  }
0x8a: {  	[tilespmem:s1+$0xFFFFFFE8] =	vst v10;
	v10 =	vadd.s32 v0, v13;
	v16 =	vand.u32 $0x3E, v9  }
0x8b: {  	v9 =	vadd.s32 v0, v16  }
0x8c: {  	[tilespmem:s0+$0xFFFFFFE8] =	vst v8  }
0x8d: {  	[tilespmem:s26+$0x78] =	vst v11  }
0x8e: {  	s25 =	sshll.u32 s23, $0xD;
	[tilespmem:s26+$0xFFFFFFE8] =	vst v12  }
0x8f: {  	v8 =	vmov s25;
	s26 =	simm.s32 $0x0;
	v10 =	vld.idx.msk [tilespmem:v10+s18+$0x0], $0xffff  }
0x90: {  	v17 =	vadd.s32 v1, v13;
	v11 =	vmov s26;
	s26 =	simm.s32 $0x0;
	v9 =	vld.idx.msk [tilespmem:v9+s18+$0x0], $0xffff  }
0x91: {  	s8 =	simm.s32 $0x80;
	v18 =	vadd.s32 v1, v16;
	s25 =	simm.s32 $0x3;
	v14 =	vand.u32 $0x3C, v11;
	s1 =	sand.u32 $0x1C00, s26  }
0x92: {  	s13 =	sand.u32 $0x280, s8;
	s15 =	simm.s32 $0x100;
	v11 =	vmov s25;
	v12 =	vadd.s32 v0, v14;
	s1 =	sadd.s32 $0x6500, s1  }
0x93: {  	s8 =	sand.u32 $0x300, s15;
	v15 =	vand.u32 $0x3F, v11;
	s25 =	sor.u32 s13, s1  }
0x94: {  	v11 =	vadd.s32 v0, v15;
	s28 =	sadd.s32 s8, s1;
	[tilespmem:v8+s25+$0x0 ss:$0x1] =	vst.idx.msk $0xffff, v10  }
0x95: {  	[tilespmem:v8+s28+$0x0 ss:$0x1] =	vst.idx.msk $0xffff, v9;
	v9 =	vld.idx.msk [tilespmem:v17+s18+$0x0], $0xffff  }
0x96: {  	v17 =	vld.idx.msk [tilespmem:v18+s18+$0x0], $0xffff  }
0x97: {  	v18 =	vadd.s32 v2, v13;
	v12 =	vld.idx.msk [tilespmem:v12+s18+$0x0], $0xffff  }
0x98: {  	v19 =	vadd.s32 v1, v14  }
0x99: {  	v20 =	vadd.s32 v2, v16;
	v11 =	vld.idx.msk [tilespmem:v11+s18+$0x0], $0xffff  }
0x9a: {  	v10 =	vadd.s32 v1, v15  }
0x9b: {  	s0 =	simm.s32 $0x180;
	[tilespmem:v8+s25+$0x10 ss:$0x1] =	vst.idx.msk $0xffff, v9  }
0x9c: {  	s0 =	sand.u32 $0x380, s0;
	[tilespmem:s24+$0xFFFFFFC0] =	vst v12;
	v9 =	vld.idx.msk [tilespmem:v18+s18+$0x0], $0xffff  }
0x9d: {  	s26 =	sadd.s32 s0, s1;
	[tilespmem:v8+s28+$0x10 ss:$0x1] =	vst.idx.msk $0xffff, v17;
	v12 =	vld.idx.msk [tilespmem:v19+s18+$0x0], $0xffff;
	v19 =	vadd.s32 v3, v13  }
0x9e: {  	v18 =	vld.idx.msk [tilespmem:v20+s18+$0x0], $0xffff;
	[tilespmem:v8+s26+$0x0 ss:$0x1] =	vst.idx.msk $0xffff, v11;
	v11 =	vadd.s32 v2, v14  }
0x9f: {  	v20 =	vadd.s32 v3, v16;
	v10 =	vld.idx.msk [tilespmem:v10+s18+$0x0], $0xffff  }
0xa0: {  	v17 =	vadd.s32 v2, v15  }
0xa1: {  	[tilespmem:v8+s25+$0x20 ss:$0x1] =	vst.idx.msk $0xffff, v9  }
0xa2: {  	[tilespmem:s24+$0xFFFFFFD0] =	vst v12;
	v19 =	vld.idx.msk [tilespmem:v19+s18+$0x0], $0xffff  }
0xa3: {  	v21 =	vadd.s32 v4, v13;
	[tilespmem:v8+s28+$0x20 ss:$0x1] =	vst.idx.msk $0xffff, v18;
	v11 =	vld.idx.msk [tilespmem:v11+s18+$0x0], $0xffff  }
0xa4: {  	s13 =	simm.s32 $0x4;
	v12 =	vadd.s32 v3, v14;
	v20 =	vld.idx.msk [tilespmem:v20+s18+$0x0], $0xffff;
	[tilespmem:v8+s26+$0x10 ss:$0x1] =	vst.idx.msk $0xffff, v10  }
0xa5: {  	s15 =	simm.s32 $0x5;
	v22 =	vadd.s32 v4, v16;
	v9 =	vmov s13;
	v17 =	vld.idx.msk [tilespmem:v17+s18+$0x0], $0xffff  }
0xa6: {  	v18 =	vadd.s32 v3, v15;
	v9 =	vand.u32 $0x3C, v9;
	v10 =	vmov s15  }
0xa7: {  	v23 =	vadd.s32 v0, v9;
	v10 =	vand.u32 $0x3D, v10;
	[tilespmem:v8+s25+$0x30 ss:$0x1] =	vst.idx.msk $0xffff, v19  }
0xa8: {  	s1 =	simm.s32 $0x6;
	v25 =	vadd.s32 v0, v10;
	[tilespmem:s24+$0xFFFFFFE0] =	vst v11;
	v21 =	vld.idx.msk [tilespmem:v21+s18+$0x0], $0xffff  }
0xa9: {  	v26 =	vadd.s32 v5, v13;
	[tilespmem:v8+s28+$0x30 ss:$0x1] =	vst.idx.msk $0xffff, v20;
	v11 =	vmov s1;
	v24 =	vld.idx.msk [tilespmem:v12+s18+$0x0], $0xffff  }
0xaa: {  	s8 =	simm.s32 $0x7;
	v20 =	vld.idx.msk [tilespmem:v22+s18+$0x0], $0xffff;
	[tilespmem:v8+s26+$0x20 ss:$0x1] =	vst.idx.msk $0xffff, v17;
	v17 =	vadd.s32 v4, v14;
	v11 =	vand.u32 $0x3E, v11  }
0xab: {  	v12 =	vmov s8;
	v18 =	vld.idx.msk [tilespmem:v18+s18+$0x0], $0xffff;
	v19 =	vadd.s32 v0, v11  }
0xac: {  	v22 =	vadd.s32 v4, v15;
	v23 =	vld.idx.msk [tilespmem:v23+s18+$0x0], $0xffff;
	v12 =	vand.u32 $0x3F, v12  }
0xad: {  	v25 =	vld.idx.msk [tilespmem:v25+s18+$0x0], $0xffff;
	v27 =	vadd.s32 v0, v12;
	[tilespmem:v8+s25+$0x40 ss:$0x1] =	vst.idx.msk $0xffff, v21  }
0xae: {  	v28 =	vadd.s32 v1, v9;
	[tilespmem:s24+$0xFFFFFFF0] =	vst v24;
	v26 =	vld.idx.msk [tilespmem:v26+s18+$0x0], $0xffff  }
0xaf: {  	s13 =	simm.s32 $0x200;
	v24 =	vadd.s32 v5, v16;
	v17 =	vld.idx.msk [tilespmem:v17+s18+$0x0], $0xffff  }
0xb0: {  	s0 =	sand.u32 $0x1C00, s13;
	s15 =	simm.s32 $0x280;
	v19 =	vld.idx.msk [tilespmem:v19+s18+$0x0], $0xffff;
	[tilespmem:v8+s26+$0x30 ss:$0x1] =	vst.idx.msk $0xffff, v18;
	v18 =	vadd.s32 v5, v14  }
0xb1: {  	s29 =	sadd.s32 $0x200, s24;
	s13 =	sadd.s32 $0x6500, s0;
	s1 =	sand.u32 $0x280, s15;
	[tilespmem:v8+s28+$0x40 ss:$0x1] =	vst.idx.msk $0xffff, v20;
	v21 =	vld.idx.msk [tilespmem:v22+s18+$0x0], $0xffff;
	v22 =	vadd.s32 v1, v10  }
0xb2: {  	s30 =	sor.u32 s1, s13;
	s8 =	simm.s32 $0x300;
	[tilespmem:s29+$0xFFFFFFC0] =	vst v23;
	v20 =	vadd.s32 v1, v11;
	v23 =	vld.idx.msk [tilespmem:v27+s18+$0x0], $0xffff  }
0xb3: {  	s0 =	sand.u32 $0x300, s8;
	[tilespmem:v8+s30+$0x0 ss:$0x1] =	vst.idx.msk $0xffff, v25;
	v25 =	vadd.s32 v5, v15;
	v27 =	vld.idx.msk [tilespmem:v28+s18+$0x0], $0xffff  }
0xb4: {  	s0 =	sadd.s32 s0, s13;
	v63 =	vadd.s32 v1, v12;
	v24 =	vld.idx.msk [tilespmem:v24+s18+$0x0], $0xffff;
	[tilespmem:s24+$0x0] =	vst v17  }
0xb5: {  	s31 =	simm.s32 $0x380;
	[tilespmem:v8+s0+$0x0 ss:$0x1] =	vst.idx.msk $0xffff, v19;
	v19 =	vadd.s32 v6, v16;
	v18 =	vld.idx.msk [tilespmem:v18+s18+$0x0], $0xffff  }
0xb6: {  	s15 =	sand.u32 $0x380, s31;
	[tilespmem:v8+s25+$0x50 ss:$0x1] =	vst.idx.msk $0xffff, v26;
	v17 =	vadd.s32 v6, v13;
	v22 =	vld.idx.msk [tilespmem:v22+s18+$0x0], $0xffff  }
0xb7: {  	s1 =	sadd.s32 s15, s13;
	[tilespmem:v8+s26+$0x40 ss:$0x1] =	vst.idx.msk $0xffff, v21;
	v21 =	vadd.s32 v2, v9;
	v20 =	vld.idx.msk [tilespmem:v20+s18+$0x0], $0xffff  }
0xb8: {  	v26 =	vadd.s32 v2, v10;
	[tilespmem:v8+s1+$0x0 ss:$0x1] =	vst.idx.msk $0xffff, v23;
	v23 =	vld.idx.msk [tilespmem:v25+s18+$0x0], $0xffff  }
0xb9: {  	v25 =	vadd.s32 v2, v11;
	v28 =	vld.idx.msk [tilespmem:v63+s18+$0x0], $0xffff;
	[tilespmem:v8+s28+$0x50 ss:$0x1] =	vst.idx.msk $0xffff, v24  }
0xba: {  	[tilespmem:s29+$0xFFFFFFD0] =	vst v27;
	v24 =	vld.idx.msk [tilespmem:v19+s18+$0x0], $0xffff;
	v19 =	vadd.s32 v6, v15  }
0xbb: {  	v27 =	vadd.s32 v6, v14;
	v17 =	vld.idx.msk [tilespmem:v17+s18+$0x0], $0xffff;
	[tilespmem:s24+$0x10] =	vst v18  }
0xbc: {  	v16 =	vadd.s32 v7, v16;
	v21 =	vld.idx.msk [tilespmem:v21+s18+$0x0], $0xffff;
	[tilespmem:v8+s30+$0x10 ss:$0x1] =	vst.idx.msk $0xffff, v22  }
0xbd: {  	v13 =	vadd.s32 v7, v13;
	[tilespmem:v8+s0+$0x10 ss:$0x1] =	vst.idx.msk $0xffff, v20;
	v22 =	vld.idx.msk [tilespmem:v26+s18+$0x0], $0xffff  }
0xbe: {  	v20 =	vadd.s32 v2, v12;
	v25 =	vld.idx.msk [tilespmem:v25+s18+$0x0], $0xffff;
	[tilespmem:v8+s26+$0x50 ss:$0x1] =	vst.idx.msk $0xffff, v23  }
0xbf: {  	v23 =	vadd.s32 v3, v10;
	[tilespmem:v8+s1+$0x10 ss:$0x1] =	vst.idx.msk $0xffff, v28;
	v26 =	vld.idx.msk [tilespmem:v19+s18+$0x0], $0xffff  }
0xc0: {  	v29 =	vadd.s32 v3, v11;
	v19 =	vld.idx.msk [tilespmem:v27+s18+$0x0], $0xffff;
	[tilespmem:v8+s28+$0x60 ss:$0x1] =	vst.idx.msk $0xffff, v24  }
0xc1: {  	[tilespmem:v8+s25+$0x60 ss:$0x1] =	vst.idx.msk $0xffff, v17;
	v18 =	vld.idx.msk [tilespmem:v16+s18+$0x0], $0xffff  }
0xc2: {  	v15 =	vadd.s32 v7, v15;
	[tilespmem:s29+$0xFFFFFFE0] =	vst v21;
	v16 =	vld.idx.msk [tilespmem:v13+s18+$0x0], $0xffff  }
0xc3: {  	v17 =	vadd.s32 v7, v14;
	[tilespmem:v8+s30+$0x20 ss:$0x1] =	vst.idx.msk $0xffff, v22;
	v22 =	vld.idx.msk [tilespmem:v20+s18+$0x0], $0xffff  }
0xc4: {  	v24 =	vadd.s32 v3, v9;
	[tilespmem:v8+s0+$0x20 ss:$0x1] =	vst.idx.msk $0xffff, v25;
	v20 =	vld.idx.msk [tilespmem:v23+s18+$0x0], $0xffff  }
0xc5: {  	s13 =	simm.s32 $0x8;
	v13 =	vadd.s32 v4, v10;
	v21 =	vld.idx.msk [tilespmem:v29+s18+$0x0], $0xffff;
	v23 =	vadd.s32 v3, v12;
	[tilespmem:v8+s26+$0x60 ss:$0x1] =	vst.idx.msk $0xffff, v26  }
.LBB2_11:
0xc6: {  	s15 =	sadd.s32 $0x1, s13  }
0xc7: {  	v14 =	vmov s13;
	p2 =	slt.u32 s13, $0x3C;
	v25 =	vadd.s32 v4, v9;
	[tilespmem:s24+$0x20] =	vst v19;
	v15 =	vld.idx.msk [tilespmem:v15+s18+$0x0], $0xffff;
	s8 =	smov.u32 s13;
	s13 =	sadd.s32 $0x4, s13  }
0xc8: {  	v26 =	vadd.s32 v4, v11;
	v14 =	vand.u32 $0x3C, v14;
	v19 =	vmov s15;
	s15 =	sadd.s32 $0x2, s8;
	v17 =	vld.idx.msk [tilespmem:v17+s18+$0x0], $0xffff;
	[tilespmem:v8+s28+$0x70 ss:$0x1] =	vst.idx.msk $0xffff, v18;
	s28 =	smov.u32 s0  }
0xc9: {  	s0 =	sadd.s32 $0x3, s8;
	v18 =	vadd.s32 v0, v14;
	v19 =	vand.u32 $0x3D, v19;
	v27 =	vmov s15;
	v24 =	vld.idx.msk [tilespmem:v24+s18+$0x0], $0xffff;
	[tilespmem:v8+s25+$0x70 ss:$0x1] =	vst.idx.msk $0xffff, v16;
	s25 =	smov.u32 s30  }
0xca: {  	v28 =	vmov s0;
	v16 =	vadd.s32 v0, v19;
	v27 =	vand.u32 $0x3E, v27;
	[tilespmem:v8+s1+$0x20 ss:$0x1] =	vst.idx.msk $0xffff, v22  }
0xcb: {  	v28 =	vand.u32 $0x3F, v28;
	v22 =	vadd.s32 v0, v27;
	[tilespmem:v8+s25+$0x30 ss:$0x1] =	vst.idx.msk $0xffff, v20;
	v20 =	vld.idx.msk [tilespmem:v23+s18+$0x0], $0xffff  }
0xcc: {  	v23 =	vadd.s32 v0, v28;
	v29 =	vld.idx.msk [tilespmem:v13+s18+$0x0], $0xffff;
	v13 =	vadd.s32 v4, v19;
	[tilespmem:v8+s28+$0x30 ss:$0x1] =	vst.idx.msk $0xffff, v21  }
0xcd: {  	v21 =	vld.idx.msk [tilespmem:v26+s18+$0x0], $0xffff;
	v26 =	vadd.s32 v4, v12;
	[tilespmem:v8+s26+$0x70 ss:$0x1] =	vst.idx.msk $0xffff, v15;
	s26 =	smov.u32 s1  }
0xce: {  	v15 =	vld.idx.msk [tilespmem:v18+s18+$0x0], $0xffff;
	v18 =	vadd.s32 v5, v10;
	[tilespmem:s24+$0x30] =	vst v17;
	s24 =	smov.u32 s29  }
0xcf: {  	v16 =	vld.idx.msk [tilespmem:v16+s18+$0x0], $0xffff;
	[tilespmem:s29+$0xFFFFFFF0] =	vst v24  }
0xd0: {  	s31 =	sadd.s32 $0x200, s31;
	v24 =	vadd.s32 v5, v11;
	v17 =	vld.idx.msk [tilespmem:v25+s18+$0x0], $0xffff  }
0xd1: {  	s0 =	sadd.s32 $0xFFFFFE80, s31;
	v25 =	vadd.s32 v1, v14;
	v22 =	vld.idx.msk [tilespmem:v22+s18+$0x0], $0xffff;
	[tilespmem:v8+s26+$0x30 ss:$0x1] =	vst.idx.msk $0xffff, v20  }
0xd2: {  	s0 =	sand.u32 $0x1C00, s0;
	s1 =	sadd.s32 $0xFFFFFF00, s31;
	v20 =	vadd.s32 v5, v9;
	[tilespmem:v8+s25+$0x40 ss:$0x1] =	vst.idx.msk $0xffff, v29;
	v26 =	vld.idx.msk [tilespmem:v26+s18+$0x0], $0xffff  }
0xd3: {  	s8 =	sadd.s32 $0x6500, s0;
	s1 =	sand.u32 $0x280, s1;
	s29 =	sadd.s32 $0x200, s29;
	v29 =	vadd.s32 v1, v19;
	v18 =	vld.idx.msk [tilespmem:v18+s18+$0x0], $0xffff;
	[tilespmem:v8+s28+$0x40 ss:$0x1] =	vst.idx.msk $0xffff, v21  }
0xd4: {  	s0 =	sadd.s32 $0xFFFFFF80, s31;
	s30 =	sor.u32 s1, s8;
	[tilespmem:s29+$0xFFFFFFC0] =	vst v15;
	v15 =	vadd.s32 v1, v27;
	v21 =	vld.idx.msk [tilespmem:v23+s18+$0x0], $0xffff  }
0xd5: {  	s0 =	sand.u32 $0x300, s0;
	v23 =	vadd.s32 v5, v12;
	[tilespmem:v8+s30+$0x0 ss:$0x1] =	vst.idx.msk $0xffff, v16;
	v16 =	vld.idx.msk [tilespmem:v24+s18+$0x0], $0xffff  }
0xd6: {  	s0 =	sadd.s32 s0, s8;
	v24 =	vld.idx.msk [tilespmem:v25+s18+$0x0], $0xffff;
	[tilespmem:s24+$0x0] =	vst v17;
	v17 =	vadd.s32 v6, v10  }
0xd7: {  	[tilespmem:v8+s0+$0x0 ss:$0x1] =	vst.idx.msk $0xffff, v22;
	v20 =	vld.idx.msk [tilespmem:v20+s18+$0x0], $0xffff;
	v22 =	vadd.s32 v6, v11  }
0xd8: {  	s1 =	sand.u32 $0x380, s31;
	v25 =	vld.idx.msk [tilespmem:v29+s18+$0x0], $0xffff;
	v29 =	vadd.s32 v1, v28;
	[tilespmem:v8+s26+$0x40 ss:$0x1] =	vst.idx.msk $0xffff, v26  }
0xd9: {  	s1 =	sadd.s32 s1, s8;
	v26 =	vadd.s32 v2, v14;
	v15 =	vld.idx.msk [tilespmem:v15+s18+$0x0], $0xffff;
	[tilespmem:v8+s25+$0x50 ss:$0x1] =	vst.idx.msk $0xffff, v18  }
0xda: {  	v18 =	vadd.s32 v2, v19;
	[tilespmem:v8+s1+$0x0 ss:$0x1] =	vst.idx.msk $0xffff, v21;
	v21 =	vld.idx.msk [tilespmem:v23+s18+$0x0], $0xffff  }
0xdb: {  	v23 =	vadd.s32 v2, v27;
	v17 =	vld.idx.msk [tilespmem:v17+s18+$0x0], $0xffff;
	[tilespmem:v8+s28+$0x50 ss:$0x1] =	vst.idx.msk $0xffff, v16  }
0xdc: {  	v16 =	vadd.s32 v6, v9;
	[tilespmem:s29+$0xFFFFFFD0] =	vst v24;
	v22 =	vld.idx.msk [tilespmem:v22+s18+$0x0], $0xffff;
	v24 =	vadd.s32 v6, v12  }
0xdd: {  	v29 =	vld.idx.msk [tilespmem:v29+s18+$0x0], $0xffff;
	[tilespmem:s24+$0x10] =	vst v20  }
0xde: {  	v20 =	vld.idx.msk [tilespmem:v26+s18+$0x0], $0xffff;
	[tilespmem:v8+s30+$0x10 ss:$0x1] =	vst.idx.msk $0xffff, v25;
	v25 =	vadd.s32 v7, v11;
	v11 =	vmov v27  }
0xdf: {  	v27 =	vadd.s32 v7, v10;
	v10 =	vmov v19;
	v26 =	vld.idx.msk [tilespmem:v18+s18+$0x0], $0xffff;
	[tilespmem:v8+s0+$0x10 ss:$0x1] =	vst.idx.msk $0xffff, v15  }
0xe0: {  	v30 =	vadd.s32 v2, v28;
	v23 =	vld.idx.msk [tilespmem:v23+s18+$0x0], $0xffff;
	[tilespmem:v8+s26+$0x50 ss:$0x1] =	vst.idx.msk $0xffff, v21  }
0xe1: {  	v21 =	vadd.s32 v3, v10;
	[tilespmem:v8+s25+$0x60 ss:$0x1] =	vst.idx.msk $0xffff, v17;
	v31 =	vld.idx.msk [tilespmem:v24+s18+$0x0], $0xffff  }
0xe2: {  	v32 =	vadd.s32 v3, v11;
	v19 =	vld.idx.msk [tilespmem:v16+s18+$0x0], $0xffff;
	[tilespmem:v8+s28+$0x60 ss:$0x1] =	vst.idx.msk $0xffff, v22  }
.Ltmp5:
0xe3: {  	v15 =	vadd.s32 v7, v12;
	v17 =	vadd.s32 v7, v9;
	[tilespmem:v8+s1+$0x10 ss:$0x1] =	vst.idx.msk $0xffff, v29;
	v18 =	vld.idx.msk [tilespmem:v25+s18+$0x0], $0xffff;
	(pc) =	sbr.rel @p2 .LBB2_11-.Ltmp5, $4  }
0xe4: {  	v12 =	vmov v28;
	v9 =	vmov v14;
	[tilespmem:s29+$0xFFFFFFE0] =	vst v20;
	v16 =	vld.idx.msk [tilespmem:v27+s18+$0x0], $0xffff  }
0xe5: {  	v24 =	vadd.s32 v3, v9;
	[tilespmem:v8+s30+$0x20 ss:$0x1] =	vst.idx.msk $0xffff, v26;
	v22 =	vld.idx.msk [tilespmem:v30+s18+$0x0], $0xffff  }
0xe6: {  	v20 =	vld.idx.msk [tilespmem:v21+s18+$0x0], $0xffff;
	[tilespmem:v8+s0+$0x20 ss:$0x1] =	vst.idx.msk $0xffff, v23  }
0xe7: {  	v23 =	vadd.s32 v3, v12;
	v21 =	vld.idx.msk [tilespmem:v32+s18+$0x0], $0xffff;
	[tilespmem:v8+s26+$0x60 ss:$0x1] =	vst.idx.msk $0xffff, v31  }
0xe8: {  	_ =	sdelay $0x3  }
0xe9: {  	v14 =	vadd.s32 v4, v11;
	v45 =	vld.idx.msk [tilespmem:v24+s18+$0x0], $0xffff;
	[tilespmem:v8+s1+$0x20 ss:$0x1] =	vst.idx.msk $0xffff, v22  }
0xea: {  	v25 =	vadd.s32 v4, v9;
	v22 =	vld.idx.msk [tilespmem:v23+s18+$0x0], $0xffff  }
0xeb: {  	v46 =	vadd.s32 v4, v12  }
0xec: {  	[tilespmem:v8+s30+$0x30 ss:$0x1] =	vst.idx.msk $0xffff, v20  }
0xed: {  	[tilespmem:v8+s0+$0x30 ss:$0x1] =	vst.idx.msk $0xffff, v21;
	v13 =	vld.idx.msk [tilespmem:v13+s18+$0x0], $0xffff  }
0xee: {  	v48 =	vadd.s32 v5, v10;
	v14 =	vld.idx.msk [tilespmem:v14+s18+$0x0], $0xffff;
	[tilespmem:s29+$0xFFFFFFF0] =	vst v45  }
0xef: {  	v47 =	vadd.s32 v5, v11;
	v23 =	vld.idx.msk [tilespmem:v25+s18+$0x0], $0xffff;
	[tilespmem:v8+s1+$0x30 ss:$0x1] =	vst.idx.msk $0xffff, v22  }
0xf0: {  	v50 =	vadd.s32 v5, v9;
	v22 =	vld.idx.msk [tilespmem:v46+s18+$0x0], $0xffff  }
0xf1: {  	v49 =	vadd.s32 v5, v12  }
0xf2: {  	[tilespmem:v8+s30+$0x40 ss:$0x1] =	vst.idx.msk $0xffff, v13  }
0xf3: {  	[tilespmem:v8+s0+$0x40 ss:$0x1] =	vst.idx.msk $0xffff, v14;
	v52 =	vld.idx.msk [tilespmem:v48+s18+$0x0], $0xffff  }
0xf4: {  	v54 =	vadd.s32 v6, v10;
	v51 =	vld.idx.msk [tilespmem:v47+s18+$0x0], $0xffff;
	[tilespmem:s29+$0x0] =	vst v23  }
0xf5: {  	v53 =	vadd.s32 v6, v11;
	v23 =	vld.idx.msk [tilespmem:v50+s18+$0x0], $0xffff;
	[tilespmem:v8+s1+$0x40 ss:$0x1] =	vst.idx.msk $0xffff, v22  }
0xf6: {  	v56 =	vadd.s32 v6, v9;
	v22 =	vld.idx.msk [tilespmem:v49+s18+$0x0], $0xffff  }
0xf7: {  	v55 =	vadd.s32 v6, v12;
	[tilespmem:s24+$0x20] =	vst v19  }
0xf8: {  	[tilespmem:v8+s30+$0x50 ss:$0x1] =	vst.idx.msk $0xffff, v52  }
0xf9: {  	[tilespmem:v8+s0+$0x50 ss:$0x1] =	vst.idx.msk $0xffff, v51;
	v14 =	vld.idx.msk [tilespmem:v54+s18+$0x0], $0xffff  }
0xfa: {  	v58 =	vadd.s32 v7, v10;
	v13 =	vld.idx.msk [tilespmem:v53+s18+$0x0], $0xffff;
	[tilespmem:s29+$0x10] =	vst v23  }
0xfb: {  	v57 =	vadd.s32 v7, v11;
	v60 =	vld.idx.msk [tilespmem:v56+s18+$0x0], $0xffff;
	[tilespmem:v8+s1+$0x50 ss:$0x1] =	vst.idx.msk $0xffff, v22  }
0xfc: {  	[tilespmem:v8+s28+$0x70 ss:$0x1] =	vst.idx.msk $0xffff, v18;
	v62 =	vadd.s32 v7, v9;
	v59 =	vld.idx.msk [tilespmem:v55+s18+$0x0], $0xffff  }
0xfd: {  	v61 =	vadd.s32 v7, v12;
	v15 =	vld.idx.msk [tilespmem:v15+s18+$0x0], $0xffff;
	[tilespmem:v8+s25+$0x70 ss:$0x1] =	vst.idx.msk $0xffff, v16  }
0xfe: {  	v63 =	vld.idx.msk [tilespmem:v17+s18+$0x0], $0xffff;
	[tilespmem:v8+s30+$0x60 ss:$0x1] =	vst.idx.msk $0xffff, v14  }
0xff: {  	[tilespmem:v8+s0+$0x60 ss:$0x1] =	vst.idx.msk $0xffff, v13;
	v10 =	vld.idx.msk [tilespmem:v58+s18+$0x0], $0xffff  }
0x100: {  	v11 =	vld.idx.msk [tilespmem:v57+s18+$0x0], $0xffff;
	[tilespmem:s29+$0x20] =	vst v60  }
0x101: {  	v9 =	vld.idx.msk [tilespmem:v62+s18+$0x0], $0xffff;
	[tilespmem:v8+s1+$0x60 ss:$0x1] =	vst.idx.msk $0xffff, v59  }
0x102: {  	[tilespmem:v8+s26+$0x70 ss:$0x1] =	vst.idx.msk $0xffff, v15;
	v12 =	vld.idx.msk [tilespmem:v61+s18+$0x0], $0xffff  }
0x103: {  	s8 =	sadd.s32 s5, s22;
	[tilespmem:s24+$0x30] =	vst v63  }
0x104: {  	p2 =	sne.s32 s23, $0x0;
	s13 =	sshll.u32 s8, $0x7;
	[tilespmem:v8+s30+$0x70 ss:$0x1] =	vst.idx.msk $0xffff, v10  }
0x105: {  	s31 =	sshll.u32 s8, $0xA;
	s15 =	simm.s32 @p2 $0x8000;
	s8 =	sand.u32 @p2 $0xF80, s13;
	[tilespmem:v8+s0+$0x70 ss:$0x1] =	vst.idx.msk $0xffff, v11  }
0x106: {  	s23 =	simm.s32 @p2 $0x8500;
	s8 =	sadd.s32 @p2 s2, s8;
	s0 =	sand.u32 $0xFFF8000, s31;
	[tilespmem:s29+$0x30] =	vst v9  }
0x107: {  	p3 =	por !p1, !p2;
	[tilespmem:v8+s1+$0x70 ss:$0x1] =	vst.idx.msk $0xffff, v12;
	s1 =	sadd.s32 @p2 s0, s8;
	s8 =	simm.s32 @p2 $0x400  }
0x108: {  	[hbm4b:s1+s8] =	stream.strided.scatter @p2 [tilespmem:s23], [sflag:$0x6], $0x2000, s15, s8, $0x38;
	[tilespmem:$0xA500] =	vst v63  }
0x109: {  	s1 =	simm.s32 @!p3 $0x2  }
0x10a: {  	_ =	swait.ge @!p3 [sflag:s1], $0x80  }
0x10b: {  	[sflag:s1] =	ssyncset.done @!p3 $0x0  }
0x10c: {  	s8 =	simm.s32 @!p3 $0x2100;
	[sflag:s1] =	ssyncadd.s32 @!p3 $0xFFFFFF80;
	s1 =	simm.s32 @!p3 $0x80  }
0x10d: {  	[tilespmem:s8], [sflag:$0x4] =	stream.indirect.gather @!p3 [hbm4b:s6+s1], $0x40, s1, s1, $0xb8;
	[tilespmem:$0xA500] =	vst v63  }
0x10e: {  	s1 =	sand.u32 @!p2 $0xF00, s13  }
0x10f: {  	p1 =	por !p1, p2;
	s8 =	simm.s32 @!p2 $0x8000;
	s1 =	sadd.s32 @!p2 s2, s1  }
0x110: {  	s13 =	simm.s32 @!p2 $0x6500;
	s0 =	sadd.s32 @!p2 s0, s1;
	s1 =	simm.s32 @!p2 $0x400  }
0x111: {  	[hbm4b:s0+s1] =	stream.strided.scatter @!p2 [tilespmem:s13], [sflag:$0x5], $0x2000, s8, s1, $0x38;
	[tilespmem:$0xA500] =	vst v63  }
0x112: {  	s0 =	simm.s32 @!p1 $0x1  }
0x113: {  	_ =	swait.ge @!p1 [sflag:s0], $0x80  }
0x114: {  	s22 =	sadd.s32 $0x1, s22;
	s1 =	simm.s32 @!p1 $0x0;
	[sflag:s0] =	ssyncset.done @!p1 $0x0  }
0x115: {  	s8 =	simm.s32 @!p1 $0x100;
	[sflag:s0] =	ssyncadd.s32 @!p1 $0xFFFFFF80;
	s0 =	simm.s32 @!p1 $0x80  }
0x116: {  	[tilespmem:s8], [sflag:$0x3] =	stream.indirect.gather @!p1 [hbm4b:s6+s0], $0x40, s1, s0, $0xb8;
	[tilespmem:$0xA500] =	vst v63  }
0x117: {  	p1 =	sne.s32 s22, $0xC8  }
.Ltmp6:
0x118: {  	_ = 	snop;
	(pc) =	sbr.rel @p1 .LBB2_2-.Ltmp6, $2  }
0x119: {  	_ =	sdelay $0x2  }
0x11a: {  	p0 =	por !p0, !p0  }
0x11b: {  	s21 =	sadd.s32 $0x1, s21  }
0x11c: {  	_ =	swait.ge [sflag:s17], $0x2000;
	p0 =	sne.s32 s21, s10  }
.Ltmp7:
0x11d: {  	[sflag:s17] =	ssyncset.done $0x0;
	(pc) =	sbr.rel @p0 .LBB2_1-.Ltmp7, $4  }
0x11e: {  	[sflag:s17] =	ssyncadd.s32 $0xFFFFE000  }
0x11f: {  	_ =	swait.ge [sflag:s19], $0x2000  }
0x120: {  	[sflag:s19] =	ssyncset.done $0x0  }
0x121: {  	[sflag:s19] =	ssyncadd.s32 $0xFFFFE000  }
0x122: {  	_ =	sfence.sel $0x180000  }
0x123: {  	[bflag:$0x0] =	sbarrier.arrive $0xFFFF  }
0x124: {  	_ =	strace $0x9000004A  }
0x125: {  	s0 =	stileid.u32;
	[bflag:$0x2] =	sbarrier.arrive $0xFFFF  }
0x126: {  	p0 =	sne.s32 s0, $0x0;
	s0 =	rddreg [dreg:$0x2]  }
0x127: {  	s0 =	sadd.s32 @!p0 $0x100000, s0  }
0x128: {  	[sflag:s0] =	ssyncadd.tile.s32 @!p0 $0x1;
	_ =	shalt  }
.Lfunc_end2:
_tile_overlayer_lowered:
.L_overlay_start_2:
0x129: {  	(tag) =	ssettag $0x2  }
0x12a: {  	s0 =	rddreg [dreg:$0x0];
	s2 =	stileid.u32  }
0x12b: {  	s1 =	rddreg [dreg:$0x1];
	p0 =	sne.s32 s2, $0x0  }
0x12c: {  	s3 =	rddreg [dreg:$0x2];
	[bflag:$0x3] =	sbarrier.arrive $0xFFFF;
	s2 =	simm.s32 @!p0 $0x1C07  }
0x12d: {  	[timem:s3], [sflag:s2] =	dma.local @!p0 [hbm:s0], s1  }
0x12e: {  	s0 =	simm.s32 @!p0 $0x7  }
0x12f: {  	_ =	swait.ge @!p0 [sflag:s0], s1  }
0x130: {  	s1 =	ssub.s32 @!p0 $0x0, s1;
	[sflag:s0] =	ssyncset.done @!p0 $0x0  }
0x131: {  	[sflag:s0] =	ssyncadd.s32 @!p0 s1  }
0x132: {  	[bflag:$0x3] =	sbarrier.arrive $0xFFFF  }
0x133: {  	_ =	shalt  }

</sc_bundles>
